<compile_context>
chip_gen: v7x
topology: tpu7x:2x2x1
jax: 0.10.2.dev20260603
libtpu: 0.0.44.dev20260713+nightly
codegen_flags: <defaults>
</compile_context>

<pallas_src>
import functools

import jax
import jax.numpy as jnp
from jax import lax
from jax.experimental import pallas as pl
from jax.experimental.pallas import tpu as pltpu
from jax.experimental.pallas import tpu_sc as plsc

B, C, D = 1024, 512, 64

BB = 32
NSC = 512
BT = B - NSC
GT = BT // BB


def _tc_body(xt_ref, masked_ref, idx_ref):
    xt = xt_ref[...]
    s = jnp.sum(xt * xt, axis=1)
    smax = jnp.max(s, axis=1, keepdims=True)
    c_iota = lax.broadcasted_iota(jnp.int32, (BB, C), 1)
    idx = jnp.min(jnp.where(s >= smax, c_iota, C), axis=1, keepdims=True)
    oh = (c_iota == idx).astype(jnp.float32)
    r = lax.dot_general(oh, xt.reshape(BB * D, C),
                        dimension_numbers=(((1,), (1,)), ((), ())),
                        preferred_element_type=jnp.float32)
    b_col = lax.broadcasted_iota(jnp.int32, (BB, 1), 0)
    acc = jnp.zeros((BB, D), jnp.float32)
    for j in range(BB):
        acc = acc + jnp.where(b_col == j, r[:, j * D:(j + 1) * D], 0.0)
    masked_ref[...] = acc
    idx_ref[...] = idx


def _tc_kernel(xt):
    return pl.pallas_call(
        _tc_body,
        grid=(GT,),
        in_specs=[pl.BlockSpec((BB, D, C), lambda i: (i, 0, 0))],
        out_specs=[
            pl.BlockSpec((BB, D), lambda i: (i, 0)),
            pl.BlockSpec((BB, 1), lambda i: (i, 0)),
        ],
        out_shape=[
            jax.ShapeDtypeStruct((BT, D), jnp.float32),
            jax.ShapeDtypeStruct((BT, 1), jnp.int32),
        ],
    )(xt)


_info = plsc.get_sparse_core_info()
NC, NS, L = _info.num_cores, _info.num_subcores, _info.num_lanes
NW = NC * NS
RW = NSC // NW

_mesh = plsc.VectorSubcoreMesh(core_axis_name="c", subcore_axis_name="s")

_GDN = lax.GatherDimensionNumbers(
    offset_dims=(), collapsed_slice_dims=(0,), start_index_map=(0,))


def _lane_perm(v, perm):
    return lax.gather(v, perm[:, None], _GDN, (1,),
                      mode=lax.GatherScatterMode.PROMISE_IN_BOUNDS)


def _row_argmax(slab_v, iota16):

    def chunk_body(g, bc):
        best_v, best_c = bc
        c0 = pl.multiple_of(g * L, L)
        a0 = jnp.zeros((L,), jnp.float32)
        a1 = jnp.zeros((L,), jnp.float32)
        a2 = jnp.zeros((L,), jnp.float32)
        a3 = jnp.zeros((L,), jnp.float32)
        for d in range(0, D, 4):
            v0 = slab_v[0, d, pl.ds(c0, L)]
            v1 = slab_v[0, d + 1, pl.ds(c0, L)]
            v2 = slab_v[0, d + 2, pl.ds(c0, L)]
            v3 = slab_v[0, d + 3, pl.ds(c0, L)]
            a0 = a0 + v0 * v0
            a1 = a1 + v1 * v1
            a2 = a2 + v2 * v2
            a3 = a3 + v3 * v3
        acc = (a0 + a1) + (a2 + a3)
        upd = acc > best_v
        best_v = jnp.where(upd, acc, best_v)
        best_c = jnp.where(upd, c0 + iota16, best_c)
        return best_v, best_c

    best_v, best_c = lax.fori_loop(
        0, C // L, chunk_body,
        (jnp.full((L,), -1.0, jnp.float32), jnp.zeros((L,), jnp.int32)))

    m = best_v
    for sh in (8, 4, 2, 1):
        perm = (iota16 + sh) % L
        m = jnp.maximum(m, _lane_perm(m, perm))
    cand = jnp.where(best_v >= m, best_c, C)
    for sh in (8, 4, 2, 1):
        perm = (iota16 + sh) % L
        cand = jnp.minimum(cand, _lane_perm(cand, perm))
    return cand


def _extract_column(slab_v, cand, row_v, iota16):
    c_s = cand[0]
    c_al = pl.multiple_of((c_s // L) * L, L)
    perm = iota16 * 0 + (c_s % L)
    for k in range(D // L):
        out_k = jnp.zeros((L,), jnp.float32)
        for dd in range(L):
            v16 = slab_v[0, k * L + dd, pl.ds(c_al, L)]
            w = _lane_perm(v16, perm)
            out_k = jnp.where(iota16 == dd, w, out_k)
        row_v[pl.ds(k * L, L)] = out_k


@functools.partial(
    pl.kernel,
    mesh=_mesh,
    out_type=[
        jax.ShapeDtypeStruct((NSC * D,), jnp.float32),
        jax.ShapeDtypeStruct((NW * L,), jnp.int32),
    ],
    scratch_types=[
        pltpu.VMEM((1, D, C), jnp.float32),
        pltpu.VMEM((1, D, C), jnp.float32),
        pltpu.VMEM((2 * D,), jnp.float32),
        pltpu.VMEM((L,), jnp.int32),
        pltpu.SemaphoreType.DMA,
        pltpu.SemaphoreType.DMA,
    ],
    compiler_params=pltpu.CompilerParams(use_tc_tiling_on_sc=True),
)
def _sc_kernel(x_hbm, masked_hbm, idx_hbm, slab0, slab1, pair_v,
               idx_stage, sem0, sem1):
    wid = lax.axis_index("s") * NC + lax.axis_index("c")
    base = BT + wid * RW
    last = base + RW - 1
    iota16 = lax.broadcasted_iota(jnp.int32, (L,), 0)

    def _wait(slab, sem):
        pltpu.make_async_copy(x_hbm.at[pl.ds(0, 1)], slab, sem).wait()

    pltpu.async_copy(x_hbm.at[pl.ds(base, 1)], slab0, sem0)
    pltpu.async_copy(x_hbm.at[pl.ds(base + 1, 1)], slab1, sem1)

    def pair_body(t, idx_vec):
        b0 = base + 2 * t
        _wait(slab0, sem0)
        cand0 = _row_argmax(slab0, iota16)
        _extract_column(slab0, cand0, pair_v.at[pl.ds(0, D)], iota16)
        nxt = jnp.minimum(b0 + 2, last)
        pltpu.async_copy(x_hbm.at[pl.ds(nxt, 1)], slab0, sem0)
        _wait(slab1, sem1)
        cand1 = _row_argmax(slab1, iota16)
        _extract_column(slab1, cand1, pair_v.at[pl.ds(D, D)], iota16)
        nxt = jnp.minimum(b0 + 3, last)
        pltpu.async_copy(x_hbm.at[pl.ds(nxt, 1)], slab1, sem1)

        pltpu.sync_copy(pair_v, masked_hbm.at[pl.ds((b0 - BT) * D, 2 * D)])

        idx_vec = jnp.where(iota16 == 2 * t, cand0, idx_vec)
        return jnp.where(iota16 == 2 * t + 1, cand1, idx_vec)

    idx_vec = lax.fori_loop(0, RW // 2, pair_body, jnp.zeros((L,), jnp.int32))
    _wait(slab0, sem0)
    _wait(slab1, sem1)

    idx_stage[pl.ds(0, L)] = idx_vec
    pltpu.sync_copy(idx_stage, idx_hbm.at[pl.ds(wid * L, L)])


@jax.jit
def kernel(x):
    xt = jnp.transpose(x, (0, 2, 1))
    sc_masked_flat, sc_idx_pad = _sc_kernel(xt)
    tc_masked, tc_idx = _tc_kernel(xt)
    masked = jnp.concatenate(
        [tc_masked, sc_masked_flat.reshape(NSC, D)], axis=0)
    sc_idx = sc_idx_pad.reshape(NW, L)[:, :RW].reshape(NSC)
    idx = jnp.concatenate([tc_idx.reshape(BT), sc_idx], axis=0)
    return masked[:, None, :], idx

# --- scband reference (transcript-rebuilt; emitter-appended) ---
"""Pipeline reference for scband-mask-cid-54803782697367 (READ-ONLY COPY).

The authoritative reference and input builder live on the scoring server;
editing this copy changes nothing except your own understanding.
"""

import jax, jax.numpy as jnp
import numpy as np

def setup_inputs(seed: int = 0) -> dict:
    key = jax.random.key(seed)
    x = jax.random.normal(key, (1024, 512, 64), dtype=jnp.float32)
    return {"x": x}

def reference(x):
    # classes = ||x||_2 over capsule dim (dim=2)
    classes = jnp.linalg.norm(x, axis=2)  # [B, C]
    # target is None branch: argmax over capsules
    max_len_indices = jnp.argmax(classes, axis=1)  # [B]
    # masked[i] = x[i, idx[i], :] with a leading singleton capsule dim -> [B, 1, D]
    masked = jnp.take_along_axis(x, max_len_indices[:, None, None], axis=1)  # [B, 1, D]
    # torch .squeeze(-1) is a no-op since last dim D=64 != 1
    return masked, max_len_indices

if __name__ == "__main__":
    import jax
    _d = setup_inputs()
    print(jax.jit(kernel)(*tuple(_d.values())))

</pallas_src>

<mosaic_0001>
#map = affine_map<(d0, d1) -> (0, 0, 0)>
#map1 = affine_map<(d0, d1) -> (0)>
module attributes {stable_mosaic.version = 14 : i64} {
  func.func @_sc_kernel(%arg0: i32, %arg1: i32, %arg2: memref<1024x64x512xf32, #tpu.memory_space<hbm>>, %arg3: memref<32768xf32, #tpu.memory_space<hbm>>, %arg4: memref<512xi32, #tpu.memory_space<hbm>>, %arg5: memref<1x64x512xf32, #tpu.memory_space<vmem>>, %arg6: memref<1x64x512xf32, #tpu.memory_space<vmem>>, %arg7: memref<128xf32, #tpu.memory_space<vmem>>, %arg8: memref<16xi32, #tpu.memory_space<vmem>>, %arg9: memref<!tpu.dma_semaphore, #tpu.memory_space<semaphore_mem>>, %arg10: memref<!tpu.dma_semaphore, #tpu.memory_space<semaphore_mem>>) attributes {dimension_semantics = [#tpu.dimension_semantics<core_parallel>, #tpu.dimension_semantics<subcore_parallel>], iteration_bounds = array<i64: 2, 16>, scalar_prefetch = 0 : i64, scratch_operands = 6 : i64, tpu.core_type = #tpu.core_type<sc_vector_subcore>, window_params = [{transform_indices = #map}, {transform_indices = #map1}, {transform_indices = #map1}]} {
    %mul3A = arith.constant 2 : i32
    %mul3A_0 = arith.muli %arg1, %mul3A : i32
    %add3A = arith.addi %mul3A_0, %arg0 : i32
    %mul3A_1 = arith.constant 16 : i32
    %mul3A_2 = arith.muli %add3A, %mul3A_1 : i32
    %add3A_3 = arith.constant 512 : i32
    %add3A_4 = arith.addi %add3A_3, %mul3A_2 : i32
    %add3A_5 = arith.constant 16 : i32
    %add3A_6 = arith.addi %add3A_4, %add3A_5 : i32
    %sub3A = arith.constant 1 : i32
    %sub3A_7 = arith.subi %add3A_6, %sub3A : i32
    %iota3A = tpu.iota {dimensions = array<i32: 0>} : vector<16xi32>
    %dma_start3A = arith.constant 0 : i32
    %dma_start3A_8 = arith.constant 0 : i32
    %dma_start3A_9 = tpu.memref_slice %arg2[%add3A_4, %dma_start3A, %dma_start3A_8] : memref<1024x64x512xf32, #tpu.memory_space<hbm>> -> memref<1x64x512xf32, #tpu.memory_space<hbm>>
    %dma_start3A_10 = arith.constant 0 : i32
    %dma_start3A_11 = arith.constant 0 : i32
    %dma_start3A_12 = tpu.memref_slice %arg2[%add3A_4, %dma_start3A_10, %dma_start3A_11] : memref<1024x64x512xf32, #tpu.memory_space<hbm>> -> memref<1x64x512xf32, #tpu.memory_space<hbm>>
    tpu.enqueue_dma source(%dma_start3A_12 : memref<1x64x512xf32, #tpu.memory_space<hbm>>) target(%arg5 : memref<1x64x512xf32, #tpu.memory_space<vmem>>) target_semaphore(%arg9 : memref<!tpu.dma_semaphore, #tpu.memory_space<semaphore_mem>>)
    %add3A_13 = arith.constant 1 : i32
    %add3A_14 = arith.addi %add3A_4, %add3A_13 : i32
    %dma_start3A_15 = arith.constant 0 : i32
    %dma_start3A_16 = arith.constant 0 : i32
    %dma_start3A_17 = tpu.memref_slice %arg2[%add3A_14, %dma_start3A_15, %dma_start3A_16] : memref<1024x64x512xf32, #tpu.memory_space<hbm>> -> memref<1x64x512xf32, #tpu.memory_space<hbm>>
    %dma_start3A_18 = arith.constant 0 : i32
    %dma_start3A_19 = arith.constant 0 : i32
    %dma_start3A_20 = tpu.memref_slice %arg2[%add3A_14, %dma_start3A_18, %dma_start3A_19] : memref<1024x64x512xf32, #tpu.memory_space<hbm>> -> memref<1x64x512xf32, #tpu.memory_space<hbm>>
    tpu.enqueue_dma source(%dma_start3A_20 : memref<1x64x512xf32, #tpu.memory_space<hbm>>) target(%arg6 : memref<1x64x512xf32, #tpu.memory_space<vmem>>) target_semaphore(%arg10 : memref<!tpu.dma_semaphore, #tpu.memory_space<semaphore_mem>>)
    %broadcast_in_dim3A = arith.constant 0 : i32
    %broadcast_in_dim3A_21 = vector.broadcast %broadcast_in_dim3A : i32 to vector<16xi32>
    %scan3A = arith.constant 0 : i32
    %scan3A_22 = arith.constant 8 : i32
    %scan3A_23 = arith.addi %scan3A, %scan3A_22 : i32
    %scan3A_24 = arith.constant 1 : i32
    %scan3A_25 = scf.for %scan3A_47 = %scan3A to %scan3A_23 step %scan3A_24 iter_args(%scan3A_48 = %broadcast_in_dim3A_21) -> (vector<16xi32>)  : i32 {
      %mul3A_49 = arith.constant 2 : i32
      %mul3A_50 = arith.muli %mul3A_49, %scan3A_47 : i32
      %add3A_51 = arith.addi %add3A_4, %mul3A_50 : i32
      %dma_wait3A_52 = arith.constant 0 : i32
      %dma_wait3A_53 = arith.constant 0 : i32
      %dma_wait3A_54 = arith.constant 0 : i32
      %dma_wait3A_55 = tpu.memref_slice %arg2[%dma_wait3A_52, %dma_wait3A_53, %dma_wait3A_54] : memref<1024x64x512xf32, #tpu.memory_space<hbm>> -> memref<1x64x512xf32, #tpu.memory_space<hbm>>
      %dma_wait3A_56 = arith.constant 0 : i32
      %dma_wait3A_57 = arith.constant 0 : i32
      %dma_wait3A_58 = arith.constant 0 : i32
      %dma_wait3A_59 = tpu.memref_slice %arg2[%dma_wait3A_56, %dma_wait3A_57, %dma_wait3A_58] : memref<1024x64x512xf32, #tpu.memory_space<hbm>> -> memref<1x64x512xf32, #tpu.memory_space<hbm>>
      tpu.wait_dma2 semaphore(%arg9 : memref<!tpu.dma_semaphore, #tpu.memory_space<semaphore_mem>>) src(%dma_wait3A_59 : memref<1x64x512xf32, #tpu.memory_space<hbm>>) dst(%arg5 : memref<1x64x512xf32, #tpu.memory_space<vmem>>)
      %broadcast_in_dim3A_60 = arith.constant -1.000000e+00 : f32
      %broadcast_in_dim3A_61 = vector.broadcast %broadcast_in_dim3A_60 : f32 to vector<16xf32>
      %broadcast_in_dim3A_62 = arith.constant 0 : i32
      %broadcast_in_dim3A_63 = vector.broadcast %broadcast_in_dim3A_62 : i32 to vector<16xi32>
      %scan3A_64 = arith.constant 0 : i32
      %scan3A_65 = arith.constant 32 : i32
      %scan3A_66 = arith.addi %scan3A_64, %scan3A_65 : i32
      %scan3A_67 = arith.constant 1 : i32
      %scan3A_68:2 = scf.for %scan3A_2533 = %scan3A_64 to %scan3A_66 step %scan3A_67 iter_args(%scan3A_2534 = %broadcast_in_dim3A_61, %scan3A_2535 = %broadcast_in_dim3A_63) -> (vector<16xf32>, vector<16xi32>)  : i32 {
        %mul3A_2536 = arith.constant 16 : i32
        %mul3A_2537 = arith.muli %scan3A_2533, %mul3A_2536 : i32
        %multiple_of3A_2538 = tpu.assume_multiple %mul3A_2537, 16 : i32
        %broadcast_in_dim3A_2539 = arith.constant 0.000000e+00 : f32
        %broadcast_in_dim3A_2540 = vector.broadcast %broadcast_in_dim3A_2539 : f32 to vector<16xf32>
        %broadcast_in_dim3A_2541 = arith.constant 0.000000e+00 : f32
        %broadcast_in_dim3A_2542 = vector.broadcast %broadcast_in_dim3A_2541 : f32 to vector<16xf32>
        %broadcast_in_dim3A_2543 = arith.constant 0.000000e+00 : f32
        %broadcast_in_dim3A_2544 = vector.broadcast %broadcast_in_dim3A_2543 : f32 to vector<16xf32>
        %broadcast_in_dim3A_2545 = arith.constant 0.000000e+00 : f32
        %broadcast_in_dim3A_2546 = vector.broadcast %broadcast_in_dim3A_2545 : f32 to vector<16xf32>
        %get3A_2547 = arith.constant 0 : i32
        %get3A_2548 = arith.constant 0 : i32
        %get3A_2549 = arith.index_cast %get3A_2547 : i32 to index
        %get3A_2550 = arith.index_cast %get3A_2548 : i32 to index
        %get3A_2551 = arith.index_cast %multiple_of3A_2538 : i32 to index
        %get3A_2552 = tpu.vector_load %arg5[%get3A_2549, %get3A_2550, %get3A_2551] {strides = array<i32>} : memref<1x64x512xf32, #tpu.memory_space<vmem>>, vector<1x1x16xf32>,
        %get3A_2553 = vector.shape_cast %get3A_2552 : vector<1x1x16xf32> to vector<16xf32>
        %get3A_2554 = arith.constant 0 : i32
        %get3A_2555 = arith.constant 1 : i32
        %get3A_2556 = arith.index_cast %get3A_2554 : i32 to index
        %get3A_2557 = arith.index_cast %get3A_2555 : i32 to index
        %get3A_2558 = arith.index_cast %multiple_of3A_2538 : i32 to index
        %get3A_2559 = tpu.vector_load %arg5[%get3A_2556, %get3A_2557, %get3A_2558] {strides = array<i32>} : memref<1x64x512xf32, #tpu.memory_space<vmem>>, vector<1x1x16xf32>,
        %get3A_2560 = vector.shape_cast %get3A_2559 : vector<1x1x16xf32> to vector<16xf32>
        %get3A_2561 = arith.constant 0 : i32
        %get3A_2562 = arith.constant 2 : i32
        %get3A_2563 = arith.index_cast %get3A_2561 : i32 to index
        %get3A_2564 = arith.index_cast %get3A_2562 : i32 to index
        %get3A_2565 = arith.index_cast %multiple_of3A_2538 : i32 to index
        %get3A_2566 = tpu.vector_load %arg5[%get3A_2563, %get3A_2564, %get3A_2565] {strides = array<i32>} : memref<1x64x512xf32, #tpu.memory_space<vmem>>, vector<1x1x16xf32>,
        %get3A_2567 = vector.shape_cast %get3A_2566 : vector<1x1x16xf32> to vector<16xf32>
        %get3A_2568 = arith.constant 0 : i32
        %get3A_2569 = arith.constant 3 : i32
        %get3A_2570 = arith.index_cast %get3A_2568 : i32 to index
        %get3A_2571 = arith.index_cast %get3A_2569 : i32 to index
        %get3A_2572 = arith.index_cast %multiple_of3A_2538 : i32 to index
        %get3A_2573 = tpu.vector_load %arg5[%get3A_2570, %get3A_2571, %get3A_2572] {strides = array<i32>} : memref<1x64x512xf32, #tpu.memory_space<vmem>>, vector<1x1x16xf32>,
        %get3A_2574 = vector.shape_cast %get3A_2573 : vector<1x1x16xf32> to vector<16xf32>
        %mul3A_2575 = arith.mulf %get3A_2553, %get3A_2553 : vector<16xf32>
        %add3A_2576 = arith.addf %broadcast_in_dim3A_2540, %mul3A_2575 : vector<16xf32>
        %mul3A_2577 = arith.mulf %get3A_2560, %get3A_2560 : vector<16xf32>
        %add3A_2578 = arith.addf %broadcast_in_dim3A_2542, %mul3A_2577 : vector<16xf32>
        %mul3A_2579 = arith.mulf %get3A_2567, %get3A_2567 : vector<16xf32>
        %add3A_2580 = arith.addf %broadcast_in_dim3A_2544, %mul3A_2579 : vector<16xf32>
        %mul3A_2581 = arith.mulf %get3A_2574, %get3A_2574 : vector<16xf32>
        %add3A_2582 = arith.addf %broadcast_in_dim3A_2546, %mul3A_2581 : vector<16xf32>
        %get3A_2583 = arith.constant 0 : i32
        %get3A_2584 = arith.constant 4 : i32
        %get3A_2585 = arith.index_cast %get3A_2583 : i32 to index
        %get3A_2586 = arith.index_cast %get3A_2584 : i32 to index
        %get3A_2587 = arith.index_cast %multiple_of3A_2538 : i32 to index
        %get3A_2588 = tpu.vector_load %arg5[%get3A_2585, %get3A_2586, %get3A_2587] {strides = array<i32>} : memref<1x64x512xf32, #tpu.memory_space<vmem>>, vector<1x1x16xf32>,
        %get3A_2589 = vector.shape_cast %get3A_2588 : vector<1x1x16xf32> to vector<16xf32>
        %get3A_2590 = arith.constant 0 : i32
        %get3A_2591 = arith.constant 5 : i32
        %get3A_2592 = arith.index_cast %get3A_2590 : i32 to index
        %get3A_2593 = arith.index_cast %get3A_2591 : i32 to index
        %get3A_2594 = arith.index_cast %multiple_of3A_2538 : i32 to index
        %get3A_2595 = tpu.vector_load %arg5[%get3A_2592, %get3A_2593, %get3A_2594] {strides = array<i32>} : memref<1x64x512xf32, #tpu.memory_space<vmem>>, vector<1x1x16xf32>,
        %get3A_2596 = vector.shape_cast %get3A_2595 : vector<1x1x16xf32> to vector<16xf32>
        %get3A_2597 = arith.constant 0 : i32
        %get3A_2598 = arith.constant 6 : i32
        %get3A_2599 = arith.index_cast %get3A_2597 : i32 to index
        %get3A_2600 = arith.index_cast %get3A_2598 : i32 to index
        %get3A_2601 = arith.index_cast %multiple_of3A_2538 : i32 to index
        %get3A_2602 = tpu.vector_load %arg5[%get3A_2599, %get3A_2600, %get3A_2601] {strides = array<i32>} : memref<1x64x512xf32, #tpu.memory_space<vmem>>, vector<1x1x16xf32>,
        %get3A_2603 = vector.shape_cast %get3A_2602 : vector<1x1x16xf32> to vector<16xf32>
        %get3A_2604 = arith.constant 0 : i32
        %get3A_2605 = arith.constant 7 : i32
        %get3A_2606 = arith.index_cast %get3A_2604 : i32 to index
        %get3A_2607 = arith.index_cast %get3A_2605 : i32 to index
        %get3A_2608 = arith.index_cast %multiple_of3A_2538 : i32 to index
        %get3A_2609 = tpu.vector_load %arg5[%get3A_2606, %get3A_2607, %get3A_2608] {strides = array<i32>} : memref<1x64x512xf32, #tpu.memory_space<vmem>>, vector<1x1x16xf32>,
        %get3A_2610 = vector.shape_cast %get3A_2609 : vector<1x1x16xf32> to vector<16xf32>
        %mul3A_2611 = arith.mulf %get3A_2589, %get3A_2589 : vector<16xf32>
        %add3A_2612 = arith.addf %add3A_2576, %mul3A_2611 : vector<16xf32>
        %mul3A_2613 = arith.mulf %get3A_2596, %get3A_2596 : vector<16xf32>
        %add3A_2614 = arith.addf %add3A_2578, %mul3A_2613 : vector<16xf32>
        %mul3A_2615 = arith.mulf %get3A_2603, %get3A_2603 : vector<16xf32>
        %add3A_2616 = arith.addf %add3A_2580, %mul3A_2615 : vector<16xf32>
        %mul3A_2617 = arith.mulf %get3A_2610, %get3A_2610 : vector<16xf32>
        %add3A_2618 = arith.addf %add3A_2582, %mul3A_2617 : vector<16xf32>
        %get3A_2619 = arith.constant 0 : i32
        %get3A_2620 = arith.constant 8 : i32
        %get3A_2621 = arith.index_cast %get3A_2619 : i32 to index
        %get3A_2622 = arith.index_cast %get3A_2620 : i32 to index
        %get3A_2623 = arith.index_cast %multiple_of3A_2538 : i32 to index
        %get3A_2624 = tpu.vector_load %arg5[%get3A_2621, %get3A_2622, %get3A_2623] {strides = array<i32>} : memref<1x64x512xf32, #tpu.memory_space<vmem>>, vector<1x1x16xf32>,
        %get3A_2625 = vector.shape_cast %get3A_2624 : vector<1x1x16xf32> to vector<16xf32>
        %get3A_2626 = arith.constant 0 : i32
        %get3A_2627 = arith.constant 9 : i32
        %get3A_2628 = arith.index_cast %get3A_2626 : i32 to index
        %get3A_2629 = arith.index_cast %get3A_2627 : i32 to index
        %get3A_2630 = arith.index_cast %multiple_of3A_2538 : i32 to index
        %get3A_2631 = tpu.vector_load %arg5[%get3A_2628, %get3A_2629, %get3A_2630] {strides = array<i32>} : memref<1x64x512xf32, #tpu.memory_space<vmem>>, vector<1x1x16xf32>,
        %get3A_2632 = vector.shape_cast %get3A_2631 : vector<1x1x16xf32> to vector<16xf32>
        %get3A_2633 = arith.constant 0 : i32
        %get3A_2634 = arith.constant 10 : i32
        %get3A_2635 = arith.index_cast %get3A_2633 : i32 to index
        %get3A_2636 = arith.index_cast %get3A_2634 : i32 to index
        %get3A_2637 = arith.index_cast %multiple_of3A_2538 : i32 to index
        %get3A_2638 = tpu.vector_load %arg5[%get3A_2635, %get3A_2636, %get3A_2637] {strides = array<i32>} : memref<1x64x512xf32, #tpu.memory_space<vmem>>, vector<1x1x16xf32>,
        %get3A_2639 = vector.shape_cast %get3A_2638 : vector<1x1x16xf32> to vector<16xf32>
        %get3A_2640 = arith.constant 0 : i32
        %get3A_2641 = arith.constant 11 : i32
        %get3A_2642 = arith.index_cast %get3A_2640 : i32 to index
        %get3A_2643 = arith.index_cast %get3A_2641 : i32 to index
        %get3A_2644 = arith.index_cast %multiple_of3A_2538 : i32 to index
        %get3A_2645 = tpu.vector_load %arg5[%get3A_2642, %get3A_2643, %get3A_2644] {strides = array<i32>} : memref<1x64x512xf32, #tpu.memory_space<vmem>>, vector<1x1x16xf32>,
        %get3A_2646 = vector.shape_cast %get3A_2645 : vector<1x1x16xf32> to vector<16xf32>
        %mul3A_2647 = arith.mulf %get3A_2625, %get3A_2625 : vector<16xf32>
        %add3A_2648 = arith.addf %add3A_2612, %mul3A_2647 : vector<16xf32>
        %mul3A_2649 = arith.mulf %get3A_2632, %get3A_2632 : vector<16xf32>
        %add3A_2650 = arith.addf %add3A_2614, %mul3A_2649 : vector<16xf32>
        %mul3A_2651 = arith.mulf %get3A_2639, %get3A_2639 : vector<16xf32>
        %add3A_2652 = arith.addf %add3A_2616, %mul3A_2651 : vector<16xf32>
        %mul3A_2653 = arith.mulf %get3A_2646, %get3A_2646 : vector<16xf32>
        %add3A_2654 = arith.addf %add3A_2618, %mul3A_2653 : vector<16xf32>
        %get3A_2655 = arith.constant 0 : i32
        %get3A_2656 = arith.constant 12 : i32
        %get3A_2657 = arith.index_cast %get3A_2655 : i32 to index
        %get3A_2658 = arith.index_cast %get3A_2656 : i32 to index
        %get3A_2659 = arith.index_cast %multiple_of3A_2538 : i32 to index
        %get3A_2660 = tpu.vector_load %arg5[%get3A_2657, %get3A_2658, %get3A_2659] {strides = array<i32>} : memref<1x64x512xf32, #tpu.memory_space<vmem>>, vector<1x1x16xf32>,
        %get3A_2661 = vector.shape_cast %get3A_2660 : vector<1x1x16xf32> to vector<16xf32>
        %get3A_2662 = arith.constant 0 : i32
        %get3A_2663 = arith.constant 13 : i32
        %get3A_2664 = arith.index_cast %get3A_2662 : i32 to index
        %get3A_2665 = arith.index_cast %get3A_2663 : i32 to index
        %get3A_2666 = arith.index_cast %multiple_of3A_2538 : i32 to index
        %get3A_2667 = tpu.vector_load %arg5[%get3A_2664, %get3A_2665, %get3A_2666] {strides = array<i32>} : memref<1x64x512xf32, #tpu.memory_space<vmem>>, vector<1x1x16xf32>,
        %get3A_2668 = vector.shape_cast %get3A_2667 : vector<1x1x16xf32> to vector<16xf32>
        %get3A_2669 = arith.constant 0 : i32
        %get3A_2670 = arith.constant 14 : i32
        %get3A_2671 = arith.index_cast %get3A_2669 : i32 to index
        %get3A_2672 = arith.index_cast %get3A_2670 : i32 to index
        %get3A_2673 = arith.index_cast %multiple_of3A_2538 : i32 to index
        %get3A_2674 = tpu.vector_load %arg5[%get3A_2671, %get3A_2672, %get3A_2673] {strides = array<i32>} : memref<1x64x512xf32, #tpu.memory_space<vmem>>, vector<1x1x16xf32>,
        %get3A_2675 = vector.shape_cast %get3A_2674 : vector<1x1x16xf32> to vector<16xf32>
        %get3A_2676 = arith.constant 0 : i32
        %get3A_2677 = arith.constant 15 : i32
        %get3A_2678 = arith.index_cast %get3A_2676 : i32 to index
        %get3A_2679 = arith.index_cast %get3A_2677 : i32 to index
        %get3A_2680 = arith.index_cast %multiple_of3A_2538 : i32 to index
        %get3A_2681 = tpu.vector_load %arg5[%get3A_2678, %get3A_2679, %get3A_2680] {strides = array<i32>} : memref<1x64x512xf32, #tpu.memory_space<vmem>>, vector<1x1x16xf32>,
        %get3A_2682 = vector.shape_cast %get3A_2681 : vector<1x1x16xf32> to vector<16xf32>
        %mul3A_2683 = arith.mulf %get3A_2661, %get3A_2661 : vector<16xf32>
        %add3A_2684 = arith.addf %add3A_2648, %mul3A_2683 : vector<16xf32>
        %mul3A_2685 = arith.mulf %get3A_2668, %get3A_2668 : vector<16xf32>
        %add3A_2686 = arith.addf %add3A_2650, %mul3A_2685 : vector<16xf32>
        %mul3A_2687 = arith.mulf %get3A_2675, %get3A_2675 : vector<16xf32>
        %add3A_2688 = arith.addf %add3A_2652, %mul3A_2687 : vector<16xf32>
        %mul3A_2689 = arith.mulf %get3A_2682, %get3A_2682 : vector<16xf32>
        %add3A_2690 = arith.addf %add3A_2654, %mul3A_2689 : vector<16xf32>
        %get3A_2691 = arith.constant 0 : i32
        %get3A_2692 = arith.constant 16 : i32
        %get3A_2693 = arith.index_cast %get3A_2691 : i32 to index
        %get3A_2694 = arith.index_cast %get3A_2692 : i32 to index
        %get3A_2695 = arith.index_cast %multiple_of3A_2538 : i32 to index
        %get3A_2696 = tpu.vector_load %arg5[%get3A_2693, %get3A_2694, %get3A_2695] {strides = array<i32>} : memref<1x64x512xf32, #tpu.memory_space<vmem>>, vector<1x1x16xf32>,
        %get3A_2697 = vector.shape_cast %get3A_2696 : vector<1x1x16xf32> to vector<16xf32>
        %get3A_2698 = arith.constant 0 : i32
        %get3A_2699 = arith.constant 17 : i32
        %get3A_2700 = arith.index_cast %get3A_2698 : i32 to index
        %get3A_2701 = arith.index_cast %get3A_2699 : i32 to index
        %get3A_2702 = arith.index_cast %multiple_of3A_2538 : i32 to index
        %get3A_2703 = tpu.vector_load %arg5[%get3A_2700, %get3A_2701, %get3A_2702] {strides = array<i32>} : memref<1x64x512xf32, #tpu.memory_space<vmem>>, vector<1x1x16xf32>,
        %get3A_2704 = vector.shape_cast %get3A_2703 : vector<1x1x16xf32> to vector<16xf32>
        %get3A_2705 = arith.constant 0 : i32
        %get3A_2706 = arith.constant 18 : i32
        %get3A_2707 = arith.index_cast %get3A_2705 : i32 to index
        %get3A_2708 = arith.index_cast %get3A_2706 : i32 to index
        %get3A_2709 = arith.index_cast %multiple_of3A_2538 : i32 to index
        %get3A_2710 = tpu.vector_load %arg5[%get3A_2707, %get3A_2708, %get3A_2709] {strides = array<i32>} : memref<1x64x512xf32, #tpu.memory_space<vmem>>, vector<1x1x16xf32>,
        %get3A_2711 = vector.shape_cast %get3A_2710 : vector<1x1x16xf32> to vector<16xf32>
        %get3A_2712 = arith.constant 0 : i32
        %get3A_2713 = arith.constant 19 : i32
        %get3A_2714 = arith.index_cast %get3A_2712 : i32 to index
        %get3A_2715 = arith.index_cast %get3A_2713 : i32 to index
        %get3A_2716 = arith.index_cast %multiple_of3A_2538 : i32 to index
        %get3A_2717 = tpu.vector_load %arg5[%get3A_2714, %get3A_2715, %get3A_2716] {strides = array<i32>} : memref<1x64x512xf32, #tpu.memory_space<vmem>>, vector<1x1x16xf32>,
        %get3A_2718 = vector.shape_cast %get3A_2717 : vector<1x1x16xf32> to vector<16xf32>
        %mul3A_2719 = arith.mulf %get3A_2697, %get3A_2697 : vector<16xf32>
        %add3A_2720 = arith.addf %add3A_2684, %mul3A_2719 : vector<16xf32>
        %mul3A_2721 = arith.mulf %get3A_2704, %get3A_2704 : vector<16xf32>
        %add3A_2722 = arith.addf %add3A_2686, %mul3A_2721 : vector<16xf32>
        %mul3A_2723 = arith.mulf %get3A_2711, %get3A_2711 : vector<16xf32>
        %add3A_2724 = arith.addf %add3A_2688, %mul3A_2723 : vector<16xf32>
        %mul3A_2725 = arith.mulf %get3A_2718, %get3A_2718 : vector<16xf32>
        %add3A_2726 = arith.addf %add3A_2690, %mul3A_2725 : vector<16xf32>
        %get3A_2727 = arith.constant 0 : i32
        %get3A_2728 = arith.constant 20 : i32
        %get3A_2729 = arith.index_cast %get3A_2727 : i32 to index
        %get3A_2730 = arith.index_cast %get3A_2728 : i32 to index
        %get3A_2731 = arith.index_cast %multiple_of3A_2538 : i32 to index
        %get3A_2732 = tpu.vector_load %arg5[%get3A_2729, %get3A_2730, %get3A_2731] {strides = array<i32>} : memref<1x64x512xf32, #tpu.memory_space<vmem>>, vector<1x1x16xf32>,
        %get3A_2733 = vector.shape_cast %get3A_2732 : vector<1x1x16xf32> to vector<16xf32>
        %get3A_2734 = arith.constant 0 : i32
        %get3A_2735 = arith.constant 21 : i32
        %get3A_2736 = arith.index_cast %get3A_2734 : i32 to index
        %get3A_2737 = arith.index_cast %get3A_2735 : i32 to index
        %get3A_2738 = arith.index_cast %multiple_of3A_2538 : i32 to index
        %get3A_2739 = tpu.vector_load %arg5[%get3A_2736, %get3A_2737, %get3A_2738] {strides = array<i32>} : memref<1x64x512xf32, #tpu.memory_space<vmem>>, vector<1x1x16xf32>,
        %get3A_2740 = vector.shape_cast %get3A_2739 : vector<1x1x16xf32> to vector<16xf32>
        %get3A_2741 = arith.constant 0 : i32
        %get3A_2742 = arith.constant 22 : i32
        %get3A_2743 = arith.index_cast %get3A_2741 : i32 to index
        %get3A_2744 = arith.index_cast %get3A_2742 : i32 to index
        %get3A_2745 = arith.index_cast %multiple_of3A_2538 : i32 to index
        %get3A_2746 = tpu.vector_load %arg5[%get3A_2743, %get3A_2744, %get3A_2745] {strides = array<i32>} : memref<1x64x512xf32, #tpu.memory_space<vmem>>, vector<1x1x16xf32>,
        %get3A_2747 = vector.shape_cast %get3A_2746 : vector<1x1x16xf32> to vector<16xf32>
        %get3A_2748 = arith.constant 0 : i32
        %get3A_2749 = arith.constant 23 : i32
        %get3A_2750 = arith.index_cast %get3A_2748 : i32 to index
        %get3A_2751 = arith.index_cast %get3A_2749 : i32 to index
        %get3A_2752 = arith.index_cast %multiple_of3A_2538 : i32 to index
        %get3A_2753 = tpu.vector_load %arg5[%get3A_2750, %get3A_2751, %get3A_2752] {strides = array<i32>} : memref<1x64x512xf32, #tpu.memory_space<vmem>>, vector<1x1x16xf32>,
        %get3A_2754 = vector.shape_cast %get3A_2753 : vector<1x1x16xf32> to vector<16xf32>
        %mul3A_2755 = arith.mulf %get3A_2733, %get3A_2733 : vector<16xf32>
        %add3A_2756 = arith.addf %add3A_2720, %mul3A_2755 : vector<16xf32>
        %mul3A_2757 = arith.mulf %get3A_2740, %get3A_2740 : vector<16xf32>
        %add3A_2758 = arith.addf %add3A_2722, %mul3A_2757 : vector<16xf32>
        %mul3A_2759 = arith.mulf %get3A_2747, %get3A_2747 : vector<16xf32>
        %add3A_2760 = arith.addf %add3A_2724, %mul3A_2759 : vector<16xf32>
        %mul3A_2761 = arith.mulf %get3A_2754, %get3A_2754 : vector<16xf32>
        %add3A_2762 = arith.addf %add3A_2726, %mul3A_2761 : vector<16xf32>
        %get3A_2763 = arith.constant 0 : i32
        %get3A_2764 = arith.constant 24 : i32
        %get3A_2765 = arith.index_cast %get3A_2763 : i32 to index
        %get3A_2766 = arith.index_cast %get3A_2764 : i32 to index
        %get3A_2767 = arith.index_cast %multiple_of3A_2538 : i32 to index
        %get3A_2768 = tpu.vector_load %arg5[%get3A_2765, %get3A_2766, %get3A_2767] {strides = array<i32>} : memref<1x64x512xf32, #tpu.memory_space<vmem>>, vector<1x1x16xf32>,
        %get3A_2769 = vector.shape_cast %get3A_2768 : vector<1x1x16xf32> to vector<16xf32>
        %get3A_2770 = arith.constant 0 : i32
        %get3A_2771 = arith.constant 25 : i32
        %get3A_2772 = arith.index_cast %get3A_2770 : i32 to index
        %get3A_2773 = arith.index_cast %get3A_2771 : i32 to index
        %get3A_2774 = arith.index_cast %multiple_of3A_2538 : i32 to index
        %get3A_2775 = tpu.vector_load %arg5[%get3A_2772, %get3A_2773, %get3A_2774] {strides = array<i32>} : memref<1x64x512xf32, #tpu.memory_space<vmem>>, vector<1x1x16xf32>,
        %get3A_2776 = vector.shape_cast %get3A_2775 : vector<1x1x16xf32> to vector<16xf32>
        %get3A_2777 = arith.constant 0 : i32
        %get3A_2778 = arith.constant 26 : i32
        %get3A_2779 = arith.index_cast %get3A_2777 : i32 to index
        %get3A_2780 = arith.index_cast %get3A_2778 : i32 to index
        %get3A_2781 = arith.index_cast %multiple_of3A_2538 : i32 to index
        %get3A_2782 = tpu.vector_load %arg5[%get3A_2779, %get3A_2780, %get3A_2781] {strides = array<i32>} : memref<1x64x512xf32, #tpu.memory_space<vmem>>, vector<1x1x16xf32>,
        %get3A_2783 = vector.shape_cast %get3A_2782 : vector<1x1x16xf32> to vector<16xf32>
        %get3A_2784 = arith.constant 0 : i32
        %get3A_2785 = arith.constant 27 : i32
        %get3A_2786 = arith.index_cast %get3A_2784 : i32 to index
        %get3A_2787 = arith.index_cast %get3A_2785 : i32 to index
        %get3A_2788 = arith.index_cast %multiple_of3A_2538 : i32 to index
        %get3A_2789 = tpu.vector_load %arg5[%get3A_2786, %get3A_2787, %get3A_2788] {strides = array<i32>} : memref<1x64x512xf32, #tpu.memory_space<vmem>>, vector<1x1x16xf32>,
        %get3A_2790 = vector.shape_cast %get3A_2789 : vector<1x1x16xf32> to vector<16xf32>
        %mul3A_2791 = arith.mulf %get3A_2769, %get3A_2769 : vector<16xf32>
        %add3A_2792 = arith.addf %add3A_2756, %mul3A_2791 : vector<16xf32>
        %mul3A_2793 = arith.mulf %get3A_2776, %get3A_2776 : vector<16xf32>
        %add3A_2794 = arith.addf %add3A_2758, %mul3A_2793 : vector<16xf32>
        %mul3A_2795 = arith.mulf %get3A_2783, %get3A_2783 : vector<16xf32>
        %add3A_2796 = arith.addf %add3A_2760, %mul3A_2795 : vector<16xf32>
        %mul3A_2797 = arith.mulf %get3A_2790, %get3A_2790 : vector<16xf32>
        %add3A_2798 = arith.addf %add3A_2762, %mul3A_2797 : vector<16xf32>
        %get3A_2799 = arith.constant 0 : i32
        %get3A_2800 = arith.constant 28 : i32
        %get3A_2801 = arith.index_cast %get3A_2799 : i32 to index
        %get3A_2802 = arith.index_cast %get3A_2800 : i32 to index
        %get3A_2803 = arith.index_cast %multiple_of3A_2538 : i32 to index
        %get3A_2804 = tpu.vector_load %arg5[%get3A_2801, %get3A_2802, %get3A_2803] {strides = array<i32>} : memref<1x64x512xf32, #tpu.memory_space<vmem>>, vector<1x1x16xf32>,
        %get3A_2805 = vector.shape_cast %get3A_2804 : vector<1x1x16xf32> to vector<16xf32>
        %get3A_2806 = arith.constant 0 : i32
        %get3A_2807 = arith.constant 29 : i32
        %get3A_2808 = arith.index_cast %get3A_2806 : i32 to index
        %get3A_2809 = arith.index_cast %get3A_2807 : i32 to index
        %get3A_2810 = arith.index_cast %multiple_of3A_2538 : i32 to index
        %get3A_2811 = tpu.vector_load %arg5[%get3A_2808, %get3A_2809, %get3A_2810] {strides = array<i32>} : memref<1x64x512xf32, #tpu.memory_space<vmem>>, vector<1x1x16xf32>,
        %get3A_2812 = vector.shape_cast %get3A_2811 : vector<1x1x16xf32> to vector<16xf32>
        %get3A_2813 = arith.constant 0 : i32
        %get3A_2814 = arith.constant 30 : i32
        %get3A_2815 = arith.index_cast %get3A_2813 : i32 to index
        %get3A_2816 = arith.index_cast %get3A_2814 : i32 to index
        %get3A_2817 = arith.index_cast %multiple_of3A_2538 : i32 to index
        %get3A_2818 = tpu.vector_load %arg5[%get3A_2815, %get3A_2816, %get3A_2817] {strides = array<i32>} : memref<1x64x512xf32, #tpu.memory_space<vmem>>, vector<1x1x16xf32>,
        %get3A_2819 = vector.shape_cast %get3A_2818 : vector<1x1x16xf32> to vector<16xf32>
        %get3A_2820 = arith.constant 0 : i32
        %get3A_2821 = arith.constant 31 : i32
        %get3A_2822 = arith.index_cast %get3A_2820 : i32 to index
        %get3A_2823 = arith.index_cast %get3A_2821 : i32 to index
        %get3A_2824 = arith.index_cast %multiple_of3A_2538 : i32 to index
        %get3A_2825 = tpu.vector_load %arg5[%get3A_2822, %get3A_2823, %get3A_2824] {strides = array<i32>} : memref<1x64x512xf32, #tpu.memory_space<vmem>>, vector<1x1x16xf32>,
        %get3A_2826 = vector.shape_cast %get3A_2825 : vector<1x1x16xf32> to vector<16xf32>
        %mul3A_2827 = arith.mulf %get3A_2805, %get3A_2805 : vector<16xf32>
        %add3A_2828 = arith.addf %add3A_2792, %mul3A_2827 : vector<16xf32>
        %mul3A_2829 = arith.mulf %get3A_2812, %get3A_2812 : vector<16xf32>
        %add3A_2830 = arith.addf %add3A_2794, %mul3A_2829 : vector<16xf32>
        %mul3A_2831 = arith.mulf %get3A_2819, %get3A_2819 : vector<16xf32>
        %add3A_2832 = arith.addf %add3A_2796, %mul3A_2831 : vector<16xf32>
        %mul3A_2833 = arith.mulf %get3A_2826, %get3A_2826 : vector<16xf32>
        %add3A_2834 = arith.addf %add3A_2798, %mul3A_2833 : vector<16xf32>
        %get3A_2835 = arith.constant 0 : i32
        %get3A_2836 = arith.constant 32 : i32
        %get3A_2837 = arith.index_cast %get3A_2835 : i32 to index
        %get3A_2838 = arith.index_cast %get3A_2836 : i32 to index
        %get3A_2839 = arith.index_cast %multiple_of3A_2538 : i32 to index
        %get3A_2840 = tpu.vector_load %arg5[%get3A_2837, %get3A_2838, %get3A_2839] {strides = array<i32>} : memref<1x64x512xf32, #tpu.memory_space<vmem>>, vector<1x1x16xf32>,
        %get3A_2841 = vector.shape_cast %get3A_2840 : vector<1x1x16xf32> to vector<16xf32>
        %get3A_2842 = arith.constant 0 : i32
        %get3A_2843 = arith.constant 33 : i32
        %get3A_2844 = arith.index_cast %get3A_2842 : i32 to index
        %get3A_2845 = arith.index_cast %get3A_2843 : i32 to index
        %get3A_2846 = arith.index_cast %multiple_of3A_2538 : i32 to index
        %get3A_2847 = tpu.vector_load %arg5[%get3A_2844, %get3A_2845, %get3A_2846] {strides = array<i32>} : memref<1x64x512xf32, #tpu.memory_space<vmem>>, vector<1x1x16xf32>,
        %get3A_2848 = vector.shape_cast %get3A_2847 : vector<1x1x16xf32> to vector<16xf32>
        %get3A_2849 = arith.constant 0 : i32
        %get3A_2850 = arith.constant 34 : i32
        %get3A_2851 = arith.index_cast %get3A_2849 : i32 to index
        %get3A_2852 = arith.index_cast %get3A_2850 : i32 to index
        %get3A_2853 = arith.index_cast %multiple_of3A_2538 : i32 to index
        %get3A_2854 = tpu.vector_load %arg5[%get3A_2851, %get3A_2852, %get3A_2853] {strides = array<i32>} : memref<1x64x512xf32, #tpu.memory_space<vmem>>, vector<1x1x16xf32>,
        %get3A_2855 = vector.shape_cast %get3A_2854 : vector<1x1x16xf32> to vector<16xf32>
        %get3A_2856 = arith.constant 0 : i32
        %get3A_2857 = arith.constant 35 : i32
        %get3A_2858 = arith.index_cast %get3A_2856 : i32 to index
        %get3A_2859 = arith.index_cast %get3A_2857 : i32 to index
        %get3A_2860 = arith.index_cast %multiple_of3A_2538 : i32 to index
        %get3A_2861 = tpu.vector_load %arg5[%get3A_2858, %get3A_2859, %get3A_2860] {strides = array<i32>} : memref<1x64x512xf32, #tpu.memory_space<vmem>>, vector<1x1x16xf32>,
        %get3A_2862 = vector.shape_cast %get3A_2861 : vector<1x1x16xf32> to vector<16xf32>
        %mul3A_2863 = arith.mulf %get3A_2841, %get3A_2841 : vector<16xf32>
        %add3A_2864 = arith.addf %add3A_2828, %mul3A_2863 : vector<16xf32>
        %mul3A_2865 = arith.mulf %get3A_2848, %get3A_2848 : vector<16xf32>
        %add3A_2866 = arith.addf %add3A_2830, %mul3A_2865 : vector<16xf32>
        %mul3A_2867 = arith.mulf %get3A_2855, %get3A_2855 : vector<16xf32>
        %add3A_2868 = arith.addf %add3A_2832, %mul3A_2867 : vector<16xf32>
        %mul3A_2869 = arith.mulf %get3A_2862, %get3A_2862 : vector<16xf32>
        %add3A_2870 = arith.addf %add3A_2834, %mul3A_2869 : vector<16xf32>
        %get3A_2871 = arith.constant 0 : i32
        %get3A_2872 = arith.constant 36 : i32
        %get3A_2873 = arith.index_cast %get3A_2871 : i32 to index
        %get3A_2874 = arith.index_cast %get3A_2872 : i32 to index
        %get3A_2875 = arith.index_cast %multiple_of3A_2538 : i32 to index
        %get3A_2876 = tpu.vector_load %arg5[%get3A_2873, %get3A_2874, %get3A_2875] {strides = array<i32>} : memref<1x64x512xf32, #tpu.memory_space<vmem>>, vector<1x1x16xf32>,
        %get3A_2877 = vector.shape_cast %get3A_2876 : vector<1x1x16xf32> to vector<16xf32>
        %get3A_2878 = arith.constant 0 : i32
        %get3A_2879 = arith.constant 37 : i32
        %get3A_2880 = arith.index_cast %get3A_2878 : i32 to index
        %get3A_2881 = arith.index_cast %get3A_2879 : i32 to index
        %get3A_2882 = arith.index_cast %multiple_of3A_2538 : i32 to index
        %get3A_2883 = tpu.vector_load %arg5[%get3A_2880, %get3A_2881, %get3A_2882] {strides = array<i32>} : memref<1x64x512xf32, #tpu.memory_space<vmem>>, vector<1x1x16xf32>,
        %get3A_2884 = vector.shape_cast %get3A_2883 : vector<1x1x16xf32> to vector<16xf32>
        %get3A_2885 = arith.constant 0 : i32
        %get3A_2886 = arith.constant 38 : i32
        %get3A_2887 = arith.index_cast %get3A_2885 : i32 to index
        %get3A_2888 = arith.index_cast %get3A_2886 : i32 to index
        %get3A_2889 = arith.index_cast %multiple_of3A_2538 : i32 to index
        %get3A_2890 = tpu.vector_load %arg5[%get3A_2887, %get3A_2888, %get3A_2889] {strides = array<i32>} : memref<1x64x512xf32, #tpu.memory_space<vmem>>, vector<1x1x16xf32>,
        %get3A_2891 = vector.shape_cast %get3A_2890 : vector<1x1x16xf32> to vector<16xf32>
        %get3A_2892 = arith.constant 0 : i32
        %get3A_2893 = arith.constant 39 : i32
        %get3A_2894 = arith.index_cast %get3A_2892 : i32 to index
        %get3A_2895 = arith.index_cast %get3A_2893 : i32 to index
        %get3A_2896 = arith.index_cast %multiple_of3A_2538 : i32 to index
        %get3A_2897 = tpu.vector_load %arg5[%get3A_2894, %get3A_2895, %get3A_2896] {strides = array<i32>} : memref<1x64x512xf32, #tpu.memory_space<vmem>>, vector<1x1x16xf32>,
        %get3A_2898 = vector.shape_cast %get3A_2897 : vector<1x1x16xf32> to vector<16xf32>
        %mul3A_2899 = arith.mulf %get3A_2877, %get3A_2877 : vector<16xf32>
        %add3A_2900 = arith.addf %add3A_2864, %mul3A_2899 : vector<16xf32>
        %mul3A_2901 = arith.mulf %get3A_2884, %get3A_2884 : vector<16xf32>
        %add3A_2902 = arith.addf %add3A_2866, %mul3A_2901 : vector<16xf32>
        %mul3A_2903 = arith.mulf %get3A_2891, %get3A_2891 : vector<16xf32>
        %add3A_2904 = arith.addf %add3A_2868, %mul3A_2903 : vector<16xf32>
        %mul3A_2905 = arith.mulf %get3A_2898, %get3A_2898 : vector<16xf32>
        %add3A_2906 = arith.addf %add3A_2870, %mul3A_2905 : vector<16xf32>
        %get3A_2907 = arith.constant 0 : i32
        %get3A_2908 = arith.constant 40 : i32
        %get3A_2909 = arith.index_cast %get3A_2907 : i32 to index
        %get3A_2910 = arith.index_cast %get3A_2908 : i32 to index
        %get3A_2911 = arith.index_cast %multiple_of3A_2538 : i32 to index
        %get3A_2912 = tpu.vector_load %arg5[%get3A_2909, %get3A_2910, %get3A_2911] {strides = array<i32>} : memref<1x64x512xf32, #tpu.memory_space<vmem>>, vector<1x1x16xf32>,
        %get3A_2913 = vector.shape_cast %get3A_2912 : vector<1x1x16xf32> to vector<16xf32>
        %get3A_2914 = arith.constant 0 : i32
        %get3A_2915 = arith.constant 41 : i32
        %get3A_2916 = arith.index_cast %get3A_2914 : i32 to index
        %get3A_2917 = arith.index_cast %get3A_2915 : i32 to index
        %get3A_2918 = arith.index_cast %multiple_of3A_2538 : i32 to index
        %get3A_2919 = tpu.vector_load %arg5[%get3A_2916, %get3A_2917, %get3A_2918] {strides = array<i32>} : memref<1x64x512xf32, #tpu.memory_space<vmem>>, vector<1x1x16xf32>,
        %get3A_2920 = vector.shape_cast %get3A_2919 : vector<1x1x16xf32> to vector<16xf32>
        %get3A_2921 = arith.constant 0 : i32
        %get3A_2922 = arith.constant 42 : i32
        %get3A_2923 = arith.index_cast %get3A_2921 : i32 to index
        %get3A_2924 = arith.index_cast %get3A_2922 : i32 to index
        %get3A_2925 = arith.index_cast %multiple_of3A_2538 : i32 to index
        %get3A_2926 = tpu.vector_load %arg5[%get3A_2923, %get3A_2924, %get3A_2925] {strides = array<i32>} : memref<1x64x512xf32, #tpu.memory_space<vmem>>, vector<1x1x16xf32>,
        %get3A_2927 = vector.shape_cast %get3A_2926 : vector<1x1x16xf32> to vector<16xf32>
        %get3A_2928 = arith.constant 0 : i32
        %get3A_2929 = arith.constant 43 : i32
        %get3A_2930 = arith.index_cast %get3A_2928 : i32 to index
        %get3A_2931 = arith.index_cast %get3A_2929 : i32 to index
        %get3A_2932 = arith.index_cast %multiple_of3A_2538 : i32 to index
        %get3A_2933 = tpu.vector_load %arg5[%get3A_2930, %get3A_2931, %get3A_2932] {strides = array<i32>} : memref<1x64x512xf32, #tpu.memory_space<vmem>>, vector<1x1x16xf32>,
        %get3A_2934 = vector.shape_cast %get3A_2933 : vector<1x1x16xf32> to vector<16xf32>
        %mul3A_2935 = arith.mulf %get3A_2913, %get3A_2913 : vector<16xf32>
        %add3A_2936 = arith.addf %add3A_2900, %mul3A_2935 : vector<16xf32>
        %mul3A_2937 = arith.mulf %get3A_2920, %get3A_2920 : vector<16xf32>
        %add3A_2938 = arith.addf %add3A_2902, %mul3A_2937 : vector<16xf32>
        %mul3A_2939 = arith.mulf %get3A_2927, %get3A_2927 : vector<16xf32>
        %add3A_2940 = arith.addf %add3A_2904, %mul3A_2939 : vector<16xf32>
        %mul3A_2941 = arith.mulf %get3A_2934, %get3A_2934 : vector<16xf32>
        %add3A_2942 = arith.addf %add3A_2906, %mul3A_2941 : vector<16xf32>
        %get3A_2943 = arith.constant 0 : i32
        %get3A_2944 = arith.constant 44 : i32
        %get3A_2945 = arith.index_cast %get3A_2943 : i32 to index
        %get3A_2946 = arith.index_cast %get3A_2944 : i32 to index
        %get3A_2947 = arith.index_cast %multiple_of3A_2538 : i32 to index
        %get3A_2948 = tpu.vector_load %arg5[%get3A_2945, %get3A_2946, %get3A_2947] {strides = array<i32>} : memref<1x64x512xf32, #tpu.memory_space<vmem>>, vector<1x1x16xf32>,
        %get3A_2949 = vector.shape_cast %get3A_2948 : vector<1x1x16xf32> to vector<16xf32>
        %get3A_2950 = arith.constant 0 : i32
        %get3A_2951 = arith.constant 45 : i32
        %get3A_2952 = arith.index_cast %get3A_2950 : i32 to index
        %get3A_2953 = arith.index_cast %get3A_2951 : i32 to index
        %get3A_2954 = arith.index_cast %multiple_of3A_2538 : i32 to index
        %get3A_2955 = tpu.vector_load %arg5[%get3A_2952, %get3A_2953, %get3A_2954] {strides = array<i32>} : memref<1x64x512xf32, #tpu.memory_space<vmem>>, vector<1x1x16xf32>,
        %get3A_2956 = vector.shape_cast %get3A_2955 : vector<1x1x16xf32> to vector<16xf32>
        %get3A_2957 = arith.constant 0 : i32
        %get3A_2958 = arith.constant 46 : i32
        %get3A_2959 = arith.index_cast %get3A_2957 : i32 to index
        %get3A_2960 = arith.index_cast %get3A_2958 : i32 to index
        %get3A_2961 = arith.index_cast %multiple_of3A_2538 : i32 to index
        %get3A_2962 = tpu.vector_load %arg5[%get3A_2959, %get3A_2960, %get3A_2961] {strides = array<i32>} : memref<1x64x512xf32, #tpu.memory_space<vmem>>, vector<1x1x16xf32>,
        %get3A_2963 = vector.shape_cast %get3A_2962 : vector<1x1x16xf32> to vector<16xf32>
        %get3A_2964 = arith.constant 0 : i32
        %get3A_2965 = arith.constant 47 : i32
        %get3A_2966 = arith.index_cast %get3A_2964 : i32 to index
        %get3A_2967 = arith.index_cast %get3A_2965 : i32 to index
        %get3A_2968 = arith.index_cast %multiple_of3A_2538 : i32 to index
        %get3A_2969 = tpu.vector_load %arg5[%get3A_2966, %get3A_2967, %get3A_2968] {strides = array<i32>} : memref<1x64x512xf32, #tpu.memory_space<vmem>>, vector<1x1x16xf32>,
        %get3A_2970 = vector.shape_cast %get3A_2969 : vector<1x1x16xf32> to vector<16xf32>
        %mul3A_2971 = arith.mulf %get3A_2949, %get3A_2949 : vector<16xf32>
        %add3A_2972 = arith.addf %add3A_2936, %mul3A_2971 : vector<16xf32>
        %mul3A_2973 = arith.mulf %get3A_2956, %get3A_2956 : vector<16xf32>
        %add3A_2974 = arith.addf %add3A_2938, %mul3A_2973 : vector<16xf32>
        %mul3A_2975 = arith.mulf %get3A_2963, %get3A_2963 : vector<16xf32>
        %add3A_2976 = arith.addf %add3A_2940, %mul3A_2975 : vector<16xf32>
        %mul3A_2977 = arith.mulf %get3A_2970, %get3A_2970 : vector<16xf32>
        %add3A_2978 = arith.addf %add3A_2942, %mul3A_2977 : vector<16xf32>
        %get3A_2979 = arith.constant 0 : i32
        %get3A_2980 = arith.constant 48 : i32
        %get3A_2981 = arith.index_cast %get3A_2979 : i32 to index
        %get3A_2982 = arith.index_cast %get3A_2980 : i32 to index
        %get3A_2983 = arith.index_cast %multiple_of3A_2538 : i32 to index
        %get3A_2984 = tpu.vector_load %arg5[%get3A_2981, %get3A_2982, %get3A_2983] {strides = array<i32>} : memref<1x64x512xf32, #tpu.memory_space<vmem>>, vector<1x1x16xf32>,
        %get3A_2985 = vector.shape_cast %get3A_2984 : vector<1x1x16xf32> to vector<16xf32>
        %get3A_2986 = arith.constant 0 : i32
        %get3A_2987 = arith.constant 49 : i32
        %get3A_2988 = arith.index_cast %get3A_2986 : i32 to index
        %get3A_2989 = arith.index_cast %get3A_2987 : i32 to index
        %get3A_2990 = arith.index_cast %multiple_of3A_2538 : i32 to index
        %get3A_2991 = tpu.vector_load %arg5[%get3A_2988, %get3A_2989, %get3A_2990] {strides = array<i32>} : memref<1x64x512xf32, #tpu.memory_space<vmem>>, vector<1x1x16xf32>,
        %get3A_2992 = vector.shape_cast %get3A_2991 : vector<1x1x16xf32> to vector<16xf32>
        %get3A_2993 = arith.constant 0 : i32
        %get3A_2994 = arith.constant 50 : i32
        %get3A_2995 = arith.index_cast %get3A_2993 : i32 to index
        %get3A_2996 = arith.index_cast %get3A_2994 : i32 to index
        %get3A_2997 = arith.index_cast %multiple_of3A_2538 : i32 to index
        %get3A_2998 = tpu.vector_load %arg5[%get3A_2995, %get3A_2996, %get3A_2997] {strides = array<i32>} : memref<1x64x512xf32, #tpu.memory_space<vmem>>, vector<1x1x16xf32>,
        %get3A_2999 = vector.shape_cast %get3A_2998 : vector<1x1x16xf32> to vector<16xf32>
        %get3A_3000 = arith.constant 0 : i32
        %get3A_3001 = arith.constant 51 : i32
        %get3A_3002 = arith.index_cast %get3A_3000 : i32 to index
        %get3A_3003 = arith.index_cast %get3A_3001 : i32 to index
        %get3A_3004 = arith.index_cast %multiple_of3A_2538 : i32 to index
        %get3A_3005 = tpu.vector_load %arg5[%get3A_3002, %get3A_3003, %get3A_3004] {strides = array<i32>} : memref<1x64x512xf32, #tpu.memory_space<vmem>>, vector<1x1x16xf32>,
        %get3A_3006 = vector.shape_cast %get3A_3005 : vector<1x1x16xf32> to vector<16xf32>
        %mul3A_3007 = arith.mulf %get3A_2985, %get3A_2985 : vector<16xf32>
        %add3A_3008 = arith.addf %add3A_2972, %mul3A_3007 : vector<16xf32>
        %mul3A_3009 = arith.mulf %get3A_2992, %get3A_2992 : vector<16xf32>
        %add3A_3010 = arith.addf %add3A_2974, %mul3A_3009 : vector<16xf32>
        %mul3A_3011 = arith.mulf %get3A_2999, %get3A_2999 : vector<16xf32>
        %add3A_3012 = arith.addf %add3A_2976, %mul3A_3011 : vector<16xf32>
        %mul3A_3013 = arith.mulf %get3A_3006, %get3A_3006 : vector<16xf32>
        %add3A_3014 = arith.addf %add3A_2978, %mul3A_3013 : vector<16xf32>
        %get3A_3015 = arith.constant 0 : i32
        %get3A_3016 = arith.constant 52 : i32
        %get3A_3017 = arith.index_cast %get3A_3015 : i32 to index
        %get3A_3018 = arith.index_cast %get3A_3016 : i32 to index
        %get3A_3019 = arith.index_cast %multiple_of3A_2538 : i32 to index
        %get3A_3020 = tpu.vector_load %arg5[%get3A_3017, %get3A_3018, %get3A_3019] {strides = array<i32>} : memref<1x64x512xf32, #tpu.memory_space<vmem>>, vector<1x1x16xf32>,
        %get3A_3021 = vector.shape_cast %get3A_3020 : vector<1x1x16xf32> to vector<16xf32>
        %get3A_3022 = arith.constant 0 : i32
        %get3A_3023 = arith.constant 53 : i32
        %get3A_3024 = arith.index_cast %get3A_3022 : i32 to index
        %get3A_3025 = arith.index_cast %get3A_3023 : i32 to index
        %get3A_3026 = arith.index_cast %multiple_of3A_2538 : i32 to index
        %get3A_3027 = tpu.vector_load %arg5[%get3A_3024, %get3A_3025, %get3A_3026] {strides = array<i32>} : memref<1x64x512xf32, #tpu.memory_space<vmem>>, vector<1x1x16xf32>,
        %get3A_3028 = vector.shape_cast %get3A_3027 : vector<1x1x16xf32> to vector<16xf32>
        %get3A_3029 = arith.constant 0 : i32
        %get3A_3030 = arith.constant 54 : i32
        %get3A_3031 = arith.index_cast %get3A_3029 : i32 to index
        %get3A_3032 = arith.index_cast %get3A_3030 : i32 to index
        %get3A_3033 = arith.index_cast %multiple_of3A_2538 : i32 to index
        %get3A_3034 = tpu.vector_load %arg5[%get3A_3031, %get3A_3032, %get3A_3033] {strides = array<i32>} : memref<1x64x512xf32, #tpu.memory_space<vmem>>, vector<1x1x16xf32>,
        %get3A_3035 = vector.shape_cast %get3A_3034 : vector<1x1x16xf32> to vector<16xf32>
        %get3A_3036 = arith.constant 0 : i32
        %get3A_3037 = arith.constant 55 : i32
        %get3A_3038 = arith.index_cast %get3A_3036 : i32 to index
        %get3A_3039 = arith.index_cast %get3A_3037 : i32 to index
        %get3A_3040 = arith.index_cast %multiple_of3A_2538 : i32 to index
        %get3A_3041 = tpu.vector_load %arg5[%get3A_3038, %get3A_3039, %get3A_3040] {strides = array<i32>} : memref<1x64x512xf32, #tpu.memory_space<vmem>>, vector<1x1x16xf32>,
        %get3A_3042 = vector.shape_cast %get3A_3041 : vector<1x1x16xf32> to vector<16xf32>
        %mul3A_3043 = arith.mulf %get3A_3021, %get3A_3021 : vector<16xf32>
        %add3A_3044 = arith.addf %add3A_3008, %mul3A_3043 : vector<16xf32>
        %mul3A_3045 = arith.mulf %get3A_3028, %get3A_3028 : vector<16xf32>
        %add3A_3046 = arith.addf %add3A_3010, %mul3A_3045 : vector<16xf32>
        %mul3A_3047 = arith.mulf %get3A_3035, %get3A_3035 : vector<16xf32>
        %add3A_3048 = arith.addf %add3A_3012, %mul3A_3047 : vector<16xf32>
        %mul3A_3049 = arith.mulf %get3A_3042, %get3A_3042 : vector<16xf32>
        %add3A_3050 = arith.addf %add3A_3014, %mul3A_3049 : vector<16xf32>
        %get3A_3051 = arith.constant 0 : i32
        %get3A_3052 = arith.constant 56 : i32
        %get3A_3053 = arith.index_cast %get3A_3051 : i32 to index
        %get3A_3054 = arith.index_cast %get3A_3052 : i32 to index
        %get3A_3055 = arith.index_cast %multiple_of3A_2538 : i32 to index
        %get3A_3056 = tpu.vector_load %arg5[%get3A_3053, %get3A_3054, %get3A_3055] {strides = array<i32>} : memref<1x64x512xf32, #tpu.memory_space<vmem>>, vector<1x1x16xf32>,
        %get3A_3057 = vector.shape_cast %get3A_3056 : vector<1x1x16xf32> to vector<16xf32>
        %get3A_3058 = arith.constant 0 : i32
        %get3A_3059 = arith.constant 57 : i32
        %get3A_3060 = arith.index_cast %get3A_3058 : i32 to index
        %get3A_3061 = arith.index_cast %get3A_3059 : i32 to index
        %get3A_3062 = arith.index_cast %multiple_of3A_2538 : i32 to index
        %get3A_3063 = tpu.vector_load %arg5[%get3A_3060, %get3A_3061, %get3A_3062] {strides = array<i32>} : memref<1x64x512xf32, #tpu.memory_space<vmem>>, vector<1x1x16xf32>,
        %get3A_3064 = vector.shape_cast %get3A_3063 : vector<1x1x16xf32> to vector<16xf32>
        %get3A_3065 = arith.constant 0 : i32
        %get3A_3066 = arith.constant 58 : i32
        %get3A_3067 = arith.index_cast %get3A_3065 : i32 to index
        %get3A_3068 = arith.index_cast %get3A_3066 : i32 to index
        %get3A_3069 = arith.index_cast %multiple_of3A_2538 : i32 to index
        %get3A_3070 = tpu.vector_load %arg5[%get3A_3067, %get3A_3068, %get3A_3069] {strides = array<i32>} : memref<1x64x512xf32, #tpu.memory_space<vmem>>, vector<1x1x16xf32>,
        %get3A_3071 = vector.shape_cast %get3A_3070 : vector<1x1x16xf32> to vector<16xf32>
        %get3A_3072 = arith.constant 0 : i32
        %get3A_3073 = arith.constant 59 : i32
        %get3A_3074 = arith.index_cast %get3A_3072 : i32 to index
        %get3A_3075 = arith.index_cast %get3A_3073 : i32 to index
        %get3A_3076 = arith.index_cast %multiple_of3A_2538 : i32 to index
        %get3A_3077 = tpu.vector_load %arg5[%get3A_3074, %get3A_3075, %get3A_3076] {strides = array<i32>} : memref<1x64x512xf32, #tpu.memory_space<vmem>>, vector<1x1x16xf32>,
        %get3A_3078 = vector.shape_cast %get3A_3077 : vector<1x1x16xf32> to vector<16xf32>
        %mul3A_3079 = arith.mulf %get3A_3057, %get3A_3057 : vector<16xf32>
        %add3A_3080 = arith.addf %add3A_3044, %mul3A_3079 : vector<16xf32>
        %mul3A_3081 = arith.mulf %get3A_3064, %get3A_3064 : vector<16xf32>
        %add3A_3082 = arith.addf %add3A_3046, %mul3A_3081 : vector<16xf32>
        %mul3A_3083 = arith.mulf %get3A_3071, %get3A_3071 : vector<16xf32>
        %add3A_3084 = arith.addf %add3A_3048, %mul3A_3083 : vector<16xf32>
        %mul3A_3085 = arith.mulf %get3A_3078, %get3A_3078 : vector<16xf32>
        %add3A_3086 = arith.addf %add3A_3050, %mul3A_3085 : vector<16xf32>
        %get3A_3087 = arith.constant 0 : i32
        %get3A_3088 = arith.constant 60 : i32
        %get3A_3089 = arith.index_cast %get3A_3087 : i32 to index
        %get3A_3090 = arith.index_cast %get3A_3088 : i32 to index
        %get3A_3091 = arith.index_cast %multiple_of3A_2538 : i32 to index
        %get3A_3092 = tpu.vector_load %arg5[%get3A_3089, %get3A_3090, %get3A_3091] {strides = array<i32>} : memref<1x64x512xf32, #tpu.memory_space<vmem>>, vector<1x1x16xf32>,
        %get3A_3093 = vector.shape_cast %get3A_3092 : vector<1x1x16xf32> to vector<16xf32>
        %get3A_3094 = arith.constant 0 : i32
        %get3A_3095 = arith.constant 61 : i32
        %get3A_3096 = arith.index_cast %get3A_3094 : i32 to index
        %get3A_3097 = arith.index_cast %get3A_3095 : i32 to index
        %get3A_3098 = arith.index_cast %multiple_of3A_2538 : i32 to index
        %get3A_3099 = tpu.vector_load %arg5[%get3A_3096, %get3A_3097, %get3A_3098] {strides = array<i32>} : memref<1x64x512xf32, #tpu.memory_space<vmem>>, vector<1x1x16xf32>,
        %get3A_3100 = vector.shape_cast %get3A_3099 : vector<1x1x16xf32> to vector<16xf32>
        %get3A_3101 = arith.constant 0 : i32
        %get3A_3102 = arith.constant 62 : i32
        %get3A_3103 = arith.index_cast %get3A_3101 : i32 to index
        %get3A_3104 = arith.index_cast %get3A_3102 : i32 to index
        %get3A_3105 = arith.index_cast %multiple_of3A_2538 : i32 to index
        %get3A_3106 = tpu.vector_load %arg5[%get3A_3103, %get3A_3104, %get3A_3105] {strides = array<i32>} : memref<1x64x512xf32, #tpu.memory_space<vmem>>, vector<1x1x16xf32>,
        %get3A_3107 = vector.shape_cast %get3A_3106 : vector<1x1x16xf32> to vector<16xf32>
        %get3A_3108 = arith.constant 0 : i32
        %get3A_3109 = arith.constant 63 : i32
        %get3A_3110 = arith.index_cast %get3A_3108 : i32 to index
        %get3A_3111 = arith.index_cast %get3A_3109 : i32 to index
        %get3A_3112 = arith.index_cast %multiple_of3A_2538 : i32 to index
        %get3A_3113 = tpu.vector_load %arg5[%get3A_3110, %get3A_3111, %get3A_3112] {strides = array<i32>} : memref<1x64x512xf32, #tpu.memory_space<vmem>>, vector<1x1x16xf32>,
        %get3A_3114 = vector.shape_cast %get3A_3113 : vector<1x1x16xf32> to vector<16xf32>
        %mul3A_3115 = arith.mulf %get3A_3093, %get3A_3093 : vector<16xf32>
        %add3A_3116 = arith.addf %add3A_3080, %mul3A_3115 : vector<16xf32>
        %mul3A_3117 = arith.mulf %get3A_3100, %get3A_3100 : vector<16xf32>
        %add3A_3118 = arith.addf %add3A_3082, %mul3A_3117 : vector<16xf32>
        %mul3A_3119 = arith.mulf %get3A_3107, %get3A_3107 : vector<16xf32>
        %add3A_3120 = arith.addf %add3A_3084, %mul3A_3119 : vector<16xf32>
        %mul3A_3121 = arith.mulf %get3A_3114, %get3A_3114 : vector<16xf32>
        %add3A_3122 = arith.addf %add3A_3086, %mul3A_3121 : vector<16xf32>
        %add3A_3123 = arith.addf %add3A_3116, %add3A_3118 : vector<16xf32>
        %add3A_3124 = arith.addf %add3A_3120, %add3A_3122 : vector<16xf32>
        %add3A_3125 = arith.addf %add3A_3123, %add3A_3124 : vector<16xf32>
        %gt3A = arith.cmpf ogt, %add3A_3125, %scan3A_2534 : vector<16xf32>
        %select_n3A_3126 = arith.select %gt3A, %add3A_3125, %scan3A_2534 : vector<16xi1>, vector<16xf32>
        %add3A_3127 = vector.broadcast %multiple_of3A_2538 : i32 to vector<16xi32>
        %add3A_3128 = arith.addi %add3A_3127, %iota3A : vector<16xi32>
        %select_n3A_3129 = arith.select %gt3A, %add3A_3128, %scan3A_2535 : vector<16xi1>, vector<16xi32>
        scf.yield %select_n3A_3126, %select_n3A_3129 : vector<16xf32>, vector<16xi32>
      }
      %scan3A_69 = arith.constant 32 : i32
      %add3A_70 = arith.constant 8 : i32
      %add3A_71 = vector.broadcast %add3A_70 : i32 to vector<16xi32>
      %add3A_72 = arith.addi %iota3A, %add3A_71 : vector<16xi32>
      %jit3A = arith.constant 16 : i32
      %eq3A = arith.constant 0 : i32
      %eq3A_73 = arith.cmpi eq, %jit3A, %eq3A : i32
      %jit3A_74 = arith.constant 1 : i32
      %select_n3A = arith.select %eq3A_73, %jit3A_74, %jit3A : i32
      %rem3A = vector.broadcast %select_n3A : i32 to vector<16xi32>
      %rem3A_75 = arith.remsi %add3A_72, %rem3A : vector<16xi32>
      %ne3A = arith.constant 0 : i32
      %ne3A_76 = vector.broadcast %ne3A : i32 to vector<16xi32>
      %ne3A_77 = arith.cmpi ne, %rem3A_75, %ne3A_76 : vector<16xi32>
      %lt3A = arith.constant 0 : i32
      %lt3A_78 = vector.broadcast %lt3A : i32 to vector<16xi32>
      %lt3A_79 = arith.cmpi slt, %rem3A_75, %lt3A_78 : vector<16xi32>
      %lt3A_80 = arith.constant 0 : i32
      %lt3A_81 = arith.cmpi slt, %select_n3A, %lt3A_80 : i32
      %ne3A_82 = vector.broadcast %lt3A_81 : i1 to vector<16xi1>
      %ne3A_83 = vector.broadcast %ne3A_82 : vector<16xi1> to vector<16xi1>
      %ne3A_84 = arith.xori %lt3A_79, %ne3A_83 : vector<16xi1>
      %and3A = arith.andi %ne3A_84, %ne3A_77 : vector<16xi1>
      %add3A_85 = vector.broadcast %select_n3A : i32 to vector<16xi32>
      %add3A_86 = arith.addi %rem3A_75, %add3A_85 : vector<16xi32>
      %select_n3A_87 = arith.select %and3A, %add3A_86, %rem3A_75 : vector<16xi1>, vector<16xi32>
      %broadcast_in_dim3A_88 = vector.shape_cast %select_n3A_87 : vector<16xi32> to vector<16x1xi32>
      %gather3A = vector.shape_cast %broadcast_in_dim3A_88 : vector<16x1xi32> to vector<16xi32>
      %gather3A_89 = tpu.dynamic_gather %scan3A_68#0[%gather3A] in [0] : vector<16xf32>, vector<16xi32> -> vector<16xf32>
      %max3A = arith.maximumf %scan3A_68#0, %gather3A_89 : vector<16xf32>
      %add3A_90 = arith.constant 4 : i32
      %add3A_91 = vector.broadcast %add3A_90 : i32 to vector<16xi32>
      %add3A_92 = arith.addi %iota3A, %add3A_91 : vector<16xi32>
      %jit3A_93 = arith.constant 16 : i32
      %eq3A_94 = arith.constant 0 : i32
      %eq3A_95 = arith.cmpi eq, %jit3A_93, %eq3A_94 : i32
      %jit3A_96 = arith.constant 1 : i32
      %select_n3A_97 = arith.select %eq3A_95, %jit3A_96, %jit3A_93 : i32
      %rem3A_98 = vector.broadcast %select_n3A_97 : i32 to vector<16xi32>
      %rem3A_99 = arith.remsi %add3A_92, %rem3A_98 : vector<16xi32>
      %ne3A_100 = arith.constant 0 : i32
      %ne3A_101 = vector.broadcast %ne3A_100 : i32 to vector<16xi32>
      %ne3A_102 = arith.cmpi ne, %rem3A_99, %ne3A_101 : vector<16xi32>
      %lt3A_103 = arith.constant 0 : i32
      %lt3A_104 = vector.broadcast %lt3A_103 : i32 to vector<16xi32>
      %lt3A_105 = arith.cmpi slt, %rem3A_99, %lt3A_104 : vector<16xi32>
      %lt3A_106 = arith.constant 0 : i32
      %lt3A_107 = arith.cmpi slt, %select_n3A_97, %lt3A_106 : i32
      %ne3A_108 = vector.broadcast %lt3A_107 : i1 to vector<16xi1>
      %ne3A_109 = vector.broadcast %ne3A_108 : vector<16xi1> to vector<16xi1>
      %ne3A_110 = arith.xori %lt3A_105, %ne3A_109 : vector<16xi1>
      %and3A_111 = arith.andi %ne3A_110, %ne3A_102 : vector<16xi1>
      %add3A_112 = vector.broadcast %select_n3A_97 : i32 to vector<16xi32>
      %add3A_113 = arith.addi %rem3A_99, %add3A_112 : vector<16xi32>
      %select_n3A_114 = arith.select %and3A_111, %add3A_113, %rem3A_99 : vector<16xi1>, vector<16xi32>
      %broadcast_in_dim3A_115 = vector.shape_cast %select_n3A_114 : vector<16xi32> to vector<16x1xi32>
      %gather3A_116 = vector.shape_cast %broadcast_in_dim3A_115 : vector<16x1xi32> to vector<16xi32>
      %gather3A_117 = tpu.dynamic_gather %max3A[%gather3A_116] in [0] : vector<16xf32>, vector<16xi32> -> vector<16xf32>
      %max3A_118 = arith.maximumf %max3A, %gather3A_117 : vector<16xf32>
      %add3A_119 = arith.constant 2 : i32
      %add3A_120 = vector.broadcast %add3A_119 : i32 to vector<16xi32>
      %add3A_121 = arith.addi %iota3A, %add3A_120 : vector<16xi32>
      %jit3A_122 = arith.constant 16 : i32
      %eq3A_123 = arith.constant 0 : i32
      %eq3A_124 = arith.cmpi eq, %jit3A_122, %eq3A_123 : i32
      %jit3A_125 = arith.constant 1 : i32
      %select_n3A_126 = arith.select %eq3A_124, %jit3A_125, %jit3A_122 : i32
      %rem3A_127 = vector.broadcast %select_n3A_126 : i32 to vector<16xi32>
      %rem3A_128 = arith.remsi %add3A_121, %rem3A_127 : vector<16xi32>
      %ne3A_129 = arith.constant 0 : i32
      %ne3A_130 = vector.broadcast %ne3A_129 : i32 to vector<16xi32>
      %ne3A_131 = arith.cmpi ne, %rem3A_128, %ne3A_130 : vector<16xi32>
      %lt3A_132 = arith.constant 0 : i32
      %lt3A_133 = vector.broadcast %lt3A_132 : i32 to vector<16xi32>
      %lt3A_134 = arith.cmpi slt, %rem3A_128, %lt3A_133 : vector<16xi32>
      %lt3A_135 = arith.constant 0 : i32
      %lt3A_136 = arith.cmpi slt, %select_n3A_126, %lt3A_135 : i32
      %ne3A_137 = vector.broadcast %lt3A_136 : i1 to vector<16xi1>
      %ne3A_138 = vector.broadcast %ne3A_137 : vector<16xi1> to vector<16xi1>
      %ne3A_139 = arith.xori %lt3A_134, %ne3A_138 : vector<16xi1>
      %and3A_140 = arith.andi %ne3A_139, %ne3A_131 : vector<16xi1>
      %add3A_141 = vector.broadcast %select_n3A_126 : i32 to vector<16xi32>
      %add3A_142 = arith.addi %rem3A_128, %add3A_141 : vector<16xi32>
      %select_n3A_143 = arith.select %and3A_140, %add3A_142, %rem3A_128 : vector<16xi1>, vector<16xi32>
      %broadcast_in_dim3A_144 = vector.shape_cast %select_n3A_143 : vector<16xi32> to vector<16x1xi32>
      %gather3A_145 = vector.shape_cast %broadcast_in_dim3A_144 : vector<16x1xi32> to vector<16xi32>
      %gather3A_146 = tpu.dynamic_gather %max3A_118[%gather3A_145] in [0] : vector<16xf32>, vector<16xi32> -> vector<16xf32>
      %max3A_147 = arith.maximumf %max3A_118, %gather3A_146 : vector<16xf32>
      %add3A_148 = arith.constant 1 : i32
      %add3A_149 = vector.broadcast %add3A_148 : i32 to vector<16xi32>
      %add3A_150 = arith.addi %iota3A, %add3A_149 : vector<16xi32>
      %jit3A_151 = arith.constant 16 : i32
      %eq3A_152 = arith.constant 0 : i32
      %eq3A_153 = arith.cmpi eq, %jit3A_151, %eq3A_152 : i32
      %jit3A_154 = arith.constant 1 : i32
      %select_n3A_155 = arith.select %eq3A_153, %jit3A_154, %jit3A_151 : i32
      %rem3A_156 = vector.broadcast %select_n3A_155 : i32 to vector<16xi32>
      %rem3A_157 = arith.remsi %add3A_150, %rem3A_156 : vector<16xi32>
      %ne3A_158 = arith.constant 0 : i32
      %ne3A_159 = vector.broadcast %ne3A_158 : i32 to vector<16xi32>
      %ne3A_160 = arith.cmpi ne, %rem3A_157, %ne3A_159 : vector<16xi32>
      %lt3A_161 = arith.constant 0 : i32
      %lt3A_162 = vector.broadcast %lt3A_161 : i32 to vector<16xi32>
      %lt3A_163 = arith.cmpi slt, %rem3A_157, %lt3A_162 : vector<16xi32>
      %lt3A_164 = arith.constant 0 : i32
      %lt3A_165 = arith.cmpi slt, %select_n3A_155, %lt3A_164 : i32
      %ne3A_166 = vector.broadcast %lt3A_165 : i1 to vector<16xi1>
      %ne3A_167 = vector.broadcast %ne3A_166 : vector<16xi1> to vector<16xi1>
      %ne3A_168 = arith.xori %lt3A_163, %ne3A_167 : vector<16xi1>
      %and3A_169 = arith.andi %ne3A_168, %ne3A_160 : vector<16xi1>
      %add3A_170 = vector.broadcast %select_n3A_155 : i32 to vector<16xi32>
      %add3A_171 = arith.addi %rem3A_157, %add3A_170 : vector<16xi32>
      %select_n3A_172 = arith.select %and3A_169, %add3A_171, %rem3A_157 : vector<16xi1>, vector<16xi32>
      %broadcast_in_dim3A_173 = vector.shape_cast %select_n3A_172 : vector<16xi32> to vector<16x1xi32>
      %gather3A_174 = vector.shape_cast %broadcast_in_dim3A_173 : vector<16x1xi32> to vector<16xi32>
      %gather3A_175 = tpu.dynamic_gather %max3A_147[%gather3A_174] in [0] : vector<16xf32>, vector<16xi32> -> vector<16xf32>
      %max3A_176 = arith.maximumf %max3A_147, %gather3A_175 : vector<16xf32>
      %ge3A = arith.cmpf oge, %scan3A_68#0, %max3A_176 : vector<16xf32>
      %jit3A_177 = arith.constant 512 : i32
      %broadcast_in_dim3A_178 = vector.broadcast %jit3A_177 : i32 to vector<16xi32>
      %select_n3A_179 = arith.select %ge3A, %scan3A_68#1, %broadcast_in_dim3A_178 : vector<16xi1>, vector<16xi32>
      %add3A_180 = arith.constant 8 : i32
      %add3A_181 = vector.broadcast %add3A_180 : i32 to vector<16xi32>
      %add3A_182 = arith.addi %iota3A, %add3A_181 : vector<16xi32>
      %jit3A_183 = arith.constant 16 : i32
      %eq3A_184 = arith.constant 0 : i32
      %eq3A_185 = arith.cmpi eq, %jit3A_183, %eq3A_184 : i32
      %jit3A_186 = arith.constant 1 : i32
      %select_n3A_187 = arith.select %eq3A_185, %jit3A_186, %jit3A_183 : i32
      %rem3A_188 = vector.broadcast %select_n3A_187 : i32 to vector<16xi32>
      %rem3A_189 = arith.remsi %add3A_182, %rem3A_188 : vector<16xi32>
      %ne3A_190 = arith.constant 0 : i32
      %ne3A_191 = vector.broadcast %ne3A_190 : i32 to vector<16xi32>
      %ne3A_192 = arith.cmpi ne, %rem3A_189, %ne3A_191 : vector<16xi32>
      %lt3A_193 = arith.constant 0 : i32
      %lt3A_194 = vector.broadcast %lt3A_193 : i32 to vector<16xi32>
      %lt3A_195 = arith.cmpi slt, %rem3A_189, %lt3A_194 : vector<16xi32>
      %lt3A_196 = arith.constant 0 : i32
      %lt3A_197 = arith.cmpi slt, %select_n3A_187, %lt3A_196 : i32
      %ne3A_198 = vector.broadcast %lt3A_197 : i1 to vector<16xi1>
      %ne3A_199 = vector.broadcast %ne3A_198 : vector<16xi1> to vector<16xi1>
      %ne3A_200 = arith.xori %lt3A_195, %ne3A_199 : vector<16xi1>
      %and3A_201 = arith.andi %ne3A_200, %ne3A_192 : vector<16xi1>
      %add3A_202 = vector.broadcast %select_n3A_187 : i32 to vector<16xi32>
      %add3A_203 = arith.addi %rem3A_189, %add3A_202 : vector<16xi32>
      %select_n3A_204 = arith.select %and3A_201, %add3A_203, %rem3A_189 : vector<16xi1>, vector<16xi32>
      %broadcast_in_dim3A_205 = vector.shape_cast %select_n3A_204 : vector<16xi32> to vector<16x1xi32>
      %gather3A_206 = vector.shape_cast %broadcast_in_dim3A_205 : vector<16x1xi32> to vector<16xi32>
      %gather3A_207 = tpu.dynamic_gather %select_n3A_179[%gather3A_206] in [0] : vector<16xi32>, vector<16xi32> -> vector<16xi32>
      %min3A = arith.minsi %select_n3A_179, %gather3A_207 : vector<16xi32>
      %add3A_208 = arith.constant 4 : i32
      %add3A_209 = vector.broadcast %add3A_208 : i32 to vector<16xi32>
      %add3A_210 = arith.addi %iota3A, %add3A_209 : vector<16xi32>
      %jit3A_211 = arith.constant 16 : i32
      %eq3A_212 = arith.constant 0 : i32
      %eq3A_213 = arith.cmpi eq, %jit3A_211, %eq3A_212 : i32
      %jit3A_214 = arith.constant 1 : i32
      %select_n3A_215 = arith.select %eq3A_213, %jit3A_214, %jit3A_211 : i32
      %rem3A_216 = vector.broadcast %select_n3A_215 : i32 to vector<16xi32>
      %rem3A_217 = arith.remsi %add3A_210, %rem3A_216 : vector<16xi32>
      %ne3A_218 = arith.constant 0 : i32
      %ne3A_219 = vector.broadcast %ne3A_218 : i32 to vector<16xi32>
      %ne3A_220 = arith.cmpi ne, %rem3A_217, %ne3A_219 : vector<16xi32>
      %lt3A_221 = arith.constant 0 : i32
      %lt3A_222 = vector.broadcast %lt3A_221 : i32 to vector<16xi32>
      %lt3A_223 = arith.cmpi slt, %rem3A_217, %lt3A_222 : vector<16xi32>
      %lt3A_224 = arith.constant 0 : i32
      %lt3A_225 = arith.cmpi slt, %select_n3A_215, %lt3A_224 : i32
      %ne3A_226 = vector.broadcast %lt3A_225 : i1 to vector<16xi1>
      %ne3A_227 = vector.broadcast %ne3A_226 : vector<16xi1> to vector<16xi1>
      %ne3A_228 = arith.xori %lt3A_223, %ne3A_227 : vector<16xi1>
      %and3A_229 = arith.andi %ne3A_228, %ne3A_220 : vector<16xi1>
      %add3A_230 = vector.broadcast %select_n3A_215 : i32 to vector<16xi32>
      %add3A_231 = arith.addi %rem3A_217, %add3A_230 : vector<16xi32>
      %select_n3A_232 = arith.select %and3A_229, %add3A_231, %rem3A_217 : vector<16xi1>, vector<16xi32>
      %broadcast_in_dim3A_233 = vector.shape_cast %select_n3A_232 : vector<16xi32> to vector<16x1xi32>
      %gather3A_234 = vector.shape_cast %broadcast_in_dim3A_233 : vector<16x1xi32> to vector<16xi32>
      %gather3A_235 = tpu.dynamic_gather %min3A[%gather3A_234] in [0] : vector<16xi32>, vector<16xi32> -> vector<16xi32>
      %min3A_236 = arith.minsi %min3A, %gather3A_235 : vector<16xi32>
      %add3A_237 = arith.constant 2 : i32
      %add3A_238 = vector.broadcast %add3A_237 : i32 to vector<16xi32>
      %add3A_239 = arith.addi %iota3A, %add3A_238 : vector<16xi32>
      %jit3A_240 = arith.constant 16 : i32
      %eq3A_241 = arith.constant 0 : i32
      %eq3A_242 = arith.cmpi eq, %jit3A_240, %eq3A_241 : i32
      %jit3A_243 = arith.constant 1 : i32
      %select_n3A_244 = arith.select %eq3A_242, %jit3A_243, %jit3A_240 : i32
      %rem3A_245 = vector.broadcast %select_n3A_244 : i32 to vector<16xi32>
      %rem3A_246 = arith.remsi %add3A_239, %rem3A_245 : vector<16xi32>
      %ne3A_247 = arith.constant 0 : i32
      %ne3A_248 = vector.broadcast %ne3A_247 : i32 to vector<16xi32>
      %ne3A_249 = arith.cmpi ne, %rem3A_246, %ne3A_248 : vector<16xi32>
      %lt3A_250 = arith.constant 0 : i32
      %lt3A_251 = vector.broadcast %lt3A_250 : i32 to vector<16xi32>
      %lt3A_252 = arith.cmpi slt, %rem3A_246, %lt3A_251 : vector<16xi32>
      %lt3A_253 = arith.constant 0 : i32
      %lt3A_254 = arith.cmpi slt, %select_n3A_244, %lt3A_253 : i32
      %ne3A_255 = vector.broadcast %lt3A_254 : i1 to vector<16xi1>
      %ne3A_256 = vector.broadcast %ne3A_255 : vector<16xi1> to vector<16xi1>
      %ne3A_257 = arith.xori %lt3A_252, %ne3A_256 : vector<16xi1>
      %and3A_258 = arith.andi %ne3A_257, %ne3A_249 : vector<16xi1>
      %add3A_259 = vector.broadcast %select_n3A_244 : i32 to vector<16xi32>
      %add3A_260 = arith.addi %rem3A_246, %add3A_259 : vector<16xi32>
      %select_n3A_261 = arith.select %and3A_258, %add3A_260, %rem3A_246 : vector<16xi1>, vector<16xi32>
      %broadcast_in_dim3A_262 = vector.shape_cast %select_n3A_261 : vector<16xi32> to vector<16x1xi32>
      %gather3A_263 = vector.shape_cast %broadcast_in_dim3A_262 : vector<16x1xi32> to vector<16xi32>
      %gather3A_264 = tpu.dynamic_gather %min3A_236[%gather3A_263] in [0] : vector<16xi32>, vector<16xi32> -> vector<16xi32>
      %min3A_265 = arith.minsi %min3A_236, %gather3A_264 : vector<16xi32>
      %add3A_266 = arith.constant 1 : i32
      %add3A_267 = vector.broadcast %add3A_266 : i32 to vector<16xi32>
      %add3A_268 = arith.addi %iota3A, %add3A_267 : vector<16xi32>
      %jit3A_269 = arith.constant 16 : i32
      %eq3A_270 = arith.constant 0 : i32
      %eq3A_271 = arith.cmpi eq, %jit3A_269, %eq3A_270 : i32
      %jit3A_272 = arith.constant 1 : i32
      %select_n3A_273 = arith.select %eq3A_271, %jit3A_272, %jit3A_269 : i32
      %rem3A_274 = vector.broadcast %select_n3A_273 : i32 to vector<16xi32>
      %rem3A_275 = arith.remsi %add3A_268, %rem3A_274 : vector<16xi32>
      %ne3A_276 = arith.constant 0 : i32
      %ne3A_277 = vector.broadcast %ne3A_276 : i32 to vector<16xi32>
      %ne3A_278 = arith.cmpi ne, %rem3A_275, %ne3A_277 : vector<16xi32>
      %lt3A_279 = arith.constant 0 : i32
      %lt3A_280 = vector.broadcast %lt3A_279 : i32 to vector<16xi32>
      %lt3A_281 = arith.cmpi slt, %rem3A_275, %lt3A_280 : vector<16xi32>
      %lt3A_282 = arith.constant 0 : i32
      %lt3A_283 = arith.cmpi slt, %select_n3A_273, %lt3A_282 : i32
      %ne3A_284 = vector.broadcast %lt3A_283 : i1 to vector<16xi1>
      %ne3A_285 = vector.broadcast %ne3A_284 : vector<16xi1> to vector<16xi1>
      %ne3A_286 = arith.xori %lt3A_281, %ne3A_285 : vector<16xi1>
      %and3A_287 = arith.andi %ne3A_286, %ne3A_278 : vector<16xi1>
      %add3A_288 = vector.broadcast %select_n3A_273 : i32 to vector<16xi32>
      %add3A_289 = arith.addi %rem3A_275, %add3A_288 : vector<16xi32>
      %select_n3A_290 = arith.select %and3A_287, %add3A_289, %rem3A_275 : vector<16xi1>, vector<16xi32>
      %broadcast_in_dim3A_291 = vector.shape_cast %select_n3A_290 : vector<16xi32> to vector<16x1xi32>
      %gather3A_292 = vector.shape_cast %broadcast_in_dim3A_291 : vector<16x1xi32> to vector<16xi32>
      %gather3A_293 = tpu.dynamic_gather %min3A_265[%gather3A_292] in [0] : vector<16xi32>, vector<16xi32> -> vector<16xi32>
      %min3A_294 = arith.minsi %min3A_265, %gather3A_293 : vector<16xi32>
      %slice3A = vector.extract_strided_slice %min3A_294 {offsets = [0], sizes = [1], strides = [1]} : vector<16xi32> to vector<1xi32>
      %squeeze3A = vector.extract %slice3A[0] : i32 from vector<1xi32>
      %jit3A_295 = arith.constant 16 : i32
      %div3A = arith.divsi %squeeze3A, %jit3A_295 : i32
      %sign3A = arith.constant 0 : i32
      %sign3A_296 = arith.cmpi sgt, %squeeze3A, %sign3A : i32
      %sign3A_297 = arith.extui %sign3A_296 : i1 to i32
      %sign3A_298 = arith.constant 0 : i32
      %sign3A_299 = arith.cmpi slt, %squeeze3A, %sign3A_298 : i32
      %sign3A_300 = arith.extui %sign3A_299 : i1 to i32
      %sign3A_301 = arith.subi %sign3A_297, %sign3A_300 : i32
      %sign3A_302 = arith.constant 0 : i32
      %sign3A_303 = arith.cmpi sgt, %jit3A_295, %sign3A_302 : i32
      %sign3A_304 = arith.extui %sign3A_303 : i1 to i32
      %sign3A_305 = arith.constant 0 : i32
      %sign3A_306 = arith.cmpi slt, %jit3A_295, %sign3A_305 : i32
      %sign3A_307 = arith.extui %sign3A_306 : i1 to i32
      %sign3A_308 = arith.subi %sign3A_304, %sign3A_307 : i32
      %ne3A_309 = arith.cmpi ne, %sign3A_301, %sign3A_308 : i32
      %rem3A_310 = arith.remsi %squeeze3A, %jit3A_295 : i32
      %ne3A_311 = arith.constant 0 : i32
      %ne3A_312 = arith.cmpi ne, %rem3A_310, %ne3A_311 : i32
      %and3A_313 = arith.andi %ne3A_309, %ne3A_312 : i1
      %sub3A_314 = arith.constant 1 : i32
      %sub3A_315 = arith.subi %div3A, %sub3A_314 : i32
      %select_n3A_316 = arith.select %and3A_313, %sub3A_315, %div3A : i32
      %mul3A_317 = arith.constant 16 : i32
      %mul3A_318 = arith.muli %select_n3A_316, %mul3A_317 : i32
      %multiple_of3A = tpu.assume_multiple %mul3A_318, 16 : i32
      %mul3A_319 = arith.constant 0 : i32
      %mul3A_320 = vector.broadcast %mul3A_319 : i32 to vector<16xi32>
      %mul3A_321 = arith.muli %iota3A, %mul3A_320 : vector<16xi32>
      %jit3A_322 = arith.constant 16 : i32
      %eq3A_323 = arith.constant 0 : i32
      %eq3A_324 = arith.cmpi eq, %jit3A_322, %eq3A_323 : i32
      %jit3A_325 = arith.constant 1 : i32
      %select_n3A_326 = arith.select %eq3A_324, %jit3A_325, %jit3A_322 : i32
      %rem3A_327 = arith.remsi %squeeze3A, %select_n3A_326 : i32
      %ne3A_328 = arith.constant 0 : i32
      %ne3A_329 = arith.cmpi ne, %rem3A_327, %ne3A_328 : i32
      %lt3A_330 = arith.constant 0 : i32
      %lt3A_331 = arith.cmpi slt, %rem3A_327, %lt3A_330 : i32
      %lt3A_332 = arith.constant 0 : i32
      %lt3A_333 = arith.cmpi slt, %select_n3A_326, %lt3A_332 : i32
      %ne3A_334 = arith.xori %lt3A_331, %lt3A_333 : i1
      %and3A_335 = arith.andi %ne3A_334, %ne3A_329 : i1
      %add3A_336 = arith.addi %rem3A_327, %select_n3A_326 : i32
      %select_n3A_337 = arith.select %and3A_335, %add3A_336, %rem3A_327 : i32
      %add3A_338 = vector.broadcast %select_n3A_337 : i32 to vector<16xi32>
      %add3A_339 = arith.addi %mul3A_321, %add3A_338 : vector<16xi32>
      %broadcast_in_dim3A_340 = arith.constant 0.000000e+00 : f32
      %broadcast_in_dim3A_341 = vector.broadcast %broadcast_in_dim3A_340 : f32 to vector<16xf32>
      %get3A = arith.constant 0 : i32
      %get3A_342 = arith.constant 0 : i32
      %get3A_343 = arith.index_cast %get3A : i32 to index
      %get3A_344 = arith.index_cast %get3A_342 : i32 to index
      %get3A_345 = arith.index_cast %multiple_of3A : i32 to index
      %get3A_346 = tpu.vector_load %arg5[%get3A_343, %get3A_344, %get3A_345] {strides = array<i32>} : memref<1x64x512xf32, #tpu.memory_space<vmem>>, vector<1x1x16xf32>,
      %get3A_347 = vector.shape_cast %get3A_346 : vector<1x1x16xf32> to vector<16xf32>
      %broadcast_in_dim3A_348 = vector.shape_cast %add3A_339 : vector<16xi32> to vector<16x1xi32>
      %gather3A_349 = vector.shape_cast %broadcast_in_dim3A_348 : vector<16x1xi32> to vector<16xi32>
      %gather3A_350 = tpu.dynamic_gather %get3A_347[%gather3A_349] in [0] : vector<16xf32>, vector<16xi32> -> vector<16xf32>
      %eq3A_351 = arith.constant 0 : i32
      %eq3A_352 = vector.broadcast %eq3A_351 : i32 to vector<16xi32>
      %eq3A_353 = arith.cmpi eq, %iota3A, %eq3A_352 : vector<16xi32>
      %select_n3A_354 = arith.select %eq3A_353, %gather3A_350, %broadcast_in_dim3A_341 : vector<16xi1>, vector<16xf32>
      %get3A_355 = arith.constant 0 : i32
      %get3A_356 = arith.constant 1 : i32
      %get3A_357 = arith.index_cast %get3A_355 : i32 to index
      %get3A_358 = arith.index_cast %get3A_356 : i32 to index
      %get3A_359 = arith.index_cast %multiple_of3A : i32 to index
      %get3A_360 = tpu.vector_load %arg5[%get3A_357, %get3A_358, %get3A_359] {strides = array<i32>} : memref<1x64x512xf32, #tpu.memory_space<vmem>>, vector<1x1x16xf32>,
      %get3A_361 = vector.shape_cast %get3A_360 : vector<1x1x16xf32> to vector<16xf32>
      %broadcast_in_dim3A_362 = vector.shape_cast %add3A_339 : vector<16xi32> to vector<16x1xi32>
      %gather3A_363 = vector.shape_cast %broadcast_in_dim3A_362 : vector<16x1xi32> to vector<16xi32>
      %gather3A_364 = tpu.dynamic_gather %get3A_361[%gather3A_363] in [0] : vector<16xf32>, vector<16xi32> -> vector<16xf32>
      %eq3A_365 = arith.constant 1 : i32
      %eq3A_366 = vector.broadcast %eq3A_365 : i32 to vector<16xi32>
      %eq3A_367 = arith.cmpi eq, %iota3A, %eq3A_366 : vector<16xi32>
      %select_n3A_368 = arith.select %eq3A_367, %gather3A_364, %select_n3A_354 : vector<16xi1>, vector<16xf32>
      %get3A_369 = arith.constant 0 : i32
      %get3A_370 = arith.constant 2 : i32
      %get3A_371 = arith.index_cast %get3A_369 : i32 to index
      %get3A_372 = arith.index_cast %get3A_370 : i32 to index
      %get3A_373 = arith.index_cast %multiple_of3A : i32 to index
      %get3A_374 = tpu.vector_load %arg5[%get3A_371, %get3A_372, %get3A_373] {strides = array<i32>} : memref<1x64x512xf32, #tpu.memory_space<vmem>>, vector<1x1x16xf32>,
      %get3A_375 = vector.shape_cast %get3A_374 : vector<1x1x16xf32> to vector<16xf32>
      %broadcast_in_dim3A_376 = vector.shape_cast %add3A_339 : vector<16xi32> to vector<16x1xi32>
      %gather3A_377 = vector.shape_cast %broadcast_in_dim3A_376 : vector<16x1xi32> to vector<16xi32>
      %gather3A_378 = tpu.dynamic_gather %get3A_375[%gather3A_377] in [0] : vector<16xf32>, vector<16xi32> -> vector<16xf32>
      %eq3A_379 = arith.constant 2 : i32
      %eq3A_380 = vector.broadcast %eq3A_379 : i32 to vector<16xi32>
      %eq3A_381 = arith.cmpi eq, %iota3A, %eq3A_380 : vector<16xi32>
      %select_n3A_382 = arith.select %eq3A_381, %gather3A_378, %select_n3A_368 : vector<16xi1>, vector<16xf32>
      %get3A_383 = arith.constant 0 : i32
      %get3A_384 = arith.constant 3 : i32
      %get3A_385 = arith.index_cast %get3A_383 : i32 to index
      %get3A_386 = arith.index_cast %get3A_384 : i32 to index
      %get3A_387 = arith.index_cast %multiple_of3A : i32 to index
      %get3A_388 = tpu.vector_load %arg5[%get3A_385, %get3A_386, %get3A_387] {strides = array<i32>} : memref<1x64x512xf32, #tpu.memory_space<vmem>>, vector<1x1x16xf32>,
      %get3A_389 = vector.shape_cast %get3A_388 : vector<1x1x16xf32> to vector<16xf32>
      %broadcast_in_dim3A_390 = vector.shape_cast %add3A_339 : vector<16xi32> to vector<16x1xi32>
      %gather3A_391 = vector.shape_cast %broadcast_in_dim3A_390 : vector<16x1xi32> to vector<16xi32>
      %gather3A_392 = tpu.dynamic_gather %get3A_389[%gather3A_391] in [0] : vector<16xf32>, vector<16xi32> -> vector<16xf32>
      %eq3A_393 = arith.constant 3 : i32
      %eq3A_394 = vector.broadcast %eq3A_393 : i32 to vector<16xi32>
      %eq3A_395 = arith.cmpi eq, %iota3A, %eq3A_394 : vector<16xi32>
      %select_n3A_396 = arith.select %eq3A_395, %gather3A_392, %select_n3A_382 : vector<16xi1>, vector<16xf32>
      %get3A_397 = arith.constant 0 : i32
      %get3A_398 = arith.constant 4 : i32
      %get3A_399 = arith.index_cast %get3A_397 : i32 to index
      %get3A_400 = arith.index_cast %get3A_398 : i32 to index
      %get3A_401 = arith.index_cast %multiple_of3A : i32 to index
      %get3A_402 = tpu.vector_load %arg5[%get3A_399, %get3A_400, %get3A_401] {strides = array<i32>} : memref<1x64x512xf32, #tpu.memory_space<vmem>>, vector<1x1x16xf32>,
      %get3A_403 = vector.shape_cast %get3A_402 : vector<1x1x16xf32> to vector<16xf32>
      %broadcast_in_dim3A_404 = vector.shape_cast %add3A_339 : vector<16xi32> to vector<16x1xi32>
      %gather3A_405 = vector.shape_cast %broadcast_in_dim3A_404 : vector<16x1xi32> to vector<16xi32>
      %gather3A_406 = tpu.dynamic_gather %get3A_403[%gather3A_405] in [0] : vector<16xf32>, vector<16xi32> -> vector<16xf32>
      %eq3A_407 = arith.constant 4 : i32
      %eq3A_408 = vector.broadcast %eq3A_407 : i32 to vector<16xi32>
      %eq3A_409 = arith.cmpi eq, %iota3A, %eq3A_408 : vector<16xi32>
      %select_n3A_410 = arith.select %eq3A_409, %gather3A_406, %select_n3A_396 : vector<16xi1>, vector<16xf32>
      %get3A_411 = arith.constant 0 : i32
      %get3A_412 = arith.constant 5 : i32
      %get3A_413 = arith.index_cast %get3A_411 : i32 to index
      %get3A_414 = arith.index_cast %get3A_412 : i32 to index
      %get3A_415 = arith.index_cast %multiple_of3A : i32 to index
      %get3A_416 = tpu.vector_load %arg5[%get3A_413, %get3A_414, %get3A_415] {strides = array<i32>} : memref<1x64x512xf32, #tpu.memory_space<vmem>>, vector<1x1x16xf32>,
      %get3A_417 = vector.shape_cast %get3A_416 : vector<1x1x16xf32> to vector<16xf32>
      %broadcast_in_dim3A_418 = vector.shape_cast %add3A_339 : vector<16xi32> to vector<16x1xi32>
      %gather3A_419 = vector.shape_cast %broadcast_in_dim3A_418 : vector<16x1xi32> to vector<16xi32>
      %gather3A_420 = tpu.dynamic_gather %get3A_417[%gather3A_419] in [0] : vector<16xf32>, vector<16xi32> -> vector<16xf32>
      %eq3A_421 = arith.constant 5 : i32
      %eq3A_422 = vector.broadcast %eq3A_421 : i32 to vector<16xi32>
      %eq3A_423 = arith.cmpi eq, %iota3A, %eq3A_422 : vector<16xi32>
      %select_n3A_424 = arith.select %eq3A_423, %gather3A_420, %select_n3A_410 : vector<16xi1>, vector<16xf32>
      %get3A_425 = arith.constant 0 : i32
      %get3A_426 = arith.constant 6 : i32
      %get3A_427 = arith.index_cast %get3A_425 : i32 to index
      %get3A_428 = arith.index_cast %get3A_426 : i32 to index
      %get3A_429 = arith.index_cast %multiple_of3A : i32 to index
      %get3A_430 = tpu.vector_load %arg5[%get3A_427, %get3A_428, %get3A_429] {strides = array<i32>} : memref<1x64x512xf32, #tpu.memory_space<vmem>>, vector<1x1x16xf32>,
      %get3A_431 = vector.shape_cast %get3A_430 : vector<1x1x16xf32> to vector<16xf32>
      %broadcast_in_dim3A_432 = vector.shape_cast %add3A_339 : vector<16xi32> to vector<16x1xi32>
      %gather3A_433 = vector.shape_cast %broadcast_in_dim3A_432 : vector<16x1xi32> to vector<16xi32>
      %gather3A_434 = tpu.dynamic_gather %get3A_431[%gather3A_433] in [0] : vector<16xf32>, vector<16xi32> -> vector<16xf32>
      %eq3A_435 = arith.constant 6 : i32
      %eq3A_436 = vector.broadcast %eq3A_435 : i32 to vector<16xi32>
      %eq3A_437 = arith.cmpi eq, %iota3A, %eq3A_436 : vector<16xi32>
      %select_n3A_438 = arith.select %eq3A_437, %gather3A_434, %select_n3A_424 : vector<16xi1>, vector<16xf32>
      %get3A_439 = arith.constant 0 : i32
      %get3A_440 = arith.constant 7 : i32
      %get3A_441 = arith.index_cast %get3A_439 : i32 to index
      %get3A_442 = arith.index_cast %get3A_440 : i32 to index
      %get3A_443 = arith.index_cast %multiple_of3A : i32 to index
      %get3A_444 = tpu.vector_load %arg5[%get3A_441, %get3A_442, %get3A_443] {strides = array<i32>} : memref<1x64x512xf32, #tpu.memory_space<vmem>>, vector<1x1x16xf32>,
      %get3A_445 = vector.shape_cast %get3A_444 : vector<1x1x16xf32> to vector<16xf32>
      %broadcast_in_dim3A_446 = vector.shape_cast %add3A_339 : vector<16xi32> to vector<16x1xi32>
      %gather3A_447 = vector.shape_cast %broadcast_in_dim3A_446 : vector<16x1xi32> to vector<16xi32>
      %gather3A_448 = tpu.dynamic_gather %get3A_445[%gather3A_447] in [0] : vector<16xf32>, vector<16xi32> -> vector<16xf32>
      %eq3A_449 = arith.constant 7 : i32
      %eq3A_450 = vector.broadcast %eq3A_449 : i32 to vector<16xi32>
      %eq3A_451 = arith.cmpi eq, %iota3A, %eq3A_450 : vector<16xi32>
      %select_n3A_452 = arith.select %eq3A_451, %gather3A_448, %select_n3A_438 : vector<16xi1>, vector<16xf32>
      %get3A_453 = arith.constant 0 : i32
      %get3A_454 = arith.constant 8 : i32
      %get3A_455 = arith.index_cast %get3A_453 : i32 to index
      %get3A_456 = arith.index_cast %get3A_454 : i32 to index
      %get3A_457 = arith.index_cast %multiple_of3A : i32 to index
      %get3A_458 = tpu.vector_load %arg5[%get3A_455, %get3A_456, %get3A_457] {strides = array<i32>} : memref<1x64x512xf32, #tpu.memory_space<vmem>>, vector<1x1x16xf32>,
      %get3A_459 = vector.shape_cast %get3A_458 : vector<1x1x16xf32> to vector<16xf32>
      %broadcast_in_dim3A_460 = vector.shape_cast %add3A_339 : vector<16xi32> to vector<16x1xi32>
      %gather3A_461 = vector.shape_cast %broadcast_in_dim3A_460 : vector<16x1xi32> to vector<16xi32>
      %gather3A_462 = tpu.dynamic_gather %get3A_459[%gather3A_461] in [0] : vector<16xf32>, vector<16xi32> -> vector<16xf32>
      %eq3A_463 = arith.constant 8 : i32
      %eq3A_464 = vector.broadcast %eq3A_463 : i32 to vector<16xi32>
      %eq3A_465 = arith.cmpi eq, %iota3A, %eq3A_464 : vector<16xi32>
      %select_n3A_466 = arith.select %eq3A_465, %gather3A_462, %select_n3A_452 : vector<16xi1>, vector<16xf32>
      %get3A_467 = arith.constant 0 : i32
      %get3A_468 = arith.constant 9 : i32
      %get3A_469 = arith.index_cast %get3A_467 : i32 to index
      %get3A_470 = arith.index_cast %get3A_468 : i32 to index
      %get3A_471 = arith.index_cast %multiple_of3A : i32 to index
      %get3A_472 = tpu.vector_load %arg5[%get3A_469, %get3A_470, %get3A_471] {strides = array<i32>} : memref<1x64x512xf32, #tpu.memory_space<vmem>>, vector<1x1x16xf32>,
      %get3A_473 = vector.shape_cast %get3A_472 : vector<1x1x16xf32> to vector<16xf32>
      %broadcast_in_dim3A_474 = vector.shape_cast %add3A_339 : vector<16xi32> to vector<16x1xi32>
      %gather3A_475 = vector.shape_cast %broadcast_in_dim3A_474 : vector<16x1xi32> to vector<16xi32>
      %gather3A_476 = tpu.dynamic_gather %get3A_473[%gather3A_475] in [0] : vector<16xf32>, vector<16xi32> -> vector<16xf32>
      %eq3A_477 = arith.constant 9 : i32
      %eq3A_478 = vector.broadcast %eq3A_477 : i32 to vector<16xi32>
      %eq3A_479 = arith.cmpi eq, %iota3A, %eq3A_478 : vector<16xi32>
      %select_n3A_480 = arith.select %eq3A_479, %gather3A_476, %select_n3A_466 : vector<16xi1>, vector<16xf32>
      %get3A_481 = arith.constant 0 : i32
      %get3A_482 = arith.constant 10 : i32
      %get3A_483 = arith.index_cast %get3A_481 : i32 to index
      %get3A_484 = arith.index_cast %get3A_482 : i32 to index
      %get3A_485 = arith.index_cast %multiple_of3A : i32 to index
      %get3A_486 = tpu.vector_load %arg5[%get3A_483, %get3A_484, %get3A_485] {strides = array<i32>} : memref<1x64x512xf32, #tpu.memory_space<vmem>>, vector<1x1x16xf32>,
      %get3A_487 = vector.shape_cast %get3A_486 : vector<1x1x16xf32> to vector<16xf32>
      %broadcast_in_dim3A_488 = vector.shape_cast %add3A_339 : vector<16xi32> to vector<16x1xi32>
      %gather3A_489 = vector.shape_cast %broadcast_in_dim3A_488 : vector<16x1xi32> to vector<16xi32>
      %gather3A_490 = tpu.dynamic_gather %get3A_487[%gather3A_489] in [0] : vector<16xf32>, vector<16xi32> -> vector<16xf32>
      %eq3A_491 = arith.constant 10 : i32
      %eq3A_492 = vector.broadcast %eq3A_491 : i32 to vector<16xi32>
      %eq3A_493 = arith.cmpi eq, %iota3A, %eq3A_492 : vector<16xi32>
      %select_n3A_494 = arith.select %eq3A_493, %gather3A_490, %select_n3A_480 : vector<16xi1>, vector<16xf32>
      %get3A_495 = arith.constant 0 : i32
      %get3A_496 = arith.constant 11 : i32
      %get3A_497 = arith.index_cast %get3A_495 : i32 to index
      %get3A_498 = arith.index_cast %get3A_496 : i32 to index
      %get3A_499 = arith.index_cast %multiple_of3A : i32 to index
      %get3A_500 = tpu.vector_load %arg5[%get3A_497, %get3A_498, %get3A_499] {strides = array<i32>} : memref<1x64x512xf32, #tpu.memory_space<vmem>>, vector<1x1x16xf32>,
      %get3A_501 = vector.shape_cast %get3A_500 : vector<1x1x16xf32> to vector<16xf32>
      %broadcast_in_dim3A_502 = vector.shape_cast %add3A_339 : vector<16xi32> to vector<16x1xi32>
      %gather3A_503 = vector.shape_cast %broadcast_in_dim3A_502 : vector<16x1xi32> to vector<16xi32>
      %gather3A_504 = tpu.dynamic_gather %get3A_501[%gather3A_503] in [0] : vector<16xf32>, vector<16xi32> -> vector<16xf32>
      %eq3A_505 = arith.constant 11 : i32
      %eq3A_506 = vector.broadcast %eq3A_505 : i32 to vector<16xi32>
      %eq3A_507 = arith.cmpi eq, %iota3A, %eq3A_506 : vector<16xi32>
      %select_n3A_508 = arith.select %eq3A_507, %gather3A_504, %select_n3A_494 : vector<16xi1>, vector<16xf32>
      %get3A_509 = arith.constant 0 : i32
      %get3A_510 = arith.constant 12 : i32
      %get3A_511 = arith.index_cast %get3A_509 : i32 to index
      %get3A_512 = arith.index_cast %get3A_510 : i32 to index
      %get3A_513 = arith.index_cast %multiple_of3A : i32 to index
      %get3A_514 = tpu.vector_load %arg5[%get3A_511, %get3A_512, %get3A_513] {strides = array<i32>} : memref<1x64x512xf32, #tpu.memory_space<vmem>>, vector<1x1x16xf32>,
      %get3A_515 = vector.shape_cast %get3A_514 : vector<1x1x16xf32> to vector<16xf32>
      %broadcast_in_dim3A_516 = vector.shape_cast %add3A_339 : vector<16xi32> to vector<16x1xi32>
      %gather3A_517 = vector.shape_cast %broadcast_in_dim3A_516 : vector<16x1xi32> to vector<16xi32>
      %gather3A_518 = tpu.dynamic_gather %get3A_515[%gather3A_517] in [0] : vector<16xf32>, vector<16xi32> -> vector<16xf32>
      %eq3A_519 = arith.constant 12 : i32
      %eq3A_520 = vector.broadcast %eq3A_519 : i32 to vector<16xi32>
      %eq3A_521 = arith.cmpi eq, %iota3A, %eq3A_520 : vector<16xi32>
      %select_n3A_522 = arith.select %eq3A_521, %gather3A_518, %select_n3A_508 : vector<16xi1>, vector<16xf32>
      %get3A_523 = arith.constant 0 : i32
      %get3A_524 = arith.constant 13 : i32
      %get3A_525 = arith.index_cast %get3A_523 : i32 to index
      %get3A_526 = arith.index_cast %get3A_524 : i32 to index
      %get3A_527 = arith.index_cast %multiple_of3A : i32 to index
      %get3A_528 = tpu.vector_load %arg5[%get3A_525, %get3A_526, %get3A_527] {strides = array<i32>} : memref<1x64x512xf32, #tpu.memory_space<vmem>>, vector<1x1x16xf32>,
      %get3A_529 = vector.shape_cast %get3A_528 : vector<1x1x16xf32> to vector<16xf32>
      %broadcast_in_dim3A_530 = vector.shape_cast %add3A_339 : vector<16xi32> to vector<16x1xi32>
      %gather3A_531 = vector.shape_cast %broadcast_in_dim3A_530 : vector<16x1xi32> to vector<16xi32>
      %gather3A_532 = tpu.dynamic_gather %get3A_529[%gather3A_531] in [0] : vector<16xf32>, vector<16xi32> -> vector<16xf32>
      %eq3A_533 = arith.constant 13 : i32
      %eq3A_534 = vector.broadcast %eq3A_533 : i32 to vector<16xi32>
      %eq3A_535 = arith.cmpi eq, %iota3A, %eq3A_534 : vector<16xi32>
      %select_n3A_536 = arith.select %eq3A_535, %gather3A_532, %select_n3A_522 : vector<16xi1>, vector<16xf32>
      %get3A_537 = arith.constant 0 : i32
      %get3A_538 = arith.constant 14 : i32
      %get3A_539 = arith.index_cast %get3A_537 : i32 to index
      %get3A_540 = arith.index_cast %get3A_538 : i32 to index
      %get3A_541 = arith.index_cast %multiple_of3A : i32 to index
      %get3A_542 = tpu.vector_load %arg5[%get3A_539, %get3A_540, %get3A_541] {strides = array<i32>} : memref<1x64x512xf32, #tpu.memory_space<vmem>>, vector<1x1x16xf32>,
      %get3A_543 = vector.shape_cast %get3A_542 : vector<1x1x16xf32> to vector<16xf32>
      %broadcast_in_dim3A_544 = vector.shape_cast %add3A_339 : vector<16xi32> to vector<16x1xi32>
      %gather3A_545 = vector.shape_cast %broadcast_in_dim3A_544 : vector<16x1xi32> to vector<16xi32>
      %gather3A_546 = tpu.dynamic_gather %get3A_543[%gather3A_545] in [0] : vector<16xf32>, vector<16xi32> -> vector<16xf32>
      %eq3A_547 = arith.constant 14 : i32
      %eq3A_548 = vector.broadcast %eq3A_547 : i32 to vector<16xi32>
      %eq3A_549 = arith.cmpi eq, %iota3A, %eq3A_548 : vector<16xi32>
      %select_n3A_550 = arith.select %eq3A_549, %gather3A_546, %select_n3A_536 : vector<16xi1>, vector<16xf32>
      %get3A_551 = arith.constant 0 : i32
      %get3A_552 = arith.constant 15 : i32
      %get3A_553 = arith.index_cast %get3A_551 : i32 to index
      %get3A_554 = arith.index_cast %get3A_552 : i32 to index
      %get3A_555 = arith.index_cast %multiple_of3A : i32 to index
      %get3A_556 = tpu.vector_load %arg5[%get3A_553, %get3A_554, %get3A_555] {strides = array<i32>} : memref<1x64x512xf32, #tpu.memory_space<vmem>>, vector<1x1x16xf32>,
      %get3A_557 = vector.shape_cast %get3A_556 : vector<1x1x16xf32> to vector<16xf32>
      %broadcast_in_dim3A_558 = vector.shape_cast %add3A_339 : vector<16xi32> to vector<16x1xi32>
      %gather3A_559 = vector.shape_cast %broadcast_in_dim3A_558 : vector<16x1xi32> to vector<16xi32>
      %gather3A_560 = tpu.dynamic_gather %get3A_557[%gather3A_559] in [0] : vector<16xf32>, vector<16xi32> -> vector<16xf32>
      %eq3A_561 = arith.constant 15 : i32
      %eq3A_562 = vector.broadcast %eq3A_561 : i32 to vector<16xi32>
      %eq3A_563 = arith.cmpi eq, %iota3A, %eq3A_562 : vector<16xi32>
      %select_n3A_564 = arith.select %eq3A_563, %gather3A_560, %select_n3A_550 : vector<16xi1>, vector<16xf32>
      %swap3A_565 = arith.constant 0 : i32
      %swap3A_566 = tpu.memref_slice %arg7[%swap3A_565] : memref<128xf32, #tpu.memory_space<vmem>> -> memref<64xf32, #tpu.memory_space<vmem>>
      %swap3A_567 = arith.constant 0 : index
      %swap3A_568 = tpu.vector_load %swap3A_566[%swap3A_567] {strides = array<i32>} : memref<64xf32, #tpu.memory_space<vmem>>, vector<16xf32>,
      %swap3A_569 = vector.shape_cast %swap3A_568 : vector<16xf32> to vector<16xf32>
      %swap3A_570 = vector.shape_cast %select_n3A_564 : vector<16xf32> to vector<16xf32>
      tpu.vector_store %swap3A_566[%swap3A_567], %swap3A_570 {strides = array<i32>} : memref<64xf32, #tpu.memory_space<vmem>>, vector<16xf32>,
      %broadcast_in_dim3A_571 = arith.constant 0.000000e+00 : f32
      %broadcast_in_dim3A_572 = vector.broadcast %broadcast_in_dim3A_571 : f32 to vector<16xf32>
      %get3A_573 = arith.constant 0 : i32
      %get3A_574 = arith.constant 16 : i32
      %get3A_575 = arith.index_cast %get3A_573 : i32 to index
      %get3A_576 = arith.index_cast %get3A_574 : i32 to index
      %get3A_577 = arith.index_cast %multiple_of3A : i32 to index
      %get3A_578 = tpu.vector_load %arg5[%get3A_575, %get3A_576, %get3A_577] {strides = array<i32>} : memref<1x64x512xf32, #tpu.memory_space<vmem>>, vector<1x1x16xf32>,
      %get3A_579 = vector.shape_cast %get3A_578 : vector<1x1x16xf32> to vector<16xf32>
      %broadcast_in_dim3A_580 = vector.shape_cast %add3A_339 : vector<16xi32> to vector<16x1xi32>
      %gather3A_581 = vector.shape_cast %broadcast_in_dim3A_580 : vector<16x1xi32> to vector<16xi32>
      %gather3A_582 = tpu.dynamic_gather %get3A_579[%gather3A_581] in [0] : vector<16xf32>, vector<16xi32> -> vector<16xf32>
      %eq3A_583 = arith.constant 0 : i32
      %eq3A_584 = vector.broadcast %eq3A_583 : i32 to vector<16xi32>
      %eq3A_585 = arith.cmpi eq, %iota3A, %eq3A_584 : vector<16xi32>
      %select_n3A_586 = arith.select %eq3A_585, %gather3A_582, %broadcast_in_dim3A_572 : vector<16xi1>, vector<16xf32>
      %get3A_587 = arith.constant 0 : i32
      %get3A_588 = arith.constant 17 : i32
      %get3A_589 = arith.index_cast %get3A_587 : i32 to index
      %get3A_590 = arith.index_cast %get3A_588 : i32 to index
      %get3A_591 = arith.index_cast %multiple_of3A : i32 to index
      %get3A_592 = tpu.vector_load %arg5[%get3A_589, %get3A_590, %get3A_591] {strides = array<i32>} : memref<1x64x512xf32, #tpu.memory_space<vmem>>, vector<1x1x16xf32>,
      %get3A_593 = vector.shape_cast %get3A_592 : vector<1x1x16xf32> to vector<16xf32>
      %broadcast_in_dim3A_594 = vector.shape_cast %add3A_339 : vector<16xi32> to vector<16x1xi32>
      %gather3A_595 = vector.shape_cast %broadcast_in_dim3A_594 : vector<16x1xi32> to vector<16xi32>
      %gather3A_596 = tpu.dynamic_gather %get3A_593[%gather3A_595] in [0] : vector<16xf32>, vector<16xi32> -> vector<16xf32>
      %eq3A_597 = arith.constant 1 : i32
      %eq3A_598 = vector.broadcast %eq3A_597 : i32 to vector<16xi32>
      %eq3A_599 = arith.cmpi eq, %iota3A, %eq3A_598 : vector<16xi32>
      %select_n3A_600 = arith.select %eq3A_599, %gather3A_596, %select_n3A_586 : vector<16xi1>, vector<16xf32>
      %get3A_601 = arith.constant 0 : i32
      %get3A_602 = arith.constant 18 : i32
      %get3A_603 = arith.index_cast %get3A_601 : i32 to index
      %get3A_604 = arith.index_cast %get3A_602 : i32 to index
      %get3A_605 = arith.index_cast %multiple_of3A : i32 to index
      %get3A_606 = tpu.vector_load %arg5[%get3A_603, %get3A_604, %get3A_605] {strides = array<i32>} : memref<1x64x512xf32, #tpu.memory_space<vmem>>, vector<1x1x16xf32>,
      %get3A_607 = vector.shape_cast %get3A_606 : vector<1x1x16xf32> to vector<16xf32>
      %broadcast_in_dim3A_608 = vector.shape_cast %add3A_339 : vector<16xi32> to vector<16x1xi32>
      %gather3A_609 = vector.shape_cast %broadcast_in_dim3A_608 : vector<16x1xi32> to vector<16xi32>
      %gather3A_610 = tpu.dynamic_gather %get3A_607[%gather3A_609] in [0] : vector<16xf32>, vector<16xi32> -> vector<16xf32>
      %eq3A_611 = arith.constant 2 : i32
      %eq3A_612 = vector.broadcast %eq3A_611 : i32 to vector<16xi32>
      %eq3A_613 = arith.cmpi eq, %iota3A, %eq3A_612 : vector<16xi32>
      %select_n3A_614 = arith.select %eq3A_613, %gather3A_610, %select_n3A_600 : vector<16xi1>, vector<16xf32>
      %get3A_615 = arith.constant 0 : i32
      %get3A_616 = arith.constant 19 : i32
      %get3A_617 = arith.index_cast %get3A_615 : i32 to index
      %get3A_618 = arith.index_cast %get3A_616 : i32 to index
      %get3A_619 = arith.index_cast %multiple_of3A : i32 to index
      %get3A_620 = tpu.vector_load %arg5[%get3A_617, %get3A_618, %get3A_619] {strides = array<i32>} : memref<1x64x512xf32, #tpu.memory_space<vmem>>, vector<1x1x16xf32>,
      %get3A_621 = vector.shape_cast %get3A_620 : vector<1x1x16xf32> to vector<16xf32>
      %broadcast_in_dim3A_622 = vector.shape_cast %add3A_339 : vector<16xi32> to vector<16x1xi32>
      %gather3A_623 = vector.shape_cast %broadcast_in_dim3A_622 : vector<16x1xi32> to vector<16xi32>
      %gather3A_624 = tpu.dynamic_gather %get3A_621[%gather3A_623] in [0] : vector<16xf32>, vector<16xi32> -> vector<16xf32>
      %eq3A_625 = arith.constant 3 : i32
      %eq3A_626 = vector.broadcast %eq3A_625 : i32 to vector<16xi32>
      %eq3A_627 = arith.cmpi eq, %iota3A, %eq3A_626 : vector<16xi32>
      %select_n3A_628 = arith.select %eq3A_627, %gather3A_624, %select_n3A_614 : vector<16xi1>, vector<16xf32>
      %get3A_629 = arith.constant 0 : i32
      %get3A_630 = arith.constant 20 : i32
      %get3A_631 = arith.index_cast %get3A_629 : i32 to index
      %get3A_632 = arith.index_cast %get3A_630 : i32 to index
      %get3A_633 = arith.index_cast %multiple_of3A : i32 to index
      %get3A_634 = tpu.vector_load %arg5[%get3A_631, %get3A_632, %get3A_633] {strides = array<i32>} : memref<1x64x512xf32, #tpu.memory_space<vmem>>, vector<1x1x16xf32>,
      %get3A_635 = vector.shape_cast %get3A_634 : vector<1x1x16xf32> to vector<16xf32>
      %broadcast_in_dim3A_636 = vector.shape_cast %add3A_339 : vector<16xi32> to vector<16x1xi32>
      %gather3A_637 = vector.shape_cast %broadcast_in_dim3A_636 : vector<16x1xi32> to vector<16xi32>
      %gather3A_638 = tpu.dynamic_gather %get3A_635[%gather3A_637] in [0] : vector<16xf32>, vector<16xi32> -> vector<16xf32>
      %eq3A_639 = arith.constant 4 : i32
      %eq3A_640 = vector.broadcast %eq3A_639 : i32 to vector<16xi32>
      %eq3A_641 = arith.cmpi eq, %iota3A, %eq3A_640 : vector<16xi32>
      %select_n3A_642 = arith.select %eq3A_641, %gather3A_638, %select_n3A_628 : vector<16xi1>, vector<16xf32>
      %get3A_643 = arith.constant 0 : i32
      %get3A_644 = arith.constant 21 : i32
      %get3A_645 = arith.index_cast %get3A_643 : i32 to index
      %get3A_646 = arith.index_cast %get3A_644 : i32 to index
      %get3A_647 = arith.index_cast %multiple_of3A : i32 to index
      %get3A_648 = tpu.vector_load %arg5[%get3A_645, %get3A_646, %get3A_647] {strides = array<i32>} : memref<1x64x512xf32, #tpu.memory_space<vmem>>, vector<1x1x16xf32>,
      %get3A_649 = vector.shape_cast %get3A_648 : vector<1x1x16xf32> to vector<16xf32>
      %broadcast_in_dim3A_650 = vector.shape_cast %add3A_339 : vector<16xi32> to vector<16x1xi32>
      %gather3A_651 = vector.shape_cast %broadcast_in_dim3A_650 : vector<16x1xi32> to vector<16xi32>
      %gather3A_652 = tpu.dynamic_gather %get3A_649[%gather3A_651] in [0] : vector<16xf32>, vector<16xi32> -> vector<16xf32>
      %eq3A_653 = arith.constant 5 : i32
      %eq3A_654 = vector.broadcast %eq3A_653 : i32 to vector<16xi32>
      %eq3A_655 = arith.cmpi eq, %iota3A, %eq3A_654 : vector<16xi32>
      %select_n3A_656 = arith.select %eq3A_655, %gather3A_652, %select_n3A_642 : vector<16xi1>, vector<16xf32>
      %get3A_657 = arith.constant 0 : i32
      %get3A_658 = arith.constant 22 : i32
      %get3A_659 = arith.index_cast %get3A_657 : i32 to index
      %get3A_660 = arith.index_cast %get3A_658 : i32 to index
      %get3A_661 = arith.index_cast %multiple_of3A : i32 to index
      %get3A_662 = tpu.vector_load %arg5[%get3A_659, %get3A_660, %get3A_661] {strides = array<i32>} : memref<1x64x512xf32, #tpu.memory_space<vmem>>, vector<1x1x16xf32>,
      %get3A_663 = vector.shape_cast %get3A_662 : vector<1x1x16xf32> to vector<16xf32>
      %broadcast_in_dim3A_664 = vector.shape_cast %add3A_339 : vector<16xi32> to vector<16x1xi32>
      %gather3A_665 = vector.shape_cast %broadcast_in_dim3A_664 : vector<16x1xi32> to vector<16xi32>
      %gather3A_666 = tpu.dynamic_gather %get3A_663[%gather3A_665] in [0] : vector<16xf32>, vector<16xi32> -> vector<16xf32>
      %eq3A_667 = arith.constant 6 : i32
      %eq3A_668 = vector.broadcast %eq3A_667 : i32 to vector<16xi32>
      %eq3A_669 = arith.cmpi eq, %iota3A, %eq3A_668 : vector<16xi32>
      %select_n3A_670 = arith.select %eq3A_669, %gather3A_666, %select_n3A_656 : vector<16xi1>, vector<16xf32>
      %get3A_671 = arith.constant 0 : i32
      %get3A_672 = arith.constant 23 : i32
      %get3A_673 = arith.index_cast %get3A_671 : i32 to index
      %get3A_674 = arith.index_cast %get3A_672 : i32 to index
      %get3A_675 = arith.index_cast %multiple_of3A : i32 to index
      %get3A_676 = tpu.vector_load %arg5[%get3A_673, %get3A_674, %get3A_675] {strides = array<i32>} : memref<1x64x512xf32, #tpu.memory_space<vmem>>, vector<1x1x16xf32>,
      %get3A_677 = vector.shape_cast %get3A_676 : vector<1x1x16xf32> to vector<16xf32>
      %broadcast_in_dim3A_678 = vector.shape_cast %add3A_339 : vector<16xi32> to vector<16x1xi32>
      %gather3A_679 = vector.shape_cast %broadcast_in_dim3A_678 : vector<16x1xi32> to vector<16xi32>
      %gather3A_680 = tpu.dynamic_gather %get3A_677[%gather3A_679] in [0] : vector<16xf32>, vector<16xi32> -> vector<16xf32>
      %eq3A_681 = arith.constant 7 : i32
      %eq3A_682 = vector.broadcast %eq3A_681 : i32 to vector<16xi32>
      %eq3A_683 = arith.cmpi eq, %iota3A, %eq3A_682 : vector<16xi32>
      %select_n3A_684 = arith.select %eq3A_683, %gather3A_680, %select_n3A_670 : vector<16xi1>, vector<16xf32>
      %get3A_685 = arith.constant 0 : i32
      %get3A_686 = arith.constant 24 : i32
      %get3A_687 = arith.index_cast %get3A_685 : i32 to index
      %get3A_688 = arith.index_cast %get3A_686 : i32 to index
      %get3A_689 = arith.index_cast %multiple_of3A : i32 to index
      %get3A_690 = tpu.vector_load %arg5[%get3A_687, %get3A_688, %get3A_689] {strides = array<i32>} : memref<1x64x512xf32, #tpu.memory_space<vmem>>, vector<1x1x16xf32>,
      %get3A_691 = vector.shape_cast %get3A_690 : vector<1x1x16xf32> to vector<16xf32>
      %broadcast_in_dim3A_692 = vector.shape_cast %add3A_339 : vector<16xi32> to vector<16x1xi32>
      %gather3A_693 = vector.shape_cast %broadcast_in_dim3A_692 : vector<16x1xi32> to vector<16xi32>
      %gather3A_694 = tpu.dynamic_gather %get3A_691[%gather3A_693] in [0] : vector<16xf32>, vector<16xi32> -> vector<16xf32>
      %eq3A_695 = arith.constant 8 : i32
      %eq3A_696 = vector.broadcast %eq3A_695 : i32 to vector<16xi32>
      %eq3A_697 = arith.cmpi eq, %iota3A, %eq3A_696 : vector<16xi32>
      %select_n3A_698 = arith.select %eq3A_697, %gather3A_694, %select_n3A_684 : vector<16xi1>, vector<16xf32>
      %get3A_699 = arith.constant 0 : i32
      %get3A_700 = arith.constant 25 : i32
      %get3A_701 = arith.index_cast %get3A_699 : i32 to index
      %get3A_702 = arith.index_cast %get3A_700 : i32 to index
      %get3A_703 = arith.index_cast %multiple_of3A : i32 to index
      %get3A_704 = tpu.vector_load %arg5[%get3A_701, %get3A_702, %get3A_703] {strides = array<i32>} : memref<1x64x512xf32, #tpu.memory_space<vmem>>, vector<1x1x16xf32>,
      %get3A_705 = vector.shape_cast %get3A_704 : vector<1x1x16xf32> to vector<16xf32>
      %broadcast_in_dim3A_706 = vector.shape_cast %add3A_339 : vector<16xi32> to vector<16x1xi32>
      %gather3A_707 = vector.shape_cast %broadcast_in_dim3A_706 : vector<16x1xi32> to vector<16xi32>
      %gather3A_708 = tpu.dynamic_gather %get3A_705[%gather3A_707] in [0] : vector<16xf32>, vector<16xi32> -> vector<16xf32>
      %eq3A_709 = arith.constant 9 : i32
      %eq3A_710 = vector.broadcast %eq3A_709 : i32 to vector<16xi32>
      %eq3A_711 = arith.cmpi eq, %iota3A, %eq3A_710 : vector<16xi32>
      %select_n3A_712 = arith.select %eq3A_711, %gather3A_708, %select_n3A_698 : vector<16xi1>, vector<16xf32>
      %get3A_713 = arith.constant 0 : i32
      %get3A_714 = arith.constant 26 : i32
      %get3A_715 = arith.index_cast %get3A_713 : i32 to index
      %get3A_716 = arith.index_cast %get3A_714 : i32 to index
      %get3A_717 = arith.index_cast %multiple_of3A : i32 to index
      %get3A_718 = tpu.vector_load %arg5[%get3A_715, %get3A_716, %get3A_717] {strides = array<i32>} : memref<1x64x512xf32, #tpu.memory_space<vmem>>, vector<1x1x16xf32>,
      %get3A_719 = vector.shape_cast %get3A_718 : vector<1x1x16xf32> to vector<16xf32>
      %broadcast_in_dim3A_720 = vector.shape_cast %add3A_339 : vector<16xi32> to vector<16x1xi32>
      %gather3A_721 = vector.shape_cast %broadcast_in_dim3A_720 : vector<16x1xi32> to vector<16xi32>
      %gather3A_722 = tpu.dynamic_gather %get3A_719[%gather3A_721] in [0] : vector<16xf32>, vector<16xi32> -> vector<16xf32>
      %eq3A_723 = arith.constant 10 : i32
      %eq3A_724 = vector.broadcast %eq3A_723 : i32 to vector<16xi32>
      %eq3A_725 = arith.cmpi eq, %iota3A, %eq3A_724 : vector<16xi32>
      %select_n3A_726 = arith.select %eq3A_725, %gather3A_722, %select_n3A_712 : vector<16xi1>, vector<16xf32>
      %get3A_727 = arith.constant 0 : i32
      %get3A_728 = arith.constant 27 : i32
      %get3A_729 = arith.index_cast %get3A_727 : i32 to index
      %get3A_730 = arith.index_cast %get3A_728 : i32 to index
      %get3A_731 = arith.index_cast %multiple_of3A : i32 to index
      %get3A_732 = tpu.vector_load %arg5[%get3A_729, %get3A_730, %get3A_731] {strides = array<i32>} : memref<1x64x512xf32, #tpu.memory_space<vmem>>, vector<1x1x16xf32>,
      %get3A_733 = vector.shape_cast %get3A_732 : vector<1x1x16xf32> to vector<16xf32>
      %broadcast_in_dim3A_734 = vector.shape_cast %add3A_339 : vector<16xi32> to vector<16x1xi32>
      %gather3A_735 = vector.shape_cast %broadcast_in_dim3A_734 : vector<16x1xi32> to vector<16xi32>
      %gather3A_736 = tpu.dynamic_gather %get3A_733[%gather3A_735] in [0] : vector<16xf32>, vector<16xi32> -> vector<16xf32>
      %eq3A_737 = arith.constant 11 : i32
      %eq3A_738 = vector.broadcast %eq3A_737 : i32 to vector<16xi32>
      %eq3A_739 = arith.cmpi eq, %iota3A, %eq3A_738 : vector<16xi32>
      %select_n3A_740 = arith.select %eq3A_739, %gather3A_736, %select_n3A_726 : vector<16xi1>, vector<16xf32>
      %get3A_741 = arith.constant 0 : i32
      %get3A_742 = arith.constant 28 : i32
      %get3A_743 = arith.index_cast %get3A_741 : i32 to index
      %get3A_744 = arith.index_cast %get3A_742 : i32 to index
      %get3A_745 = arith.index_cast %multiple_of3A : i32 to index
      %get3A_746 = tpu.vector_load %arg5[%get3A_743, %get3A_744, %get3A_745] {strides = array<i32>} : memref<1x64x512xf32, #tpu.memory_space<vmem>>, vector<1x1x16xf32>,
      %get3A_747 = vector.shape_cast %get3A_746 : vector<1x1x16xf32> to vector<16xf32>
      %broadcast_in_dim3A_748 = vector.shape_cast %add3A_339 : vector<16xi32> to vector<16x1xi32>
      %gather3A_749 = vector.shape_cast %broadcast_in_dim3A_748 : vector<16x1xi32> to vector<16xi32>
      %gather3A_750 = tpu.dynamic_gather %get3A_747[%gather3A_749] in [0] : vector<16xf32>, vector<16xi32> -> vector<16xf32>
      %eq3A_751 = arith.constant 12 : i32
      %eq3A_752 = vector.broadcast %eq3A_751 : i32 to vector<16xi32>
      %eq3A_753 = arith.cmpi eq, %iota3A, %eq3A_752 : vector<16xi32>
      %select_n3A_754 = arith.select %eq3A_753, %gather3A_750, %select_n3A_740 : vector<16xi1>, vector<16xf32>
      %get3A_755 = arith.constant 0 : i32
      %get3A_756 = arith.constant 29 : i32
      %get3A_757 = arith.index_cast %get3A_755 : i32 to index
      %get3A_758 = arith.index_cast %get3A_756 : i32 to index
      %get3A_759 = arith.index_cast %multiple_of3A : i32 to index
      %get3A_760 = tpu.vector_load %arg5[%get3A_757, %get3A_758, %get3A_759] {strides = array<i32>} : memref<1x64x512xf32, #tpu.memory_space<vmem>>, vector<1x1x16xf32>,
      %get3A_761 = vector.shape_cast %get3A_760 : vector<1x1x16xf32> to vector<16xf32>
      %broadcast_in_dim3A_762 = vector.shape_cast %add3A_339 : vector<16xi32> to vector<16x1xi32>
      %gather3A_763 = vector.shape_cast %broadcast_in_dim3A_762 : vector<16x1xi32> to vector<16xi32>
      %gather3A_764 = tpu.dynamic_gather %get3A_761[%gather3A_763] in [0] : vector<16xf32>, vector<16xi32> -> vector<16xf32>
      %eq3A_765 = arith.constant 13 : i32
      %eq3A_766 = vector.broadcast %eq3A_765 : i32 to vector<16xi32>
      %eq3A_767 = arith.cmpi eq, %iota3A, %eq3A_766 : vector<16xi32>
      %select_n3A_768 = arith.select %eq3A_767, %gather3A_764, %select_n3A_754 : vector<16xi1>, vector<16xf32>
      %get3A_769 = arith.constant 0 : i32
      %get3A_770 = arith.constant 30 : i32
      %get3A_771 = arith.index_cast %get3A_769 : i32 to index
      %get3A_772 = arith.index_cast %get3A_770 : i32 to index
      %get3A_773 = arith.index_cast %multiple_of3A : i32 to index
      %get3A_774 = tpu.vector_load %arg5[%get3A_771, %get3A_772, %get3A_773] {strides = array<i32>} : memref<1x64x512xf32, #tpu.memory_space<vmem>>, vector<1x1x16xf32>,
      %get3A_775 = vector.shape_cast %get3A_774 : vector<1x1x16xf32> to vector<16xf32>
      %broadcast_in_dim3A_776 = vector.shape_cast %add3A_339 : vector<16xi32> to vector<16x1xi32>
      %gather3A_777 = vector.shape_cast %broadcast_in_dim3A_776 : vector<16x1xi32> to vector<16xi32>
      %gather3A_778 = tpu.dynamic_gather %get3A_775[%gather3A_777] in [0] : vector<16xf32>, vector<16xi32> -> vector<16xf32>
      %eq3A_779 = arith.constant 14 : i32
      %eq3A_780 = vector.broadcast %eq3A_779 : i32 to vector<16xi32>
      %eq3A_781 = arith.cmpi eq, %iota3A, %eq3A_780 : vector<16xi32>
      %select_n3A_782 = arith.select %eq3A_781, %gather3A_778, %select_n3A_768 : vector<16xi1>, vector<16xf32>
      %get3A_783 = arith.constant 0 : i32
      %get3A_784 = arith.constant 31 : i32
      %get3A_785 = arith.index_cast %get3A_783 : i32 to index
      %get3A_786 = arith.index_cast %get3A_784 : i32 to index
      %get3A_787 = arith.index_cast %multiple_of3A : i32 to index
      %get3A_788 = tpu.vector_load %arg5[%get3A_785, %get3A_786, %get3A_787] {strides = array<i32>} : memref<1x64x512xf32, #tpu.memory_space<vmem>>, vector<1x1x16xf32>,
      %get3A_789 = vector.shape_cast %get3A_788 : vector<1x1x16xf32> to vector<16xf32>
      %broadcast_in_dim3A_790 = vector.shape_cast %add3A_339 : vector<16xi32> to vector<16x1xi32>
      %gather3A_791 = vector.shape_cast %broadcast_in_dim3A_790 : vector<16x1xi32> to vector<16xi32>
      %gather3A_792 = tpu.dynamic_gather %get3A_789[%gather3A_791] in [0] : vector<16xf32>, vector<16xi32> -> vector<16xf32>
      %eq3A_793 = arith.constant 15 : i32
      %eq3A_794 = vector.broadcast %eq3A_793 : i32 to vector<16xi32>
      %eq3A_795 = arith.cmpi eq, %iota3A, %eq3A_794 : vector<16xi32>
      %select_n3A_796 = arith.select %eq3A_795, %gather3A_792, %select_n3A_782 : vector<16xi1>, vector<16xf32>
      %swap3A_797 = arith.constant 0 : i32
      %swap3A_798 = tpu.memref_slice %arg7[%swap3A_797] : memref<128xf32, #tpu.memory_space<vmem>> -> memref<64xf32, #tpu.memory_space<vmem>>
      %swap3A_799 = arith.constant 16 : index
      %swap3A_800 = tpu.vector_load %swap3A_798[%swap3A_799] {strides = array<i32>} : memref<64xf32, #tpu.memory_space<vmem>>, vector<16xf32>,
      %swap3A_801 = vector.shape_cast %swap3A_800 : vector<16xf32> to vector<16xf32>
      %swap3A_802 = vector.shape_cast %select_n3A_796 : vector<16xf32> to vector<16xf32>
      tpu.vector_store %swap3A_798[%swap3A_799], %swap3A_802 {strides = array<i32>} : memref<64xf32, #tpu.memory_space<vmem>>, vector<16xf32>,
      %broadcast_in_dim3A_803 = arith.constant 0.000000e+00 : f32
      %broadcast_in_dim3A_804 = vector.broadcast %broadcast_in_dim3A_803 : f32 to vector<16xf32>
      %get3A_805 = arith.constant 0 : i32
      %get3A_806 = arith.constant 32 : i32
      %get3A_807 = arith.index_cast %get3A_805 : i32 to index
      %get3A_808 = arith.index_cast %get3A_806 : i32 to index
      %get3A_809 = arith.index_cast %multiple_of3A : i32 to index
      %get3A_810 = tpu.vector_load %arg5[%get3A_807, %get3A_808, %get3A_809] {strides = array<i32>} : memref<1x64x512xf32, #tpu.memory_space<vmem>>, vector<1x1x16xf32>,
      %get3A_811 = vector.shape_cast %get3A_810 : vector<1x1x16xf32> to vector<16xf32>
      %broadcast_in_dim3A_812 = vector.shape_cast %add3A_339 : vector<16xi32> to vector<16x1xi32>
      %gather3A_813 = vector.shape_cast %broadcast_in_dim3A_812 : vector<16x1xi32> to vector<16xi32>
      %gather3A_814 = tpu.dynamic_gather %get3A_811[%gather3A_813] in [0] : vector<16xf32>, vector<16xi32> -> vector<16xf32>
      %eq3A_815 = arith.constant 0 : i32
      %eq3A_816 = vector.broadcast %eq3A_815 : i32 to vector<16xi32>
      %eq3A_817 = arith.cmpi eq, %iota3A, %eq3A_816 : vector<16xi32>
      %select_n3A_818 = arith.select %eq3A_817, %gather3A_814, %broadcast_in_dim3A_804 : vector<16xi1>, vector<16xf32>
      %get3A_819 = arith.constant 0 : i32
      %get3A_820 = arith.constant 33 : i32
      %get3A_821 = arith.index_cast %get3A_819 : i32 to index
      %get3A_822 = arith.index_cast %get3A_820 : i32 to index
      %get3A_823 = arith.index_cast %multiple_of3A : i32 to index
      %get3A_824 = tpu.vector_load %arg5[%get3A_821, %get3A_822, %get3A_823] {strides = array<i32>} : memref<1x64x512xf32, #tpu.memory_space<vmem>>, vector<1x1x16xf32>,
      %get3A_825 = vector.shape_cast %get3A_824 : vector<1x1x16xf32> to vector<16xf32>
      %broadcast_in_dim3A_826 = vector.shape_cast %add3A_339 : vector<16xi32> to vector<16x1xi32>
      %gather3A_827 = vector.shape_cast %broadcast_in_dim3A_826 : vector<16x1xi32> to vector<16xi32>
      %gather3A_828 = tpu.dynamic_gather %get3A_825[%gather3A_827] in [0] : vector<16xf32>, vector<16xi32> -> vector<16xf32>
      %eq3A_829 = arith.constant 1 : i32
      %eq3A_830 = vector.broadcast %eq3A_829 : i32 to vector<16xi32>
      %eq3A_831 = arith.cmpi eq, %iota3A, %eq3A_830 : vector<16xi32>
      %select_n3A_832 = arith.select %eq3A_831, %gather3A_828, %select_n3A_818 : vector<16xi1>, vector<16xf32>
      %get3A_833 = arith.constant 0 : i32
      %get3A_834 = arith.constant 34 : i32
      %get3A_835 = arith.index_cast %get3A_833 : i32 to index
      %get3A_836 = arith.index_cast %get3A_834 : i32 to index
      %get3A_837 = arith.index_cast %multiple_of3A : i32 to index
      %get3A_838 = tpu.vector_load %arg5[%get3A_835, %get3A_836, %get3A_837] {strides = array<i32>} : memref<1x64x512xf32, #tpu.memory_space<vmem>>, vector<1x1x16xf32>,
      %get3A_839 = vector.shape_cast %get3A_838 : vector<1x1x16xf32> to vector<16xf32>
      %broadcast_in_dim3A_840 = vector.shape_cast %add3A_339 : vector<16xi32> to vector<16x1xi32>
      %gather3A_841 = vector.shape_cast %broadcast_in_dim3A_840 : vector<16x1xi32> to vector<16xi32>
      %gather3A_842 = tpu.dynamic_gather %get3A_839[%gather3A_841] in [0] : vector<16xf32>, vector<16xi32> -> vector<16xf32>
      %eq3A_843 = arith.constant 2 : i32
      %eq3A_844 = vector.broadcast %eq3A_843 : i32 to vector<16xi32>
      %eq3A_845 = arith.cmpi eq, %iota3A, %eq3A_844 : vector<16xi32>
      %select_n3A_846 = arith.select %eq3A_845, %gather3A_842, %select_n3A_832 : vector<16xi1>, vector<16xf32>
      %get3A_847 = arith.constant 0 : i32
      %get3A_848 = arith.constant 35 : i32
      %get3A_849 = arith.index_cast %get3A_847 : i32 to index
      %get3A_850 = arith.index_cast %get3A_848 : i32 to index
      %get3A_851 = arith.index_cast %multiple_of3A : i32 to index
      %get3A_852 = tpu.vector_load %arg5[%get3A_849, %get3A_850, %get3A_851] {strides = array<i32>} : memref<1x64x512xf32, #tpu.memory_space<vmem>>, vector<1x1x16xf32>,
      %get3A_853 = vector.shape_cast %get3A_852 : vector<1x1x16xf32> to vector<16xf32>
      %broadcast_in_dim3A_854 = vector.shape_cast %add3A_339 : vector<16xi32> to vector<16x1xi32>
      %gather3A_855 = vector.shape_cast %broadcast_in_dim3A_854 : vector<16x1xi32> to vector<16xi32>
      %gather3A_856 = tpu.dynamic_gather %get3A_853[%gather3A_855] in [0] : vector<16xf32>, vector<16xi32> -> vector<16xf32>
      %eq3A_857 = arith.constant 3 : i32
      %eq3A_858 = vector.broadcast %eq3A_857 : i32 to vector<16xi32>
      %eq3A_859 = arith.cmpi eq, %iota3A, %eq3A_858 : vector<16xi32>
      %select_n3A_860 = arith.select %eq3A_859, %gather3A_856, %select_n3A_846 : vector<16xi1>, vector<16xf32>
      %get3A_861 = arith.constant 0 : i32
      %get3A_862 = arith.constant 36 : i32
      %get3A_863 = arith.index_cast %get3A_861 : i32 to index
      %get3A_864 = arith.index_cast %get3A_862 : i32 to index
      %get3A_865 = arith.index_cast %multiple_of3A : i32 to index
      %get3A_866 = tpu.vector_load %arg5[%get3A_863, %get3A_864, %get3A_865] {strides = array<i32>} : memref<1x64x512xf32, #tpu.memory_space<vmem>>, vector<1x1x16xf32>,
      %get3A_867 = vector.shape_cast %get3A_866 : vector<1x1x16xf32> to vector<16xf32>
      %broadcast_in_dim3A_868 = vector.shape_cast %add3A_339 : vector<16xi32> to vector<16x1xi32>
      %gather3A_869 = vector.shape_cast %broadcast_in_dim3A_868 : vector<16x1xi32> to vector<16xi32>
      %gather3A_870 = tpu.dynamic_gather %get3A_867[%gather3A_869] in [0] : vector<16xf32>, vector<16xi32> -> vector<16xf32>
      %eq3A_871 = arith.constant 4 : i32
      %eq3A_872 = vector.broadcast %eq3A_871 : i32 to vector<16xi32>
      %eq3A_873 = arith.cmpi eq, %iota3A, %eq3A_872 : vector<16xi32>
      %select_n3A_874 = arith.select %eq3A_873, %gather3A_870, %select_n3A_860 : vector<16xi1>, vector<16xf32>
      %get3A_875 = arith.constant 0 : i32
      %get3A_876 = arith.constant 37 : i32
      %get3A_877 = arith.index_cast %get3A_875 : i32 to index
      %get3A_878 = arith.index_cast %get3A_876 : i32 to index
      %get3A_879 = arith.index_cast %multiple_of3A : i32 to index
      %get3A_880 = tpu.vector_load %arg5[%get3A_877, %get3A_878, %get3A_879] {strides = array<i32>} : memref<1x64x512xf32, #tpu.memory_space<vmem>>, vector<1x1x16xf32>,
      %get3A_881 = vector.shape_cast %get3A_880 : vector<1x1x16xf32> to vector<16xf32>
      %broadcast_in_dim3A_882 = vector.shape_cast %add3A_339 : vector<16xi32> to vector<16x1xi32>
      %gather3A_883 = vector.shape_cast %broadcast_in_dim3A_882 : vector<16x1xi32> to vector<16xi32>
      %gather3A_884 = tpu.dynamic_gather %get3A_881[%gather3A_883] in [0] : vector<16xf32>, vector<16xi32> -> vector<16xf32>
      %eq3A_885 = arith.constant 5 : i32
      %eq3A_886 = vector.broadcast %eq3A_885 : i32 to vector<16xi32>
      %eq3A_887 = arith.cmpi eq, %iota3A, %eq3A_886 : vector<16xi32>
      %select_n3A_888 = arith.select %eq3A_887, %gather3A_884, %select_n3A_874 : vector<16xi1>, vector<16xf32>
      %get3A_889 = arith.constant 0 : i32
      %get3A_890 = arith.constant 38 : i32
      %get3A_891 = arith.index_cast %get3A_889 : i32 to index
      %get3A_892 = arith.index_cast %get3A_890 : i32 to index
      %get3A_893 = arith.index_cast %multiple_of3A : i32 to index
      %get3A_894 = tpu.vector_load %arg5[%get3A_891, %get3A_892, %get3A_893] {strides = array<i32>} : memref<1x64x512xf32, #tpu.memory_space<vmem>>, vector<1x1x16xf32>,
      %get3A_895 = vector.shape_cast %get3A_894 : vector<1x1x16xf32> to vector<16xf32>
      %broadcast_in_dim3A_896 = vector.shape_cast %add3A_339 : vector<16xi32> to vector<16x1xi32>
      %gather3A_897 = vector.shape_cast %broadcast_in_dim3A_896 : vector<16x1xi32> to vector<16xi32>
      %gather3A_898 = tpu.dynamic_gather %get3A_895[%gather3A_897] in [0] : vector<16xf32>, vector<16xi32> -> vector<16xf32>
      %eq3A_899 = arith.constant 6 : i32
      %eq3A_900 = vector.broadcast %eq3A_899 : i32 to vector<16xi32>
      %eq3A_901 = arith.cmpi eq, %iota3A, %eq3A_900 : vector<16xi32>
      %select_n3A_902 = arith.select %eq3A_901, %gather3A_898, %select_n3A_888 : vector<16xi1>, vector<16xf32>
      %get3A_903 = arith.constant 0 : i32
      %get3A_904 = arith.constant 39 : i32
      %get3A_905 = arith.index_cast %get3A_903 : i32 to index
      %get3A_906 = arith.index_cast %get3A_904 : i32 to index
      %get3A_907 = arith.index_cast %multiple_of3A : i32 to index
      %get3A_908 = tpu.vector_load %arg5[%get3A_905, %get3A_906, %get3A_907] {strides = array<i32>} : memref<1x64x512xf32, #tpu.memory_space<vmem>>, vector<1x1x16xf32>,
      %get3A_909 = vector.shape_cast %get3A_908 : vector<1x1x16xf32> to vector<16xf32>
      %broadcast_in_dim3A_910 = vector.shape_cast %add3A_339 : vector<16xi32> to vector<16x1xi32>
      %gather3A_911 = vector.shape_cast %broadcast_in_dim3A_910 : vector<16x1xi32> to vector<16xi32>
      %gather3A_912 = tpu.dynamic_gather %get3A_909[%gather3A_911] in [0] : vector<16xf32>, vector<16xi32> -> vector<16xf32>
      %eq3A_913 = arith.constant 7 : i32
      %eq3A_914 = vector.broadcast %eq3A_913 : i32 to vector<16xi32>
      %eq3A_915 = arith.cmpi eq, %iota3A, %eq3A_914 : vector<16xi32>
      %select_n3A_916 = arith.select %eq3A_915, %gather3A_912, %select_n3A_902 : vector<16xi1>, vector<16xf32>
      %get3A_917 = arith.constant 0 : i32
      %get3A_918 = arith.constant 40 : i32
      %get3A_919 = arith.index_cast %get3A_917 : i32 to index
      %get3A_920 = arith.index_cast %get3A_918 : i32 to index
      %get3A_921 = arith.index_cast %multiple_of3A : i32 to index
      %get3A_922 = tpu.vector_load %arg5[%get3A_919, %get3A_920, %get3A_921] {strides = array<i32>} : memref<1x64x512xf32, #tpu.memory_space<vmem>>, vector<1x1x16xf32>,
      %get3A_923 = vector.shape_cast %get3A_922 : vector<1x1x16xf32> to vector<16xf32>
      %broadcast_in_dim3A_924 = vector.shape_cast %add3A_339 : vector<16xi32> to vector<16x1xi32>
      %gather3A_925 = vector.shape_cast %broadcast_in_dim3A_924 : vector<16x1xi32> to vector<16xi32>
      %gather3A_926 = tpu.dynamic_gather %get3A_923[%gather3A_925] in [0] : vector<16xf32>, vector<16xi32> -> vector<16xf32>
      %eq3A_927 = arith.constant 8 : i32
      %eq3A_928 = vector.broadcast %eq3A_927 : i32 to vector<16xi32>
      %eq3A_929 = arith.cmpi eq, %iota3A, %eq3A_928 : vector<16xi32>
      %select_n3A_930 = arith.select %eq3A_929, %gather3A_926, %select_n3A_916 : vector<16xi1>, vector<16xf32>
      %get3A_931 = arith.constant 0 : i32
      %get3A_932 = arith.constant 41 : i32
      %get3A_933 = arith.index_cast %get3A_931 : i32 to index
      %get3A_934 = arith.index_cast %get3A_932 : i32 to index
      %get3A_935 = arith.index_cast %multiple_of3A : i32 to index
      %get3A_936 = tpu.vector_load %arg5[%get3A_933, %get3A_934, %get3A_935] {strides = array<i32>} : memref<1x64x512xf32, #tpu.memory_space<vmem>>, vector<1x1x16xf32>,
      %get3A_937 = vector.shape_cast %get3A_936 : vector<1x1x16xf32> to vector<16xf32>
      %broadcast_in_dim3A_938 = vector.shape_cast %add3A_339 : vector<16xi32> to vector<16x1xi32>
      %gather3A_939 = vector.shape_cast %broadcast_in_dim3A_938 : vector<16x1xi32> to vector<16xi32>
      %gather3A_940 = tpu.dynamic_gather %get3A_937[%gather3A_939] in [0] : vector<16xf32>, vector<16xi32> -> vector<16xf32>
      %eq3A_941 = arith.constant 9 : i32
      %eq3A_942 = vector.broadcast %eq3A_941 : i32 to vector<16xi32>
      %eq3A_943 = arith.cmpi eq, %iota3A, %eq3A_942 : vector<16xi32>
      %select_n3A_944 = arith.select %eq3A_943, %gather3A_940, %select_n3A_930 : vector<16xi1>, vector<16xf32>
      %get3A_945 = arith.constant 0 : i32
      %get3A_946 = arith.constant 42 : i32
      %get3A_947 = arith.index_cast %get3A_945 : i32 to index
      %get3A_948 = arith.index_cast %get3A_946 : i32 to index
      %get3A_949 = arith.index_cast %multiple_of3A : i32 to index
      %get3A_950 = tpu.vector_load %arg5[%get3A_947, %get3A_948, %get3A_949] {strides = array<i32>} : memref<1x64x512xf32, #tpu.memory_space<vmem>>, vector<1x1x16xf32>,
      %get3A_951 = vector.shape_cast %get3A_950 : vector<1x1x16xf32> to vector<16xf32>
      %broadcast_in_dim3A_952 = vector.shape_cast %add3A_339 : vector<16xi32> to vector<16x1xi32>
      %gather3A_953 = vector.shape_cast %broadcast_in_dim3A_952 : vector<16x1xi32> to vector<16xi32>
      %gather3A_954 = tpu.dynamic_gather %get3A_951[%gather3A_953] in [0] : vector<16xf32>, vector<16xi32> -> vector<16xf32>
      %eq3A_955 = arith.constant 10 : i32
      %eq3A_956 = vector.broadcast %eq3A_955 : i32 to vector<16xi32>
      %eq3A_957 = arith.cmpi eq, %iota3A, %eq3A_956 : vector<16xi32>
      %select_n3A_958 = arith.select %eq3A_957, %gather3A_954, %select_n3A_944 : vector<16xi1>, vector<16xf32>
      %get3A_959 = arith.constant 0 : i32
      %get3A_960 = arith.constant 43 : i32
      %get3A_961 = arith.index_cast %get3A_959 : i32 to index
      %get3A_962 = arith.index_cast %get3A_960 : i32 to index
      %get3A_963 = arith.index_cast %multiple_of3A : i32 to index
      %get3A_964 = tpu.vector_load %arg5[%get3A_961, %get3A_962, %get3A_963] {strides = array<i32>} : memref<1x64x512xf32, #tpu.memory_space<vmem>>, vector<1x1x16xf32>,
      %get3A_965 = vector.shape_cast %get3A_964 : vector<1x1x16xf32> to vector<16xf32>
      %broadcast_in_dim3A_966 = vector.shape_cast %add3A_339 : vector<16xi32> to vector<16x1xi32>
      %gather3A_967 = vector.shape_cast %broadcast_in_dim3A_966 : vector<16x1xi32> to vector<16xi32>
      %gather3A_968 = tpu.dynamic_gather %get3A_965[%gather3A_967] in [0] : vector<16xf32>, vector<16xi32> -> vector<16xf32>
      %eq3A_969 = arith.constant 11 : i32
      %eq3A_970 = vector.broadcast %eq3A_969 : i32 to vector<16xi32>
      %eq3A_971 = arith.cmpi eq, %iota3A, %eq3A_970 : vector<16xi32>
      %select_n3A_972 = arith.select %eq3A_971, %gather3A_968, %select_n3A_958 : vector<16xi1>, vector<16xf32>
      %get3A_973 = arith.constant 0 : i32
      %get3A_974 = arith.constant 44 : i32
      %get3A_975 = arith.index_cast %get3A_973 : i32 to index
      %get3A_976 = arith.index_cast %get3A_974 : i32 to index
      %get3A_977 = arith.index_cast %multiple_of3A : i32 to index
      %get3A_978 = tpu.vector_load %arg5[%get3A_975, %get3A_976, %get3A_977] {strides = array<i32>} : memref<1x64x512xf32, #tpu.memory_space<vmem>>, vector<1x1x16xf32>,
      %get3A_979 = vector.shape_cast %get3A_978 : vector<1x1x16xf32> to vector<16xf32>
      %broadcast_in_dim3A_980 = vector.shape_cast %add3A_339 : vector<16xi32> to vector<16x1xi32>
      %gather3A_981 = vector.shape_cast %broadcast_in_dim3A_980 : vector<16x1xi32> to vector<16xi32>
      %gather3A_982 = tpu.dynamic_gather %get3A_979[%gather3A_981] in [0] : vector<16xf32>, vector<16xi32> -> vector<16xf32>
      %eq3A_983 = arith.constant 12 : i32
      %eq3A_984 = vector.broadcast %eq3A_983 : i32 to vector<16xi32>
      %eq3A_985 = arith.cmpi eq, %iota3A, %eq3A_984 : vector<16xi32>
      %select_n3A_986 = arith.select %eq3A_985, %gather3A_982, %select_n3A_972 : vector<16xi1>, vector<16xf32>
      %get3A_987 = arith.constant 0 : i32
      %get3A_988 = arith.constant 45 : i32
      %get3A_989 = arith.index_cast %get3A_987 : i32 to index
      %get3A_990 = arith.index_cast %get3A_988 : i32 to index
      %get3A_991 = arith.index_cast %multiple_of3A : i32 to index
      %get3A_992 = tpu.vector_load %arg5[%get3A_989, %get3A_990, %get3A_991] {strides = array<i32>} : memref<1x64x512xf32, #tpu.memory_space<vmem>>, vector<1x1x16xf32>,
      %get3A_993 = vector.shape_cast %get3A_992 : vector<1x1x16xf32> to vector<16xf32>
      %broadcast_in_dim3A_994 = vector.shape_cast %add3A_339 : vector<16xi32> to vector<16x1xi32>
      %gather3A_995 = vector.shape_cast %broadcast_in_dim3A_994 : vector<16x1xi32> to vector<16xi32>
      %gather3A_996 = tpu.dynamic_gather %get3A_993[%gather3A_995] in [0] : vector<16xf32>, vector<16xi32> -> vector<16xf32>
      %eq3A_997 = arith.constant 13 : i32
      %eq3A_998 = vector.broadcast %eq3A_997 : i32 to vector<16xi32>
      %eq3A_999 = arith.cmpi eq, %iota3A, %eq3A_998 : vector<16xi32>
      %select_n3A_1000 = arith.select %eq3A_999, %gather3A_996, %select_n3A_986 : vector<16xi1>, vector<16xf32>
      %get3A_1001 = arith.constant 0 : i32
      %get3A_1002 = arith.constant 46 : i32
      %get3A_1003 = arith.index_cast %get3A_1001 : i32 to index
      %get3A_1004 = arith.index_cast %get3A_1002 : i32 to index
      %get3A_1005 = arith.index_cast %multiple_of3A : i32 to index
      %get3A_1006 = tpu.vector_load %arg5[%get3A_1003, %get3A_1004, %get3A_1005] {strides = array<i32>} : memref<1x64x512xf32, #tpu.memory_space<vmem>>, vector<1x1x16xf32>,
      %get3A_1007 = vector.shape_cast %get3A_1006 : vector<1x1x16xf32> to vector<16xf32>
      %broadcast_in_dim3A_1008 = vector.shape_cast %add3A_339 : vector<16xi32> to vector<16x1xi32>
      %gather3A_1009 = vector.shape_cast %broadcast_in_dim3A_1008 : vector<16x1xi32> to vector<16xi32>
      %gather3A_1010 = tpu.dynamic_gather %get3A_1007[%gather3A_1009] in [0] : vector<16xf32>, vector<16xi32> -> vector<16xf32>
      %eq3A_1011 = arith.constant 14 : i32
      %eq3A_1012 = vector.broadcast %eq3A_1011 : i32 to vector<16xi32>
      %eq3A_1013 = arith.cmpi eq, %iota3A, %eq3A_1012 : vector<16xi32>
      %select_n3A_1014 = arith.select %eq3A_1013, %gather3A_1010, %select_n3A_1000 : vector<16xi1>, vector<16xf32>
      %get3A_1015 = arith.constant 0 : i32
      %get3A_1016 = arith.constant 47 : i32
      %get3A_1017 = arith.index_cast %get3A_1015 : i32 to index
      %get3A_1018 = arith.index_cast %get3A_1016 : i32 to index
      %get3A_1019 = arith.index_cast %multiple_of3A : i32 to index
      %get3A_1020 = tpu.vector_load %arg5[%get3A_1017, %get3A_1018, %get3A_1019] {strides = array<i32>} : memref<1x64x512xf32, #tpu.memory_space<vmem>>, vector<1x1x16xf32>,
      %get3A_1021 = vector.shape_cast %get3A_1020 : vector<1x1x16xf32> to vector<16xf32>
      %broadcast_in_dim3A_1022 = vector.shape_cast %add3A_339 : vector<16xi32> to vector<16x1xi32>
      %gather3A_1023 = vector.shape_cast %broadcast_in_dim3A_1022 : vector<16x1xi32> to vector<16xi32>
      %gather3A_1024 = tpu.dynamic_gather %get3A_1021[%gather3A_1023] in [0] : vector<16xf32>, vector<16xi32> -> vector<16xf32>
      %eq3A_1025 = arith.constant 15 : i32
      %eq3A_1026 = vector.broadcast %eq3A_1025 : i32 to vector<16xi32>
      %eq3A_1027 = arith.cmpi eq, %iota3A, %eq3A_1026 : vector<16xi32>
      %select_n3A_1028 = arith.select %eq3A_1027, %gather3A_1024, %select_n3A_1014 : vector<16xi1>, vector<16xf32>
      %swap3A_1029 = arith.constant 0 : i32
      %swap3A_1030 = tpu.memref_slice %arg7[%swap3A_1029] : memref<128xf32, #tpu.memory_space<vmem>> -> memref<64xf32, #tpu.memory_space<vmem>>
      %swap3A_1031 = arith.constant 32 : index
      %swap3A_1032 = tpu.vector_load %swap3A_1030[%swap3A_1031] {strides = array<i32>} : memref<64xf32, #tpu.memory_space<vmem>>, vector<16xf32>,
      %swap3A_1033 = vector.shape_cast %swap3A_1032 : vector<16xf32> to vector<16xf32>
      %swap3A_1034 = vector.shape_cast %select_n3A_1028 : vector<16xf32> to vector<16xf32>
      tpu.vector_store %swap3A_1030[%swap3A_1031], %swap3A_1034 {strides = array<i32>} : memref<64xf32, #tpu.memory_space<vmem>>, vector<16xf32>,
      %broadcast_in_dim3A_1035 = arith.constant 0.000000e+00 : f32
      %broadcast_in_dim3A_1036 = vector.broadcast %broadcast_in_dim3A_1035 : f32 to vector<16xf32>
      %get3A_1037 = arith.constant 0 : i32
      %get3A_1038 = arith.constant 48 : i32
      %get3A_1039 = arith.index_cast %get3A_1037 : i32 to index
      %get3A_1040 = arith.index_cast %get3A_1038 : i32 to index
      %get3A_1041 = arith.index_cast %multiple_of3A : i32 to index
      %get3A_1042 = tpu.vector_load %arg5[%get3A_1039, %get3A_1040, %get3A_1041] {strides = array<i32>} : memref<1x64x512xf32, #tpu.memory_space<vmem>>, vector<1x1x16xf32>,
      %get3A_1043 = vector.shape_cast %get3A_1042 : vector<1x1x16xf32> to vector<16xf32>
      %broadcast_in_dim3A_1044 = vector.shape_cast %add3A_339 : vector<16xi32> to vector<16x1xi32>
      %gather3A_1045 = vector.shape_cast %broadcast_in_dim3A_1044 : vector<16x1xi32> to vector<16xi32>
      %gather3A_1046 = tpu.dynamic_gather %get3A_1043[%gather3A_1045] in [0] : vector<16xf32>, vector<16xi32> -> vector<16xf32>
      %eq3A_1047 = arith.constant 0 : i32
      %eq3A_1048 = vector.broadcast %eq3A_1047 : i32 to vector<16xi32>
      %eq3A_1049 = arith.cmpi eq, %iota3A, %eq3A_1048 : vector<16xi32>
      %select_n3A_1050 = arith.select %eq3A_1049, %gather3A_1046, %broadcast_in_dim3A_1036 : vector<16xi1>, vector<16xf32>
      %get3A_1051 = arith.constant 0 : i32
      %get3A_1052 = arith.constant 49 : i32
      %get3A_1053 = arith.index_cast %get3A_1051 : i32 to index
      %get3A_1054 = arith.index_cast %get3A_1052 : i32 to index
      %get3A_1055 = arith.index_cast %multiple_of3A : i32 to index
      %get3A_1056 = tpu.vector_load %arg5[%get3A_1053, %get3A_1054, %get3A_1055] {strides = array<i32>} : memref<1x64x512xf32, #tpu.memory_space<vmem>>, vector<1x1x16xf32>,
      %get3A_1057 = vector.shape_cast %get3A_1056 : vector<1x1x16xf32> to vector<16xf32>
      %broadcast_in_dim3A_1058 = vector.shape_cast %add3A_339 : vector<16xi32> to vector<16x1xi32>
      %gather3A_1059 = vector.shape_cast %broadcast_in_dim3A_1058 : vector<16x1xi32> to vector<16xi32>
      %gather3A_1060 = tpu.dynamic_gather %get3A_1057[%gather3A_1059] in [0] : vector<16xf32>, vector<16xi32> -> vector<16xf32>
      %eq3A_1061 = arith.constant 1 : i32
      %eq3A_1062 = vector.broadcast %eq3A_1061 : i32 to vector<16xi32>
      %eq3A_1063 = arith.cmpi eq, %iota3A, %eq3A_1062 : vector<16xi32>
      %select_n3A_1064 = arith.select %eq3A_1063, %gather3A_1060, %select_n3A_1050 : vector<16xi1>, vector<16xf32>
      %get3A_1065 = arith.constant 0 : i32
      %get3A_1066 = arith.constant 50 : i32
      %get3A_1067 = arith.index_cast %get3A_1065 : i32 to index
      %get3A_1068 = arith.index_cast %get3A_1066 : i32 to index
      %get3A_1069 = arith.index_cast %multiple_of3A : i32 to index
      %get3A_1070 = tpu.vector_load %arg5[%get3A_1067, %get3A_1068, %get3A_1069] {strides = array<i32>} : memref<1x64x512xf32, #tpu.memory_space<vmem>>, vector<1x1x16xf32>,
      %get3A_1071 = vector.shape_cast %get3A_1070 : vector<1x1x16xf32> to vector<16xf32>
      %broadcast_in_dim3A_1072 = vector.shape_cast %add3A_339 : vector<16xi32> to vector<16x1xi32>
      %gather3A_1073 = vector.shape_cast %broadcast_in_dim3A_1072 : vector<16x1xi32> to vector<16xi32>
      %gather3A_1074 = tpu.dynamic_gather %get3A_1071[%gather3A_1073] in [0] : vector<16xf32>, vector<16xi32> -> vector<16xf32>
      %eq3A_1075 = arith.constant 2 : i32
      %eq3A_1076 = vector.broadcast %eq3A_1075 : i32 to vector<16xi32>
      %eq3A_1077 = arith.cmpi eq, %iota3A, %eq3A_1076 : vector<16xi32>
      %select_n3A_1078 = arith.select %eq3A_1077, %gather3A_1074, %select_n3A_1064 : vector<16xi1>, vector<16xf32>
      %get3A_1079 = arith.constant 0 : i32
      %get3A_1080 = arith.constant 51 : i32
      %get3A_1081 = arith.index_cast %get3A_1079 : i32 to index
      %get3A_1082 = arith.index_cast %get3A_1080 : i32 to index
      %get3A_1083 = arith.index_cast %multiple_of3A : i32 to index
      %get3A_1084 = tpu.vector_load %arg5[%get3A_1081, %get3A_1082, %get3A_1083] {strides = array<i32>} : memref<1x64x512xf32, #tpu.memory_space<vmem>>, vector<1x1x16xf32>,
      %get3A_1085 = vector.shape_cast %get3A_1084 : vector<1x1x16xf32> to vector<16xf32>
      %broadcast_in_dim3A_1086 = vector.shape_cast %add3A_339 : vector<16xi32> to vector<16x1xi32>
      %gather3A_1087 = vector.shape_cast %broadcast_in_dim3A_1086 : vector<16x1xi32> to vector<16xi32>
      %gather3A_1088 = tpu.dynamic_gather %get3A_1085[%gather3A_1087] in [0] : vector<16xf32>, vector<16xi32> -> vector<16xf32>
      %eq3A_1089 = arith.constant 3 : i32
      %eq3A_1090 = vector.broadcast %eq3A_1089 : i32 to vector<16xi32>
      %eq3A_1091 = arith.cmpi eq, %iota3A, %eq3A_1090 : vector<16xi32>
      %select_n3A_1092 = arith.select %eq3A_1091, %gather3A_1088, %select_n3A_1078 : vector<16xi1>, vector<16xf32>
      %get3A_1093 = arith.constant 0 : i32
      %get3A_1094 = arith.constant 52 : i32
      %get3A_1095 = arith.index_cast %get3A_1093 : i32 to index
      %get3A_1096 = arith.index_cast %get3A_1094 : i32 to index
      %get3A_1097 = arith.index_cast %multiple_of3A : i32 to index
      %get3A_1098 = tpu.vector_load %arg5[%get3A_1095, %get3A_1096, %get3A_1097] {strides = array<i32>} : memref<1x64x512xf32, #tpu.memory_space<vmem>>, vector<1x1x16xf32>,
      %get3A_1099 = vector.shape_cast %get3A_1098 : vector<1x1x16xf32> to vector<16xf32>
      %broadcast_in_dim3A_1100 = vector.shape_cast %add3A_339 : vector<16xi32> to vector<16x1xi32>
      %gather3A_1101 = vector.shape_cast %broadcast_in_dim3A_1100 : vector<16x1xi32> to vector<16xi32>
      %gather3A_1102 = tpu.dynamic_gather %get3A_1099[%gather3A_1101] in [0] : vector<16xf32>, vector<16xi32> -> vector<16xf32>
      %eq3A_1103 = arith.constant 4 : i32
      %eq3A_1104 = vector.broadcast %eq3A_1103 : i32 to vector<16xi32>
      %eq3A_1105 = arith.cmpi eq, %iota3A, %eq3A_1104 : vector<16xi32>
      %select_n3A_1106 = arith.select %eq3A_1105, %gather3A_1102, %select_n3A_1092 : vector<16xi1>, vector<16xf32>
      %get3A_1107 = arith.constant 0 : i32
      %get3A_1108 = arith.constant 53 : i32
      %get3A_1109 = arith.index_cast %get3A_1107 : i32 to index
      %get3A_1110 = arith.index_cast %get3A_1108 : i32 to index
      %get3A_1111 = arith.index_cast %multiple_of3A : i32 to index
      %get3A_1112 = tpu.vector_load %arg5[%get3A_1109, %get3A_1110, %get3A_1111] {strides = array<i32>} : memref<1x64x512xf32, #tpu.memory_space<vmem>>, vector<1x1x16xf32>,
      %get3A_1113 = vector.shape_cast %get3A_1112 : vector<1x1x16xf32> to vector<16xf32>
      %broadcast_in_dim3A_1114 = vector.shape_cast %add3A_339 : vector<16xi32> to vector<16x1xi32>
      %gather3A_1115 = vector.shape_cast %broadcast_in_dim3A_1114 : vector<16x1xi32> to vector<16xi32>
      %gather3A_1116 = tpu.dynamic_gather %get3A_1113[%gather3A_1115] in [0] : vector<16xf32>, vector<16xi32> -> vector<16xf32>
      %eq3A_1117 = arith.constant 5 : i32
      %eq3A_1118 = vector.broadcast %eq3A_1117 : i32 to vector<16xi32>
      %eq3A_1119 = arith.cmpi eq, %iota3A, %eq3A_1118 : vector<16xi32>
      %select_n3A_1120 = arith.select %eq3A_1119, %gather3A_1116, %select_n3A_1106 : vector<16xi1>, vector<16xf32>
      %get3A_1121 = arith.constant 0 : i32
      %get3A_1122 = arith.constant 54 : i32
      %get3A_1123 = arith.index_cast %get3A_1121 : i32 to index
      %get3A_1124 = arith.index_cast %get3A_1122 : i32 to index
      %get3A_1125 = arith.index_cast %multiple_of3A : i32 to index
      %get3A_1126 = tpu.vector_load %arg5[%get3A_1123, %get3A_1124, %get3A_1125] {strides = array<i32>} : memref<1x64x512xf32, #tpu.memory_space<vmem>>, vector<1x1x16xf32>,
      %get3A_1127 = vector.shape_cast %get3A_1126 : vector<1x1x16xf32> to vector<16xf32>
      %broadcast_in_dim3A_1128 = vector.shape_cast %add3A_339 : vector<16xi32> to vector<16x1xi32>
      %gather3A_1129 = vector.shape_cast %broadcast_in_dim3A_1128 : vector<16x1xi32> to vector<16xi32>
      %gather3A_1130 = tpu.dynamic_gather %get3A_1127[%gather3A_1129] in [0] : vector<16xf32>, vector<16xi32> -> vector<16xf32>
      %eq3A_1131 = arith.constant 6 : i32
      %eq3A_1132 = vector.broadcast %eq3A_1131 : i32 to vector<16xi32>
      %eq3A_1133 = arith.cmpi eq, %iota3A, %eq3A_1132 : vector<16xi32>
      %select_n3A_1134 = arith.select %eq3A_1133, %gather3A_1130, %select_n3A_1120 : vector<16xi1>, vector<16xf32>
      %get3A_1135 = arith.constant 0 : i32
      %get3A_1136 = arith.constant 55 : i32
      %get3A_1137 = arith.index_cast %get3A_1135 : i32 to index
      %get3A_1138 = arith.index_cast %get3A_1136 : i32 to index
      %get3A_1139 = arith.index_cast %multiple_of3A : i32 to index
      %get3A_1140 = tpu.vector_load %arg5[%get3A_1137, %get3A_1138, %get3A_1139] {strides = array<i32>} : memref<1x64x512xf32, #tpu.memory_space<vmem>>, vector<1x1x16xf32>,
      %get3A_1141 = vector.shape_cast %get3A_1140 : vector<1x1x16xf32> to vector<16xf32>
      %broadcast_in_dim3A_1142 = vector.shape_cast %add3A_339 : vector<16xi32> to vector<16x1xi32>
      %gather3A_1143 = vector.shape_cast %broadcast_in_dim3A_1142 : vector<16x1xi32> to vector<16xi32>
      %gather3A_1144 = tpu.dynamic_gather %get3A_1141[%gather3A_1143] in [0] : vector<16xf32>, vector<16xi32> -> vector<16xf32>
      %eq3A_1145 = arith.constant 7 : i32
      %eq3A_1146 = vector.broadcast %eq3A_1145 : i32 to vector<16xi32>
      %eq3A_1147 = arith.cmpi eq, %iota3A, %eq3A_1146 : vector<16xi32>
      %select_n3A_1148 = arith.select %eq3A_1147, %gather3A_1144, %select_n3A_1134 : vector<16xi1>, vector<16xf32>
      %get3A_1149 = arith.constant 0 : i32
      %get3A_1150 = arith.constant 56 : i32
      %get3A_1151 = arith.index_cast %get3A_1149 : i32 to index
      %get3A_1152 = arith.index_cast %get3A_1150 : i32 to index
      %get3A_1153 = arith.index_cast %multiple_of3A : i32 to index
      %get3A_1154 = tpu.vector_load %arg5[%get3A_1151, %get3A_1152, %get3A_1153] {strides = array<i32>} : memref<1x64x512xf32, #tpu.memory_space<vmem>>, vector<1x1x16xf32>,
      %get3A_1155 = vector.shape_cast %get3A_1154 : vector<1x1x16xf32> to vector<16xf32>
      %broadcast_in_dim3A_1156 = vector.shape_cast %add3A_339 : vector<16xi32> to vector<16x1xi32>
      %gather3A_1157 = vector.shape_cast %broadcast_in_dim3A_1156 : vector<16x1xi32> to vector<16xi32>
      %gather3A_1158 = tpu.dynamic_gather %get3A_1155[%gather3A_1157] in [0] : vector<16xf32>, vector<16xi32> -> vector<16xf32>
      %eq3A_1159 = arith.constant 8 : i32
      %eq3A_1160 = vector.broadcast %eq3A_1159 : i32 to vector<16xi32>
      %eq3A_1161 = arith.cmpi eq, %iota3A, %eq3A_1160 : vector<16xi32>
      %select_n3A_1162 = arith.select %eq3A_1161, %gather3A_1158, %select_n3A_1148 : vector<16xi1>, vector<16xf32>
      %get3A_1163 = arith.constant 0 : i32
      %get3A_1164 = arith.constant 57 : i32
      %get3A_1165 = arith.index_cast %get3A_1163 : i32 to index
      %get3A_1166 = arith.index_cast %get3A_1164 : i32 to index
      %get3A_1167 = arith.index_cast %multiple_of3A : i32 to index
      %get3A_1168 = tpu.vector_load %arg5[%get3A_1165, %get3A_1166, %get3A_1167] {strides = array<i32>} : memref<1x64x512xf32, #tpu.memory_space<vmem>>, vector<1x1x16xf32>,
      %get3A_1169 = vector.shape_cast %get3A_1168 : vector<1x1x16xf32> to vector<16xf32>
      %broadcast_in_dim3A_1170 = vector.shape_cast %add3A_339 : vector<16xi32> to vector<16x1xi32>
      %gather3A_1171 = vector.shape_cast %broadcast_in_dim3A_1170 : vector<16x1xi32> to vector<16xi32>
      %gather3A_1172 = tpu.dynamic_gather %get3A_1169[%gather3A_1171] in [0] : vector<16xf32>, vector<16xi32> -> vector<16xf32>
      %eq3A_1173 = arith.constant 9 : i32
      %eq3A_1174 = vector.broadcast %eq3A_1173 : i32 to vector<16xi32>
      %eq3A_1175 = arith.cmpi eq, %iota3A, %eq3A_1174 : vector<16xi32>
      %select_n3A_1176 = arith.select %eq3A_1175, %gather3A_1172, %select_n3A_1162 : vector<16xi1>, vector<16xf32>
      %get3A_1177 = arith.constant 0 : i32
      %get3A_1178 = arith.constant 58 : i32
      %get3A_1179 = arith.index_cast %get3A_1177 : i32 to index
      %get3A_1180 = arith.index_cast %get3A_1178 : i32 to index
      %get3A_1181 = arith.index_cast %multiple_of3A : i32 to index
      %get3A_1182 = tpu.vector_load %arg5[%get3A_1179, %get3A_1180, %get3A_1181] {strides = array<i32>} : memref<1x64x512xf32, #tpu.memory_space<vmem>>, vector<1x1x16xf32>,
      %get3A_1183 = vector.shape_cast %get3A_1182 : vector<1x1x16xf32> to vector<16xf32>
      %broadcast_in_dim3A_1184 = vector.shape_cast %add3A_339 : vector<16xi32> to vector<16x1xi32>
      %gather3A_1185 = vector.shape_cast %broadcast_in_dim3A_1184 : vector<16x1xi32> to vector<16xi32>
      %gather3A_1186 = tpu.dynamic_gather %get3A_1183[%gather3A_1185] in [0] : vector<16xf32>, vector<16xi32> -> vector<16xf32>
      %eq3A_1187 = arith.constant 10 : i32
      %eq3A_1188 = vector.broadcast %eq3A_1187 : i32 to vector<16xi32>
      %eq3A_1189 = arith.cmpi eq, %iota3A, %eq3A_1188 : vector<16xi32>
      %select_n3A_1190 = arith.select %eq3A_1189, %gather3A_1186, %select_n3A_1176 : vector<16xi1>, vector<16xf32>
      %get3A_1191 = arith.constant 0 : i32
      %get3A_1192 = arith.constant 59 : i32
      %get3A_1193 = arith.index_cast %get3A_1191 : i32 to index
      %get3A_1194 = arith.index_cast %get3A_1192 : i32 to index
      %get3A_1195 = arith.index_cast %multiple_of3A : i32 to index
      %get3A_1196 = tpu.vector_load %arg5[%get3A_1193, %get3A_1194, %get3A_1195] {strides = array<i32>} : memref<1x64x512xf32, #tpu.memory_space<vmem>>, vector<1x1x16xf32>,
      %get3A_1197 = vector.shape_cast %get3A_1196 : vector<1x1x16xf32> to vector<16xf32>
      %broadcast_in_dim3A_1198 = vector.shape_cast %add3A_339 : vector<16xi32> to vector<16x1xi32>
      %gather3A_1199 = vector.shape_cast %broadcast_in_dim3A_1198 : vector<16x1xi32> to vector<16xi32>
      %gather3A_1200 = tpu.dynamic_gather %get3A_1197[%gather3A_1199] in [0] : vector<16xf32>, vector<16xi32> -> vector<16xf32>
      %eq3A_1201 = arith.constant 11 : i32
      %eq3A_1202 = vector.broadcast %eq3A_1201 : i32 to vector<16xi32>
      %eq3A_1203 = arith.cmpi eq, %iota3A, %eq3A_1202 : vector<16xi32>
      %select_n3A_1204 = arith.select %eq3A_1203, %gather3A_1200, %select_n3A_1190 : vector<16xi1>, vector<16xf32>
      %get3A_1205 = arith.constant 0 : i32
      %get3A_1206 = arith.constant 60 : i32
      %get3A_1207 = arith.index_cast %get3A_1205 : i32 to index
      %get3A_1208 = arith.index_cast %get3A_1206 : i32 to index
      %get3A_1209 = arith.index_cast %multiple_of3A : i32 to index
      %get3A_1210 = tpu.vector_load %arg5[%get3A_1207, %get3A_1208, %get3A_1209] {strides = array<i32>} : memref<1x64x512xf32, #tpu.memory_space<vmem>>, vector<1x1x16xf32>,
      %get3A_1211 = vector.shape_cast %get3A_1210 : vector<1x1x16xf32> to vector<16xf32>
      %broadcast_in_dim3A_1212 = vector.shape_cast %add3A_339 : vector<16xi32> to vector<16x1xi32>
      %gather3A_1213 = vector.shape_cast %broadcast_in_dim3A_1212 : vector<16x1xi32> to vector<16xi32>
      %gather3A_1214 = tpu.dynamic_gather %get3A_1211[%gather3A_1213] in [0] : vector<16xf32>, vector<16xi32> -> vector<16xf32>
      %eq3A_1215 = arith.constant 12 : i32
      %eq3A_1216 = vector.broadcast %eq3A_1215 : i32 to vector<16xi32>
      %eq3A_1217 = arith.cmpi eq, %iota3A, %eq3A_1216 : vector<16xi32>
      %select_n3A_1218 = arith.select %eq3A_1217, %gather3A_1214, %select_n3A_1204 : vector<16xi1>, vector<16xf32>
      %get3A_1219 = arith.constant 0 : i32
      %get3A_1220 = arith.constant 61 : i32
      %get3A_1221 = arith.index_cast %get3A_1219 : i32 to index
      %get3A_1222 = arith.index_cast %get3A_1220 : i32 to index
      %get3A_1223 = arith.index_cast %multiple_of3A : i32 to index
      %get3A_1224 = tpu.vector_load %arg5[%get3A_1221, %get3A_1222, %get3A_1223] {strides = array<i32>} : memref<1x64x512xf32, #tpu.memory_space<vmem>>, vector<1x1x16xf32>,
      %get3A_1225 = vector.shape_cast %get3A_1224 : vector<1x1x16xf32> to vector<16xf32>
      %broadcast_in_dim3A_1226 = vector.shape_cast %add3A_339 : vector<16xi32> to vector<16x1xi32>
      %gather3A_1227 = vector.shape_cast %broadcast_in_dim3A_1226 : vector<16x1xi32> to vector<16xi32>
      %gather3A_1228 = tpu.dynamic_gather %get3A_1225[%gather3A_1227] in [0] : vector<16xf32>, vector<16xi32> -> vector<16xf32>
      %eq3A_1229 = arith.constant 13 : i32
      %eq3A_1230 = vector.broadcast %eq3A_1229 : i32 to vector<16xi32>
      %eq3A_1231 = arith.cmpi eq, %iota3A, %eq3A_1230 : vector<16xi32>
      %select_n3A_1232 = arith.select %eq3A_1231, %gather3A_1228, %select_n3A_1218 : vector<16xi1>, vector<16xf32>
      %get3A_1233 = arith.constant 0 : i32
      %get3A_1234 = arith.constant 62 : i32
      %get3A_1235 = arith.index_cast %get3A_1233 : i32 to index
      %get3A_1236 = arith.index_cast %get3A_1234 : i32 to index
      %get3A_1237 = arith.index_cast %multiple_of3A : i32 to index
      %get3A_1238 = tpu.vector_load %arg5[%get3A_1235, %get3A_1236, %get3A_1237] {strides = array<i32>} : memref<1x64x512xf32, #tpu.memory_space<vmem>>, vector<1x1x16xf32>,
      %get3A_1239 = vector.shape_cast %get3A_1238 : vector<1x1x16xf32> to vector<16xf32>
      %broadcast_in_dim3A_1240 = vector.shape_cast %add3A_339 : vector<16xi32> to vector<16x1xi32>
      %gather3A_1241 = vector.shape_cast %broadcast_in_dim3A_1240 : vector<16x1xi32> to vector<16xi32>
      %gather3A_1242 = tpu.dynamic_gather %get3A_1239[%gather3A_1241] in [0] : vector<16xf32>, vector<16xi32> -> vector<16xf32>
      %eq3A_1243 = arith.constant 14 : i32
      %eq3A_1244 = vector.broadcast %eq3A_1243 : i32 to vector<16xi32>
      %eq3A_1245 = arith.cmpi eq, %iota3A, %eq3A_1244 : vector<16xi32>
      %select_n3A_1246 = arith.select %eq3A_1245, %gather3A_1242, %select_n3A_1232 : vector<16xi1>, vector<16xf32>
      %get3A_1247 = arith.constant 0 : i32
      %get3A_1248 = arith.constant 63 : i32
      %get3A_1249 = arith.index_cast %get3A_1247 : i32 to index
      %get3A_1250 = arith.index_cast %get3A_1248 : i32 to index
      %get3A_1251 = arith.index_cast %multiple_of3A : i32 to index
      %get3A_1252 = tpu.vector_load %arg5[%get3A_1249, %get3A_1250, %get3A_1251] {strides = array<i32>} : memref<1x64x512xf32, #tpu.memory_space<vmem>>, vector<1x1x16xf32>,
      %get3A_1253 = vector.shape_cast %get3A_1252 : vector<1x1x16xf32> to vector<16xf32>
      %broadcast_in_dim3A_1254 = vector.shape_cast %add3A_339 : vector<16xi32> to vector<16x1xi32>
      %gather3A_1255 = vector.shape_cast %broadcast_in_dim3A_1254 : vector<16x1xi32> to vector<16xi32>
      %gather3A_1256 = tpu.dynamic_gather %get3A_1253[%gather3A_1255] in [0] : vector<16xf32>, vector<16xi32> -> vector<16xf32>
      %eq3A_1257 = arith.constant 15 : i32
      %eq3A_1258 = vector.broadcast %eq3A_1257 : i32 to vector<16xi32>
      %eq3A_1259 = arith.cmpi eq, %iota3A, %eq3A_1258 : vector<16xi32>
      %select_n3A_1260 = arith.select %eq3A_1259, %gather3A_1256, %select_n3A_1246 : vector<16xi1>, vector<16xf32>
      %swap3A_1261 = arith.constant 0 : i32
      %swap3A_1262 = tpu.memref_slice %arg7[%swap3A_1261] : memref<128xf32, #tpu.memory_space<vmem>> -> memref<64xf32, #tpu.memory_space<vmem>>
      %swap3A_1263 = arith.constant 48 : index
      %swap3A_1264 = tpu.vector_load %swap3A_1262[%swap3A_1263] {strides = array<i32>} : memref<64xf32, #tpu.memory_space<vmem>>, vector<16xf32>,
      %swap3A_1265 = vector.shape_cast %swap3A_1264 : vector<16xf32> to vector<16xf32>
      %swap3A_1266 = vector.shape_cast %select_n3A_1260 : vector<16xf32> to vector<16xf32>
      tpu.vector_store %swap3A_1262[%swap3A_1263], %swap3A_1266 {strides = array<i32>} : memref<64xf32, #tpu.memory_space<vmem>>, vector<16xf32>,
      %add3A_1267 = arith.constant 2 : i32
      %add3A_1268 = arith.addi %add3A_51, %add3A_1267 : i32
      %min3A_1269 = arith.minsi %add3A_1268, %sub3A_7 : i32
      %dma_start3A_1270 = arith.constant 0 : i32
      %dma_start3A_1271 = arith.constant 0 : i32
      %dma_start3A_1272 = tpu.memref_slice %arg2[%min3A_1269, %dma_start3A_1270, %dma_start3A_1271] : memref<1024x64x512xf32, #tpu.memory_space<hbm>> -> memref<1x64x512xf32, #tpu.memory_space<hbm>>
      %dma_start3A_1273 = arith.constant 0 : i32
      %dma_start3A_1274 = arith.constant 0 : i32
      %dma_start3A_1275 = tpu.memref_slice %arg2[%min3A_1269, %dma_start3A_1273, %dma_start3A_1274] : memref<1024x64x512xf32, #tpu.memory_space<hbm>> -> memref<1x64x512xf32, #tpu.memory_space<hbm>>
      tpu.enqueue_dma source(%dma_start3A_1275 : memref<1x64x512xf32, #tpu.memory_space<hbm>>) target(%arg5 : memref<1x64x512xf32, #tpu.memory_space<vmem>>) target_semaphore(%arg9 : memref<!tpu.dma_semaphore, #tpu.memory_space<semaphore_mem>>)
      %dma_wait3A_1276 = arith.constant 0 : i32
      %dma_wait3A_1277 = arith.constant 0 : i32
      %dma_wait3A_1278 = arith.constant 0 : i32
      %dma_wait3A_1279 = tpu.memref_slice %arg2[%dma_wait3A_1276, %dma_wait3A_1277, %dma_wait3A_1278] : memref<1024x64x512xf32, #tpu.memory_space<hbm>> -> memref<1x64x512xf32, #tpu.memory_space<hbm>>
      %dma_wait3A_1280 = arith.constant 0 : i32
      %dma_wait3A_1281 = arith.constant 0 : i32
      %dma_wait3A_1282 = arith.constant 0 : i32
      %dma_wait3A_1283 = tpu.memref_slice %arg2[%dma_wait3A_1280, %dma_wait3A_1281, %dma_wait3A_1282] : memref<1024x64x512xf32, #tpu.memory_space<hbm>> -> memref<1x64x512xf32, #tpu.memory_space<hbm>>
      tpu.wait_dma2 semaphore(%arg10 : memref<!tpu.dma_semaphore, #tpu.memory_space<semaphore_mem>>) src(%dma_wait3A_1283 : memref<1x64x512xf32, #tpu.memory_space<hbm>>) dst(%arg6 : memref<1x64x512xf32, #tpu.memory_space<vmem>>)
      %broadcast_in_dim3A_1284 = arith.constant -1.000000e+00 : f32
      %broadcast_in_dim3A_1285 = vector.broadcast %broadcast_in_dim3A_1284 : f32 to vector<16xf32>
      %broadcast_in_dim3A_1286 = arith.constant 0 : i32
      %broadcast_in_dim3A_1287 = vector.broadcast %broadcast_in_dim3A_1286 : i32 to vector<16xi32>
      %scan3A_1288 = arith.constant 0 : i32
      %scan3A_1289 = arith.constant 32 : i32
      %scan3A_1290 = arith.addi %scan3A_1288, %scan3A_1289 : i32
      %scan3A_1291 = arith.constant 1 : i32
      %scan3A_1292:2 = scf.for %scan3A_2533 = %scan3A_1288 to %scan3A_1290 step %scan3A_1291 iter_args(%scan3A_2534 = %broadcast_in_dim3A_1285, %scan3A_2535 = %broadcast_in_dim3A_1287) -> (vector<16xf32>, vector<16xi32>)  : i32 {
        %mul3A_2536 = arith.constant 16 : i32
        %mul3A_2537 = arith.muli %scan3A_2533, %mul3A_2536 : i32
        %multiple_of3A_2538 = tpu.assume_multiple %mul3A_2537, 16 : i32
        %broadcast_in_dim3A_2539 = arith.constant 0.000000e+00 : f32
        %broadcast_in_dim3A_2540 = vector.broadcast %broadcast_in_dim3A_2539 : f32 to vector<16xf32>
        %broadcast_in_dim3A_2541 = arith.constant 0.000000e+00 : f32
        %broadcast_in_dim3A_2542 = vector.broadcast %broadcast_in_dim3A_2541 : f32 to vector<16xf32>
        %broadcast_in_dim3A_2543 = arith.constant 0.000000e+00 : f32
        %broadcast_in_dim3A_2544 = vector.broadcast %broadcast_in_dim3A_2543 : f32 to vector<16xf32>
        %broadcast_in_dim3A_2545 = arith.constant 0.000000e+00 : f32
        %broadcast_in_dim3A_2546 = vector.broadcast %broadcast_in_dim3A_2545 : f32 to vector<16xf32>
        %get3A_2547 = arith.constant 0 : i32
        %get3A_2548 = arith.constant 0 : i32
        %get3A_2549 = arith.index_cast %get3A_2547 : i32 to index
        %get3A_2550 = arith.index_cast %get3A_2548 : i32 to index
        %get3A_2551 = arith.index_cast %multiple_of3A_2538 : i32 to index
        %get3A_2552 = tpu.vector_load %arg6[%get3A_2549, %get3A_2550, %get3A_2551] {strides = array<i32>} : memref<1x64x512xf32, #tpu.memory_space<vmem>>, vector<1x1x16xf32>,
        %get3A_2553 = vector.shape_cast %get3A_2552 : vector<1x1x16xf32> to vector<16xf32>
        %get3A_2554 = arith.constant 0 : i32
        %get3A_2555 = arith.constant 1 : i32
        %get3A_2556 = arith.index_cast %get3A_2554 : i32 to index
        %get3A_2557 = arith.index_cast %get3A_2555 : i32 to index
        %get3A_2558 = arith.index_cast %multiple_of3A_2538 : i32 to index
        %get3A_2559 = tpu.vector_load %arg6[%get3A_2556, %get3A_2557, %get3A_2558] {strides = array<i32>} : memref<1x64x512xf32, #tpu.memory_space<vmem>>, vector<1x1x16xf32>,
        %get3A_2560 = vector.shape_cast %get3A_2559 : vector<1x1x16xf32> to vector<16xf32>
        %get3A_2561 = arith.constant 0 : i32
        %get3A_2562 = arith.constant 2 : i32
        %get3A_2563 = arith.index_cast %get3A_2561 : i32 to index
        %get3A_2564 = arith.index_cast %get3A_2562 : i32 to index
        %get3A_2565 = arith.index_cast %multiple_of3A_2538 : i32 to index
        %get3A_2566 = tpu.vector_load %arg6[%get3A_2563, %get3A_2564, %get3A_2565] {strides = array<i32>} : memref<1x64x512xf32, #tpu.memory_space<vmem>>, vector<1x1x16xf32>,
        %get3A_2567 = vector.shape_cast %get3A_2566 : vector<1x1x16xf32> to vector<16xf32>
        %get3A_2568 = arith.constant 0 : i32
        %get3A_2569 = arith.constant 3 : i32
        %get3A_2570 = arith.index_cast %get3A_2568 : i32 to index
        %get3A_2571 = arith.index_cast %get3A_2569 : i32 to index
        %get3A_2572 = arith.index_cast %multiple_of3A_2538 : i32 to index
        %get3A_2573 = tpu.vector_load %arg6[%get3A_2570, %get3A_2571, %get3A_2572] {strides = array<i32>} : memref<1x64x512xf32, #tpu.memory_space<vmem>>, vector<1x1x16xf32>,
        %get3A_2574 = vector.shape_cast %get3A_2573 : vector<1x1x16xf32> to vector<16xf32>
        %mul3A_2575 = arith.mulf %get3A_2553, %get3A_2553 : vector<16xf32>
        %add3A_2576 = arith.addf %broadcast_in_dim3A_2540, %mul3A_2575 : vector<16xf32>
        %mul3A_2577 = arith.mulf %get3A_2560, %get3A_2560 : vector<16xf32>
        %add3A_2578 = arith.addf %broadcast_in_dim3A_2542, %mul3A_2577 : vector<16xf32>
        %mul3A_2579 = arith.mulf %get3A_2567, %get3A_2567 : vector<16xf32>
        %add3A_2580 = arith.addf %broadcast_in_dim3A_2544, %mul3A_2579 : vector<16xf32>
        %mul3A_2581 = arith.mulf %get3A_2574, %get3A_2574 : vector<16xf32>
        %add3A_2582 = arith.addf %broadcast_in_dim3A_2546, %mul3A_2581 : vector<16xf32>
        %get3A_2583 = arith.constant 0 : i32
        %get3A_2584 = arith.constant 4 : i32
        %get3A_2585 = arith.index_cast %get3A_2583 : i32 to index
        %get3A_2586 = arith.index_cast %get3A_2584 : i32 to index
        %get3A_2587 = arith.index_cast %multiple_of3A_2538 : i32 to index
        %get3A_2588 = tpu.vector_load %arg6[%get3A_2585, %get3A_2586, %get3A_2587] {strides = array<i32>} : memref<1x64x512xf32, #tpu.memory_space<vmem>>, vector<1x1x16xf32>,
        %get3A_2589 = vector.shape_cast %get3A_2588 : vector<1x1x16xf32> to vector<16xf32>
        %get3A_2590 = arith.constant 0 : i32
        %get3A_2591 = arith.constant 5 : i32
        %get3A_2592 = arith.index_cast %get3A_2590 : i32 to index
        %get3A_2593 = arith.index_cast %get3A_2591 : i32 to index
        %get3A_2594 = arith.index_cast %multiple_of3A_2538 : i32 to index
        %get3A_2595 = tpu.vector_load %arg6[%get3A_2592, %get3A_2593, %get3A_2594] {strides = array<i32>} : memref<1x64x512xf32, #tpu.memory_space<vmem>>, vector<1x1x16xf32>,
        %get3A_2596 = vector.shape_cast %get3A_2595 : vector<1x1x16xf32> to vector<16xf32>
        %get3A_2597 = arith.constant 0 : i32
        %get3A_2598 = arith.constant 6 : i32
        %get3A_2599 = arith.index_cast %get3A_2597 : i32 to index
        %get3A_2600 = arith.index_cast %get3A_2598 : i32 to index
        %get3A_2601 = arith.index_cast %multiple_of3A_2538 : i32 to index
        %get3A_2602 = tpu.vector_load %arg6[%get3A_2599, %get3A_2600, %get3A_2601] {strides = array<i32>} : memref<1x64x512xf32, #tpu.memory_space<vmem>>, vector<1x1x16xf32>,
        %get3A_2603 = vector.shape_cast %get3A_2602 : vector<1x1x16xf32> to vector<16xf32>
        %get3A_2604 = arith.constant 0 : i32
        %get3A_2605 = arith.constant 7 : i32
        %get3A_2606 = arith.index_cast %get3A_2604 : i32 to index
        %get3A_2607 = arith.index_cast %get3A_2605 : i32 to index
        %get3A_2608 = arith.index_cast %multiple_of3A_2538 : i32 to index
        %get3A_2609 = tpu.vector_load %arg6[%get3A_2606, %get3A_2607, %get3A_2608] {strides = array<i32>} : memref<1x64x512xf32, #tpu.memory_space<vmem>>, vector<1x1x16xf32>,
        %get3A_2610 = vector.shape_cast %get3A_2609 : vector<1x1x16xf32> to vector<16xf32>
        %mul3A_2611 = arith.mulf %get3A_2589, %get3A_2589 : vector<16xf32>
        %add3A_2612 = arith.addf %add3A_2576, %mul3A_2611 : vector<16xf32>
        %mul3A_2613 = arith.mulf %get3A_2596, %get3A_2596 : vector<16xf32>
        %add3A_2614 = arith.addf %add3A_2578, %mul3A_2613 : vector<16xf32>
        %mul3A_2615 = arith.mulf %get3A_2603, %get3A_2603 : vector<16xf32>
        %add3A_2616 = arith.addf %add3A_2580, %mul3A_2615 : vector<16xf32>
        %mul3A_2617 = arith.mulf %get3A_2610, %get3A_2610 : vector<16xf32>
        %add3A_2618 = arith.addf %add3A_2582, %mul3A_2617 : vector<16xf32>
        %get3A_2619 = arith.constant 0 : i32
        %get3A_2620 = arith.constant 8 : i32
        %get3A_2621 = arith.index_cast %get3A_2619 : i32 to index
        %get3A_2622 = arith.index_cast %get3A_2620 : i32 to index
        %get3A_2623 = arith.index_cast %multiple_of3A_2538 : i32 to index
        %get3A_2624 = tpu.vector_load %arg6[%get3A_2621, %get3A_2622, %get3A_2623] {strides = array<i32>} : memref<1x64x512xf32, #tpu.memory_space<vmem>>, vector<1x1x16xf32>,
        %get3A_2625 = vector.shape_cast %get3A_2624 : vector<1x1x16xf32> to vector<16xf32>
        %get3A_2626 = arith.constant 0 : i32
        %get3A_2627 = arith.constant 9 : i32
        %get3A_2628 = arith.index_cast %get3A_2626 : i32 to index
        %get3A_2629 = arith.index_cast %get3A_2627 : i32 to index
        %get3A_2630 = arith.index_cast %multiple_of3A_2538 : i32 to index
        %get3A_2631 = tpu.vector_load %arg6[%get3A_2628, %get3A_2629, %get3A_2630] {strides = array<i32>} : memref<1x64x512xf32, #tpu.memory_space<vmem>>, vector<1x1x16xf32>,
        %get3A_2632 = vector.shape_cast %get3A_2631 : vector<1x1x16xf32> to vector<16xf32>
        %get3A_2633 = arith.constant 0 : i32
        %get3A_2634 = arith.constant 10 : i32
        %get3A_2635 = arith.index_cast %get3A_2633 : i32 to index
        %get3A_2636 = arith.index_cast %get3A_2634 : i32 to index
        %get3A_2637 = arith.index_cast %multiple_of3A_2538 : i32 to index
        %get3A_2638 = tpu.vector_load %arg6[%get3A_2635, %get3A_2636, %get3A_2637] {strides = array<i32>} : memref<1x64x512xf32, #tpu.memory_space<vmem>>, vector<1x1x16xf32>,
        %get3A_2639 = vector.shape_cast %get3A_2638 : vector<1x1x16xf32> to vector<16xf32>
        %get3A_2640 = arith.constant 0 : i32
        %get3A_2641 = arith.constant 11 : i32
        %get3A_2642 = arith.index_cast %get3A_2640 : i32 to index
        %get3A_2643 = arith.index_cast %get3A_2641 : i32 to index
        %get3A_2644 = arith.index_cast %multiple_of3A_2538 : i32 to index
        %get3A_2645 = tpu.vector_load %arg6[%get3A_2642, %get3A_2643, %get3A_2644] {strides = array<i32>} : memref<1x64x512xf32, #tpu.memory_space<vmem>>, vector<1x1x16xf32>,
        %get3A_2646 = vector.shape_cast %get3A_2645 : vector<1x1x16xf32> to vector<16xf32>
        %mul3A_2647 = arith.mulf %get3A_2625, %get3A_2625 : vector<16xf32>
        %add3A_2648 = arith.addf %add3A_2612, %mul3A_2647 : vector<16xf32>
        %mul3A_2649 = arith.mulf %get3A_2632, %get3A_2632 : vector<16xf32>
        %add3A_2650 = arith.addf %add3A_2614, %mul3A_2649 : vector<16xf32>
        %mul3A_2651 = arith.mulf %get3A_2639, %get3A_2639 : vector<16xf32>
        %add3A_2652 = arith.addf %add3A_2616, %mul3A_2651 : vector<16xf32>
        %mul3A_2653 = arith.mulf %get3A_2646, %get3A_2646 : vector<16xf32>
        %add3A_2654 = arith.addf %add3A_2618, %mul3A_2653 : vector<16xf32>
        %get3A_2655 = arith.constant 0 : i32
        %get3A_2656 = arith.constant 12 : i32
        %get3A_2657 = arith.index_cast %get3A_2655 : i32 to index
        %get3A_2658 = arith.index_cast %get3A_2656 : i32 to index
        %get3A_2659 = arith.index_cast %multiple_of3A_2538 : i32 to index
        %get3A_2660 = tpu.vector_load %arg6[%get3A_2657, %get3A_2658, %get3A_2659] {strides = array<i32>} : memref<1x64x512xf32, #tpu.memory_space<vmem>>, vector<1x1x16xf32>,
        %get3A_2661 = vector.shape_cast %get3A_2660 : vector<1x1x16xf32> to vector<16xf32>
        %get3A_2662 = arith.constant 0 : i32
        %get3A_2663 = arith.constant 13 : i32
        %get3A_2664 = arith.index_cast %get3A_2662 : i32 to index
        %get3A_2665 = arith.index_cast %get3A_2663 : i32 to index
        %get3A_2666 = arith.index_cast %multiple_of3A_2538 : i32 to index
        %get3A_2667 = tpu.vector_load %arg6[%get3A_2664, %get3A_2665, %get3A_2666] {strides = array<i32>} : memref<1x64x512xf32, #tpu.memory_space<vmem>>, vector<1x1x16xf32>,
        %get3A_2668 = vector.shape_cast %get3A_2667 : vector<1x1x16xf32> to vector<16xf32>
        %get3A_2669 = arith.constant 0 : i32
        %get3A_2670 = arith.constant 14 : i32
        %get3A_2671 = arith.index_cast %get3A_2669 : i32 to index
        %get3A_2672 = arith.index_cast %get3A_2670 : i32 to index
        %get3A_2673 = arith.index_cast %multiple_of3A_2538 : i32 to index
        %get3A_2674 = tpu.vector_load %arg6[%get3A_2671, %get3A_2672, %get3A_2673] {strides = array<i32>} : memref<1x64x512xf32, #tpu.memory_space<vmem>>, vector<1x1x16xf32>,
        %get3A_2675 = vector.shape_cast %get3A_2674 : vector<1x1x16xf32> to vector<16xf32>
        %get3A_2676 = arith.constant 0 : i32
        %get3A_2677 = arith.constant 15 : i32
        %get3A_2678 = arith.index_cast %get3A_2676 : i32 to index
        %get3A_2679 = arith.index_cast %get3A_2677 : i32 to index
        %get3A_2680 = arith.index_cast %multiple_of3A_2538 : i32 to index
        %get3A_2681 = tpu.vector_load %arg6[%get3A_2678, %get3A_2679, %get3A_2680] {strides = array<i32>} : memref<1x64x512xf32, #tpu.memory_space<vmem>>, vector<1x1x16xf32>,
        %get3A_2682 = vector.shape_cast %get3A_2681 : vector<1x1x16xf32> to vector<16xf32>
        %mul3A_2683 = arith.mulf %get3A_2661, %get3A_2661 : vector<16xf32>
        %add3A_2684 = arith.addf %add3A_2648, %mul3A_2683 : vector<16xf32>
        %mul3A_2685 = arith.mulf %get3A_2668, %get3A_2668 : vector<16xf32>
        %add3A_2686 = arith.addf %add3A_2650, %mul3A_2685 : vector<16xf32>
        %mul3A_2687 = arith.mulf %get3A_2675, %get3A_2675 : vector<16xf32>
        %add3A_2688 = arith.addf %add3A_2652, %mul3A_2687 : vector<16xf32>
        %mul3A_2689 = arith.mulf %get3A_2682, %get3A_2682 : vector<16xf32>
        %add3A_2690 = arith.addf %add3A_2654, %mul3A_2689 : vector<16xf32>
        %get3A_2691 = arith.constant 0 : i32
        %get3A_2692 = arith.constant 16 : i32
        %get3A_2693 = arith.index_cast %get3A_2691 : i32 to index
        %get3A_2694 = arith.index_cast %get3A_2692 : i32 to index
        %get3A_2695 = arith.index_cast %multiple_of3A_2538 : i32 to index
        %get3A_2696 = tpu.vector_load %arg6[%get3A_2693, %get3A_2694, %get3A_2695] {strides = array<i32>} : memref<1x64x512xf32, #tpu.memory_space<vmem>>, vector<1x1x16xf32>,
        %get3A_2697 = vector.shape_cast %get3A_2696 : vector<1x1x16xf32> to vector<16xf32>
        %get3A_2698 = arith.constant 0 : i32
        %get3A_2699 = arith.constant 17 : i32
        %get3A_2700 = arith.index_cast %get3A_2698 : i32 to index
        %get3A_2701 = arith.index_cast %get3A_2699 : i32 to index
        %get3A_2702 = arith.index_cast %multiple_of3A_2538 : i32 to index
        %get3A_2703 = tpu.vector_load %arg6[%get3A_2700, %get3A_2701, %get3A_2702] {strides = array<i32>} : memref<1x64x512xf32, #tpu.memory_space<vmem>>, vector<1x1x16xf32>,
        %get3A_2704 = vector.shape_cast %get3A_2703 : vector<1x1x16xf32> to vector<16xf32>
        %get3A_2705 = arith.constant 0 : i32
        %get3A_2706 = arith.constant 18 : i32
        %get3A_2707 = arith.index_cast %get3A_2705 : i32 to index
        %get3A_2708 = arith.index_cast %get3A_2706 : i32 to index
        %get3A_2709 = arith.index_cast %multiple_of3A_2538 : i32 to index
        %get3A_2710 = tpu.vector_load %arg6[%get3A_2707, %get3A_2708, %get3A_2709] {strides = array<i32>} : memref<1x64x512xf32, #tpu.memory_space<vmem>>, vector<1x1x16xf32>,
        %get3A_2711 = vector.shape_cast %get3A_2710 : vector<1x1x16xf32> to vector<16xf32>
        %get3A_2712 = arith.constant 0 : i32
        %get3A_2713 = arith.constant 19 : i32
        %get3A_2714 = arith.index_cast %get3A_2712 : i32 to index
        %get3A_2715 = arith.index_cast %get3A_2713 : i32 to index
        %get3A_2716 = arith.index_cast %multiple_of3A_2538 : i32 to index
        %get3A_2717 = tpu.vector_load %arg6[%get3A_2714, %get3A_2715, %get3A_2716] {strides = array<i32>} : memref<1x64x512xf32, #tpu.memory_space<vmem>>, vector<1x1x16xf32>,
        %get3A_2718 = vector.shape_cast %get3A_2717 : vector<1x1x16xf32> to vector<16xf32>
        %mul3A_2719 = arith.mulf %get3A_2697, %get3A_2697 : vector<16xf32>
        %add3A_2720 = arith.addf %add3A_2684, %mul3A_2719 : vector<16xf32>
        %mul3A_2721 = arith.mulf %get3A_2704, %get3A_2704 : vector<16xf32>
        %add3A_2722 = arith.addf %add3A_2686, %mul3A_2721 : vector<16xf32>
        %mul3A_2723 = arith.mulf %get3A_2711, %get3A_2711 : vector<16xf32>
        %add3A_2724 = arith.addf %add3A_2688, %mul3A_2723 : vector<16xf32>
        %mul3A_2725 = arith.mulf %get3A_2718, %get3A_2718 : vector<16xf32>
        %add3A_2726 = arith.addf %add3A_2690, %mul3A_2725 : vector<16xf32>
        %get3A_2727 = arith.constant 0 : i32
        %get3A_2728 = arith.constant 20 : i32
        %get3A_2729 = arith.index_cast %get3A_2727 : i32 to index
        %get3A_2730 = arith.index_cast %get3A_2728 : i32 to index
        %get3A_2731 = arith.index_cast %multiple_of3A_2538 : i32 to index
        %get3A_2732 = tpu.vector_load %arg6[%get3A_2729, %get3A_2730, %get3A_2731] {strides = array<i32>} : memref<1x64x512xf32, #tpu.memory_space<vmem>>, vector<1x1x16xf32>,
        %get3A_2733 = vector.shape_cast %get3A_2732 : vector<1x1x16xf32> to vector<16xf32>
        %get3A_2734 = arith.constant 0 : i32
        %get3A_2735 = arith.constant 21 : i32
        %get3A_2736 = arith.index_cast %get3A_2734 : i32 to index
        %get3A_2737 = arith.index_cast %get3A_2735 : i32 to index
        %get3A_2738 = arith.index_cast %multiple_of3A_2538 : i32 to index
        %get3A_2739 = tpu.vector_load %arg6[%get3A_2736, %get3A_2737, %get3A_2738] {strides = array<i32>} : memref<1x64x512xf32, #tpu.memory_space<vmem>>, vector<1x1x16xf32>,
        %get3A_2740 = vector.shape_cast %get3A_2739 : vector<1x1x16xf32> to vector<16xf32>
        %get3A_2741 = arith.constant 0 : i32
        %get3A_2742 = arith.constant 22 : i32
        %get3A_2743 = arith.index_cast %get3A_2741 : i32 to index
        %get3A_2744 = arith.index_cast %get3A_2742 : i32 to index
        %get3A_2745 = arith.index_cast %multiple_of3A_2538 : i32 to index
        %get3A_2746 = tpu.vector_load %arg6[%get3A_2743, %get3A_2744, %get3A_2745] {strides = array<i32>} : memref<1x64x512xf32, #tpu.memory_space<vmem>>, vector<1x1x16xf32>,
        %get3A_2747 = vector.shape_cast %get3A_2746 : vector<1x1x16xf32> to vector<16xf32>
        %get3A_2748 = arith.constant 0 : i32
        %get3A_2749 = arith.constant 23 : i32
        %get3A_2750 = arith.index_cast %get3A_2748 : i32 to index
        %get3A_2751 = arith.index_cast %get3A_2749 : i32 to index
        %get3A_2752 = arith.index_cast %multiple_of3A_2538 : i32 to index
        %get3A_2753 = tpu.vector_load %arg6[%get3A_2750, %get3A_2751, %get3A_2752] {strides = array<i32>} : memref<1x64x512xf32, #tpu.memory_space<vmem>>, vector<1x1x16xf32>,
        %get3A_2754 = vector.shape_cast %get3A_2753 : vector<1x1x16xf32> to vector<16xf32>
        %mul3A_2755 = arith.mulf %get3A_2733, %get3A_2733 : vector<16xf32>
        %add3A_2756 = arith.addf %add3A_2720, %mul3A_2755 : vector<16xf32>
        %mul3A_2757 = arith.mulf %get3A_2740, %get3A_2740 : vector<16xf32>
        %add3A_2758 = arith.addf %add3A_2722, %mul3A_2757 : vector<16xf32>
        %mul3A_2759 = arith.mulf %get3A_2747, %get3A_2747 : vector<16xf32>
        %add3A_2760 = arith.addf %add3A_2724, %mul3A_2759 : vector<16xf32>
        %mul3A_2761 = arith.mulf %get3A_2754, %get3A_2754 : vector<16xf32>
        %add3A_2762 = arith.addf %add3A_2726, %mul3A_2761 : vector<16xf32>
        %get3A_2763 = arith.constant 0 : i32
        %get3A_2764 = arith.constant 24 : i32
        %get3A_2765 = arith.index_cast %get3A_2763 : i32 to index
        %get3A_2766 = arith.index_cast %get3A_2764 : i32 to index
        %get3A_2767 = arith.index_cast %multiple_of3A_2538 : i32 to index
        %get3A_2768 = tpu.vector_load %arg6[%get3A_2765, %get3A_2766, %get3A_2767] {strides = array<i32>} : memref<1x64x512xf32, #tpu.memory_space<vmem>>, vector<1x1x16xf32>,
        %get3A_2769 = vector.shape_cast %get3A_2768 : vector<1x1x16xf32> to vector<16xf32>
        %get3A_2770 = arith.constant 0 : i32
        %get3A_2771 = arith.constant 25 : i32
        %get3A_2772 = arith.index_cast %get3A_2770 : i32 to index
        %get3A_2773 = arith.index_cast %get3A_2771 : i32 to index
        %get3A_2774 = arith.index_cast %multiple_of3A_2538 : i32 to index
        %get3A_2775 = tpu.vector_load %arg6[%get3A_2772, %get3A_2773, %get3A_2774] {strides = array<i32>} : memref<1x64x512xf32, #tpu.memory_space<vmem>>, vector<1x1x16xf32>,
        %get3A_2776 = vector.shape_cast %get3A_2775 : vector<1x1x16xf32> to vector<16xf32>
        %get3A_2777 = arith.constant 0 : i32
        %get3A_2778 = arith.constant 26 : i32
        %get3A_2779 = arith.index_cast %get3A_2777 : i32 to index
        %get3A_2780 = arith.index_cast %get3A_2778 : i32 to index
        %get3A_2781 = arith.index_cast %multiple_of3A_2538 : i32 to index
        %get3A_2782 = tpu.vector_load %arg6[%get3A_2779, %get3A_2780, %get3A_2781] {strides = array<i32>} : memref<1x64x512xf32, #tpu.memory_space<vmem>>, vector<1x1x16xf32>,
        %get3A_2783 = vector.shape_cast %get3A_2782 : vector<1x1x16xf32> to vector<16xf32>
        %get3A_2784 = arith.constant 0 : i32
        %get3A_2785 = arith.constant 27 : i32
        %get3A_2786 = arith.index_cast %get3A_2784 : i32 to index
        %get3A_2787 = arith.index_cast %get3A_2785 : i32 to index
        %get3A_2788 = arith.index_cast %multiple_of3A_2538 : i32 to index
        %get3A_2789 = tpu.vector_load %arg6[%get3A_2786, %get3A_2787, %get3A_2788] {strides = array<i32>} : memref<1x64x512xf32, #tpu.memory_space<vmem>>, vector<1x1x16xf32>,
        %get3A_2790 = vector.shape_cast %get3A_2789 : vector<1x1x16xf32> to vector<16xf32>
        %mul3A_2791 = arith.mulf %get3A_2769, %get3A_2769 : vector<16xf32>
        %add3A_2792 = arith.addf %add3A_2756, %mul3A_2791 : vector<16xf32>
        %mul3A_2793 = arith.mulf %get3A_2776, %get3A_2776 : vector<16xf32>
        %add3A_2794 = arith.addf %add3A_2758, %mul3A_2793 : vector<16xf32>
        %mul3A_2795 = arith.mulf %get3A_2783, %get3A_2783 : vector<16xf32>
        %add3A_2796 = arith.addf %add3A_2760, %mul3A_2795 : vector<16xf32>
        %mul3A_2797 = arith.mulf %get3A_2790, %get3A_2790 : vector<16xf32>
        %add3A_2798 = arith.addf %add3A_2762, %mul3A_2797 : vector<16xf32>
        %get3A_2799 = arith.constant 0 : i32
        %get3A_2800 = arith.constant 28 : i32
        %get3A_2801 = arith.index_cast %get3A_2799 : i32 to index
        %get3A_2802 = arith.index_cast %get3A_2800 : i32 to index
        %get3A_2803 = arith.index_cast %multiple_of3A_2538 : i32 to index
        %get3A_2804 = tpu.vector_load %arg6[%get3A_2801, %get3A_2802, %get3A_2803] {strides = array<i32>} : memref<1x64x512xf32, #tpu.memory_space<vmem>>, vector<1x1x16xf32>,
        %get3A_2805 = vector.shape_cast %get3A_2804 : vector<1x1x16xf32> to vector<16xf32>
        %get3A_2806 = arith.constant 0 : i32
        %get3A_2807 = arith.constant 29 : i32
        %get3A_2808 = arith.index_cast %get3A_2806 : i32 to index
        %get3A_2809 = arith.index_cast %get3A_2807 : i32 to index
        %get3A_2810 = arith.index_cast %multiple_of3A_2538 : i32 to index
        %get3A_2811 = tpu.vector_load %arg6[%get3A_2808, %get3A_2809, %get3A_2810] {strides = array<i32>} : memref<1x64x512xf32, #tpu.memory_space<vmem>>, vector<1x1x16xf32>,
        %get3A_2812 = vector.shape_cast %get3A_2811 : vector<1x1x16xf32> to vector<16xf32>
        %get3A_2813 = arith.constant 0 : i32
        %get3A_2814 = arith.constant 30 : i32
        %get3A_2815 = arith.index_cast %get3A_2813 : i32 to index
        %get3A_2816 = arith.index_cast %get3A_2814 : i32 to index
        %get3A_2817 = arith.index_cast %multiple_of3A_2538 : i32 to index
        %get3A_2818 = tpu.vector_load %arg6[%get3A_2815, %get3A_2816, %get3A_2817] {strides = array<i32>} : memref<1x64x512xf32, #tpu.memory_space<vmem>>, vector<1x1x16xf32>,
        %get3A_2819 = vector.shape_cast %get3A_2818 : vector<1x1x16xf32> to vector<16xf32>
        %get3A_2820 = arith.constant 0 : i32
        %get3A_2821 = arith.constant 31 : i32
        %get3A_2822 = arith.index_cast %get3A_2820 : i32 to index
        %get3A_2823 = arith.index_cast %get3A_2821 : i32 to index
        %get3A_2824 = arith.index_cast %multiple_of3A_2538 : i32 to index
        %get3A_2825 = tpu.vector_load %arg6[%get3A_2822, %get3A_2823, %get3A_2824] {strides = array<i32>} : memref<1x64x512xf32, #tpu.memory_space<vmem>>, vector<1x1x16xf32>,
        %get3A_2826 = vector.shape_cast %get3A_2825 : vector<1x1x16xf32> to vector<16xf32>
        %mul3A_2827 = arith.mulf %get3A_2805, %get3A_2805 : vector<16xf32>
        %add3A_2828 = arith.addf %add3A_2792, %mul3A_2827 : vector<16xf32>
        %mul3A_2829 = arith.mulf %get3A_2812, %get3A_2812 : vector<16xf32>
        %add3A_2830 = arith.addf %add3A_2794, %mul3A_2829 : vector<16xf32>
        %mul3A_2831 = arith.mulf %get3A_2819, %get3A_2819 : vector<16xf32>
        %add3A_2832 = arith.addf %add3A_2796, %mul3A_2831 : vector<16xf32>
        %mul3A_2833 = arith.mulf %get3A_2826, %get3A_2826 : vector<16xf32>
        %add3A_2834 = arith.addf %add3A_2798, %mul3A_2833 : vector<16xf32>
        %get3A_2835 = arith.constant 0 : i32
        %get3A_2836 = arith.constant 32 : i32
        %get3A_2837 = arith.index_cast %get3A_2835 : i32 to index
        %get3A_2838 = arith.index_cast %get3A_2836 : i32 to index
        %get3A_2839 = arith.index_cast %multiple_of3A_2538 : i32 to index
        %get3A_2840 = tpu.vector_load %arg6[%get3A_2837, %get3A_2838, %get3A_2839] {strides = array<i32>} : memref<1x64x512xf32, #tpu.memory_space<vmem>>, vector<1x1x16xf32>,
        %get3A_2841 = vector.shape_cast %get3A_2840 : vector<1x1x16xf32> to vector<16xf32>
        %get3A_2842 = arith.constant 0 : i32
        %get3A_2843 = arith.constant 33 : i32
        %get3A_2844 = arith.index_cast %get3A_2842 : i32 to index
        %get3A_2845 = arith.index_cast %get3A_2843 : i32 to index
        %get3A_2846 = arith.index_cast %multiple_of3A_2538 : i32 to index
        %get3A_2847 = tpu.vector_load %arg6[%get3A_2844, %get3A_2845, %get3A_2846] {strides = array<i32>} : memref<1x64x512xf32, #tpu.memory_space<vmem>>, vector<1x1x16xf32>,
        %get3A_2848 = vector.shape_cast %get3A_2847 : vector<1x1x16xf32> to vector<16xf32>
        %get3A_2849 = arith.constant 0 : i32
        %get3A_2850 = arith.constant 34 : i32
        %get3A_2851 = arith.index_cast %get3A_2849 : i32 to index
        %get3A_2852 = arith.index_cast %get3A_2850 : i32 to index
        %get3A_2853 = arith.index_cast %multiple_of3A_2538 : i32 to index
        %get3A_2854 = tpu.vector_load %arg6[%get3A_2851, %get3A_2852, %get3A_2853] {strides = array<i32>} : memref<1x64x512xf32, #tpu.memory_space<vmem>>, vector<1x1x16xf32>,
        %get3A_2855 = vector.shape_cast %get3A_2854 : vector<1x1x16xf32> to vector<16xf32>
        %get3A_2856 = arith.constant 0 : i32
        %get3A_2857 = arith.constant 35 : i32
        %get3A_2858 = arith.index_cast %get3A_2856 : i32 to index
        %get3A_2859 = arith.index_cast %get3A_2857 : i32 to index
        %get3A_2860 = arith.index_cast %multiple_of3A_2538 : i32 to index
        %get3A_2861 = tpu.vector_load %arg6[%get3A_2858, %get3A_2859, %get3A_2860] {strides = array<i32>} : memref<1x64x512xf32, #tpu.memory_space<vmem>>, vector<1x1x16xf32>,
        %get3A_2862 = vector.shape_cast %get3A_2861 : vector<1x1x16xf32> to vector<16xf32>
        %mul3A_2863 = arith.mulf %get3A_2841, %get3A_2841 : vector<16xf32>
        %add3A_2864 = arith.addf %add3A_2828, %mul3A_2863 : vector<16xf32>
        %mul3A_2865 = arith.mulf %get3A_2848, %get3A_2848 : vector<16xf32>
        %add3A_2866 = arith.addf %add3A_2830, %mul3A_2865 : vector<16xf32>
        %mul3A_2867 = arith.mulf %get3A_2855, %get3A_2855 : vector<16xf32>
        %add3A_2868 = arith.addf %add3A_2832, %mul3A_2867 : vector<16xf32>
        %mul3A_2869 = arith.mulf %get3A_2862, %get3A_2862 : vector<16xf32>
        %add3A_2870 = arith.addf %add3A_2834, %mul3A_2869 : vector<16xf32>
        %get3A_2871 = arith.constant 0 : i32
        %get3A_2872 = arith.constant 36 : i32
        %get3A_2873 = arith.index_cast %get3A_2871 : i32 to index
        %get3A_2874 = arith.index_cast %get3A_2872 : i32 to index
        %get3A_2875 = arith.index_cast %multiple_of3A_2538 : i32 to index
        %get3A_2876 = tpu.vector_load %arg6[%get3A_2873, %get3A_2874, %get3A_2875] {strides = array<i32>} : memref<1x64x512xf32, #tpu.memory_space<vmem>>, vector<1x1x16xf32>,
        %get3A_2877 = vector.shape_cast %get3A_2876 : vector<1x1x16xf32> to vector<16xf32>
        %get3A_2878 = arith.constant 0 : i32
        %get3A_2879 = arith.constant 37 : i32
        %get3A_2880 = arith.index_cast %get3A_2878 : i32 to index
        %get3A_2881 = arith.index_cast %get3A_2879 : i32 to index
        %get3A_2882 = arith.index_cast %multiple_of3A_2538 : i32 to index
        %get3A_2883 = tpu.vector_load %arg6[%get3A_2880, %get3A_2881, %get3A_2882] {strides = array<i32>} : memref<1x64x512xf32, #tpu.memory_space<vmem>>, vector<1x1x16xf32>,
        %get3A_2884 = vector.shape_cast %get3A_2883 : vector<1x1x16xf32> to vector<16xf32>
        %get3A_2885 = arith.constant 0 : i32
        %get3A_2886 = arith.constant 38 : i32
        %get3A_2887 = arith.index_cast %get3A_2885 : i32 to index
        %get3A_2888 = arith.index_cast %get3A_2886 : i32 to index
        %get3A_2889 = arith.index_cast %multiple_of3A_2538 : i32 to index
        %get3A_2890 = tpu.vector_load %arg6[%get3A_2887, %get3A_2888, %get3A_2889] {strides = array<i32>} : memref<1x64x512xf32, #tpu.memory_space<vmem>>, vector<1x1x16xf32>,
        %get3A_2891 = vector.shape_cast %get3A_2890 : vector<1x1x16xf32> to vector<16xf32>
        %get3A_2892 = arith.constant 0 : i32
        %get3A_2893 = arith.constant 39 : i32
        %get3A_2894 = arith.index_cast %get3A_2892 : i32 to index
        %get3A_2895 = arith.index_cast %get3A_2893 : i32 to index
        %get3A_2896 = arith.index_cast %multiple_of3A_2538 : i32 to index
        %get3A_2897 = tpu.vector_load %arg6[%get3A_2894, %get3A_2895, %get3A_2896] {strides = array<i32>} : memref<1x64x512xf32, #tpu.memory_space<vmem>>, vector<1x1x16xf32>,
        %get3A_2898 = vector.shape_cast %get3A_2897 : vector<1x1x16xf32> to vector<16xf32>
        %mul3A_2899 = arith.mulf %get3A_2877, %get3A_2877 : vector<16xf32>
        %add3A_2900 = arith.addf %add3A_2864, %mul3A_2899 : vector<16xf32>
        %mul3A_2901 = arith.mulf %get3A_2884, %get3A_2884 : vector<16xf32>
        %add3A_2902 = arith.addf %add3A_2866, %mul3A_2901 : vector<16xf32>
        %mul3A_2903 = arith.mulf %get3A_2891, %get3A_2891 : vector<16xf32>
        %add3A_2904 = arith.addf %add3A_2868, %mul3A_2903 : vector<16xf32>
        %mul3A_2905 = arith.mulf %get3A_2898, %get3A_2898 : vector<16xf32>
        %add3A_2906 = arith.addf %add3A_2870, %mul3A_2905 : vector<16xf32>
        %get3A_2907 = arith.constant 0 : i32
        %get3A_2908 = arith.constant 40 : i32
        %get3A_2909 = arith.index_cast %get3A_2907 : i32 to index
        %get3A_2910 = arith.index_cast %get3A_2908 : i32 to index
        %get3A_2911 = arith.index_cast %multiple_of3A_2538 : i32 to index
        %get3A_2912 = tpu.vector_load %arg6[%get3A_2909, %get3A_2910, %get3A_2911] {strides = array<i32>} : memref<1x64x512xf32, #tpu.memory_space<vmem>>, vector<1x1x16xf32>,
        %get3A_2913 = vector.shape_cast %get3A_2912 : vector<1x1x16xf32> to vector<16xf32>
        %get3A_2914 = arith.constant 0 : i32
        %get3A_2915 = arith.constant 41 : i32
        %get3A_2916 = arith.index_cast %get3A_2914 : i32 to index
        %get3A_2917 = arith.index_cast %get3A_2915 : i32 to index
        %get3A_2918 = arith.index_cast %multiple_of3A_2538 : i32 to index
        %get3A_2919 = tpu.vector_load %arg6[%get3A_2916, %get3A_2917, %get3A_2918] {strides = array<i32>} : memref<1x64x512xf32, #tpu.memory_space<vmem>>, vector<1x1x16xf32>,
        %get3A_2920 = vector.shape_cast %get3A_2919 : vector<1x1x16xf32> to vector<16xf32>
        %get3A_2921 = arith.constant 0 : i32
        %get3A_2922 = arith.constant 42 : i32
        %get3A_2923 = arith.index_cast %get3A_2921 : i32 to index
        %get3A_2924 = arith.index_cast %get3A_2922 : i32 to index
        %get3A_2925 = arith.index_cast %multiple_of3A_2538 : i32 to index
        %get3A_2926 = tpu.vector_load %arg6[%get3A_2923, %get3A_2924, %get3A_2925] {strides = array<i32>} : memref<1x64x512xf32, #tpu.memory_space<vmem>>, vector<1x1x16xf32>,
        %get3A_2927 = vector.shape_cast %get3A_2926 : vector<1x1x16xf32> to vector<16xf32>
        %get3A_2928 = arith.constant 0 : i32
        %get3A_2929 = arith.constant 43 : i32
        %get3A_2930 = arith.index_cast %get3A_2928 : i32 to index
        %get3A_2931 = arith.index_cast %get3A_2929 : i32 to index
        %get3A_2932 = arith.index_cast %multiple_of3A_2538 : i32 to index
        %get3A_2933 = tpu.vector_load %arg6[%get3A_2930, %get3A_2931, %get3A_2932] {strides = array<i32>} : memref<1x64x512xf32, #tpu.memory_space<vmem>>, vector<1x1x16xf32>,
        %get3A_2934 = vector.shape_cast %get3A_2933 : vector<1x1x16xf32> to vector<16xf32>
        %mul3A_2935 = arith.mulf %get3A_2913, %get3A_2913 : vector<16xf32>
        %add3A_2936 = arith.addf %add3A_2900, %mul3A_2935 : vector<16xf32>
        %mul3A_2937 = arith.mulf %get3A_2920, %get3A_2920 : vector<16xf32>
        %add3A_2938 = arith.addf %add3A_2902, %mul3A_2937 : vector<16xf32>
        %mul3A_2939 = arith.mulf %get3A_2927, %get3A_2927 : vector<16xf32>
        %add3A_2940 = arith.addf %add3A_2904, %mul3A_2939 : vector<16xf32>
        %mul3A_2941 = arith.mulf %get3A_2934, %get3A_2934 : vector<16xf32>
        %add3A_2942 = arith.addf %add3A_2906, %mul3A_2941 : vector<16xf32>
        %get3A_2943 = arith.constant 0 : i32
        %get3A_2944 = arith.constant 44 : i32
        %get3A_2945 = arith.index_cast %get3A_2943 : i32 to index
        %get3A_2946 = arith.index_cast %get3A_2944 : i32 to index
        %get3A_2947 = arith.index_cast %multiple_of3A_2538 : i32 to index
        %get3A_2948 = tpu.vector_load %arg6[%get3A_2945, %get3A_2946, %get3A_2947] {strides = array<i32>} : memref<1x64x512xf32, #tpu.memory_space<vmem>>, vector<1x1x16xf32>,
        %get3A_2949 = vector.shape_cast %get3A_2948 : vector<1x1x16xf32> to vector<16xf32>
        %get3A_2950 = arith.constant 0 : i32
        %get3A_2951 = arith.constant 45 : i32
        %get3A_2952 = arith.index_cast %get3A_2950 : i32 to index
        %get3A_2953 = arith.index_cast %get3A_2951 : i32 to index
        %get3A_2954 = arith.index_cast %multiple_of3A_2538 : i32 to index
        %get3A_2955 = tpu.vector_load %arg6[%get3A_2952, %get3A_2953, %get3A_2954] {strides = array<i32>} : memref<1x64x512xf32, #tpu.memory_space<vmem>>, vector<1x1x16xf32>,
        %get3A_2956 = vector.shape_cast %get3A_2955 : vector<1x1x16xf32> to vector<16xf32>
        %get3A_2957 = arith.constant 0 : i32
        %get3A_2958 = arith.constant 46 : i32
        %get3A_2959 = arith.index_cast %get3A_2957 : i32 to index
        %get3A_2960 = arith.index_cast %get3A_2958 : i32 to index
        %get3A_2961 = arith.index_cast %multiple_of3A_2538 : i32 to index
        %get3A_2962 = tpu.vector_load %arg6[%get3A_2959, %get3A_2960, %get3A_2961] {strides = array<i32>} : memref<1x64x512xf32, #tpu.memory_space<vmem>>, vector<1x1x16xf32>,
        %get3A_2963 = vector.shape_cast %get3A_2962 : vector<1x1x16xf32> to vector<16xf32>
        %get3A_2964 = arith.constant 0 : i32
        %get3A_2965 = arith.constant 47 : i32
        %get3A_2966 = arith.index_cast %get3A_2964 : i32 to index
        %get3A_2967 = arith.index_cast %get3A_2965 : i32 to index
        %get3A_2968 = arith.index_cast %multiple_of3A_2538 : i32 to index
        %get3A_2969 = tpu.vector_load %arg6[%get3A_2966, %get3A_2967, %get3A_2968] {strides = array<i32>} : memref<1x64x512xf32, #tpu.memory_space<vmem>>, vector<1x1x16xf32>,
        %get3A_2970 = vector.shape_cast %get3A_2969 : vector<1x1x16xf32> to vector<16xf32>
        %mul3A_2971 = arith.mulf %get3A_2949, %get3A_2949 : vector<16xf32>
        %add3A_2972 = arith.addf %add3A_2936, %mul3A_2971 : vector<16xf32>
        %mul3A_2973 = arith.mulf %get3A_2956, %get3A_2956 : vector<16xf32>
        %add3A_2974 = arith.addf %add3A_2938, %mul3A_2973 : vector<16xf32>
        %mul3A_2975 = arith.mulf %get3A_2963, %get3A_2963 : vector<16xf32>
        %add3A_2976 = arith.addf %add3A_2940, %mul3A_2975 : vector<16xf32>
        %mul3A_2977 = arith.mulf %get3A_2970, %get3A_2970 : vector<16xf32>
        %add3A_2978 = arith.addf %add3A_2942, %mul3A_2977 : vector<16xf32>
        %get3A_2979 = arith.constant 0 : i32
        %get3A_2980 = arith.constant 48 : i32
        %get3A_2981 = arith.index_cast %get3A_2979 : i32 to index
        %get3A_2982 = arith.index_cast %get3A_2980 : i32 to index
        %get3A_2983 = arith.index_cast %multiple_of3A_2538 : i32 to index
        %get3A_2984 = tpu.vector_load %arg6[%get3A_2981, %get3A_2982, %get3A_2983] {strides = array<i32>} : memref<1x64x512xf32, #tpu.memory_space<vmem>>, vector<1x1x16xf32>,
        %get3A_2985 = vector.shape_cast %get3A_2984 : vector<1x1x16xf32> to vector<16xf32>
        %get3A_2986 = arith.constant 0 : i32
        %get3A_2987 = arith.constant 49 : i32
        %get3A_2988 = arith.index_cast %get3A_2986 : i32 to index
        %get3A_2989 = arith.index_cast %get3A_2987 : i32 to index
        %get3A_2990 = arith.index_cast %multiple_of3A_2538 : i32 to index
        %get3A_2991 = tpu.vector_load %arg6[%get3A_2988, %get3A_2989, %get3A_2990] {strides = array<i32>} : memref<1x64x512xf32, #tpu.memory_space<vmem>>, vector<1x1x16xf32>,
        %get3A_2992 = vector.shape_cast %get3A_2991 : vector<1x1x16xf32> to vector<16xf32>
        %get3A_2993 = arith.constant 0 : i32
        %get3A_2994 = arith.constant 50 : i32
        %get3A_2995 = arith.index_cast %get3A_2993 : i32 to index
        %get3A_2996 = arith.index_cast %get3A_2994 : i32 to index
        %get3A_2997 = arith.index_cast %multiple_of3A_2538 : i32 to index
        %get3A_2998 = tpu.vector_load %arg6[%get3A_2995, %get3A_2996, %get3A_2997] {strides = array<i32>} : memref<1x64x512xf32, #tpu.memory_space<vmem>>, vector<1x1x16xf32>,
        %get3A_2999 = vector.shape_cast %get3A_2998 : vector<1x1x16xf32> to vector<16xf32>
        %get3A_3000 = arith.constant 0 : i32
        %get3A_3001 = arith.constant 51 : i32
        %get3A_3002 = arith.index_cast %get3A_3000 : i32 to index
        %get3A_3003 = arith.index_cast %get3A_3001 : i32 to index
        %get3A_3004 = arith.index_cast %multiple_of3A_2538 : i32 to index
        %get3A_3005 = tpu.vector_load %arg6[%get3A_3002, %get3A_3003, %get3A_3004] {strides = array<i32>} : memref<1x64x512xf32, #tpu.memory_space<vmem>>, vector<1x1x16xf32>,
        %get3A_3006 = vector.shape_cast %get3A_3005 : vector<1x1x16xf32> to vector<16xf32>
        %mul3A_3007 = arith.mulf %get3A_2985, %get3A_2985 : vector<16xf32>
        %add3A_3008 = arith.addf %add3A_2972, %mul3A_3007 : vector<16xf32>
        %mul3A_3009 = arith.mulf %get3A_2992, %get3A_2992 : vector<16xf32>
        %add3A_3010 = arith.addf %add3A_2974, %mul3A_3009 : vector<16xf32>
        %mul3A_3011 = arith.mulf %get3A_2999, %get3A_2999 : vector<16xf32>
        %add3A_3012 = arith.addf %add3A_2976, %mul3A_3011 : vector<16xf32>
        %mul3A_3013 = arith.mulf %get3A_3006, %get3A_3006 : vector<16xf32>
        %add3A_3014 = arith.addf %add3A_2978, %mul3A_3013 : vector<16xf32>
        %get3A_3015 = arith.constant 0 : i32
        %get3A_3016 = arith.constant 52 : i32
        %get3A_3017 = arith.index_cast %get3A_3015 : i32 to index
        %get3A_3018 = arith.index_cast %get3A_3016 : i32 to index
        %get3A_3019 = arith.index_cast %multiple_of3A_2538 : i32 to index
        %get3A_3020 = tpu.vector_load %arg6[%get3A_3017, %get3A_3018, %get3A_3019] {strides = array<i32>} : memref<1x64x512xf32, #tpu.memory_space<vmem>>, vector<1x1x16xf32>,
        %get3A_3021 = vector.shape_cast %get3A_3020 : vector<1x1x16xf32> to vector<16xf32>
        %get3A_3022 = arith.constant 0 : i32
        %get3A_3023 = arith.constant 53 : i32
        %get3A_3024 = arith.index_cast %get3A_3022 : i32 to index
        %get3A_3025 = arith.index_cast %get3A_3023 : i32 to index
        %get3A_3026 = arith.index_cast %multiple_of3A_2538 : i32 to index
        %get3A_3027 = tpu.vector_load %arg6[%get3A_3024, %get3A_3025, %get3A_3026] {strides = array<i32>} : memref<1x64x512xf32, #tpu.memory_space<vmem>>, vector<1x1x16xf32>,
        %get3A_3028 = vector.shape_cast %get3A_3027 : vector<1x1x16xf32> to vector<16xf32>
        %get3A_3029 = arith.constant 0 : i32
        %get3A_3030 = arith.constant 54 : i32
        %get3A_3031 = arith.index_cast %get3A_3029 : i32 to index
        %get3A_3032 = arith.index_cast %get3A_3030 : i32 to index
        %get3A_3033 = arith.index_cast %multiple_of3A_2538 : i32 to index
        %get3A_3034 = tpu.vector_load %arg6[%get3A_3031, %get3A_3032, %get3A_3033] {strides = array<i32>} : memref<1x64x512xf32, #tpu.memory_space<vmem>>, vector<1x1x16xf32>,
        %get3A_3035 = vector.shape_cast %get3A_3034 : vector<1x1x16xf32> to vector<16xf32>
        %get3A_3036 = arith.constant 0 : i32
        %get3A_3037 = arith.constant 55 : i32
        %get3A_3038 = arith.index_cast %get3A_3036 : i32 to index
        %get3A_3039 = arith.index_cast %get3A_3037 : i32 to index
        %get3A_3040 = arith.index_cast %multiple_of3A_2538 : i32 to index
        %get3A_3041 = tpu.vector_load %arg6[%get3A_3038, %get3A_3039, %get3A_3040] {strides = array<i32>} : memref<1x64x512xf32, #tpu.memory_space<vmem>>, vector<1x1x16xf32>,
        %get3A_3042 = vector.shape_cast %get3A_3041 : vector<1x1x16xf32> to vector<16xf32>
        %mul3A_3043 = arith.mulf %get3A_3021, %get3A_3021 : vector<16xf32>
        %add3A_3044 = arith.addf %add3A_3008, %mul3A_3043 : vector<16xf32>
        %mul3A_3045 = arith.mulf %get3A_3028, %get3A_3028 : vector<16xf32>
        %add3A_3046 = arith.addf %add3A_3010, %mul3A_3045 : vector<16xf32>
        %mul3A_3047 = arith.mulf %get3A_3035, %get3A_3035 : vector<16xf32>
        %add3A_3048 = arith.addf %add3A_3012, %mul3A_3047 : vector<16xf32>
        %mul3A_3049 = arith.mulf %get3A_3042, %get3A_3042 : vector<16xf32>
        %add3A_3050 = arith.addf %add3A_3014, %mul3A_3049 : vector<16xf32>
        %get3A_3051 = arith.constant 0 : i32
        %get3A_3052 = arith.constant 56 : i32
        %get3A_3053 = arith.index_cast %get3A_3051 : i32 to index
        %get3A_3054 = arith.index_cast %get3A_3052 : i32 to index
        %get3A_3055 = arith.index_cast %multiple_of3A_2538 : i32 to index
        %get3A_3056 = tpu.vector_load %arg6[%get3A_3053, %get3A_3054, %get3A_3055] {strides = array<i32>} : memref<1x64x512xf32, #tpu.memory_space<vmem>>, vector<1x1x16xf32>,
        %get3A_3057 = vector.shape_cast %get3A_3056 : vector<1x1x16xf32> to vector<16xf32>
        %get3A_3058 = arith.constant 0 : i32
        %get3A_3059 = arith.constant 57 : i32
        %get3A_3060 = arith.index_cast %get3A_3058 : i32 to index
        %get3A_3061 = arith.index_cast %get3A_3059 : i32 to index
        %get3A_3062 = arith.index_cast %multiple_of3A_2538 : i32 to index
        %get3A_3063 = tpu.vector_load %arg6[%get3A_3060, %get3A_3061, %get3A_3062] {strides = array<i32>} : memref<1x64x512xf32, #tpu.memory_space<vmem>>, vector<1x1x16xf32>,
        %get3A_3064 = vector.shape_cast %get3A_3063 : vector<1x1x16xf32> to vector<16xf32>
        %get3A_3065 = arith.constant 0 : i32
        %get3A_3066 = arith.constant 58 : i32
        %get3A_3067 = arith.index_cast %get3A_3065 : i32 to index
        %get3A_3068 = arith.index_cast %get3A_3066 : i32 to index
        %get3A_3069 = arith.index_cast %multiple_of3A_2538 : i32 to index
        %get3A_3070 = tpu.vector_load %arg6[%get3A_3067, %get3A_3068, %get3A_3069] {strides = array<i32>} : memref<1x64x512xf32, #tpu.memory_space<vmem>>, vector<1x1x16xf32>,
        %get3A_3071 = vector.shape_cast %get3A_3070 : vector<1x1x16xf32> to vector<16xf32>
        %get3A_3072 = arith.constant 0 : i32
        %get3A_3073 = arith.constant 59 : i32
        %get3A_3074 = arith.index_cast %get3A_3072 : i32 to index
        %get3A_3075 = arith.index_cast %get3A_3073 : i32 to index
        %get3A_3076 = arith.index_cast %multiple_of3A_2538 : i32 to index
        %get3A_3077 = tpu.vector_load %arg6[%get3A_3074, %get3A_3075, %get3A_3076] {strides = array<i32>} : memref<1x64x512xf32, #tpu.memory_space<vmem>>, vector<1x1x16xf32>,
        %get3A_3078 = vector.shape_cast %get3A_3077 : vector<1x1x16xf32> to vector<16xf32>
        %mul3A_3079 = arith.mulf %get3A_3057, %get3A_3057 : vector<16xf32>
        %add3A_3080 = arith.addf %add3A_3044, %mul3A_3079 : vector<16xf32>
        %mul3A_3081 = arith.mulf %get3A_3064, %get3A_3064 : vector<16xf32>
        %add3A_3082 = arith.addf %add3A_3046, %mul3A_3081 : vector<16xf32>
        %mul3A_3083 = arith.mulf %get3A_3071, %get3A_3071 : vector<16xf32>
        %add3A_3084 = arith.addf %add3A_3048, %mul3A_3083 : vector<16xf32>
        %mul3A_3085 = arith.mulf %get3A_3078, %get3A_3078 : vector<16xf32>
        %add3A_3086 = arith.addf %add3A_3050, %mul3A_3085 : vector<16xf32>
        %get3A_3087 = arith.constant 0 : i32
        %get3A_3088 = arith.constant 60 : i32
        %get3A_3089 = arith.index_cast %get3A_3087 : i32 to index
        %get3A_3090 = arith.index_cast %get3A_3088 : i32 to index
        %get3A_3091 = arith.index_cast %multiple_of3A_2538 : i32 to index
        %get3A_3092 = tpu.vector_load %arg6[%get3A_3089, %get3A_3090, %get3A_3091] {strides = array<i32>} : memref<1x64x512xf32, #tpu.memory_space<vmem>>, vector<1x1x16xf32>,
        %get3A_3093 = vector.shape_cast %get3A_3092 : vector<1x1x16xf32> to vector<16xf32>
        %get3A_3094 = arith.constant 0 : i32
        %get3A_3095 = arith.constant 61 : i32
        %get3A_3096 = arith.index_cast %get3A_3094 : i32 to index
        %get3A_3097 = arith.index_cast %get3A_3095 : i32 to index
        %get3A_3098 = arith.index_cast %multiple_of3A_2538 : i32 to index
        %get3A_3099 = tpu.vector_load %arg6[%get3A_3096, %get3A_3097, %get3A_3098] {strides = array<i32>} : memref<1x64x512xf32, #tpu.memory_space<vmem>>, vector<1x1x16xf32>,
        %get3A_3100 = vector.shape_cast %get3A_3099 : vector<1x1x16xf32> to vector<16xf32>
        %get3A_3101 = arith.constant 0 : i32
        %get3A_3102 = arith.constant 62 : i32
        %get3A_3103 = arith.index_cast %get3A_3101 : i32 to index
        %get3A_3104 = arith.index_cast %get3A_3102 : i32 to index
        %get3A_3105 = arith.index_cast %multiple_of3A_2538 : i32 to index
        %get3A_3106 = tpu.vector_load %arg6[%get3A_3103, %get3A_3104, %get3A_3105] {strides = array<i32>} : memref<1x64x512xf32, #tpu.memory_space<vmem>>, vector<1x1x16xf32>,
        %get3A_3107 = vector.shape_cast %get3A_3106 : vector<1x1x16xf32> to vector<16xf32>
        %get3A_3108 = arith.constant 0 : i32
        %get3A_3109 = arith.constant 63 : i32
        %get3A_3110 = arith.index_cast %get3A_3108 : i32 to index
        %get3A_3111 = arith.index_cast %get3A_3109 : i32 to index
        %get3A_3112 = arith.index_cast %multiple_of3A_2538 : i32 to index
        %get3A_3113 = tpu.vector_load %arg6[%get3A_3110, %get3A_3111, %get3A_3112] {strides = array<i32>} : memref<1x64x512xf32, #tpu.memory_space<vmem>>, vector<1x1x16xf32>,
        %get3A_3114 = vector.shape_cast %get3A_3113 : vector<1x1x16xf32> to vector<16xf32>
        %mul3A_3115 = arith.mulf %get3A_3093, %get3A_3093 : vector<16xf32>
        %add3A_3116 = arith.addf %add3A_3080, %mul3A_3115 : vector<16xf32>
        %mul3A_3117 = arith.mulf %get3A_3100, %get3A_3100 : vector<16xf32>
        %add3A_3118 = arith.addf %add3A_3082, %mul3A_3117 : vector<16xf32>
        %mul3A_3119 = arith.mulf %get3A_3107, %get3A_3107 : vector<16xf32>
        %add3A_3120 = arith.addf %add3A_3084, %mul3A_3119 : vector<16xf32>
        %mul3A_3121 = arith.mulf %get3A_3114, %get3A_3114 : vector<16xf32>
        %add3A_3122 = arith.addf %add3A_3086, %mul3A_3121 : vector<16xf32>
        %add3A_3123 = arith.addf %add3A_3116, %add3A_3118 : vector<16xf32>
        %add3A_3124 = arith.addf %add3A_3120, %add3A_3122 : vector<16xf32>
        %add3A_3125 = arith.addf %add3A_3123, %add3A_3124 : vector<16xf32>
        %gt3A = arith.cmpf ogt, %add3A_3125, %scan3A_2534 : vector<16xf32>
        %select_n3A_3126 = arith.select %gt3A, %add3A_3125, %scan3A_2534 : vector<16xi1>, vector<16xf32>
        %add3A_3127 = vector.broadcast %multiple_of3A_2538 : i32 to vector<16xi32>
        %add3A_3128 = arith.addi %add3A_3127, %iota3A : vector<16xi32>
        %select_n3A_3129 = arith.select %gt3A, %add3A_3128, %scan3A_2535 : vector<16xi1>, vector<16xi32>
        scf.yield %select_n3A_3126, %select_n3A_3129 : vector<16xf32>, vector<16xi32>
      }
      %scan3A_1293 = arith.constant 32 : i32
      %add3A_1294 = arith.constant 8 : i32
      %add3A_1295 = vector.broadcast %add3A_1294 : i32 to vector<16xi32>
      %add3A_1296 = arith.addi %iota3A, %add3A_1295 : vector<16xi32>
      %jit3A_1297 = arith.constant 16 : i32
      %eq3A_1298 = arith.constant 0 : i32
      %eq3A_1299 = arith.cmpi eq, %jit3A_1297, %eq3A_1298 : i32
      %jit3A_1300 = arith.constant 1 : i32
      %select_n3A_1301 = arith.select %eq3A_1299, %jit3A_1300, %jit3A_1297 : i32
      %rem3A_1302 = vector.broadcast %select_n3A_1301 : i32 to vector<16xi32>
      %rem3A_1303 = arith.remsi %add3A_1296, %rem3A_1302 : vector<16xi32>
      %ne3A_1304 = arith.constant 0 : i32
      %ne3A_1305 = vector.broadcast %ne3A_1304 : i32 to vector<16xi32>
      %ne3A_1306 = arith.cmpi ne, %rem3A_1303, %ne3A_1305 : vector<16xi32>
      %lt3A_1307 = arith.constant 0 : i32
      %lt3A_1308 = vector.broadcast %lt3A_1307 : i32 to vector<16xi32>
      %lt3A_1309 = arith.cmpi slt, %rem3A_1303, %lt3A_1308 : vector<16xi32>
      %lt3A_1310 = arith.constant 0 : i32
      %lt3A_1311 = arith.cmpi slt, %select_n3A_1301, %lt3A_1310 : i32
      %ne3A_1312 = vector.broadcast %lt3A_1311 : i1 to vector<16xi1>
      %ne3A_1313 = vector.broadcast %ne3A_1312 : vector<16xi1> to vector<16xi1>
      %ne3A_1314 = arith.xori %lt3A_1309, %ne3A_1313 : vector<16xi1>
      %and3A_1315 = arith.andi %ne3A_1314, %ne3A_1306 : vector<16xi1>
      %add3A_1316 = vector.broadcast %select_n3A_1301 : i32 to vector<16xi32>
      %add3A_1317 = arith.addi %rem3A_1303, %add3A_1316 : vector<16xi32>
      %select_n3A_1318 = arith.select %and3A_1315, %add3A_1317, %rem3A_1303 : vector<16xi1>, vector<16xi32>
      %broadcast_in_dim3A_1319 = vector.shape_cast %select_n3A_1318 : vector<16xi32> to vector<16x1xi32>
      %gather3A_1320 = vector.shape_cast %broadcast_in_dim3A_1319 : vector<16x1xi32> to vector<16xi32>
      %gather3A_1321 = tpu.dynamic_gather %scan3A_1292#0[%gather3A_1320] in [0] : vector<16xf32>, vector<16xi32> -> vector<16xf32>
      %max3A_1322 = arith.maximumf %scan3A_1292#0, %gather3A_1321 : vector<16xf32>
      %add3A_1323 = arith.constant 4 : i32
      %add3A_1324 = vector.broadcast %add3A_1323 : i32 to vector<16xi32>
      %add3A_1325 = arith.addi %iota3A, %add3A_1324 : vector<16xi32>
      %jit3A_1326 = arith.constant 16 : i32
      %eq3A_1327 = arith.constant 0 : i32
      %eq3A_1328 = arith.cmpi eq, %jit3A_1326, %eq3A_1327 : i32
      %jit3A_1329 = arith.constant 1 : i32
      %select_n3A_1330 = arith.select %eq3A_1328, %jit3A_1329, %jit3A_1326 : i32
      %rem3A_1331 = vector.broadcast %select_n3A_1330 : i32 to vector<16xi32>
      %rem3A_1332 = arith.remsi %add3A_1325, %rem3A_1331 : vector<16xi32>
      %ne3A_1333 = arith.constant 0 : i32
      %ne3A_1334 = vector.broadcast %ne3A_1333 : i32 to vector<16xi32>
      %ne3A_1335 = arith.cmpi ne, %rem3A_1332, %ne3A_1334 : vector<16xi32>
      %lt3A_1336 = arith.constant 0 : i32
      %lt3A_1337 = vector.broadcast %lt3A_1336 : i32 to vector<16xi32>
      %lt3A_1338 = arith.cmpi slt, %rem3A_1332, %lt3A_1337 : vector<16xi32>
      %lt3A_1339 = arith.constant 0 : i32
      %lt3A_1340 = arith.cmpi slt, %select_n3A_1330, %lt3A_1339 : i32
      %ne3A_1341 = vector.broadcast %lt3A_1340 : i1 to vector<16xi1>
      %ne3A_1342 = vector.broadcast %ne3A_1341 : vector<16xi1> to vector<16xi1>
      %ne3A_1343 = arith.xori %lt3A_1338, %ne3A_1342 : vector<16xi1>
      %and3A_1344 = arith.andi %ne3A_1343, %ne3A_1335 : vector<16xi1>
      %add3A_1345 = vector.broadcast %select_n3A_1330 : i32 to vector<16xi32>
      %add3A_1346 = arith.addi %rem3A_1332, %add3A_1345 : vector<16xi32>
      %select_n3A_1347 = arith.select %and3A_1344, %add3A_1346, %rem3A_1332 : vector<16xi1>, vector<16xi32>
      %broadcast_in_dim3A_1348 = vector.shape_cast %select_n3A_1347 : vector<16xi32> to vector<16x1xi32>
      %gather3A_1349 = vector.shape_cast %broadcast_in_dim3A_1348 : vector<16x1xi32> to vector<16xi32>
      %gather3A_1350 = tpu.dynamic_gather %max3A_1322[%gather3A_1349] in [0] : vector<16xf32>, vector<16xi32> -> vector<16xf32>
      %max3A_1351 = arith.maximumf %max3A_1322, %gather3A_1350 : vector<16xf32>
      %add3A_1352 = arith.constant 2 : i32
      %add3A_1353 = vector.broadcast %add3A_1352 : i32 to vector<16xi32>
      %add3A_1354 = arith.addi %iota3A, %add3A_1353 : vector<16xi32>
      %jit3A_1355 = arith.constant 16 : i32
      %eq3A_1356 = arith.constant 0 : i32
      %eq3A_1357 = arith.cmpi eq, %jit3A_1355, %eq3A_1356 : i32
      %jit3A_1358 = arith.constant 1 : i32
      %select_n3A_1359 = arith.select %eq3A_1357, %jit3A_1358, %jit3A_1355 : i32
      %rem3A_1360 = vector.broadcast %select_n3A_1359 : i32 to vector<16xi32>
      %rem3A_1361 = arith.remsi %add3A_1354, %rem3A_1360 : vector<16xi32>
      %ne3A_1362 = arith.constant 0 : i32
      %ne3A_1363 = vector.broadcast %ne3A_1362 : i32 to vector<16xi32>
      %ne3A_1364 = arith.cmpi ne, %rem3A_1361, %ne3A_1363 : vector<16xi32>
      %lt3A_1365 = arith.constant 0 : i32
      %lt3A_1366 = vector.broadcast %lt3A_1365 : i32 to vector<16xi32>
      %lt3A_1367 = arith.cmpi slt, %rem3A_1361, %lt3A_1366 : vector<16xi32>
      %lt3A_1368 = arith.constant 0 : i32
      %lt3A_1369 = arith.cmpi slt, %select_n3A_1359, %lt3A_1368 : i32
      %ne3A_1370 = vector.broadcast %lt3A_1369 : i1 to vector<16xi1>
      %ne3A_1371 = vector.broadcast %ne3A_1370 : vector<16xi1> to vector<16xi1>
      %ne3A_1372 = arith.xori %lt3A_1367, %ne3A_1371 : vector<16xi1>
      %and3A_1373 = arith.andi %ne3A_1372, %ne3A_1364 : vector<16xi1>
      %add3A_1374 = vector.broadcast %select_n3A_1359 : i32 to vector<16xi32>
      %add3A_1375 = arith.addi %rem3A_1361, %add3A_1374 : vector<16xi32>
      %select_n3A_1376 = arith.select %and3A_1373, %add3A_1375, %rem3A_1361 : vector<16xi1>, vector<16xi32>
      %broadcast_in_dim3A_1377 = vector.shape_cast %select_n3A_1376 : vector<16xi32> to vector<16x1xi32>
      %gather3A_1378 = vector.shape_cast %broadcast_in_dim3A_1377 : vector<16x1xi32> to vector<16xi32>
      %gather3A_1379 = tpu.dynamic_gather %max3A_1351[%gather3A_1378] in [0] : vector<16xf32>, vector<16xi32> -> vector<16xf32>
      %max3A_1380 = arith.maximumf %max3A_1351, %gather3A_1379 : vector<16xf32>
      %add3A_1381 = arith.constant 1 : i32
      %add3A_1382 = vector.broadcast %add3A_1381 : i32 to vector<16xi32>
      %add3A_1383 = arith.addi %iota3A, %add3A_1382 : vector<16xi32>
      %jit3A_1384 = arith.constant 16 : i32
      %eq3A_1385 = arith.constant 0 : i32
      %eq3A_1386 = arith.cmpi eq, %jit3A_1384, %eq3A_1385 : i32
      %jit3A_1387 = arith.constant 1 : i32
      %select_n3A_1388 = arith.select %eq3A_1386, %jit3A_1387, %jit3A_1384 : i32
      %rem3A_1389 = vector.broadcast %select_n3A_1388 : i32 to vector<16xi32>
      %rem3A_1390 = arith.remsi %add3A_1383, %rem3A_1389 : vector<16xi32>
      %ne3A_1391 = arith.constant 0 : i32
      %ne3A_1392 = vector.broadcast %ne3A_1391 : i32 to vector<16xi32>
      %ne3A_1393 = arith.cmpi ne, %rem3A_1390, %ne3A_1392 : vector<16xi32>
      %lt3A_1394 = arith.constant 0 : i32
      %lt3A_1395 = vector.broadcast %lt3A_1394 : i32 to vector<16xi32>
      %lt3A_1396 = arith.cmpi slt, %rem3A_1390, %lt3A_1395 : vector<16xi32>
      %lt3A_1397 = arith.constant 0 : i32
      %lt3A_1398 = arith.cmpi slt, %select_n3A_1388, %lt3A_1397 : i32
      %ne3A_1399 = vector.broadcast %lt3A_1398 : i1 to vector<16xi1>
      %ne3A_1400 = vector.broadcast %ne3A_1399 : vector<16xi1> to vector<16xi1>
      %ne3A_1401 = arith.xori %lt3A_1396, %ne3A_1400 : vector<16xi1>
      %and3A_1402 = arith.andi %ne3A_1401, %ne3A_1393 : vector<16xi1>
      %add3A_1403 = vector.broadcast %select_n3A_1388 : i32 to vector<16xi32>
      %add3A_1404 = arith.addi %rem3A_1390, %add3A_1403 : vector<16xi32>
      %select_n3A_1405 = arith.select %and3A_1402, %add3A_1404, %rem3A_1390 : vector<16xi1>, vector<16xi32>
      %broadcast_in_dim3A_1406 = vector.shape_cast %select_n3A_1405 : vector<16xi32> to vector<16x1xi32>
      %gather3A_1407 = vector.shape_cast %broadcast_in_dim3A_1406 : vector<16x1xi32> to vector<16xi32>
      %gather3A_1408 = tpu.dynamic_gather %max3A_1380[%gather3A_1407] in [0] : vector<16xf32>, vector<16xi32> -> vector<16xf32>
      %max3A_1409 = arith.maximumf %max3A_1380, %gather3A_1408 : vector<16xf32>
      %ge3A_1410 = arith.cmpf oge, %scan3A_1292#0, %max3A_1409 : vector<16xf32>
      %jit3A_1411 = arith.constant 512 : i32
      %broadcast_in_dim3A_1412 = vector.broadcast %jit3A_1411 : i32 to vector<16xi32>
      %select_n3A_1413 = arith.select %ge3A_1410, %scan3A_1292#1, %broadcast_in_dim3A_1412 : vector<16xi1>, vector<16xi32>
      %add3A_1414 = arith.constant 8 : i32
      %add3A_1415 = vector.broadcast %add3A_1414 : i32 to vector<16xi32>
      %add3A_1416 = arith.addi %iota3A, %add3A_1415 : vector<16xi32>
      %jit3A_1417 = arith.constant 16 : i32
      %eq3A_1418 = arith.constant 0 : i32
      %eq3A_1419 = arith.cmpi eq, %jit3A_1417, %eq3A_1418 : i32
      %jit3A_1420 = arith.constant 1 : i32
      %select_n3A_1421 = arith.select %eq3A_1419, %jit3A_1420, %jit3A_1417 : i32
      %rem3A_1422 = vector.broadcast %select_n3A_1421 : i32 to vector<16xi32>
      %rem3A_1423 = arith.remsi %add3A_1416, %rem3A_1422 : vector<16xi32>
      %ne3A_1424 = arith.constant 0 : i32
      %ne3A_1425 = vector.broadcast %ne3A_1424 : i32 to vector<16xi32>
      %ne3A_1426 = arith.cmpi ne, %rem3A_1423, %ne3A_1425 : vector<16xi32>
      %lt3A_1427 = arith.constant 0 : i32
      %lt3A_1428 = vector.broadcast %lt3A_1427 : i32 to vector<16xi32>
      %lt3A_1429 = arith.cmpi slt, %rem3A_1423, %lt3A_1428 : vector<16xi32>
      %lt3A_1430 = arith.constant 0 : i32
      %lt3A_1431 = arith.cmpi slt, %select_n3A_1421, %lt3A_1430 : i32
      %ne3A_1432 = vector.broadcast %lt3A_1431 : i1 to vector<16xi1>
      %ne3A_1433 = vector.broadcast %ne3A_1432 : vector<16xi1> to vector<16xi1>
      %ne3A_1434 = arith.xori %lt3A_1429, %ne3A_1433 : vector<16xi1>
      %and3A_1435 = arith.andi %ne3A_1434, %ne3A_1426 : vector<16xi1>
      %add3A_1436 = vector.broadcast %select_n3A_1421 : i32 to vector<16xi32>
      %add3A_1437 = arith.addi %rem3A_1423, %add3A_1436 : vector<16xi32>
      %select_n3A_1438 = arith.select %and3A_1435, %add3A_1437, %rem3A_1423 : vector<16xi1>, vector<16xi32>
      %broadcast_in_dim3A_1439 = vector.shape_cast %select_n3A_1438 : vector<16xi32> to vector<16x1xi32>
      %gather3A_1440 = vector.shape_cast %broadcast_in_dim3A_1439 : vector<16x1xi32> to vector<16xi32>
      %gather3A_1441 = tpu.dynamic_gather %select_n3A_1413[%gather3A_1440] in [0] : vector<16xi32>, vector<16xi32> -> vector<16xi32>
      %min3A_1442 = arith.minsi %select_n3A_1413, %gather3A_1441 : vector<16xi32>
      %add3A_1443 = arith.constant 4 : i32
      %add3A_1444 = vector.broadcast %add3A_1443 : i32 to vector<16xi32>
      %add3A_1445 = arith.addi %iota3A, %add3A_1444 : vector<16xi32>
      %jit3A_1446 = arith.constant 16 : i32
      %eq3A_1447 = arith.constant 0 : i32
      %eq3A_1448 = arith.cmpi eq, %jit3A_1446, %eq3A_1447 : i32
      %jit3A_1449 = arith.constant 1 : i32
      %select_n3A_1450 = arith.select %eq3A_1448, %jit3A_1449, %jit3A_1446 : i32
      %rem3A_1451 = vector.broadcast %select_n3A_1450 : i32 to vector<16xi32>
      %rem3A_1452 = arith.remsi %add3A_1445, %rem3A_1451 : vector<16xi32>
      %ne3A_1453 = arith.constant 0 : i32
      %ne3A_1454 = vector.broadcast %ne3A_1453 : i32 to vector<16xi32>
      %ne3A_1455 = arith.cmpi ne, %rem3A_1452, %ne3A_1454 : vector<16xi32>
      %lt3A_1456 = arith.constant 0 : i32
      %lt3A_1457 = vector.broadcast %lt3A_1456 : i32 to vector<16xi32>
      %lt3A_1458 = arith.cmpi slt, %rem3A_1452, %lt3A_1457 : vector<16xi32>
      %lt3A_1459 = arith.constant 0 : i32
      %lt3A_1460 = arith.cmpi slt, %select_n3A_1450, %lt3A_1459 : i32
      %ne3A_1461 = vector.broadcast %lt3A_1460 : i1 to vector<16xi1>
      %ne3A_1462 = vector.broadcast %ne3A_1461 : vector<16xi1> to vector<16xi1>
      %ne3A_1463 = arith.xori %lt3A_1458, %ne3A_1462 : vector<16xi1>
      %and3A_1464 = arith.andi %ne3A_1463, %ne3A_1455 : vector<16xi1>
      %add3A_1465 = vector.broadcast %select_n3A_1450 : i32 to vector<16xi32>
      %add3A_1466 = arith.addi %rem3A_1452, %add3A_1465 : vector<16xi32>
      %select_n3A_1467 = arith.select %and3A_1464, %add3A_1466, %rem3A_1452 : vector<16xi1>, vector<16xi32>
      %broadcast_in_dim3A_1468 = vector.shape_cast %select_n3A_1467 : vector<16xi32> to vector<16x1xi32>
      %gather3A_1469 = vector.shape_cast %broadcast_in_dim3A_1468 : vector<16x1xi32> to vector<16xi32>
      %gather3A_1470 = tpu.dynamic_gather %min3A_1442[%gather3A_1469] in [0] : vector<16xi32>, vector<16xi32> -> vector<16xi32>
      %min3A_1471 = arith.minsi %min3A_1442, %gather3A_1470 : vector<16xi32>
      %add3A_1472 = arith.constant 2 : i32
      %add3A_1473 = vector.broadcast %add3A_1472 : i32 to vector<16xi32>
      %add3A_1474 = arith.addi %iota3A, %add3A_1473 : vector<16xi32>
      %jit3A_1475 = arith.constant 16 : i32
      %eq3A_1476 = arith.constant 0 : i32
      %eq3A_1477 = arith.cmpi eq, %jit3A_1475, %eq3A_1476 : i32
      %jit3A_1478 = arith.constant 1 : i32
      %select_n3A_1479 = arith.select %eq3A_1477, %jit3A_1478, %jit3A_1475 : i32
      %rem3A_1480 = vector.broadcast %select_n3A_1479 : i32 to vector<16xi32>
      %rem3A_1481 = arith.remsi %add3A_1474, %rem3A_1480 : vector<16xi32>
      %ne3A_1482 = arith.constant 0 : i32
      %ne3A_1483 = vector.broadcast %ne3A_1482 : i32 to vector<16xi32>
      %ne3A_1484 = arith.cmpi ne, %rem3A_1481, %ne3A_1483 : vector<16xi32>
      %lt3A_1485 = arith.constant 0 : i32
      %lt3A_1486 = vector.broadcast %lt3A_1485 : i32 to vector<16xi32>
      %lt3A_1487 = arith.cmpi slt, %rem3A_1481, %lt3A_1486 : vector<16xi32>
      %lt3A_1488 = arith.constant 0 : i32
      %lt3A_1489 = arith.cmpi slt, %select_n3A_1479, %lt3A_1488 : i32
      %ne3A_1490 = vector.broadcast %lt3A_1489 : i1 to vector<16xi1>
      %ne3A_1491 = vector.broadcast %ne3A_1490 : vector<16xi1> to vector<16xi1>
      %ne3A_1492 = arith.xori %lt3A_1487, %ne3A_1491 : vector<16xi1>
      %and3A_1493 = arith.andi %ne3A_1492, %ne3A_1484 : vector<16xi1>
      %add3A_1494 = vector.broadcast %select_n3A_1479 : i32 to vector<16xi32>
      %add3A_1495 = arith.addi %rem3A_1481, %add3A_1494 : vector<16xi32>
      %select_n3A_1496 = arith.select %and3A_1493, %add3A_1495, %rem3A_1481 : vector<16xi1>, vector<16xi32>
      %broadcast_in_dim3A_1497 = vector.shape_cast %select_n3A_1496 : vector<16xi32> to vector<16x1xi32>
      %gather3A_1498 = vector.shape_cast %broadcast_in_dim3A_1497 : vector<16x1xi32> to vector<16xi32>
      %gather3A_1499 = tpu.dynamic_gather %min3A_1471[%gather3A_1498] in [0] : vector<16xi32>, vector<16xi32> -> vector<16xi32>
      %min3A_1500 = arith.minsi %min3A_1471, %gather3A_1499 : vector<16xi32>
      %add3A_1501 = arith.constant 1 : i32
      %add3A_1502 = vector.broadcast %add3A_1501 : i32 to vector<16xi32>
      %add3A_1503 = arith.addi %iota3A, %add3A_1502 : vector<16xi32>
      %jit3A_1504 = arith.constant 16 : i32
      %eq3A_1505 = arith.constant 0 : i32
      %eq3A_1506 = arith.cmpi eq, %jit3A_1504, %eq3A_1505 : i32
      %jit3A_1507 = arith.constant 1 : i32
      %select_n3A_1508 = arith.select %eq3A_1506, %jit3A_1507, %jit3A_1504 : i32
      %rem3A_1509 = vector.broadcast %select_n3A_1508 : i32 to vector<16xi32>
      %rem3A_1510 = arith.remsi %add3A_1503, %rem3A_1509 : vector<16xi32>
      %ne3A_1511 = arith.constant 0 : i32
      %ne3A_1512 = vector.broadcast %ne3A_1511 : i32 to vector<16xi32>
      %ne3A_1513 = arith.cmpi ne, %rem3A_1510, %ne3A_1512 : vector<16xi32>
      %lt3A_1514 = arith.constant 0 : i32
      %lt3A_1515 = vector.broadcast %lt3A_1514 : i32 to vector<16xi32>
      %lt3A_1516 = arith.cmpi slt, %rem3A_1510, %lt3A_1515 : vector<16xi32>
      %lt3A_1517 = arith.constant 0 : i32
      %lt3A_1518 = arith.cmpi slt, %select_n3A_1508, %lt3A_1517 : i32
      %ne3A_1519 = vector.broadcast %lt3A_1518 : i1 to vector<16xi1>
      %ne3A_1520 = vector.broadcast %ne3A_1519 : vector<16xi1> to vector<16xi1>
      %ne3A_1521 = arith.xori %lt3A_1516, %ne3A_1520 : vector<16xi1>
      %and3A_1522 = arith.andi %ne3A_1521, %ne3A_1513 : vector<16xi1>
      %add3A_1523 = vector.broadcast %select_n3A_1508 : i32 to vector<16xi32>
      %add3A_1524 = arith.addi %rem3A_1510, %add3A_1523 : vector<16xi32>
      %select_n3A_1525 = arith.select %and3A_1522, %add3A_1524, %rem3A_1510 : vector<16xi1>, vector<16xi32>
      %broadcast_in_dim3A_1526 = vector.shape_cast %select_n3A_1525 : vector<16xi32> to vector<16x1xi32>
      %gather3A_1527 = vector.shape_cast %broadcast_in_dim3A_1526 : vector<16x1xi32> to vector<16xi32>
      %gather3A_1528 = tpu.dynamic_gather %min3A_1500[%gather3A_1527] in [0] : vector<16xi32>, vector<16xi32> -> vector<16xi32>
      %min3A_1529 = arith.minsi %min3A_1500, %gather3A_1528 : vector<16xi32>
      %slice3A_1530 = vector.extract_strided_slice %min3A_1529 {offsets = [0], sizes = [1], strides = [1]} : vector<16xi32> to vector<1xi32>
      %squeeze3A_1531 = vector.extract %slice3A_1530[0] : i32 from vector<1xi32>
      %jit3A_1532 = arith.constant 16 : i32
      %div3A_1533 = arith.divsi %squeeze3A_1531, %jit3A_1532 : i32
      %sign3A_1534 = arith.constant 0 : i32
      %sign3A_1535 = arith.cmpi sgt, %squeeze3A_1531, %sign3A_1534 : i32
      %sign3A_1536 = arith.extui %sign3A_1535 : i1 to i32
      %sign3A_1537 = arith.constant 0 : i32
      %sign3A_1538 = arith.cmpi slt, %squeeze3A_1531, %sign3A_1537 : i32
      %sign3A_1539 = arith.extui %sign3A_1538 : i1 to i32
      %sign3A_1540 = arith.subi %sign3A_1536, %sign3A_1539 : i32
      %sign3A_1541 = arith.constant 0 : i32
      %sign3A_1542 = arith.cmpi sgt, %jit3A_1532, %sign3A_1541 : i32
      %sign3A_1543 = arith.extui %sign3A_1542 : i1 to i32
      %sign3A_1544 = arith.constant 0 : i32
      %sign3A_1545 = arith.cmpi slt, %jit3A_1532, %sign3A_1544 : i32
      %sign3A_1546 = arith.extui %sign3A_1545 : i1 to i32
      %sign3A_1547 = arith.subi %sign3A_1543, %sign3A_1546 : i32
      %ne3A_1548 = arith.cmpi ne, %sign3A_1540, %sign3A_1547 : i32
      %rem3A_1549 = arith.remsi %squeeze3A_1531, %jit3A_1532 : i32
      %ne3A_1550 = arith.constant 0 : i32
      %ne3A_1551 = arith.cmpi ne, %rem3A_1549, %ne3A_1550 : i32
      %and3A_1552 = arith.andi %ne3A_1548, %ne3A_1551 : i1
      %sub3A_1553 = arith.constant 1 : i32
      %sub3A_1554 = arith.subi %div3A_1533, %sub3A_1553 : i32
      %select_n3A_1555 = arith.select %and3A_1552, %sub3A_1554, %div3A_1533 : i32
      %mul3A_1556 = arith.constant 16 : i32
      %mul3A_1557 = arith.muli %select_n3A_1555, %mul3A_1556 : i32
      %multiple_of3A_1558 = tpu.assume_multiple %mul3A_1557, 16 : i32
      %mul3A_1559 = arith.constant 0 : i32
      %mul3A_1560 = vector.broadcast %mul3A_1559 : i32 to vector<16xi32>
      %mul3A_1561 = arith.muli %iota3A, %mul3A_1560 : vector<16xi32>
      %jit3A_1562 = arith.constant 16 : i32
      %eq3A_1563 = arith.constant 0 : i32
      %eq3A_1564 = arith.cmpi eq, %jit3A_1562, %eq3A_1563 : i32
      %jit3A_1565 = arith.constant 1 : i32
      %select_n3A_1566 = arith.select %eq3A_1564, %jit3A_1565, %jit3A_1562 : i32
      %rem3A_1567 = arith.remsi %squeeze3A_1531, %select_n3A_1566 : i32
      %ne3A_1568 = arith.constant 0 : i32
      %ne3A_1569 = arith.cmpi ne, %rem3A_1567, %ne3A_1568 : i32
      %lt3A_1570 = arith.constant 0 : i32
      %lt3A_1571 = arith.cmpi slt, %rem3A_1567, %lt3A_1570 : i32
      %lt3A_1572 = arith.constant 0 : i32
      %lt3A_1573 = arith.cmpi slt, %select_n3A_1566, %lt3A_1572 : i32
      %ne3A_1574 = arith.xori %lt3A_1571, %lt3A_1573 : i1
      %and3A_1575 = arith.andi %ne3A_1574, %ne3A_1569 : i1
      %add3A_1576 = arith.addi %rem3A_1567, %select_n3A_1566 : i32
      %select_n3A_1577 = arith.select %and3A_1575, %add3A_1576, %rem3A_1567 : i32
      %add3A_1578 = vector.broadcast %select_n3A_1577 : i32 to vector<16xi32>
      %add3A_1579 = arith.addi %mul3A_1561, %add3A_1578 : vector<16xi32>
      %broadcast_in_dim3A_1580 = arith.constant 0.000000e+00 : f32
      %broadcast_in_dim3A_1581 = vector.broadcast %broadcast_in_dim3A_1580 : f32 to vector<16xf32>
      %get3A_1582 = arith.constant 0 : i32
      %get3A_1583 = arith.constant 0 : i32
      %get3A_1584 = arith.index_cast %get3A_1582 : i32 to index
      %get3A_1585 = arith.index_cast %get3A_1583 : i32 to index
      %get3A_1586 = arith.index_cast %multiple_of3A_1558 : i32 to index
      %get3A_1587 = tpu.vector_load %arg6[%get3A_1584, %get3A_1585, %get3A_1586] {strides = array<i32>} : memref<1x64x512xf32, #tpu.memory_space<vmem>>, vector<1x1x16xf32>,
      %get3A_1588 = vector.shape_cast %get3A_1587 : vector<1x1x16xf32> to vector<16xf32>
      %broadcast_in_dim3A_1589 = vector.shape_cast %add3A_1579 : vector<16xi32> to vector<16x1xi32>
      %gather3A_1590 = vector.shape_cast %broadcast_in_dim3A_1589 : vector<16x1xi32> to vector<16xi32>
      %gather3A_1591 = tpu.dynamic_gather %get3A_1588[%gather3A_1590] in [0] : vector<16xf32>, vector<16xi32> -> vector<16xf32>
      %eq3A_1592 = arith.constant 0 : i32
      %eq3A_1593 = vector.broadcast %eq3A_1592 : i32 to vector<16xi32>
      %eq3A_1594 = arith.cmpi eq, %iota3A, %eq3A_1593 : vector<16xi32>
      %select_n3A_1595 = arith.select %eq3A_1594, %gather3A_1591, %broadcast_in_dim3A_1581 : vector<16xi1>, vector<16xf32>
      %get3A_1596 = arith.constant 0 : i32
      %get3A_1597 = arith.constant 1 : i32
      %get3A_1598 = arith.index_cast %get3A_1596 : i32 to index
      %get3A_1599 = arith.index_cast %get3A_1597 : i32 to index
      %get3A_1600 = arith.index_cast %multiple_of3A_1558 : i32 to index
      %get3A_1601 = tpu.vector_load %arg6[%get3A_1598, %get3A_1599, %get3A_1600] {strides = array<i32>} : memref<1x64x512xf32, #tpu.memory_space<vmem>>, vector<1x1x16xf32>,
      %get3A_1602 = vector.shape_cast %get3A_1601 : vector<1x1x16xf32> to vector<16xf32>
      %broadcast_in_dim3A_1603 = vector.shape_cast %add3A_1579 : vector<16xi32> to vector<16x1xi32>
      %gather3A_1604 = vector.shape_cast %broadcast_in_dim3A_1603 : vector<16x1xi32> to vector<16xi32>
      %gather3A_1605 = tpu.dynamic_gather %get3A_1602[%gather3A_1604] in [0] : vector<16xf32>, vector<16xi32> -> vector<16xf32>
      %eq3A_1606 = arith.constant 1 : i32
      %eq3A_1607 = vector.broadcast %eq3A_1606 : i32 to vector<16xi32>
      %eq3A_1608 = arith.cmpi eq, %iota3A, %eq3A_1607 : vector<16xi32>
      %select_n3A_1609 = arith.select %eq3A_1608, %gather3A_1605, %select_n3A_1595 : vector<16xi1>, vector<16xf32>
      %get3A_1610 = arith.constant 0 : i32
      %get3A_1611 = arith.constant 2 : i32
      %get3A_1612 = arith.index_cast %get3A_1610 : i32 to index
      %get3A_1613 = arith.index_cast %get3A_1611 : i32 to index
      %get3A_1614 = arith.index_cast %multiple_of3A_1558 : i32 to index
      %get3A_1615 = tpu.vector_load %arg6[%get3A_1612, %get3A_1613, %get3A_1614] {strides = array<i32>} : memref<1x64x512xf32, #tpu.memory_space<vmem>>, vector<1x1x16xf32>,
      %get3A_1616 = vector.shape_cast %get3A_1615 : vector<1x1x16xf32> to vector<16xf32>
      %broadcast_in_dim3A_1617 = vector.shape_cast %add3A_1579 : vector<16xi32> to vector<16x1xi32>
      %gather3A_1618 = vector.shape_cast %broadcast_in_dim3A_1617 : vector<16x1xi32> to vector<16xi32>
      %gather3A_1619 = tpu.dynamic_gather %get3A_1616[%gather3A_1618] in [0] : vector<16xf32>, vector<16xi32> -> vector<16xf32>
      %eq3A_1620 = arith.constant 2 : i32
      %eq3A_1621 = vector.broadcast %eq3A_1620 : i32 to vector<16xi32>
      %eq3A_1622 = arith.cmpi eq, %iota3A, %eq3A_1621 : vector<16xi32>
      %select_n3A_1623 = arith.select %eq3A_1622, %gather3A_1619, %select_n3A_1609 : vector<16xi1>, vector<16xf32>
      %get3A_1624 = arith.constant 0 : i32
      %get3A_1625 = arith.constant 3 : i32
      %get3A_1626 = arith.index_cast %get3A_1624 : i32 to index
      %get3A_1627 = arith.index_cast %get3A_1625 : i32 to index
      %get3A_1628 = arith.index_cast %multiple_of3A_1558 : i32 to index
      %get3A_1629 = tpu.vector_load %arg6[%get3A_1626, %get3A_1627, %get3A_1628] {strides = array<i32>} : memref<1x64x512xf32, #tpu.memory_space<vmem>>, vector<1x1x16xf32>,
      %get3A_1630 = vector.shape_cast %get3A_1629 : vector<1x1x16xf32> to vector<16xf32>
      %broadcast_in_dim3A_1631 = vector.shape_cast %add3A_1579 : vector<16xi32> to vector<16x1xi32>
      %gather3A_1632 = vector.shape_cast %broadcast_in_dim3A_1631 : vector<16x1xi32> to vector<16xi32>
      %gather3A_1633 = tpu.dynamic_gather %get3A_1630[%gather3A_1632] in [0] : vector<16xf32>, vector<16xi32> -> vector<16xf32>
      %eq3A_1634 = arith.constant 3 : i32
      %eq3A_1635 = vector.broadcast %eq3A_1634 : i32 to vector<16xi32>
      %eq3A_1636 = arith.cmpi eq, %iota3A, %eq3A_1635 : vector<16xi32>
      %select_n3A_1637 = arith.select %eq3A_1636, %gather3A_1633, %select_n3A_1623 : vector<16xi1>, vector<16xf32>
      %get3A_1638 = arith.constant 0 : i32
      %get3A_1639 = arith.constant 4 : i32
      %get3A_1640 = arith.index_cast %get3A_1638 : i32 to index
      %get3A_1641 = arith.index_cast %get3A_1639 : i32 to index
      %get3A_1642 = arith.index_cast %multiple_of3A_1558 : i32 to index
      %get3A_1643 = tpu.vector_load %arg6[%get3A_1640, %get3A_1641, %get3A_1642] {strides = array<i32>} : memref<1x64x512xf32, #tpu.memory_space<vmem>>, vector<1x1x16xf32>,
      %get3A_1644 = vector.shape_cast %get3A_1643 : vector<1x1x16xf32> to vector<16xf32>
      %broadcast_in_dim3A_1645 = vector.shape_cast %add3A_1579 : vector<16xi32> to vector<16x1xi32>
      %gather3A_1646 = vector.shape_cast %broadcast_in_dim3A_1645 : vector<16x1xi32> to vector<16xi32>
      %gather3A_1647 = tpu.dynamic_gather %get3A_1644[%gather3A_1646] in [0] : vector<16xf32>, vector<16xi32> -> vector<16xf32>
      %eq3A_1648 = arith.constant 4 : i32
      %eq3A_1649 = vector.broadcast %eq3A_1648 : i32 to vector<16xi32>
      %eq3A_1650 = arith.cmpi eq, %iota3A, %eq3A_1649 : vector<16xi32>
      %select_n3A_1651 = arith.select %eq3A_1650, %gather3A_1647, %select_n3A_1637 : vector<16xi1>, vector<16xf32>
      %get3A_1652 = arith.constant 0 : i32
      %get3A_1653 = arith.constant 5 : i32
      %get3A_1654 = arith.index_cast %get3A_1652 : i32 to index
      %get3A_1655 = arith.index_cast %get3A_1653 : i32 to index
      %get3A_1656 = arith.index_cast %multiple_of3A_1558 : i32 to index
      %get3A_1657 = tpu.vector_load %arg6[%get3A_1654, %get3A_1655, %get3A_1656] {strides = array<i32>} : memref<1x64x512xf32, #tpu.memory_space<vmem>>, vector<1x1x16xf32>,
      %get3A_1658 = vector.shape_cast %get3A_1657 : vector<1x1x16xf32> to vector<16xf32>
      %broadcast_in_dim3A_1659 = vector.shape_cast %add3A_1579 : vector<16xi32> to vector<16x1xi32>
      %gather3A_1660 = vector.shape_cast %broadcast_in_dim3A_1659 : vector<16x1xi32> to vector<16xi32>
      %gather3A_1661 = tpu.dynamic_gather %get3A_1658[%gather3A_1660] in [0] : vector<16xf32>, vector<16xi32> -> vector<16xf32>
      %eq3A_1662 = arith.constant 5 : i32
      %eq3A_1663 = vector.broadcast %eq3A_1662 : i32 to vector<16xi32>
      %eq3A_1664 = arith.cmpi eq, %iota3A, %eq3A_1663 : vector<16xi32>
      %select_n3A_1665 = arith.select %eq3A_1664, %gather3A_1661, %select_n3A_1651 : vector<16xi1>, vector<16xf32>
      %get3A_1666 = arith.constant 0 : i32
      %get3A_1667 = arith.constant 6 : i32
      %get3A_1668 = arith.index_cast %get3A_1666 : i32 to index
      %get3A_1669 = arith.index_cast %get3A_1667 : i32 to index
      %get3A_1670 = arith.index_cast %multiple_of3A_1558 : i32 to index
      %get3A_1671 = tpu.vector_load %arg6[%get3A_1668, %get3A_1669, %get3A_1670] {strides = array<i32>} : memref<1x64x512xf32, #tpu.memory_space<vmem>>, vector<1x1x16xf32>,
      %get3A_1672 = vector.shape_cast %get3A_1671 : vector<1x1x16xf32> to vector<16xf32>
      %broadcast_in_dim3A_1673 = vector.shape_cast %add3A_1579 : vector<16xi32> to vector<16x1xi32>
      %gather3A_1674 = vector.shape_cast %broadcast_in_dim3A_1673 : vector<16x1xi32> to vector<16xi32>
      %gather3A_1675 = tpu.dynamic_gather %get3A_1672[%gather3A_1674] in [0] : vector<16xf32>, vector<16xi32> -> vector<16xf32>
      %eq3A_1676 = arith.constant 6 : i32
      %eq3A_1677 = vector.broadcast %eq3A_1676 : i32 to vector<16xi32>
      %eq3A_1678 = arith.cmpi eq, %iota3A, %eq3A_1677 : vector<16xi32>
      %select_n3A_1679 = arith.select %eq3A_1678, %gather3A_1675, %select_n3A_1665 : vector<16xi1>, vector<16xf32>
      %get3A_1680 = arith.constant 0 : i32
      %get3A_1681 = arith.constant 7 : i32
      %get3A_1682 = arith.index_cast %get3A_1680 : i32 to index
      %get3A_1683 = arith.index_cast %get3A_1681 : i32 to index
      %get3A_1684 = arith.index_cast %multiple_of3A_1558 : i32 to index
      %get3A_1685 = tpu.vector_load %arg6[%get3A_1682, %get3A_1683, %get3A_1684] {strides = array<i32>} : memref<1x64x512xf32, #tpu.memory_space<vmem>>, vector<1x1x16xf32>,
      %get3A_1686 = vector.shape_cast %get3A_1685 : vector<1x1x16xf32> to vector<16xf32>
      %broadcast_in_dim3A_1687 = vector.shape_cast %add3A_1579 : vector<16xi32> to vector<16x1xi32>
      %gather3A_1688 = vector.shape_cast %broadcast_in_dim3A_1687 : vector<16x1xi32> to vector<16xi32>
      %gather3A_1689 = tpu.dynamic_gather %get3A_1686[%gather3A_1688] in [0] : vector<16xf32>, vector<16xi32> -> vector<16xf32>
      %eq3A_1690 = arith.constant 7 : i32
      %eq3A_1691 = vector.broadcast %eq3A_1690 : i32 to vector<16xi32>
      %eq3A_1692 = arith.cmpi eq, %iota3A, %eq3A_1691 : vector<16xi32>
      %select_n3A_1693 = arith.select %eq3A_1692, %gather3A_1689, %select_n3A_1679 : vector<16xi1>, vector<16xf32>
      %get3A_1694 = arith.constant 0 : i32
      %get3A_1695 = arith.constant 8 : i32
      %get3A_1696 = arith.index_cast %get3A_1694 : i32 to index
      %get3A_1697 = arith.index_cast %get3A_1695 : i32 to index
      %get3A_1698 = arith.index_cast %multiple_of3A_1558 : i32 to index
      %get3A_1699 = tpu.vector_load %arg6[%get3A_1696, %get3A_1697, %get3A_1698] {strides = array<i32>} : memref<1x64x512xf32, #tpu.memory_space<vmem>>, vector<1x1x16xf32>,
      %get3A_1700 = vector.shape_cast %get3A_1699 : vector<1x1x16xf32> to vector<16xf32>
      %broadcast_in_dim3A_1701 = vector.shape_cast %add3A_1579 : vector<16xi32> to vector<16x1xi32>
      %gather3A_1702 = vector.shape_cast %broadcast_in_dim3A_1701 : vector<16x1xi32> to vector<16xi32>
      %gather3A_1703 = tpu.dynamic_gather %get3A_1700[%gather3A_1702] in [0] : vector<16xf32>, vector<16xi32> -> vector<16xf32>
      %eq3A_1704 = arith.constant 8 : i32
      %eq3A_1705 = vector.broadcast %eq3A_1704 : i32 to vector<16xi32>
      %eq3A_1706 = arith.cmpi eq, %iota3A, %eq3A_1705 : vector<16xi32>
      %select_n3A_1707 = arith.select %eq3A_1706, %gather3A_1703, %select_n3A_1693 : vector<16xi1>, vector<16xf32>
      %get3A_1708 = arith.constant 0 : i32
      %get3A_1709 = arith.constant 9 : i32
      %get3A_1710 = arith.index_cast %get3A_1708 : i32 to index
      %get3A_1711 = arith.index_cast %get3A_1709 : i32 to index
      %get3A_1712 = arith.index_cast %multiple_of3A_1558 : i32 to index
      %get3A_1713 = tpu.vector_load %arg6[%get3A_1710, %get3A_1711, %get3A_1712] {strides = array<i32>} : memref<1x64x512xf32, #tpu.memory_space<vmem>>, vector<1x1x16xf32>,
      %get3A_1714 = vector.shape_cast %get3A_1713 : vector<1x1x16xf32> to vector<16xf32>
      %broadcast_in_dim3A_1715 = vector.shape_cast %add3A_1579 : vector<16xi32> to vector<16x1xi32>
      %gather3A_1716 = vector.shape_cast %broadcast_in_dim3A_1715 : vector<16x1xi32> to vector<16xi32>
      %gather3A_1717 = tpu.dynamic_gather %get3A_1714[%gather3A_1716] in [0] : vector<16xf32>, vector<16xi32> -> vector<16xf32>
      %eq3A_1718 = arith.constant 9 : i32
      %eq3A_1719 = vector.broadcast %eq3A_1718 : i32 to vector<16xi32>
      %eq3A_1720 = arith.cmpi eq, %iota3A, %eq3A_1719 : vector<16xi32>
      %select_n3A_1721 = arith.select %eq3A_1720, %gather3A_1717, %select_n3A_1707 : vector<16xi1>, vector<16xf32>
      %get3A_1722 = arith.constant 0 : i32
      %get3A_1723 = arith.constant 10 : i32
      %get3A_1724 = arith.index_cast %get3A_1722 : i32 to index
      %get3A_1725 = arith.index_cast %get3A_1723 : i32 to index
      %get3A_1726 = arith.index_cast %multiple_of3A_1558 : i32 to index
      %get3A_1727 = tpu.vector_load %arg6[%get3A_1724, %get3A_1725, %get3A_1726] {strides = array<i32>} : memref<1x64x512xf32, #tpu.memory_space<vmem>>, vector<1x1x16xf32>,
      %get3A_1728 = vector.shape_cast %get3A_1727 : vector<1x1x16xf32> to vector<16xf32>
      %broadcast_in_dim3A_1729 = vector.shape_cast %add3A_1579 : vector<16xi32> to vector<16x1xi32>
      %gather3A_1730 = vector.shape_cast %broadcast_in_dim3A_1729 : vector<16x1xi32> to vector<16xi32>
      %gather3A_1731 = tpu.dynamic_gather %get3A_1728[%gather3A_1730] in [0] : vector<16xf32>, vector<16xi32> -> vector<16xf32>
      %eq3A_1732 = arith.constant 10 : i32
      %eq3A_1733 = vector.broadcast %eq3A_1732 : i32 to vector<16xi32>
      %eq3A_1734 = arith.cmpi eq, %iota3A, %eq3A_1733 : vector<16xi32>
      %select_n3A_1735 = arith.select %eq3A_1734, %gather3A_1731, %select_n3A_1721 : vector<16xi1>, vector<16xf32>
      %get3A_1736 = arith.constant 0 : i32
      %get3A_1737 = arith.constant 11 : i32
      %get3A_1738 = arith.index_cast %get3A_1736 : i32 to index
      %get3A_1739 = arith.index_cast %get3A_1737 : i32 to index
      %get3A_1740 = arith.index_cast %multiple_of3A_1558 : i32 to index
      %get3A_1741 = tpu.vector_load %arg6[%get3A_1738, %get3A_1739, %get3A_1740] {strides = array<i32>} : memref<1x64x512xf32, #tpu.memory_space<vmem>>, vector<1x1x16xf32>,
      %get3A_1742 = vector.shape_cast %get3A_1741 : vector<1x1x16xf32> to vector<16xf32>
      %broadcast_in_dim3A_1743 = vector.shape_cast %add3A_1579 : vector<16xi32> to vector<16x1xi32>
      %gather3A_1744 = vector.shape_cast %broadcast_in_dim3A_1743 : vector<16x1xi32> to vector<16xi32>
      %gather3A_1745 = tpu.dynamic_gather %get3A_1742[%gather3A_1744] in [0] : vector<16xf32>, vector<16xi32> -> vector<16xf32>
      %eq3A_1746 = arith.constant 11 : i32
      %eq3A_1747 = vector.broadcast %eq3A_1746 : i32 to vector<16xi32>
      %eq3A_1748 = arith.cmpi eq, %iota3A, %eq3A_1747 : vector<16xi32>
      %select_n3A_1749 = arith.select %eq3A_1748, %gather3A_1745, %select_n3A_1735 : vector<16xi1>, vector<16xf32>
      %get3A_1750 = arith.constant 0 : i32
      %get3A_1751 = arith.constant 12 : i32
      %get3A_1752 = arith.index_cast %get3A_1750 : i32 to index
      %get3A_1753 = arith.index_cast %get3A_1751 : i32 to index
      %get3A_1754 = arith.index_cast %multiple_of3A_1558 : i32 to index
      %get3A_1755 = tpu.vector_load %arg6[%get3A_1752, %get3A_1753, %get3A_1754] {strides = array<i32>} : memref<1x64x512xf32, #tpu.memory_space<vmem>>, vector<1x1x16xf32>,
      %get3A_1756 = vector.shape_cast %get3A_1755 : vector<1x1x16xf32> to vector<16xf32>
      %broadcast_in_dim3A_1757 = vector.shape_cast %add3A_1579 : vector<16xi32> to vector<16x1xi32>
      %gather3A_1758 = vector.shape_cast %broadcast_in_dim3A_1757 : vector<16x1xi32> to vector<16xi32>
      %gather3A_1759 = tpu.dynamic_gather %get3A_1756[%gather3A_1758] in [0] : vector<16xf32>, vector<16xi32> -> vector<16xf32>
      %eq3A_1760 = arith.constant 12 : i32
      %eq3A_1761 = vector.broadcast %eq3A_1760 : i32 to vector<16xi32>
      %eq3A_1762 = arith.cmpi eq, %iota3A, %eq3A_1761 : vector<16xi32>
      %select_n3A_1763 = arith.select %eq3A_1762, %gather3A_1759, %select_n3A_1749 : vector<16xi1>, vector<16xf32>
      %get3A_1764 = arith.constant 0 : i32
      %get3A_1765 = arith.constant 13 : i32
      %get3A_1766 = arith.index_cast %get3A_1764 : i32 to index
      %get3A_1767 = arith.index_cast %get3A_1765 : i32 to index
      %get3A_1768 = arith.index_cast %multiple_of3A_1558 : i32 to index
      %get3A_1769 = tpu.vector_load %arg6[%get3A_1766, %get3A_1767, %get3A_1768] {strides = array<i32>} : memref<1x64x512xf32, #tpu.memory_space<vmem>>, vector<1x1x16xf32>,
      %get3A_1770 = vector.shape_cast %get3A_1769 : vector<1x1x16xf32> to vector<16xf32>
      %broadcast_in_dim3A_1771 = vector.shape_cast %add3A_1579 : vector<16xi32> to vector<16x1xi32>
      %gather3A_1772 = vector.shape_cast %broadcast_in_dim3A_1771 : vector<16x1xi32> to vector<16xi32>
      %gather3A_1773 = tpu.dynamic_gather %get3A_1770[%gather3A_1772] in [0] : vector<16xf32>, vector<16xi32> -> vector<16xf32>
      %eq3A_1774 = arith.constant 13 : i32
      %eq3A_1775 = vector.broadcast %eq3A_1774 : i32 to vector<16xi32>
      %eq3A_1776 = arith.cmpi eq, %iota3A, %eq3A_1775 : vector<16xi32>
      %select_n3A_1777 = arith.select %eq3A_1776, %gather3A_1773, %select_n3A_1763 : vector<16xi1>, vector<16xf32>
      %get3A_1778 = arith.constant 0 : i32
      %get3A_1779 = arith.constant 14 : i32
      %get3A_1780 = arith.index_cast %get3A_1778 : i32 to index
      %get3A_1781 = arith.index_cast %get3A_1779 : i32 to index
      %get3A_1782 = arith.index_cast %multiple_of3A_1558 : i32 to index
      %get3A_1783 = tpu.vector_load %arg6[%get3A_1780, %get3A_1781, %get3A_1782] {strides = array<i32>} : memref<1x64x512xf32, #tpu.memory_space<vmem>>, vector<1x1x16xf32>,
      %get3A_1784 = vector.shape_cast %get3A_1783 : vector<1x1x16xf32> to vector<16xf32>
      %broadcast_in_dim3A_1785 = vector.shape_cast %add3A_1579 : vector<16xi32> to vector<16x1xi32>
      %gather3A_1786 = vector.shape_cast %broadcast_in_dim3A_1785 : vector<16x1xi32> to vector<16xi32>
      %gather3A_1787 = tpu.dynamic_gather %get3A_1784[%gather3A_1786] in [0] : vector<16xf32>, vector<16xi32> -> vector<16xf32>
      %eq3A_1788 = arith.constant 14 : i32
      %eq3A_1789 = vector.broadcast %eq3A_1788 : i32 to vector<16xi32>
      %eq3A_1790 = arith.cmpi eq, %iota3A, %eq3A_1789 : vector<16xi32>
      %select_n3A_1791 = arith.select %eq3A_1790, %gather3A_1787, %select_n3A_1777 : vector<16xi1>, vector<16xf32>
      %get3A_1792 = arith.constant 0 : i32
      %get3A_1793 = arith.constant 15 : i32
      %get3A_1794 = arith.index_cast %get3A_1792 : i32 to index
      %get3A_1795 = arith.index_cast %get3A_1793 : i32 to index
      %get3A_1796 = arith.index_cast %multiple_of3A_1558 : i32 to index
      %get3A_1797 = tpu.vector_load %arg6[%get3A_1794, %get3A_1795, %get3A_1796] {strides = array<i32>} : memref<1x64x512xf32, #tpu.memory_space<vmem>>, vector<1x1x16xf32>,
      %get3A_1798 = vector.shape_cast %get3A_1797 : vector<1x1x16xf32> to vector<16xf32>
      %broadcast_in_dim3A_1799 = vector.shape_cast %add3A_1579 : vector<16xi32> to vector<16x1xi32>
      %gather3A_1800 = vector.shape_cast %broadcast_in_dim3A_1799 : vector<16x1xi32> to vector<16xi32>
      %gather3A_1801 = tpu.dynamic_gather %get3A_1798[%gather3A_1800] in [0] : vector<16xf32>, vector<16xi32> -> vector<16xf32>
      %eq3A_1802 = arith.constant 15 : i32
      %eq3A_1803 = vector.broadcast %eq3A_1802 : i32 to vector<16xi32>
      %eq3A_1804 = arith.cmpi eq, %iota3A, %eq3A_1803 : vector<16xi32>
      %select_n3A_1805 = arith.select %eq3A_1804, %gather3A_1801, %select_n3A_1791 : vector<16xi1>, vector<16xf32>
      %swap3A_1806 = arith.constant 64 : i32
      %swap3A_1807 = tpu.memref_slice %arg7[%swap3A_1806] : memref<128xf32, #tpu.memory_space<vmem>> -> memref<64xf32, #tpu.memory_space<vmem>>
      %swap3A_1808 = arith.constant 0 : index
      %swap3A_1809 = tpu.vector_load %swap3A_1807[%swap3A_1808] {strides = array<i32>} : memref<64xf32, #tpu.memory_space<vmem>>, vector<16xf32>,
      %swap3A_1810 = vector.shape_cast %swap3A_1809 : vector<16xf32> to vector<16xf32>
      %swap3A_1811 = vector.shape_cast %select_n3A_1805 : vector<16xf32> to vector<16xf32>
      tpu.vector_store %swap3A_1807[%swap3A_1808], %swap3A_1811 {strides = array<i32>} : memref<64xf32, #tpu.memory_space<vmem>>, vector<16xf32>,
      %broadcast_in_dim3A_1812 = arith.constant 0.000000e+00 : f32
      %broadcast_in_dim3A_1813 = vector.broadcast %broadcast_in_dim3A_1812 : f32 to vector<16xf32>
      %get3A_1814 = arith.constant 0 : i32
      %get3A_1815 = arith.constant 16 : i32
      %get3A_1816 = arith.index_cast %get3A_1814 : i32 to index
      %get3A_1817 = arith.index_cast %get3A_1815 : i32 to index
      %get3A_1818 = arith.index_cast %multiple_of3A_1558 : i32 to index
      %get3A_1819 = tpu.vector_load %arg6[%get3A_1816, %get3A_1817, %get3A_1818] {strides = array<i32>} : memref<1x64x512xf32, #tpu.memory_space<vmem>>, vector<1x1x16xf32>,
      %get3A_1820 = vector.shape_cast %get3A_1819 : vector<1x1x16xf32> to vector<16xf32>
      %broadcast_in_dim3A_1821 = vector.shape_cast %add3A_1579 : vector<16xi32> to vector<16x1xi32>
      %gather3A_1822 = vector.shape_cast %broadcast_in_dim3A_1821 : vector<16x1xi32> to vector<16xi32>
      %gather3A_1823 = tpu.dynamic_gather %get3A_1820[%gather3A_1822] in [0] : vector<16xf32>, vector<16xi32> -> vector<16xf32>
      %eq3A_1824 = arith.constant 0 : i32
      %eq3A_1825 = vector.broadcast %eq3A_1824 : i32 to vector<16xi32>
      %eq3A_1826 = arith.cmpi eq, %iota3A, %eq3A_1825 : vector<16xi32>
      %select_n3A_1827 = arith.select %eq3A_1826, %gather3A_1823, %broadcast_in_dim3A_1813 : vector<16xi1>, vector<16xf32>
      %get3A_1828 = arith.constant 0 : i32
      %get3A_1829 = arith.constant 17 : i32
      %get3A_1830 = arith.index_cast %get3A_1828 : i32 to index
      %get3A_1831 = arith.index_cast %get3A_1829 : i32 to index
      %get3A_1832 = arith.index_cast %multiple_of3A_1558 : i32 to index
      %get3A_1833 = tpu.vector_load %arg6[%get3A_1830, %get3A_1831, %get3A_1832] {strides = array<i32>} : memref<1x64x512xf32, #tpu.memory_space<vmem>>, vector<1x1x16xf32>,
      %get3A_1834 = vector.shape_cast %get3A_1833 : vector<1x1x16xf32> to vector<16xf32>
      %broadcast_in_dim3A_1835 = vector.shape_cast %add3A_1579 : vector<16xi32> to vector<16x1xi32>
      %gather3A_1836 = vector.shape_cast %broadcast_in_dim3A_1835 : vector<16x1xi32> to vector<16xi32>
      %gather3A_1837 = tpu.dynamic_gather %get3A_1834[%gather3A_1836] in [0] : vector<16xf32>, vector<16xi32> -> vector<16xf32>
      %eq3A_1838 = arith.constant 1 : i32
      %eq3A_1839 = vector.broadcast %eq3A_1838 : i32 to vector<16xi32>
      %eq3A_1840 = arith.cmpi eq, %iota3A, %eq3A_1839 : vector<16xi32>
      %select_n3A_1841 = arith.select %eq3A_1840, %gather3A_1837, %select_n3A_1827 : vector<16xi1>, vector<16xf32>
      %get3A_1842 = arith.constant 0 : i32
      %get3A_1843 = arith.constant 18 : i32
      %get3A_1844 = arith.index_cast %get3A_1842 : i32 to index
      %get3A_1845 = arith.index_cast %get3A_1843 : i32 to index
      %get3A_1846 = arith.index_cast %multiple_of3A_1558 : i32 to index
      %get3A_1847 = tpu.vector_load %arg6[%get3A_1844, %get3A_1845, %get3A_1846] {strides = array<i32>} : memref<1x64x512xf32, #tpu.memory_space<vmem>>, vector<1x1x16xf32>,
      %get3A_1848 = vector.shape_cast %get3A_1847 : vector<1x1x16xf32> to vector<16xf32>
      %broadcast_in_dim3A_1849 = vector.shape_cast %add3A_1579 : vector<16xi32> to vector<16x1xi32>
      %gather3A_1850 = vector.shape_cast %broadcast_in_dim3A_1849 : vector<16x1xi32> to vector<16xi32>
      %gather3A_1851 = tpu.dynamic_gather %get3A_1848[%gather3A_1850] in [0] : vector<16xf32>, vector<16xi32> -> vector<16xf32>
      %eq3A_1852 = arith.constant 2 : i32
      %eq3A_1853 = vector.broadcast %eq3A_1852 : i32 to vector<16xi32>
      %eq3A_1854 = arith.cmpi eq, %iota3A, %eq3A_1853 : vector<16xi32>
      %select_n3A_1855 = arith.select %eq3A_1854, %gather3A_1851, %select_n3A_1841 : vector<16xi1>, vector<16xf32>
      %get3A_1856 = arith.constant 0 : i32
      %get3A_1857 = arith.constant 19 : i32
      %get3A_1858 = arith.index_cast %get3A_1856 : i32 to index
      %get3A_1859 = arith.index_cast %get3A_1857 : i32 to index
      %get3A_1860 = arith.index_cast %multiple_of3A_1558 : i32 to index
      %get3A_1861 = tpu.vector_load %arg6[%get3A_1858, %get3A_1859, %get3A_1860] {strides = array<i32>} : memref<1x64x512xf32, #tpu.memory_space<vmem>>, vector<1x1x16xf32>,
      %get3A_1862 = vector.shape_cast %get3A_1861 : vector<1x1x16xf32> to vector<16xf32>
      %broadcast_in_dim3A_1863 = vector.shape_cast %add3A_1579 : vector<16xi32> to vector<16x1xi32>
      %gather3A_1864 = vector.shape_cast %broadcast_in_dim3A_1863 : vector<16x1xi32> to vector<16xi32>
      %gather3A_1865 = tpu.dynamic_gather %get3A_1862[%gather3A_1864] in [0] : vector<16xf32>, vector<16xi32> -> vector<16xf32>
      %eq3A_1866 = arith.constant 3 : i32
      %eq3A_1867 = vector.broadcast %eq3A_1866 : i32 to vector<16xi32>
      %eq3A_1868 = arith.cmpi eq, %iota3A, %eq3A_1867 : vector<16xi32>
      %select_n3A_1869 = arith.select %eq3A_1868, %gather3A_1865, %select_n3A_1855 : vector<16xi1>, vector<16xf32>
      %get3A_1870 = arith.constant 0 : i32
      %get3A_1871 = arith.constant 20 : i32
      %get3A_1872 = arith.index_cast %get3A_1870 : i32 to index
      %get3A_1873 = arith.index_cast %get3A_1871 : i32 to index
      %get3A_1874 = arith.index_cast %multiple_of3A_1558 : i32 to index
      %get3A_1875 = tpu.vector_load %arg6[%get3A_1872, %get3A_1873, %get3A_1874] {strides = array<i32>} : memref<1x64x512xf32, #tpu.memory_space<vmem>>, vector<1x1x16xf32>,
      %get3A_1876 = vector.shape_cast %get3A_1875 : vector<1x1x16xf32> to vector<16xf32>
      %broadcast_in_dim3A_1877 = vector.shape_cast %add3A_1579 : vector<16xi32> to vector<16x1xi32>
      %gather3A_1878 = vector.shape_cast %broadcast_in_dim3A_1877 : vector<16x1xi32> to vector<16xi32>
      %gather3A_1879 = tpu.dynamic_gather %get3A_1876[%gather3A_1878] in [0] : vector<16xf32>, vector<16xi32> -> vector<16xf32>
      %eq3A_1880 = arith.constant 4 : i32
      %eq3A_1881 = vector.broadcast %eq3A_1880 : i32 to vector<16xi32>
      %eq3A_1882 = arith.cmpi eq, %iota3A, %eq3A_1881 : vector<16xi32>
      %select_n3A_1883 = arith.select %eq3A_1882, %gather3A_1879, %select_n3A_1869 : vector<16xi1>, vector<16xf32>
      %get3A_1884 = arith.constant 0 : i32
      %get3A_1885 = arith.constant 21 : i32
      %get3A_1886 = arith.index_cast %get3A_1884 : i32 to index
      %get3A_1887 = arith.index_cast %get3A_1885 : i32 to index
      %get3A_1888 = arith.index_cast %multiple_of3A_1558 : i32 to index
      %get3A_1889 = tpu.vector_load %arg6[%get3A_1886, %get3A_1887, %get3A_1888] {strides = array<i32>} : memref<1x64x512xf32, #tpu.memory_space<vmem>>, vector<1x1x16xf32>,
      %get3A_1890 = vector.shape_cast %get3A_1889 : vector<1x1x16xf32> to vector<16xf32>
      %broadcast_in_dim3A_1891 = vector.shape_cast %add3A_1579 : vector<16xi32> to vector<16x1xi32>
      %gather3A_1892 = vector.shape_cast %broadcast_in_dim3A_1891 : vector<16x1xi32> to vector<16xi32>
      %gather3A_1893 = tpu.dynamic_gather %get3A_1890[%gather3A_1892] in [0] : vector<16xf32>, vector<16xi32> -> vector<16xf32>
      %eq3A_1894 = arith.constant 5 : i32
      %eq3A_1895 = vector.broadcast %eq3A_1894 : i32 to vector<16xi32>
      %eq3A_1896 = arith.cmpi eq, %iota3A, %eq3A_1895 : vector<16xi32>
      %select_n3A_1897 = arith.select %eq3A_1896, %gather3A_1893, %select_n3A_1883 : vector<16xi1>, vector<16xf32>
      %get3A_1898 = arith.constant 0 : i32
      %get3A_1899 = arith.constant 22 : i32
      %get3A_1900 = arith.index_cast %get3A_1898 : i32 to index
      %get3A_1901 = arith.index_cast %get3A_1899 : i32 to index
      %get3A_1902 = arith.index_cast %multiple_of3A_1558 : i32 to index
      %get3A_1903 = tpu.vector_load %arg6[%get3A_1900, %get3A_1901, %get3A_1902] {strides = array<i32>} : memref<1x64x512xf32, #tpu.memory_space<vmem>>, vector<1x1x16xf32>,
      %get3A_1904 = vector.shape_cast %get3A_1903 : vector<1x1x16xf32> to vector<16xf32>
      %broadcast_in_dim3A_1905 = vector.shape_cast %add3A_1579 : vector<16xi32> to vector<16x1xi32>
      %gather3A_1906 = vector.shape_cast %broadcast_in_dim3A_1905 : vector<16x1xi32> to vector<16xi32>
      %gather3A_1907 = tpu.dynamic_gather %get3A_1904[%gather3A_1906] in [0] : vector<16xf32>, vector<16xi32> -> vector<16xf32>
      %eq3A_1908 = arith.constant 6 : i32
      %eq3A_1909 = vector.broadcast %eq3A_1908 : i32 to vector<16xi32>
      %eq3A_1910 = arith.cmpi eq, %iota3A, %eq3A_1909 : vector<16xi32>
      %select_n3A_1911 = arith.select %eq3A_1910, %gather3A_1907, %select_n3A_1897 : vector<16xi1>, vector<16xf32>
      %get3A_1912 = arith.constant 0 : i32
      %get3A_1913 = arith.constant 23 : i32
      %get3A_1914 = arith.index_cast %get3A_1912 : i32 to index
      %get3A_1915 = arith.index_cast %get3A_1913 : i32 to index
      %get3A_1916 = arith.index_cast %multiple_of3A_1558 : i32 to index
      %get3A_1917 = tpu.vector_load %arg6[%get3A_1914, %get3A_1915, %get3A_1916] {strides = array<i32>} : memref<1x64x512xf32, #tpu.memory_space<vmem>>, vector<1x1x16xf32>,
      %get3A_1918 = vector.shape_cast %get3A_1917 : vector<1x1x16xf32> to vector<16xf32>
      %broadcast_in_dim3A_1919 = vector.shape_cast %add3A_1579 : vector<16xi32> to vector<16x1xi32>
      %gather3A_1920 = vector.shape_cast %broadcast_in_dim3A_1919 : vector<16x1xi32> to vector<16xi32>
      %gather3A_1921 = tpu.dynamic_gather %get3A_1918[%gather3A_1920] in [0] : vector<16xf32>, vector<16xi32> -> vector<16xf32>
      %eq3A_1922 = arith.constant 7 : i32
      %eq3A_1923 = vector.broadcast %eq3A_1922 : i32 to vector<16xi32>
      %eq3A_1924 = arith.cmpi eq, %iota3A, %eq3A_1923 : vector<16xi32>
      %select_n3A_1925 = arith.select %eq3A_1924, %gather3A_1921, %select_n3A_1911 : vector<16xi1>, vector<16xf32>
      %get3A_1926 = arith.constant 0 : i32
      %get3A_1927 = arith.constant 24 : i32
      %get3A_1928 = arith.index_cast %get3A_1926 : i32 to index
      %get3A_1929 = arith.index_cast %get3A_1927 : i32 to index
      %get3A_1930 = arith.index_cast %multiple_of3A_1558 : i32 to index
      %get3A_1931 = tpu.vector_load %arg6[%get3A_1928, %get3A_1929, %get3A_1930] {strides = array<i32>} : memref<1x64x512xf32, #tpu.memory_space<vmem>>, vector<1x1x16xf32>,
      %get3A_1932 = vector.shape_cast %get3A_1931 : vector<1x1x16xf32> to vector<16xf32>
      %broadcast_in_dim3A_1933 = vector.shape_cast %add3A_1579 : vector<16xi32> to vector<16x1xi32>
      %gather3A_1934 = vector.shape_cast %broadcast_in_dim3A_1933 : vector<16x1xi32> to vector<16xi32>
      %gather3A_1935 = tpu.dynamic_gather %get3A_1932[%gather3A_1934] in [0] : vector<16xf32>, vector<16xi32> -> vector<16xf32>
      %eq3A_1936 = arith.constant 8 : i32
      %eq3A_1937 = vector.broadcast %eq3A_1936 : i32 to vector<16xi32>
      %eq3A_1938 = arith.cmpi eq, %iota3A, %eq3A_1937 : vector<16xi32>
      %select_n3A_1939 = arith.select %eq3A_1938, %gather3A_1935, %select_n3A_1925 : vector<16xi1>, vector<16xf32>
      %get3A_1940 = arith.constant 0 : i32
      %get3A_1941 = arith.constant 25 : i32
      %get3A_1942 = arith.index_cast %get3A_1940 : i32 to index
      %get3A_1943 = arith.index_cast %get3A_1941 : i32 to index
      %get3A_1944 = arith.index_cast %multiple_of3A_1558 : i32 to index
      %get3A_1945 = tpu.vector_load %arg6[%get3A_1942, %get3A_1943, %get3A_1944] {strides = array<i32>} : memref<1x64x512xf32, #tpu.memory_space<vmem>>, vector<1x1x16xf32>,
      %get3A_1946 = vector.shape_cast %get3A_1945 : vector<1x1x16xf32> to vector<16xf32>
      %broadcast_in_dim3A_1947 = vector.shape_cast %add3A_1579 : vector<16xi32> to vector<16x1xi32>
      %gather3A_1948 = vector.shape_cast %broadcast_in_dim3A_1947 : vector<16x1xi32> to vector<16xi32>
      %gather3A_1949 = tpu.dynamic_gather %get3A_1946[%gather3A_1948] in [0] : vector<16xf32>, vector<16xi32> -> vector<16xf32>
      %eq3A_1950 = arith.constant 9 : i32
      %eq3A_1951 = vector.broadcast %eq3A_1950 : i32 to vector<16xi32>
      %eq3A_1952 = arith.cmpi eq, %iota3A, %eq3A_1951 : vector<16xi32>
      %select_n3A_1953 = arith.select %eq3A_1952, %gather3A_1949, %select_n3A_1939 : vector<16xi1>, vector<16xf32>
      %get3A_1954 = arith.constant 0 : i32
      %get3A_1955 = arith.constant 26 : i32
      %get3A_1956 = arith.index_cast %get3A_1954 : i32 to index
      %get3A_1957 = arith.index_cast %get3A_1955 : i32 to index
      %get3A_1958 = arith.index_cast %multiple_of3A_1558 : i32 to index
      %get3A_1959 = tpu.vector_load %arg6[%get3A_1956, %get3A_1957, %get3A_1958] {strides = array<i32>} : memref<1x64x512xf32, #tpu.memory_space<vmem>>, vector<1x1x16xf32>,
      %get3A_1960 = vector.shape_cast %get3A_1959 : vector<1x1x16xf32> to vector<16xf32>
      %broadcast_in_dim3A_1961 = vector.shape_cast %add3A_1579 : vector<16xi32> to vector<16x1xi32>
      %gather3A_1962 = vector.shape_cast %broadcast_in_dim3A_1961 : vector<16x1xi32> to vector<16xi32>
      %gather3A_1963 = tpu.dynamic_gather %get3A_1960[%gather3A_1962] in [0] : vector<16xf32>, vector<16xi32> -> vector<16xf32>
      %eq3A_1964 = arith.constant 10 : i32
      %eq3A_1965 = vector.broadcast %eq3A_1964 : i32 to vector<16xi32>
      %eq3A_1966 = arith.cmpi eq, %iota3A, %eq3A_1965 : vector<16xi32>
      %select_n3A_1967 = arith.select %eq3A_1966, %gather3A_1963, %select_n3A_1953 : vector<16xi1>, vector<16xf32>
      %get3A_1968 = arith.constant 0 : i32
      %get3A_1969 = arith.constant 27 : i32
      %get3A_1970 = arith.index_cast %get3A_1968 : i32 to index
      %get3A_1971 = arith.index_cast %get3A_1969 : i32 to index
      %get3A_1972 = arith.index_cast %multiple_of3A_1558 : i32 to index
      %get3A_1973 = tpu.vector_load %arg6[%get3A_1970, %get3A_1971, %get3A_1972] {strides = array<i32>} : memref<1x64x512xf32, #tpu.memory_space<vmem>>, vector<1x1x16xf32>,
      %get3A_1974 = vector.shape_cast %get3A_1973 : vector<1x1x16xf32> to vector<16xf32>
      %broadcast_in_dim3A_1975 = vector.shape_cast %add3A_1579 : vector<16xi32> to vector<16x1xi32>
      %gather3A_1976 = vector.shape_cast %broadcast_in_dim3A_1975 : vector<16x1xi32> to vector<16xi32>
      %gather3A_1977 = tpu.dynamic_gather %get3A_1974[%gather3A_1976] in [0] : vector<16xf32>, vector<16xi32> -> vector<16xf32>
      %eq3A_1978 = arith.constant 11 : i32
      %eq3A_1979 = vector.broadcast %eq3A_1978 : i32 to vector<16xi32>
      %eq3A_1980 = arith.cmpi eq, %iota3A, %eq3A_1979 : vector<16xi32>
      %select_n3A_1981 = arith.select %eq3A_1980, %gather3A_1977, %select_n3A_1967 : vector<16xi1>, vector<16xf32>
      %get3A_1982 = arith.constant 0 : i32
      %get3A_1983 = arith.constant 28 : i32
      %get3A_1984 = arith.index_cast %get3A_1982 : i32 to index
      %get3A_1985 = arith.index_cast %get3A_1983 : i32 to index
      %get3A_1986 = arith.index_cast %multiple_of3A_1558 : i32 to index
      %get3A_1987 = tpu.vector_load %arg6[%get3A_1984, %get3A_1985, %get3A_1986] {strides = array<i32>} : memref<1x64x512xf32, #tpu.memory_space<vmem>>, vector<1x1x16xf32>,
      %get3A_1988 = vector.shape_cast %get3A_1987 : vector<1x1x16xf32> to vector<16xf32>
      %broadcast_in_dim3A_1989 = vector.shape_cast %add3A_1579 : vector<16xi32> to vector<16x1xi32>
      %gather3A_1990 = vector.shape_cast %broadcast_in_dim3A_1989 : vector<16x1xi32> to vector<16xi32>
      %gather3A_1991 = tpu.dynamic_gather %get3A_1988[%gather3A_1990] in [0] : vector<16xf32>, vector<16xi32> -> vector<16xf32>
      %eq3A_1992 = arith.constant 12 : i32
      %eq3A_1993 = vector.broadcast %eq3A_1992 : i32 to vector<16xi32>
      %eq3A_1994 = arith.cmpi eq, %iota3A, %eq3A_1993 : vector<16xi32>
      %select_n3A_1995 = arith.select %eq3A_1994, %gather3A_1991, %select_n3A_1981 : vector<16xi1>, vector<16xf32>
      %get3A_1996 = arith.constant 0 : i32
      %get3A_1997 = arith.constant 29 : i32
      %get3A_1998 = arith.index_cast %get3A_1996 : i32 to index
      %get3A_1999 = arith.index_cast %get3A_1997 : i32 to index
      %get3A_2000 = arith.index_cast %multiple_of3A_1558 : i32 to index
      %get3A_2001 = tpu.vector_load %arg6[%get3A_1998, %get3A_1999, %get3A_2000] {strides = array<i32>} : memref<1x64x512xf32, #tpu.memory_space<vmem>>, vector<1x1x16xf32>,
      %get3A_2002 = vector.shape_cast %get3A_2001 : vector<1x1x16xf32> to vector<16xf32>
      %broadcast_in_dim3A_2003 = vector.shape_cast %add3A_1579 : vector<16xi32> to vector<16x1xi32>
      %gather3A_2004 = vector.shape_cast %broadcast_in_dim3A_2003 : vector<16x1xi32> to vector<16xi32>
      %gather3A_2005 = tpu.dynamic_gather %get3A_2002[%gather3A_2004] in [0] : vector<16xf32>, vector<16xi32> -> vector<16xf32>
      %eq3A_2006 = arith.constant 13 : i32
      %eq3A_2007 = vector.broadcast %eq3A_2006 : i32 to vector<16xi32>
      %eq3A_2008 = arith.cmpi eq, %iota3A, %eq3A_2007 : vector<16xi32>
      %select_n3A_2009 = arith.select %eq3A_2008, %gather3A_2005, %select_n3A_1995 : vector<16xi1>, vector<16xf32>
      %get3A_2010 = arith.constant 0 : i32
      %get3A_2011 = arith.constant 30 : i32
      %get3A_2012 = arith.index_cast %get3A_2010 : i32 to index
      %get3A_2013 = arith.index_cast %get3A_2011 : i32 to index
      %get3A_2014 = arith.index_cast %multiple_of3A_1558 : i32 to index
      %get3A_2015 = tpu.vector_load %arg6[%get3A_2012, %get3A_2013, %get3A_2014] {strides = array<i32>} : memref<1x64x512xf32, #tpu.memory_space<vmem>>, vector<1x1x16xf32>,
      %get3A_2016 = vector.shape_cast %get3A_2015 : vector<1x1x16xf32> to vector<16xf32>
      %broadcast_in_dim3A_2017 = vector.shape_cast %add3A_1579 : vector<16xi32> to vector<16x1xi32>
      %gather3A_2018 = vector.shape_cast %broadcast_in_dim3A_2017 : vector<16x1xi32> to vector<16xi32>
      %gather3A_2019 = tpu.dynamic_gather %get3A_2016[%gather3A_2018] in [0] : vector<16xf32>, vector<16xi32> -> vector<16xf32>
      %eq3A_2020 = arith.constant 14 : i32
      %eq3A_2021 = vector.broadcast %eq3A_2020 : i32 to vector<16xi32>
      %eq3A_2022 = arith.cmpi eq, %iota3A, %eq3A_2021 : vector<16xi32>
      %select_n3A_2023 = arith.select %eq3A_2022, %gather3A_2019, %select_n3A_2009 : vector<16xi1>, vector<16xf32>
      %get3A_2024 = arith.constant 0 : i32
      %get3A_2025 = arith.constant 31 : i32
      %get3A_2026 = arith.index_cast %get3A_2024 : i32 to index
      %get3A_2027 = arith.index_cast %get3A_2025 : i32 to index
      %get3A_2028 = arith.index_cast %multiple_of3A_1558 : i32 to index
      %get3A_2029 = tpu.vector_load %arg6[%get3A_2026, %get3A_2027, %get3A_2028] {strides = array<i32>} : memref<1x64x512xf32, #tpu.memory_space<vmem>>, vector<1x1x16xf32>,
      %get3A_2030 = vector.shape_cast %get3A_2029 : vector<1x1x16xf32> to vector<16xf32>
      %broadcast_in_dim3A_2031 = vector.shape_cast %add3A_1579 : vector<16xi32> to vector<16x1xi32>
      %gather3A_2032 = vector.shape_cast %broadcast_in_dim3A_2031 : vector<16x1xi32> to vector<16xi32>
      %gather3A_2033 = tpu.dynamic_gather %get3A_2030[%gather3A_2032] in [0] : vector<16xf32>, vector<16xi32> -> vector<16xf32>
      %eq3A_2034 = arith.constant 15 : i32
      %eq3A_2035 = vector.broadcast %eq3A_2034 : i32 to vector<16xi32>
      %eq3A_2036 = arith.cmpi eq, %iota3A, %eq3A_2035 : vector<16xi32>
      %select_n3A_2037 = arith.select %eq3A_2036, %gather3A_2033, %select_n3A_2023 : vector<16xi1>, vector<16xf32>
      %swap3A_2038 = arith.constant 64 : i32
      %swap3A_2039 = tpu.memref_slice %arg7[%swap3A_2038] : memref<128xf32, #tpu.memory_space<vmem>> -> memref<64xf32, #tpu.memory_space<vmem>>
      %swap3A_2040 = arith.constant 16 : index
      %swap3A_2041 = tpu.vector_load %swap3A_2039[%swap3A_2040] {strides = array<i32>} : memref<64xf32, #tpu.memory_space<vmem>>, vector<16xf32>,
      %swap3A_2042 = vector.shape_cast %swap3A_2041 : vector<16xf32> to vector<16xf32>
      %swap3A_2043 = vector.shape_cast %select_n3A_2037 : vector<16xf32> to vector<16xf32>
      tpu.vector_store %swap3A_2039[%swap3A_2040], %swap3A_2043 {strides = array<i32>} : memref<64xf32, #tpu.memory_space<vmem>>, vector<16xf32>,
      %broadcast_in_dim3A_2044 = arith.constant 0.000000e+00 : f32
      %broadcast_in_dim3A_2045 = vector.broadcast %broadcast_in_dim3A_2044 : f32 to vector<16xf32>
      %get3A_2046 = arith.constant 0 : i32
      %get3A_2047 = arith.constant 32 : i32
      %get3A_2048 = arith.index_cast %get3A_2046 : i32 to index
      %get3A_2049 = arith.index_cast %get3A_2047 : i32 to index
      %get3A_2050 = arith.index_cast %multiple_of3A_1558 : i32 to index
      %get3A_2051 = tpu.vector_load %arg6[%get3A_2048, %get3A_2049, %get3A_2050] {strides = array<i32>} : memref<1x64x512xf32, #tpu.memory_space<vmem>>, vector<1x1x16xf32>,
      %get3A_2052 = vector.shape_cast %get3A_2051 : vector<1x1x16xf32> to vector<16xf32>
      %broadcast_in_dim3A_2053 = vector.shape_cast %add3A_1579 : vector<16xi32> to vector<16x1xi32>
      %gather3A_2054 = vector.shape_cast %broadcast_in_dim3A_2053 : vector<16x1xi32> to vector<16xi32>
      %gather3A_2055 = tpu.dynamic_gather %get3A_2052[%gather3A_2054] in [0] : vector<16xf32>, vector<16xi32> -> vector<16xf32>
      %eq3A_2056 = arith.constant 0 : i32
      %eq3A_2057 = vector.broadcast %eq3A_2056 : i32 to vector<16xi32>
      %eq3A_2058 = arith.cmpi eq, %iota3A, %eq3A_2057 : vector<16xi32>
      %select_n3A_2059 = arith.select %eq3A_2058, %gather3A_2055, %broadcast_in_dim3A_2045 : vector<16xi1>, vector<16xf32>
      %get3A_2060 = arith.constant 0 : i32
      %get3A_2061 = arith.constant 33 : i32
      %get3A_2062 = arith.index_cast %get3A_2060 : i32 to index
      %get3A_2063 = arith.index_cast %get3A_2061 : i32 to index
      %get3A_2064 = arith.index_cast %multiple_of3A_1558 : i32 to index
      %get3A_2065 = tpu.vector_load %arg6[%get3A_2062, %get3A_2063, %get3A_2064] {strides = array<i32>} : memref<1x64x512xf32, #tpu.memory_space<vmem>>, vector<1x1x16xf32>,
      %get3A_2066 = vector.shape_cast %get3A_2065 : vector<1x1x16xf32> to vector<16xf32>
      %broadcast_in_dim3A_2067 = vector.shape_cast %add3A_1579 : vector<16xi32> to vector<16x1xi32>
      %gather3A_2068 = vector.shape_cast %broadcast_in_dim3A_2067 : vector<16x1xi32> to vector<16xi32>
      %gather3A_2069 = tpu.dynamic_gather %get3A_2066[%gather3A_2068] in [0] : vector<16xf32>, vector<16xi32> -> vector<16xf32>
      %eq3A_2070 = arith.constant 1 : i32
      %eq3A_2071 = vector.broadcast %eq3A_2070 : i32 to vector<16xi32>
      %eq3A_2072 = arith.cmpi eq, %iota3A, %eq3A_2071 : vector<16xi32>
      %select_n3A_2073 = arith.select %eq3A_2072, %gather3A_2069, %select_n3A_2059 : vector<16xi1>, vector<16xf32>
      %get3A_2074 = arith.constant 0 : i32
      %get3A_2075 = arith.constant 34 : i32
      %get3A_2076 = arith.index_cast %get3A_2074 : i32 to index
      %get3A_2077 = arith.index_cast %get3A_2075 : i32 to index
      %get3A_2078 = arith.index_cast %multiple_of3A_1558 : i32 to index
      %get3A_2079 = tpu.vector_load %arg6[%get3A_2076, %get3A_2077, %get3A_2078] {strides = array<i32>} : memref<1x64x512xf32, #tpu.memory_space<vmem>>, vector<1x1x16xf32>,
      %get3A_2080 = vector.shape_cast %get3A_2079 : vector<1x1x16xf32> to vector<16xf32>
      %broadcast_in_dim3A_2081 = vector.shape_cast %add3A_1579 : vector<16xi32> to vector<16x1xi32>
      %gather3A_2082 = vector.shape_cast %broadcast_in_dim3A_2081 : vector<16x1xi32> to vector<16xi32>
      %gather3A_2083 = tpu.dynamic_gather %get3A_2080[%gather3A_2082] in [0] : vector<16xf32>, vector<16xi32> -> vector<16xf32>
      %eq3A_2084 = arith.constant 2 : i32
      %eq3A_2085 = vector.broadcast %eq3A_2084 : i32 to vector<16xi32>
      %eq3A_2086 = arith.cmpi eq, %iota3A, %eq3A_2085 : vector<16xi32>
      %select_n3A_2087 = arith.select %eq3A_2086, %gather3A_2083, %select_n3A_2073 : vector<16xi1>, vector<16xf32>
      %get3A_2088 = arith.constant 0 : i32
      %get3A_2089 = arith.constant 35 : i32
      %get3A_2090 = arith.index_cast %get3A_2088 : i32 to index
      %get3A_2091 = arith.index_cast %get3A_2089 : i32 to index
      %get3A_2092 = arith.index_cast %multiple_of3A_1558 : i32 to index
      %get3A_2093 = tpu.vector_load %arg6[%get3A_2090, %get3A_2091, %get3A_2092] {strides = array<i32>} : memref<1x64x512xf32, #tpu.memory_space<vmem>>, vector<1x1x16xf32>,
      %get3A_2094 = vector.shape_cast %get3A_2093 : vector<1x1x16xf32> to vector<16xf32>
      %broadcast_in_dim3A_2095 = vector.shape_cast %add3A_1579 : vector<16xi32> to vector<16x1xi32>
      %gather3A_2096 = vector.shape_cast %broadcast_in_dim3A_2095 : vector<16x1xi32> to vector<16xi32>
      %gather3A_2097 = tpu.dynamic_gather %get3A_2094[%gather3A_2096] in [0] : vector<16xf32>, vector<16xi32> -> vector<16xf32>
      %eq3A_2098 = arith.constant 3 : i32
      %eq3A_2099 = vector.broadcast %eq3A_2098 : i32 to vector<16xi32>
      %eq3A_2100 = arith.cmpi eq, %iota3A, %eq3A_2099 : vector<16xi32>
      %select_n3A_2101 = arith.select %eq3A_2100, %gather3A_2097, %select_n3A_2087 : vector<16xi1>, vector<16xf32>
      %get3A_2102 = arith.constant 0 : i32
      %get3A_2103 = arith.constant 36 : i32
      %get3A_2104 = arith.index_cast %get3A_2102 : i32 to index
      %get3A_2105 = arith.index_cast %get3A_2103 : i32 to index
      %get3A_2106 = arith.index_cast %multiple_of3A_1558 : i32 to index
      %get3A_2107 = tpu.vector_load %arg6[%get3A_2104, %get3A_2105, %get3A_2106] {strides = array<i32>} : memref<1x64x512xf32, #tpu.memory_space<vmem>>, vector<1x1x16xf32>,
      %get3A_2108 = vector.shape_cast %get3A_2107 : vector<1x1x16xf32> to vector<16xf32>
      %broadcast_in_dim3A_2109 = vector.shape_cast %add3A_1579 : vector<16xi32> to vector<16x1xi32>
      %gather3A_2110 = vector.shape_cast %broadcast_in_dim3A_2109 : vector<16x1xi32> to vector<16xi32>
      %gather3A_2111 = tpu.dynamic_gather %get3A_2108[%gather3A_2110] in [0] : vector<16xf32>, vector<16xi32> -> vector<16xf32>
      %eq3A_2112 = arith.constant 4 : i32
      %eq3A_2113 = vector.broadcast %eq3A_2112 : i32 to vector<16xi32>
      %eq3A_2114 = arith.cmpi eq, %iota3A, %eq3A_2113 : vector<16xi32>
      %select_n3A_2115 = arith.select %eq3A_2114, %gather3A_2111, %select_n3A_2101 : vector<16xi1>, vector<16xf32>
      %get3A_2116 = arith.constant 0 : i32
      %get3A_2117 = arith.constant 37 : i32
      %get3A_2118 = arith.index_cast %get3A_2116 : i32 to index
      %get3A_2119 = arith.index_cast %get3A_2117 : i32 to index
      %get3A_2120 = arith.index_cast %multiple_of3A_1558 : i32 to index
      %get3A_2121 = tpu.vector_load %arg6[%get3A_2118, %get3A_2119, %get3A_2120] {strides = array<i32>} : memref<1x64x512xf32, #tpu.memory_space<vmem>>, vector<1x1x16xf32>,
      %get3A_2122 = vector.shape_cast %get3A_2121 : vector<1x1x16xf32> to vector<16xf32>
      %broadcast_in_dim3A_2123 = vector.shape_cast %add3A_1579 : vector<16xi32> to vector<16x1xi32>
      %gather3A_2124 = vector.shape_cast %broadcast_in_dim3A_2123 : vector<16x1xi32> to vector<16xi32>
      %gather3A_2125 = tpu.dynamic_gather %get3A_2122[%gather3A_2124] in [0] : vector<16xf32>, vector<16xi32> -> vector<16xf32>
      %eq3A_2126 = arith.constant 5 : i32
      %eq3A_2127 = vector.broadcast %eq3A_2126 : i32 to vector<16xi32>
      %eq3A_2128 = arith.cmpi eq, %iota3A, %eq3A_2127 : vector<16xi32>
      %select_n3A_2129 = arith.select %eq3A_2128, %gather3A_2125, %select_n3A_2115 : vector<16xi1>, vector<16xf32>
      %get3A_2130 = arith.constant 0 : i32
      %get3A_2131 = arith.constant 38 : i32
      %get3A_2132 = arith.index_cast %get3A_2130 : i32 to index
      %get3A_2133 = arith.index_cast %get3A_2131 : i32 to index
      %get3A_2134 = arith.index_cast %multiple_of3A_1558 : i32 to index
      %get3A_2135 = tpu.vector_load %arg6[%get3A_2132, %get3A_2133, %get3A_2134] {strides = array<i32>} : memref<1x64x512xf32, #tpu.memory_space<vmem>>, vector<1x1x16xf32>,
      %get3A_2136 = vector.shape_cast %get3A_2135 : vector<1x1x16xf32> to vector<16xf32>
      %broadcast_in_dim3A_2137 = vector.shape_cast %add3A_1579 : vector<16xi32> to vector<16x1xi32>
      %gather3A_2138 = vector.shape_cast %broadcast_in_dim3A_2137 : vector<16x1xi32> to vector<16xi32>
      %gather3A_2139 = tpu.dynamic_gather %get3A_2136[%gather3A_2138] in [0] : vector<16xf32>, vector<16xi32> -> vector<16xf32>
      %eq3A_2140 = arith.constant 6 : i32
      %eq3A_2141 = vector.broadcast %eq3A_2140 : i32 to vector<16xi32>
      %eq3A_2142 = arith.cmpi eq, %iota3A, %eq3A_2141 : vector<16xi32>
      %select_n3A_2143 = arith.select %eq3A_2142, %gather3A_2139, %select_n3A_2129 : vector<16xi1>, vector<16xf32>
      %get3A_2144 = arith.constant 0 : i32
      %get3A_2145 = arith.constant 39 : i32
      %get3A_2146 = arith.index_cast %get3A_2144 : i32 to index
      %get3A_2147 = arith.index_cast %get3A_2145 : i32 to index
      %get3A_2148 = arith.index_cast %multiple_of3A_1558 : i32 to index
      %get3A_2149 = tpu.vector_load %arg6[%get3A_2146, %get3A_2147, %get3A_2148] {strides = array<i32>} : memref<1x64x512xf32, #tpu.memory_space<vmem>>, vector<1x1x16xf32>,
      %get3A_2150 = vector.shape_cast %get3A_2149 : vector<1x1x16xf32> to vector<16xf32>
      %broadcast_in_dim3A_2151 = vector.shape_cast %add3A_1579 : vector<16xi32> to vector<16x1xi32>
      %gather3A_2152 = vector.shape_cast %broadcast_in_dim3A_2151 : vector<16x1xi32> to vector<16xi32>
      %gather3A_2153 = tpu.dynamic_gather %get3A_2150[%gather3A_2152] in [0] : vector<16xf32>, vector<16xi32> -> vector<16xf32>
      %eq3A_2154 = arith.constant 7 : i32
      %eq3A_2155 = vector.broadcast %eq3A_2154 : i32 to vector<16xi32>
      %eq3A_2156 = arith.cmpi eq, %iota3A, %eq3A_2155 : vector<16xi32>
      %select_n3A_2157 = arith.select %eq3A_2156, %gather3A_2153, %select_n3A_2143 : vector<16xi1>, vector<16xf32>
      %get3A_2158 = arith.constant 0 : i32
      %get3A_2159 = arith.constant 40 : i32
      %get3A_2160 = arith.index_cast %get3A_2158 : i32 to index
      %get3A_2161 = arith.index_cast %get3A_2159 : i32 to index
      %get3A_2162 = arith.index_cast %multiple_of3A_1558 : i32 to index
      %get3A_2163 = tpu.vector_load %arg6[%get3A_2160, %get3A_2161, %get3A_2162] {strides = array<i32>} : memref<1x64x512xf32, #tpu.memory_space<vmem>>, vector<1x1x16xf32>,
      %get3A_2164 = vector.shape_cast %get3A_2163 : vector<1x1x16xf32> to vector<16xf32>
      %broadcast_in_dim3A_2165 = vector.shape_cast %add3A_1579 : vector<16xi32> to vector<16x1xi32>
      %gather3A_2166 = vector.shape_cast %broadcast_in_dim3A_2165 : vector<16x1xi32> to vector<16xi32>
      %gather3A_2167 = tpu.dynamic_gather %get3A_2164[%gather3A_2166] in [0] : vector<16xf32>, vector<16xi32> -> vector<16xf32>
      %eq3A_2168 = arith.constant 8 : i32
      %eq3A_2169 = vector.broadcast %eq3A_2168 : i32 to vector<16xi32>
      %eq3A_2170 = arith.cmpi eq, %iota3A, %eq3A_2169 : vector<16xi32>
      %select_n3A_2171 = arith.select %eq3A_2170, %gather3A_2167, %select_n3A_2157 : vector<16xi1>, vector<16xf32>
      %get3A_2172 = arith.constant 0 : i32
      %get3A_2173 = arith.constant 41 : i32
      %get3A_2174 = arith.index_cast %get3A_2172 : i32 to index
      %get3A_2175 = arith.index_cast %get3A_2173 : i32 to index
      %get3A_2176 = arith.index_cast %multiple_of3A_1558 : i32 to index
      %get3A_2177 = tpu.vector_load %arg6[%get3A_2174, %get3A_2175, %get3A_2176] {strides = array<i32>} : memref<1x64x512xf32, #tpu.memory_space<vmem>>, vector<1x1x16xf32>,
      %get3A_2178 = vector.shape_cast %get3A_2177 : vector<1x1x16xf32> to vector<16xf32>
      %broadcast_in_dim3A_2179 = vector.shape_cast %add3A_1579 : vector<16xi32> to vector<16x1xi32>
      %gather3A_2180 = vector.shape_cast %broadcast_in_dim3A_2179 : vector<16x1xi32> to vector<16xi32>
      %gather3A_2181 = tpu.dynamic_gather %get3A_2178[%gather3A_2180] in [0] : vector<16xf32>, vector<16xi32> -> vector<16xf32>
      %eq3A_2182 = arith.constant 9 : i32
      %eq3A_2183 = vector.broadcast %eq3A_2182 : i32 to vector<16xi32>
      %eq3A_2184 = arith.cmpi eq, %iota3A, %eq3A_2183 : vector<16xi32>
      %select_n3A_2185 = arith.select %eq3A_2184, %gather3A_2181, %select_n3A_2171 : vector<16xi1>, vector<16xf32>
      %get3A_2186 = arith.constant 0 : i32
      %get3A_2187 = arith.constant 42 : i32
      %get3A_2188 = arith.index_cast %get3A_2186 : i32 to index
      %get3A_2189 = arith.index_cast %get3A_2187 : i32 to index
      %get3A_2190 = arith.index_cast %multiple_of3A_1558 : i32 to index
      %get3A_2191 = tpu.vector_load %arg6[%get3A_2188, %get3A_2189, %get3A_2190] {strides = array<i32>} : memref<1x64x512xf32, #tpu.memory_space<vmem>>, vector<1x1x16xf32>,
      %get3A_2192 = vector.shape_cast %get3A_2191 : vector<1x1x16xf32> to vector<16xf32>
      %broadcast_in_dim3A_2193 = vector.shape_cast %add3A_1579 : vector<16xi32> to vector<16x1xi32>
      %gather3A_2194 = vector.shape_cast %broadcast_in_dim3A_2193 : vector<16x1xi32> to vector<16xi32>
      %gather3A_2195 = tpu.dynamic_gather %get3A_2192[%gather3A_2194] in [0] : vector<16xf32>, vector<16xi32> -> vector<16xf32>
      %eq3A_2196 = arith.constant 10 : i32
      %eq3A_2197 = vector.broadcast %eq3A_2196 : i32 to vector<16xi32>
      %eq3A_2198 = arith.cmpi eq, %iota3A, %eq3A_2197 : vector<16xi32>
      %select_n3A_2199 = arith.select %eq3A_2198, %gather3A_2195, %select_n3A_2185 : vector<16xi1>, vector<16xf32>
      %get3A_2200 = arith.constant 0 : i32
      %get3A_2201 = arith.constant 43 : i32
      %get3A_2202 = arith.index_cast %get3A_2200 : i32 to index
      %get3A_2203 = arith.index_cast %get3A_2201 : i32 to index
      %get3A_2204 = arith.index_cast %multiple_of3A_1558 : i32 to index
      %get3A_2205 = tpu.vector_load %arg6[%get3A_2202, %get3A_2203, %get3A_2204] {strides = array<i32>} : memref<1x64x512xf32, #tpu.memory_space<vmem>>, vector<1x1x16xf32>,
      %get3A_2206 = vector.shape_cast %get3A_2205 : vector<1x1x16xf32> to vector<16xf32>
      %broadcast_in_dim3A_2207 = vector.shape_cast %add3A_1579 : vector<16xi32> to vector<16x1xi32>
      %gather3A_2208 = vector.shape_cast %broadcast_in_dim3A_2207 : vector<16x1xi32> to vector<16xi32>
      %gather3A_2209 = tpu.dynamic_gather %get3A_2206[%gather3A_2208] in [0] : vector<16xf32>, vector<16xi32> -> vector<16xf32>
      %eq3A_2210 = arith.constant 11 : i32
      %eq3A_2211 = vector.broadcast %eq3A_2210 : i32 to vector<16xi32>
      %eq3A_2212 = arith.cmpi eq, %iota3A, %eq3A_2211 : vector<16xi32>
      %select_n3A_2213 = arith.select %eq3A_2212, %gather3A_2209, %select_n3A_2199 : vector<16xi1>, vector<16xf32>
      %get3A_2214 = arith.constant 0 : i32
      %get3A_2215 = arith.constant 44 : i32
      %get3A_2216 = arith.index_cast %get3A_2214 : i32 to index
      %get3A_2217 = arith.index_cast %get3A_2215 : i32 to index
      %get3A_2218 = arith.index_cast %multiple_of3A_1558 : i32 to index
      %get3A_2219 = tpu.vector_load %arg6[%get3A_2216, %get3A_2217, %get3A_2218] {strides = array<i32>} : memref<1x64x512xf32, #tpu.memory_space<vmem>>, vector<1x1x16xf32>,
      %get3A_2220 = vector.shape_cast %get3A_2219 : vector<1x1x16xf32> to vector<16xf32>
      %broadcast_in_dim3A_2221 = vector.shape_cast %add3A_1579 : vector<16xi32> to vector<16x1xi32>
      %gather3A_2222 = vector.shape_cast %broadcast_in_dim3A_2221 : vector<16x1xi32> to vector<16xi32>
      %gather3A_2223 = tpu.dynamic_gather %get3A_2220[%gather3A_2222] in [0] : vector<16xf32>, vector<16xi32> -> vector<16xf32>
      %eq3A_2224 = arith.constant 12 : i32
      %eq3A_2225 = vector.broadcast %eq3A_2224 : i32 to vector<16xi32>
      %eq3A_2226 = arith.cmpi eq, %iota3A, %eq3A_2225 : vector<16xi32>
      %select_n3A_2227 = arith.select %eq3A_2226, %gather3A_2223, %select_n3A_2213 : vector<16xi1>, vector<16xf32>
      %get3A_2228 = arith.constant 0 : i32
      %get3A_2229 = arith.constant 45 : i32
      %get3A_2230 = arith.index_cast %get3A_2228 : i32 to index
      %get3A_2231 = arith.index_cast %get3A_2229 : i32 to index
      %get3A_2232 = arith.index_cast %multiple_of3A_1558 : i32 to index
      %get3A_2233 = tpu.vector_load %arg6[%get3A_2230, %get3A_2231, %get3A_2232] {strides = array<i32>} : memref<1x64x512xf32, #tpu.memory_space<vmem>>, vector<1x1x16xf32>,
      %get3A_2234 = vector.shape_cast %get3A_2233 : vector<1x1x16xf32> to vector<16xf32>
      %broadcast_in_dim3A_2235 = vector.shape_cast %add3A_1579 : vector<16xi32> to vector<16x1xi32>
      %gather3A_2236 = vector.shape_cast %broadcast_in_dim3A_2235 : vector<16x1xi32> to vector<16xi32>
      %gather3A_2237 = tpu.dynamic_gather %get3A_2234[%gather3A_2236] in [0] : vector<16xf32>, vector<16xi32> -> vector<16xf32>
      %eq3A_2238 = arith.constant 13 : i32
      %eq3A_2239 = vector.broadcast %eq3A_2238 : i32 to vector<16xi32>
      %eq3A_2240 = arith.cmpi eq, %iota3A, %eq3A_2239 : vector<16xi32>
      %select_n3A_2241 = arith.select %eq3A_2240, %gather3A_2237, %select_n3A_2227 : vector<16xi1>, vector<16xf32>
      %get3A_2242 = arith.constant 0 : i32
      %get3A_2243 = arith.constant 46 : i32
      %get3A_2244 = arith.index_cast %get3A_2242 : i32 to index
      %get3A_2245 = arith.index_cast %get3A_2243 : i32 to index
      %get3A_2246 = arith.index_cast %multiple_of3A_1558 : i32 to index
      %get3A_2247 = tpu.vector_load %arg6[%get3A_2244, %get3A_2245, %get3A_2246] {strides = array<i32>} : memref<1x64x512xf32, #tpu.memory_space<vmem>>, vector<1x1x16xf32>,
      %get3A_2248 = vector.shape_cast %get3A_2247 : vector<1x1x16xf32> to vector<16xf32>
      %broadcast_in_dim3A_2249 = vector.shape_cast %add3A_1579 : vector<16xi32> to vector<16x1xi32>
      %gather3A_2250 = vector.shape_cast %broadcast_in_dim3A_2249 : vector<16x1xi32> to vector<16xi32>
      %gather3A_2251 = tpu.dynamic_gather %get3A_2248[%gather3A_2250] in [0] : vector<16xf32>, vector<16xi32> -> vector<16xf32>
      %eq3A_2252 = arith.constant 14 : i32
      %eq3A_2253 = vector.broadcast %eq3A_2252 : i32 to vector<16xi32>
      %eq3A_2254 = arith.cmpi eq, %iota3A, %eq3A_2253 : vector<16xi32>
      %select_n3A_2255 = arith.select %eq3A_2254, %gather3A_2251, %select_n3A_2241 : vector<16xi1>, vector<16xf32>
      %get3A_2256 = arith.constant 0 : i32
      %get3A_2257 = arith.constant 47 : i32
      %get3A_2258 = arith.index_cast %get3A_2256 : i32 to index
      %get3A_2259 = arith.index_cast %get3A_2257 : i32 to index
      %get3A_2260 = arith.index_cast %multiple_of3A_1558 : i32 to index
      %get3A_2261 = tpu.vector_load %arg6[%get3A_2258, %get3A_2259, %get3A_2260] {strides = array<i32>} : memref<1x64x512xf32, #tpu.memory_space<vmem>>, vector<1x1x16xf32>,
      %get3A_2262 = vector.shape_cast %get3A_2261 : vector<1x1x16xf32> to vector<16xf32>
      %broadcast_in_dim3A_2263 = vector.shape_cast %add3A_1579 : vector<16xi32> to vector<16x1xi32>
      %gather3A_2264 = vector.shape_cast %broadcast_in_dim3A_2263 : vector<16x1xi32> to vector<16xi32>
      %gather3A_2265 = tpu.dynamic_gather %get3A_2262[%gather3A_2264] in [0] : vector<16xf32>, vector<16xi32> -> vector<16xf32>
      %eq3A_2266 = arith.constant 15 : i32
      %eq3A_2267 = vector.broadcast %eq3A_2266 : i32 to vector<16xi32>
      %eq3A_2268 = arith.cmpi eq, %iota3A, %eq3A_2267 : vector<16xi32>
      %select_n3A_2269 = arith.select %eq3A_2268, %gather3A_2265, %select_n3A_2255 : vector<16xi1>, vector<16xf32>
      %swap3A_2270 = arith.constant 64 : i32
      %swap3A_2271 = tpu.memref_slice %arg7[%swap3A_2270] : memref<128xf32, #tpu.memory_space<vmem>> -> memref<64xf32, #tpu.memory_space<vmem>>
      %swap3A_2272 = arith.constant 32 : index
      %swap3A_2273 = tpu.vector_load %swap3A_2271[%swap3A_2272] {strides = array<i32>} : memref<64xf32, #tpu.memory_space<vmem>>, vector<16xf32>,
      %swap3A_2274 = vector.shape_cast %swap3A_2273 : vector<16xf32> to vector<16xf32>
      %swap3A_2275 = vector.shape_cast %select_n3A_2269 : vector<16xf32> to vector<16xf32>
      tpu.vector_store %swap3A_2271[%swap3A_2272], %swap3A_2275 {strides = array<i32>} : memref<64xf32, #tpu.memory_space<vmem>>, vector<16xf32>,
      %broadcast_in_dim3A_2276 = arith.constant 0.000000e+00 : f32
      %broadcast_in_dim3A_2277 = vector.broadcast %broadcast_in_dim3A_2276 : f32 to vector<16xf32>
      %get3A_2278 = arith.constant 0 : i32
      %get3A_2279 = arith.constant 48 : i32
      %get3A_2280 = arith.index_cast %get3A_2278 : i32 to index
      %get3A_2281 = arith.index_cast %get3A_2279 : i32 to index
      %get3A_2282 = arith.index_cast %multiple_of3A_1558 : i32 to index
      %get3A_2283 = tpu.vector_load %arg6[%get3A_2280, %get3A_2281, %get3A_2282] {strides = array<i32>} : memref<1x64x512xf32, #tpu.memory_space<vmem>>, vector<1x1x16xf32>,
      %get3A_2284 = vector.shape_cast %get3A_2283 : vector<1x1x16xf32> to vector<16xf32>
      %broadcast_in_dim3A_2285 = vector.shape_cast %add3A_1579 : vector<16xi32> to vector<16x1xi32>
      %gather3A_2286 = vector.shape_cast %broadcast_in_dim3A_2285 : vector<16x1xi32> to vector<16xi32>
      %gather3A_2287 = tpu.dynamic_gather %get3A_2284[%gather3A_2286] in [0] : vector<16xf32>, vector<16xi32> -> vector<16xf32>
      %eq3A_2288 = arith.constant 0 : i32
      %eq3A_2289 = vector.broadcast %eq3A_2288 : i32 to vector<16xi32>
      %eq3A_2290 = arith.cmpi eq, %iota3A, %eq3A_2289 : vector<16xi32>
      %select_n3A_2291 = arith.select %eq3A_2290, %gather3A_2287, %broadcast_in_dim3A_2277 : vector<16xi1>, vector<16xf32>
      %get3A_2292 = arith.constant 0 : i32
      %get3A_2293 = arith.constant 49 : i32
      %get3A_2294 = arith.index_cast %get3A_2292 : i32 to index
      %get3A_2295 = arith.index_cast %get3A_2293 : i32 to index
      %get3A_2296 = arith.index_cast %multiple_of3A_1558 : i32 to index
      %get3A_2297 = tpu.vector_load %arg6[%get3A_2294, %get3A_2295, %get3A_2296] {strides = array<i32>} : memref<1x64x512xf32, #tpu.memory_space<vmem>>, vector<1x1x16xf32>,
      %get3A_2298 = vector.shape_cast %get3A_2297 : vector<1x1x16xf32> to vector<16xf32>
      %broadcast_in_dim3A_2299 = vector.shape_cast %add3A_1579 : vector<16xi32> to vector<16x1xi32>
      %gather3A_2300 = vector.shape_cast %broadcast_in_dim3A_2299 : vector<16x1xi32> to vector<16xi32>
      %gather3A_2301 = tpu.dynamic_gather %get3A_2298[%gather3A_2300] in [0] : vector<16xf32>, vector<16xi32> -> vector<16xf32>
      %eq3A_2302 = arith.constant 1 : i32
      %eq3A_2303 = vector.broadcast %eq3A_2302 : i32 to vector<16xi32>
      %eq3A_2304 = arith.cmpi eq, %iota3A, %eq3A_2303 : vector<16xi32>
      %select_n3A_2305 = arith.select %eq3A_2304, %gather3A_2301, %select_n3A_2291 : vector<16xi1>, vector<16xf32>
      %get3A_2306 = arith.constant 0 : i32
      %get3A_2307 = arith.constant 50 : i32
      %get3A_2308 = arith.index_cast %get3A_2306 : i32 to index
      %get3A_2309 = arith.index_cast %get3A_2307 : i32 to index
      %get3A_2310 = arith.index_cast %multiple_of3A_1558 : i32 to index
      %get3A_2311 = tpu.vector_load %arg6[%get3A_2308, %get3A_2309, %get3A_2310] {strides = array<i32>} : memref<1x64x512xf32, #tpu.memory_space<vmem>>, vector<1x1x16xf32>,
      %get3A_2312 = vector.shape_cast %get3A_2311 : vector<1x1x16xf32> to vector<16xf32>
      %broadcast_in_dim3A_2313 = vector.shape_cast %add3A_1579 : vector<16xi32> to vector<16x1xi32>
      %gather3A_2314 = vector.shape_cast %broadcast_in_dim3A_2313 : vector<16x1xi32> to vector<16xi32>
      %gather3A_2315 = tpu.dynamic_gather %get3A_2312[%gather3A_2314] in [0] : vector<16xf32>, vector<16xi32> -> vector<16xf32>
      %eq3A_2316 = arith.constant 2 : i32
      %eq3A_2317 = vector.broadcast %eq3A_2316 : i32 to vector<16xi32>
      %eq3A_2318 = arith.cmpi eq, %iota3A, %eq3A_2317 : vector<16xi32>
      %select_n3A_2319 = arith.select %eq3A_2318, %gather3A_2315, %select_n3A_2305 : vector<16xi1>, vector<16xf32>
      %get3A_2320 = arith.constant 0 : i32
      %get3A_2321 = arith.constant 51 : i32
      %get3A_2322 = arith.index_cast %get3A_2320 : i32 to index
      %get3A_2323 = arith.index_cast %get3A_2321 : i32 to index
      %get3A_2324 = arith.index_cast %multiple_of3A_1558 : i32 to index
      %get3A_2325 = tpu.vector_load %arg6[%get3A_2322, %get3A_2323, %get3A_2324] {strides = array<i32>} : memref<1x64x512xf32, #tpu.memory_space<vmem>>, vector<1x1x16xf32>,
      %get3A_2326 = vector.shape_cast %get3A_2325 : vector<1x1x16xf32> to vector<16xf32>
      %broadcast_in_dim3A_2327 = vector.shape_cast %add3A_1579 : vector<16xi32> to vector<16x1xi32>
      %gather3A_2328 = vector.shape_cast %broadcast_in_dim3A_2327 : vector<16x1xi32> to vector<16xi32>
      %gather3A_2329 = tpu.dynamic_gather %get3A_2326[%gather3A_2328] in [0] : vector<16xf32>, vector<16xi32> -> vector<16xf32>
      %eq3A_2330 = arith.constant 3 : i32
      %eq3A_2331 = vector.broadcast %eq3A_2330 : i32 to vector<16xi32>
      %eq3A_2332 = arith.cmpi eq, %iota3A, %eq3A_2331 : vector<16xi32>
      %select_n3A_2333 = arith.select %eq3A_2332, %gather3A_2329, %select_n3A_2319 : vector<16xi1>, vector<16xf32>
      %get3A_2334 = arith.constant 0 : i32
      %get3A_2335 = arith.constant 52 : i32
      %get3A_2336 = arith.index_cast %get3A_2334 : i32 to index
      %get3A_2337 = arith.index_cast %get3A_2335 : i32 to index
      %get3A_2338 = arith.index_cast %multiple_of3A_1558 : i32 to index
      %get3A_2339 = tpu.vector_load %arg6[%get3A_2336, %get3A_2337, %get3A_2338] {strides = array<i32>} : memref<1x64x512xf32, #tpu.memory_space<vmem>>, vector<1x1x16xf32>,
      %get3A_2340 = vector.shape_cast %get3A_2339 : vector<1x1x16xf32> to vector<16xf32>
      %broadcast_in_dim3A_2341 = vector.shape_cast %add3A_1579 : vector<16xi32> to vector<16x1xi32>
      %gather3A_2342 = vector.shape_cast %broadcast_in_dim3A_2341 : vector<16x1xi32> to vector<16xi32>
      %gather3A_2343 = tpu.dynamic_gather %get3A_2340[%gather3A_2342] in [0] : vector<16xf32>, vector<16xi32> -> vector<16xf32>
      %eq3A_2344 = arith.constant 4 : i32
      %eq3A_2345 = vector.broadcast %eq3A_2344 : i32 to vector<16xi32>
      %eq3A_2346 = arith.cmpi eq, %iota3A, %eq3A_2345 : vector<16xi32>
      %select_n3A_2347 = arith.select %eq3A_2346, %gather3A_2343, %select_n3A_2333 : vector<16xi1>, vector<16xf32>
      %get3A_2348 = arith.constant 0 : i32
      %get3A_2349 = arith.constant 53 : i32
      %get3A_2350 = arith.index_cast %get3A_2348 : i32 to index
      %get3A_2351 = arith.index_cast %get3A_2349 : i32 to index
      %get3A_2352 = arith.index_cast %multiple_of3A_1558 : i32 to index
      %get3A_2353 = tpu.vector_load %arg6[%get3A_2350, %get3A_2351, %get3A_2352] {strides = array<i32>} : memref<1x64x512xf32, #tpu.memory_space<vmem>>, vector<1x1x16xf32>,
      %get3A_2354 = vector.shape_cast %get3A_2353 : vector<1x1x16xf32> to vector<16xf32>
      %broadcast_in_dim3A_2355 = vector.shape_cast %add3A_1579 : vector<16xi32> to vector<16x1xi32>
      %gather3A_2356 = vector.shape_cast %broadcast_in_dim3A_2355 : vector<16x1xi32> to vector<16xi32>
      %gather3A_2357 = tpu.dynamic_gather %get3A_2354[%gather3A_2356] in [0] : vector<16xf32>, vector<16xi32> -> vector<16xf32>
      %eq3A_2358 = arith.constant 5 : i32
      %eq3A_2359 = vector.broadcast %eq3A_2358 : i32 to vector<16xi32>
      %eq3A_2360 = arith.cmpi eq, %iota3A, %eq3A_2359 : vector<16xi32>
      %select_n3A_2361 = arith.select %eq3A_2360, %gather3A_2357, %select_n3A_2347 : vector<16xi1>, vector<16xf32>
      %get3A_2362 = arith.constant 0 : i32
      %get3A_2363 = arith.constant 54 : i32
      %get3A_2364 = arith.index_cast %get3A_2362 : i32 to index
      %get3A_2365 = arith.index_cast %get3A_2363 : i32 to index
      %get3A_2366 = arith.index_cast %multiple_of3A_1558 : i32 to index
      %get3A_2367 = tpu.vector_load %arg6[%get3A_2364, %get3A_2365, %get3A_2366] {strides = array<i32>} : memref<1x64x512xf32, #tpu.memory_space<vmem>>, vector<1x1x16xf32>,
      %get3A_2368 = vector.shape_cast %get3A_2367 : vector<1x1x16xf32> to vector<16xf32>
      %broadcast_in_dim3A_2369 = vector.shape_cast %add3A_1579 : vector<16xi32> to vector<16x1xi32>
      %gather3A_2370 = vector.shape_cast %broadcast_in_dim3A_2369 : vector<16x1xi32> to vector<16xi32>
      %gather3A_2371 = tpu.dynamic_gather %get3A_2368[%gather3A_2370] in [0] : vector<16xf32>, vector<16xi32> -> vector<16xf32>
      %eq3A_2372 = arith.constant 6 : i32
      %eq3A_2373 = vector.broadcast %eq3A_2372 : i32 to vector<16xi32>
      %eq3A_2374 = arith.cmpi eq, %iota3A, %eq3A_2373 : vector<16xi32>
      %select_n3A_2375 = arith.select %eq3A_2374, %gather3A_2371, %select_n3A_2361 : vector<16xi1>, vector<16xf32>
      %get3A_2376 = arith.constant 0 : i32
      %get3A_2377 = arith.constant 55 : i32
      %get3A_2378 = arith.index_cast %get3A_2376 : i32 to index
      %get3A_2379 = arith.index_cast %get3A_2377 : i32 to index
      %get3A_2380 = arith.index_cast %multiple_of3A_1558 : i32 to index
      %get3A_2381 = tpu.vector_load %arg6[%get3A_2378, %get3A_2379, %get3A_2380] {strides = array<i32>} : memref<1x64x512xf32, #tpu.memory_space<vmem>>, vector<1x1x16xf32>,
      %get3A_2382 = vector.shape_cast %get3A_2381 : vector<1x1x16xf32> to vector<16xf32>
      %broadcast_in_dim3A_2383 = vector.shape_cast %add3A_1579 : vector<16xi32> to vector<16x1xi32>
      %gather3A_2384 = vector.shape_cast %broadcast_in_dim3A_2383 : vector<16x1xi32> to vector<16xi32>
      %gather3A_2385 = tpu.dynamic_gather %get3A_2382[%gather3A_2384] in [0] : vector<16xf32>, vector<16xi32> -> vector<16xf32>
      %eq3A_2386 = arith.constant 7 : i32
      %eq3A_2387 = vector.broadcast %eq3A_2386 : i32 to vector<16xi32>
      %eq3A_2388 = arith.cmpi eq, %iota3A, %eq3A_2387 : vector<16xi32>
      %select_n3A_2389 = arith.select %eq3A_2388, %gather3A_2385, %select_n3A_2375 : vector<16xi1>, vector<16xf32>
      %get3A_2390 = arith.constant 0 : i32
      %get3A_2391 = arith.constant 56 : i32
      %get3A_2392 = arith.index_cast %get3A_2390 : i32 to index
      %get3A_2393 = arith.index_cast %get3A_2391 : i32 to index
      %get3A_2394 = arith.index_cast %multiple_of3A_1558 : i32 to index
      %get3A_2395 = tpu.vector_load %arg6[%get3A_2392, %get3A_2393, %get3A_2394] {strides = array<i32>} : memref<1x64x512xf32, #tpu.memory_space<vmem>>, vector<1x1x16xf32>,
      %get3A_2396 = vector.shape_cast %get3A_2395 : vector<1x1x16xf32> to vector<16xf32>
      %broadcast_in_dim3A_2397 = vector.shape_cast %add3A_1579 : vector<16xi32> to vector<16x1xi32>
      %gather3A_2398 = vector.shape_cast %broadcast_in_dim3A_2397 : vector<16x1xi32> to vector<16xi32>
      %gather3A_2399 = tpu.dynamic_gather %get3A_2396[%gather3A_2398] in [0] : vector<16xf32>, vector<16xi32> -> vector<16xf32>
      %eq3A_2400 = arith.constant 8 : i32
      %eq3A_2401 = vector.broadcast %eq3A_2400 : i32 to vector<16xi32>
      %eq3A_2402 = arith.cmpi eq, %iota3A, %eq3A_2401 : vector<16xi32>
      %select_n3A_2403 = arith.select %eq3A_2402, %gather3A_2399, %select_n3A_2389 : vector<16xi1>, vector<16xf32>
      %get3A_2404 = arith.constant 0 : i32
      %get3A_2405 = arith.constant 57 : i32
      %get3A_2406 = arith.index_cast %get3A_2404 : i32 to index
      %get3A_2407 = arith.index_cast %get3A_2405 : i32 to index
      %get3A_2408 = arith.index_cast %multiple_of3A_1558 : i32 to index
      %get3A_2409 = tpu.vector_load %arg6[%get3A_2406, %get3A_2407, %get3A_2408] {strides = array<i32>} : memref<1x64x512xf32, #tpu.memory_space<vmem>>, vector<1x1x16xf32>,
      %get3A_2410 = vector.shape_cast %get3A_2409 : vector<1x1x16xf32> to vector<16xf32>
      %broadcast_in_dim3A_2411 = vector.shape_cast %add3A_1579 : vector<16xi32> to vector<16x1xi32>
      %gather3A_2412 = vector.shape_cast %broadcast_in_dim3A_2411 : vector<16x1xi32> to vector<16xi32>
      %gather3A_2413 = tpu.dynamic_gather %get3A_2410[%gather3A_2412] in [0] : vector<16xf32>, vector<16xi32> -> vector<16xf32>
      %eq3A_2414 = arith.constant 9 : i32
      %eq3A_2415 = vector.broadcast %eq3A_2414 : i32 to vector<16xi32>
      %eq3A_2416 = arith.cmpi eq, %iota3A, %eq3A_2415 : vector<16xi32>
      %select_n3A_2417 = arith.select %eq3A_2416, %gather3A_2413, %select_n3A_2403 : vector<16xi1>, vector<16xf32>
      %get3A_2418 = arith.constant 0 : i32
      %get3A_2419 = arith.constant 58 : i32
      %get3A_2420 = arith.index_cast %get3A_2418 : i32 to index
      %get3A_2421 = arith.index_cast %get3A_2419 : i32 to index
      %get3A_2422 = arith.index_cast %multiple_of3A_1558 : i32 to index
      %get3A_2423 = tpu.vector_load %arg6[%get3A_2420, %get3A_2421, %get3A_2422] {strides = array<i32>} : memref<1x64x512xf32, #tpu.memory_space<vmem>>, vector<1x1x16xf32>,
      %get3A_2424 = vector.shape_cast %get3A_2423 : vector<1x1x16xf32> to vector<16xf32>
      %broadcast_in_dim3A_2425 = vector.shape_cast %add3A_1579 : vector<16xi32> to vector<16x1xi32>
      %gather3A_2426 = vector.shape_cast %broadcast_in_dim3A_2425 : vector<16x1xi32> to vector<16xi32>
      %gather3A_2427 = tpu.dynamic_gather %get3A_2424[%gather3A_2426] in [0] : vector<16xf32>, vector<16xi32> -> vector<16xf32>
      %eq3A_2428 = arith.constant 10 : i32
      %eq3A_2429 = vector.broadcast %eq3A_2428 : i32 to vector<16xi32>
      %eq3A_2430 = arith.cmpi eq, %iota3A, %eq3A_2429 : vector<16xi32>
      %select_n3A_2431 = arith.select %eq3A_2430, %gather3A_2427, %select_n3A_2417 : vector<16xi1>, vector<16xf32>
      %get3A_2432 = arith.constant 0 : i32
      %get3A_2433 = arith.constant 59 : i32
      %get3A_2434 = arith.index_cast %get3A_2432 : i32 to index
      %get3A_2435 = arith.index_cast %get3A_2433 : i32 to index
      %get3A_2436 = arith.index_cast %multiple_of3A_1558 : i32 to index
      %get3A_2437 = tpu.vector_load %arg6[%get3A_2434, %get3A_2435, %get3A_2436] {strides = array<i32>} : memref<1x64x512xf32, #tpu.memory_space<vmem>>, vector<1x1x16xf32>,
      %get3A_2438 = vector.shape_cast %get3A_2437 : vector<1x1x16xf32> to vector<16xf32>
      %broadcast_in_dim3A_2439 = vector.shape_cast %add3A_1579 : vector<16xi32> to vector<16x1xi32>
      %gather3A_2440 = vector.shape_cast %broadcast_in_dim3A_2439 : vector<16x1xi32> to vector<16xi32>
      %gather3A_2441 = tpu.dynamic_gather %get3A_2438[%gather3A_2440] in [0] : vector<16xf32>, vector<16xi32> -> vector<16xf32>
      %eq3A_2442 = arith.constant 11 : i32
      %eq3A_2443 = vector.broadcast %eq3A_2442 : i32 to vector<16xi32>
      %eq3A_2444 = arith.cmpi eq, %iota3A, %eq3A_2443 : vector<16xi32>
      %select_n3A_2445 = arith.select %eq3A_2444, %gather3A_2441, %select_n3A_2431 : vector<16xi1>, vector<16xf32>
      %get3A_2446 = arith.constant 0 : i32
      %get3A_2447 = arith.constant 60 : i32
      %get3A_2448 = arith.index_cast %get3A_2446 : i32 to index
      %get3A_2449 = arith.index_cast %get3A_2447 : i32 to index
      %get3A_2450 = arith.index_cast %multiple_of3A_1558 : i32 to index
      %get3A_2451 = tpu.vector_load %arg6[%get3A_2448, %get3A_2449, %get3A_2450] {strides = array<i32>} : memref<1x64x512xf32, #tpu.memory_space<vmem>>, vector<1x1x16xf32>,
      %get3A_2452 = vector.shape_cast %get3A_2451 : vector<1x1x16xf32> to vector<16xf32>
      %broadcast_in_dim3A_2453 = vector.shape_cast %add3A_1579 : vector<16xi32> to vector<16x1xi32>
      %gather3A_2454 = vector.shape_cast %broadcast_in_dim3A_2453 : vector<16x1xi32> to vector<16xi32>
      %gather3A_2455 = tpu.dynamic_gather %get3A_2452[%gather3A_2454] in [0] : vector<16xf32>, vector<16xi32> -> vector<16xf32>
      %eq3A_2456 = arith.constant 12 : i32
      %eq3A_2457 = vector.broadcast %eq3A_2456 : i32 to vector<16xi32>
      %eq3A_2458 = arith.cmpi eq, %iota3A, %eq3A_2457 : vector<16xi32>
      %select_n3A_2459 = arith.select %eq3A_2458, %gather3A_2455, %select_n3A_2445 : vector<16xi1>, vector<16xf32>
      %get3A_2460 = arith.constant 0 : i32
      %get3A_2461 = arith.constant 61 : i32
      %get3A_2462 = arith.index_cast %get3A_2460 : i32 to index
      %get3A_2463 = arith.index_cast %get3A_2461 : i32 to index
      %get3A_2464 = arith.index_cast %multiple_of3A_1558 : i32 to index
      %get3A_2465 = tpu.vector_load %arg6[%get3A_2462, %get3A_2463, %get3A_2464] {strides = array<i32>} : memref<1x64x512xf32, #tpu.memory_space<vmem>>, vector<1x1x16xf32>,
      %get3A_2466 = vector.shape_cast %get3A_2465 : vector<1x1x16xf32> to vector<16xf32>
      %broadcast_in_dim3A_2467 = vector.shape_cast %add3A_1579 : vector<16xi32> to vector<16x1xi32>
      %gather3A_2468 = vector.shape_cast %broadcast_in_dim3A_2467 : vector<16x1xi32> to vector<16xi32>
      %gather3A_2469 = tpu.dynamic_gather %get3A_2466[%gather3A_2468] in [0] : vector<16xf32>, vector<16xi32> -> vector<16xf32>
      %eq3A_2470 = arith.constant 13 : i32
      %eq3A_2471 = vector.broadcast %eq3A_2470 : i32 to vector<16xi32>
      %eq3A_2472 = arith.cmpi eq, %iota3A, %eq3A_2471 : vector<16xi32>
      %select_n3A_2473 = arith.select %eq3A_2472, %gather3A_2469, %select_n3A_2459 : vector<16xi1>, vector<16xf32>
      %get3A_2474 = arith.constant 0 : i32
      %get3A_2475 = arith.constant 62 : i32
      %get3A_2476 = arith.index_cast %get3A_2474 : i32 to index
      %get3A_2477 = arith.index_cast %get3A_2475 : i32 to index
      %get3A_2478 = arith.index_cast %multiple_of3A_1558 : i32 to index
      %get3A_2479 = tpu.vector_load %arg6[%get3A_2476, %get3A_2477, %get3A_2478] {strides = array<i32>} : memref<1x64x512xf32, #tpu.memory_space<vmem>>, vector<1x1x16xf32>,
      %get3A_2480 = vector.shape_cast %get3A_2479 : vector<1x1x16xf32> to vector<16xf32>
      %broadcast_in_dim3A_2481 = vector.shape_cast %add3A_1579 : vector<16xi32> to vector<16x1xi32>
      %gather3A_2482 = vector.shape_cast %broadcast_in_dim3A_2481 : vector<16x1xi32> to vector<16xi32>
      %gather3A_2483 = tpu.dynamic_gather %get3A_2480[%gather3A_2482] in [0] : vector<16xf32>, vector<16xi32> -> vector<16xf32>
      %eq3A_2484 = arith.constant 14 : i32
      %eq3A_2485 = vector.broadcast %eq3A_2484 : i32 to vector<16xi32>
      %eq3A_2486 = arith.cmpi eq, %iota3A, %eq3A_2485 : vector<16xi32>
      %select_n3A_2487 = arith.select %eq3A_2486, %gather3A_2483, %select_n3A_2473 : vector<16xi1>, vector<16xf32>
      %get3A_2488 = arith.constant 0 : i32
      %get3A_2489 = arith.constant 63 : i32
      %get3A_2490 = arith.index_cast %get3A_2488 : i32 to index
      %get3A_2491 = arith.index_cast %get3A_2489 : i32 to index
      %get3A_2492 = arith.index_cast %multiple_of3A_1558 : i32 to index
      %get3A_2493 = tpu.vector_load %arg6[%get3A_2490, %get3A_2491, %get3A_2492] {strides = array<i32>} : memref<1x64x512xf32, #tpu.memory_space<vmem>>, vector<1x1x16xf32>,
      %get3A_2494 = vector.shape_cast %get3A_2493 : vector<1x1x16xf32> to vector<16xf32>
      %broadcast_in_dim3A_2495 = vector.shape_cast %add3A_1579 : vector<16xi32> to vector<16x1xi32>
      %gather3A_2496 = vector.shape_cast %broadcast_in_dim3A_2495 : vector<16x1xi32> to vector<16xi32>
      %gather3A_2497 = tpu.dynamic_gather %get3A_2494[%gather3A_2496] in [0] : vector<16xf32>, vector<16xi32> -> vector<16xf32>
      %eq3A_2498 = arith.constant 15 : i32
      %eq3A_2499 = vector.broadcast %eq3A_2498 : i32 to vector<16xi32>
      %eq3A_2500 = arith.cmpi eq, %iota3A, %eq3A_2499 : vector<16xi32>
      %select_n3A_2501 = arith.select %eq3A_2500, %gather3A_2497, %select_n3A_2487 : vector<16xi1>, vector<16xf32>
      %swap3A_2502 = arith.constant 64 : i32
      %swap3A_2503 = tpu.memref_slice %arg7[%swap3A_2502] : memref<128xf32, #tpu.memory_space<vmem>> -> memref<64xf32, #tpu.memory_space<vmem>>
      %swap3A_2504 = arith.constant 48 : index
      %swap3A_2505 = tpu.vector_load %swap3A_2503[%swap3A_2504] {strides = array<i32>} : memref<64xf32, #tpu.memory_space<vmem>>, vector<16xf32>,
      %swap3A_2506 = vector.shape_cast %swap3A_2505 : vector<16xf32> to vector<16xf32>
      %swap3A_2507 = vector.shape_cast %select_n3A_2501 : vector<16xf32> to vector<16xf32>
      tpu.vector_store %swap3A_2503[%swap3A_2504], %swap3A_2507 {strides = array<i32>} : memref<64xf32, #tpu.memory_space<vmem>>, vector<16xf32>,
      %add3A_2508 = arith.constant 3 : i32
      %add3A_2509 = arith.addi %add3A_51, %add3A_2508 : i32
      %min3A_2510 = arith.minsi %add3A_2509, %sub3A_7 : i32
      %dma_start3A_2511 = arith.constant 0 : i32
      %dma_start3A_2512 = arith.constant 0 : i32
      %dma_start3A_2513 = tpu.memref_slice %arg2[%min3A_2510, %dma_start3A_2511, %dma_start3A_2512] : memref<1024x64x512xf32, #tpu.memory_space<hbm>> -> memref<1x64x512xf32, #tpu.memory_space<hbm>>
      %dma_start3A_2514 = arith.constant 0 : i32
      %dma_start3A_2515 = arith.constant 0 : i32
      %dma_start3A_2516 = tpu.memref_slice %arg2[%min3A_2510, %dma_start3A_2514, %dma_start3A_2515] : memref<1024x64x512xf32, #tpu.memory_space<hbm>> -> memref<1x64x512xf32, #tpu.memory_space<hbm>>
      tpu.enqueue_dma source(%dma_start3A_2516 : memref<1x64x512xf32, #tpu.memory_space<hbm>>) target(%arg6 : memref<1x64x512xf32, #tpu.memory_space<vmem>>) target_semaphore(%arg10 : memref<!tpu.dma_semaphore, #tpu.memory_space<semaphore_mem>>)
      %sub3A_2517 = arith.constant 512 : i32
      %sub3A_2518 = arith.subi %add3A_51, %sub3A_2517 : i32
      %mul3A_2519 = arith.constant 64 : i32
      %mul3A_2520 = arith.muli %sub3A_2518, %mul3A_2519 : i32
      "tpu.region"() ({
        %run_scoped3A = tpu.sem_alloc : memref<!tpu.dma_semaphore, #tpu.memory_space<semaphore_mem>>
        %dma_start3A_2533 = tpu.memref_slice %arg3[%mul3A_2520] : memref<32768xf32, #tpu.memory_space<hbm>> -> memref<128xf32, #tpu.memory_space<hbm>>
        %dma_start3A_2534 = tpu.memref_slice %arg3[%mul3A_2520] : memref<32768xf32, #tpu.memory_space<hbm>> -> memref<128xf32, #tpu.memory_space<hbm>>
        tpu.enqueue_dma source(%arg7 : memref<128xf32, #tpu.memory_space<vmem>>) target(%dma_start3A_2534 : memref<128xf32, #tpu.memory_space<hbm>>) target_semaphore(%run_scoped3A : memref<!tpu.dma_semaphore, #tpu.memory_space<semaphore_mem>>)
        %dma_wait3A_2535 = tpu.memref_slice %arg3[%mul3A_2520] : memref<32768xf32, #tpu.memory_space<hbm>> -> memref<128xf32, #tpu.memory_space<hbm>>
        %dma_wait3A_2536 = tpu.memref_slice %arg3[%mul3A_2520] : memref<32768xf32, #tpu.memory_space<hbm>> -> memref<128xf32, #tpu.memory_space<hbm>>
        tpu.wait_dma2 semaphore(%run_scoped3A : memref<!tpu.dma_semaphore, #tpu.memory_space<semaphore_mem>>) src(%arg7 : memref<128xf32, #tpu.memory_space<vmem>>) dst(%dma_wait3A_2536 : memref<128xf32, #tpu.memory_space<hbm>>)
        tpu.yield
      }) : () -> ()
      %mul3A_2521 = arith.constant 2 : i32
      %mul3A_2522 = arith.muli %mul3A_2521, %scan3A_47 : i32
      %eq3A_2523 = vector.broadcast %mul3A_2522 : i32 to vector<16xi32>
      %eq3A_2524 = arith.cmpi eq, %iota3A, %eq3A_2523 : vector<16xi32>
      %select_n3A_2525 = arith.select %eq3A_2524, %min3A_294, %scan3A_48 : vector<16xi1>, vector<16xi32>
      %mul3A_2526 = arith.constant 2 : i32
      %mul3A_2527 = arith.muli %mul3A_2526, %scan3A_47 : i32
      %add3A_2528 = arith.constant 1 : i32
      %add3A_2529 = arith.addi %mul3A_2527, %add3A_2528 : i32
      %eq3A_2530 = vector.broadcast %add3A_2529 : i32 to vector<16xi32>
      %eq3A_2531 = arith.cmpi eq, %iota3A, %eq3A_2530 : vector<16xi32>
      %select_n3A_2532 = arith.select %eq3A_2531, %min3A_1529, %select_n3A_2525 : vector<16xi1>, vector<16xi32>
      scf.yield %select_n3A_2532 : vector<16xi32>
    }
    %scan3A_26 = arith.constant 8 : i32
    %dma_wait3A = arith.constant 0 : i32
    %dma_wait3A_27 = arith.constant 0 : i32
    %dma_wait3A_28 = arith.constant 0 : i32
    %dma_wait3A_29 = tpu.memref_slice %arg2[%dma_wait3A, %dma_wait3A_27, %dma_wait3A_28] : memref<1024x64x512xf32, #tpu.memory_space<hbm>> -> memref<1x64x512xf32, #tpu.memory_space<hbm>>
    %dma_wait3A_30 = arith.constant 0 : i32
    %dma_wait3A_31 = arith.constant 0 : i32
    %dma_wait3A_32 = arith.constant 0 : i32
    %dma_wait3A_33 = tpu.memref_slice %arg2[%dma_wait3A_30, %dma_wait3A_31, %dma_wait3A_32] : memref<1024x64x512xf32, #tpu.memory_space<hbm>> -> memref<1x64x512xf32, #tpu.memory_space<hbm>>
    tpu.wait_dma2 semaphore(%arg9 : memref<!tpu.dma_semaphore, #tpu.memory_space<semaphore_mem>>) src(%dma_wait3A_33 : memref<1x64x512xf32, #tpu.memory_space<hbm>>) dst(%arg5 : memref<1x64x512xf32, #tpu.memory_space<vmem>>)
    %dma_wait3A_34 = arith.constant 0 : i32
    %dma_wait3A_35 = arith.constant 0 : i32
    %dma_wait3A_36 = arith.constant 0 : i32
    %dma_wait3A_37 = tpu.memref_slice %arg2[%dma_wait3A_34, %dma_wait3A_35, %dma_wait3A_36] : memref<1024x64x512xf32, #tpu.memory_space<hbm>> -> memref<1x64x512xf32, #tpu.memory_space<hbm>>
    %dma_wait3A_38 = arith.constant 0 : i32
    %dma_wait3A_39 = arith.constant 0 : i32
    %dma_wait3A_40 = arith.constant 0 : i32
    %dma_wait3A_41 = tpu.memref_slice %arg2[%dma_wait3A_38, %dma_wait3A_39, %dma_wait3A_40] : memref<1024x64x512xf32, #tpu.memory_space<hbm>> -> memref<1x64x512xf32, #tpu.memory_space<hbm>>
    tpu.wait_dma2 semaphore(%arg10 : memref<!tpu.dma_semaphore, #tpu.memory_space<semaphore_mem>>) src(%dma_wait3A_41 : memref<1x64x512xf32, #tpu.memory_space<hbm>>) dst(%arg6 : memref<1x64x512xf32, #tpu.memory_space<vmem>>)
    %swap3A = arith.constant 0 : index
    %swap3A_42 = tpu.vector_load %arg8[%swap3A] {strides = array<i32>} : memref<16xi32, #tpu.memory_space<vmem>>, vector<16xi32>,
    %swap3A_43 = vector.shape_cast %swap3A_42 : vector<16xi32> to vector<16xi32>
    %swap3A_44 = vector.shape_cast %scan3A_25 : vector<16xi32> to vector<16xi32>
    tpu.vector_store %arg8[%swap3A], %swap3A_44 {strides = array<i32>} : memref<16xi32, #tpu.memory_space<vmem>>, vector<16xi32>,
    %mul3A_45 = arith.constant 16 : i32
    %mul3A_46 = arith.muli %add3A, %mul3A_45 : i32
    "tpu.region"() ({
      %run_scoped3A = tpu.sem_alloc : memref<!tpu.dma_semaphore, #tpu.memory_space<semaphore_mem>>
      %dma_start3A_47 = tpu.memref_slice %arg4[%mul3A_46] : memref<512xi32, #tpu.memory_space<hbm>> -> memref<16xi32, #tpu.memory_space<hbm>>
      %dma_start3A_48 = tpu.memref_slice %arg4[%mul3A_46] : memref<512xi32, #tpu.memory_space<hbm>> -> memref<16xi32, #tpu.memory_space<hbm>>
      tpu.enqueue_dma source(%arg8 : memref<16xi32, #tpu.memory_space<vmem>>) target(%dma_start3A_48 : memref<16xi32, #tpu.memory_space<hbm>>) target_semaphore(%run_scoped3A : memref<!tpu.dma_semaphore, #tpu.memory_space<semaphore_mem>>)
      %dma_wait3A_49 = tpu.memref_slice %arg4[%mul3A_46] : memref<512xi32, #tpu.memory_space<hbm>> -> memref<16xi32, #tpu.memory_space<hbm>>
      %dma_wait3A_50 = tpu.memref_slice %arg4[%mul3A_46] : memref<512xi32, #tpu.memory_space<hbm>> -> memref<16xi32, #tpu.memory_space<hbm>>
      tpu.wait_dma2 semaphore(%run_scoped3A : memref<!tpu.dma_semaphore, #tpu.memory_space<semaphore_mem>>) src(%arg8 : memref<16xi32, #tpu.memory_space<vmem>>) dst(%dma_wait3A_50 : memref<16xi32, #tpu.memory_space<hbm>>)
      tpu.yield
    }) : () -> ()
    return
  }
}

module attributes {stable_mosaic.version = 14 : i64} {
  func.func @_tc_body(%arg0: i32, %arg1: memref<32x64x512xf32, #tpu.memory_space<vmem>>, %arg2: memref<32x64xf32, #tpu.memory_space<vmem>>, %arg3: memref<32x1xi32, #tpu.memory_space<vmem>>) attributes {dimension_semantics = [#tpu.dimension_semantics<arbitrary>], iteration_bounds = array<i64: 16>, scalar_prefetch = 0 : i64, scratch_operands = 0 : i64, tpu.core_type = #tpu.core_type<tc>, window_params = [{transform_indices = @transform_0, window_bounds = array<i64: 32, 64, 512>}, {transform_indices = @transform_1, window_bounds = array<i64: 32, 64>}, {transform_indices = @transform_2, window_bounds = array<i64: 32, 1>}]} {
    %get3A = arith.constant 0 : index
    %get3A_0 = arith.constant 0 : index
    %get3A_1 = arith.constant 0 : index
    %get3A_2 = vector.load %arg1[%get3A, %get3A_0, %get3A_1] : memref<32x64x512xf32, #tpu.memory_space<vmem>>, vector<32x64x512xf32>
    %mul3A = arith.mulf %get3A_2, %get3A_2 : vector<32x64x512xf32>
    %reduce_sum3A = arith.constant dense<0.000000e+00> : vector<32x512xf32>
    %reduce_sum3A_3 = vector.multi_reduction <add>, %mul3A, %reduce_sum3A [1] : vector<32x64x512xf32> to vector<32x512xf32>
    %reduce_max3A = arith.constant dense<0xFF800000> : vector<32xf32>
    %reduce_max3A_4 = vector.multi_reduction <maximumf>, %reduce_sum3A_3, %reduce_max3A [1] : vector<32x512xf32> to vector<32xf32>
    %broadcast_in_dim3A = vector.shape_cast %reduce_max3A_4 : vector<32xf32> to vector<32x1xf32>
    %iota3A = tpu.iota {dimensions = array<i32: 1>} : vector<32x512xi32>
    %ge3A = vector.broadcast %broadcast_in_dim3A : vector<32x1xf32> to vector<32x512xf32>
    %ge3A_5 = arith.cmpf oge, %reduce_sum3A_3, %ge3A : vector<32x512xf32>
    %jit3A = arith.constant 512 : i32
    %broadcast_in_dim3A_6 = vector.broadcast %jit3A : i32 to vector<32x512xi32>
    %select_n3A = arith.select %ge3A_5, %iota3A, %broadcast_in_dim3A_6 : vector<32x512xi1>, vector<32x512xi32>
    %reduce_min3A = arith.constant dense<2147483647> : vector<32xi32>
    %reduce_min3A_7 = vector.multi_reduction <minsi>, %select_n3A, %reduce_min3A [1] : vector<32x512xi32> to vector<32xi32>
    %broadcast_in_dim3A_8 = vector.shape_cast %reduce_min3A_7 : vector<32xi32> to vector<32x1xi32>
    %eq3A = vector.broadcast %broadcast_in_dim3A_8 : vector<32x1xi32> to vector<32x512xi32>
    %eq3A_9 = arith.cmpi eq, %iota3A, %eq3A : vector<32x512xi32>
    %convert_element_type3A = arith.extui %eq3A_9 : vector<32x512xi1> to vector<32x512xi32>
    %convert_element_type3A_10 = arith.sitofp %convert_element_type3A : vector<32x512xi32> to vector<32x512xf32>
    %reshape3A = vector.shape_cast %get3A_2 : vector<32x64x512xf32> to vector<2048x512xf32>
    %dot_general3A = arith.constant dense<0.000000e+00> : vector<32x2048xf32>
    %dot_general3A_11 = tpu.matmul %convert_element_type3A_10, %reshape3A, %dot_general3A {dimension_numbers = #tpu.dot_dimension_numbers<[1], [1], [0], [0], [0, 0, 1, 0], [], []>, transpose_lhs_hint = false} : vector<32x512xf32>, vector<2048x512xf32>, vector<32x2048xf32> -> vector<32x2048xf32>
    %iota3A_12 = tpu.iota {dimensions = array<i32: 0>} : vector<32x1xi32>
    %broadcast_in_dim3A_13 = arith.constant 0.000000e+00 : f32
    %broadcast_in_dim3A_14 = vector.broadcast %broadcast_in_dim3A_13 : f32 to vector<32x64xf32>
    %eq3A_15 = arith.constant 0 : i32
    %eq3A_16 = vector.broadcast %eq3A_15 : i32 to vector<32x1xi32>
    %eq3A_17 = arith.cmpi eq, %iota3A_12, %eq3A_16 : vector<32x1xi32>
    %slice3A = vector.extract_strided_slice %dot_general3A_11 {offsets = [0, 0], sizes = [32, 64], strides = [1, 1]} : vector<32x2048xf32> to vector<32x64xf32>
    %jit3A_18 = arith.constant 0.000000e+00 : f32
    %broadcast_in_dim3A_19 = vector.shape_cast %eq3A_17 : vector<32x1xi1> to vector<32x1xi1>
    %broadcast_in_dim3A_20 = vector.broadcast %broadcast_in_dim3A_19 : vector<32x1xi1> to vector<32x64xi1>
    %broadcast_in_dim3A_21 = vector.broadcast %jit3A_18 : f32 to vector<32x64xf32>
    %select_n3A_22 = arith.select %broadcast_in_dim3A_20, %slice3A, %broadcast_in_dim3A_21 : vector<32x64xi1>, vector<32x64xf32>
    %add3A = arith.addf %broadcast_in_dim3A_14, %select_n3A_22 : vector<32x64xf32>
    %eq3A_23 = arith.constant 1 : i32
    %eq3A_24 = vector.broadcast %eq3A_23 : i32 to vector<32x1xi32>
    %eq3A_25 = arith.cmpi eq, %iota3A_12, %eq3A_24 : vector<32x1xi32>
    %slice3A_26 = vector.extract_strided_slice %dot_general3A_11 {offsets = [0, 64], sizes = [32, 64], strides = [1, 1]} : vector<32x2048xf32> to vector<32x64xf32>
    %jit3A_27 = arith.constant 0.000000e+00 : f32
    %broadcast_in_dim3A_28 = vector.shape_cast %eq3A_25 : vector<32x1xi1> to vector<32x1xi1>
    %broadcast_in_dim3A_29 = vector.broadcast %broadcast_in_dim3A_28 : vector<32x1xi1> to vector<32x64xi1>
    %broadcast_in_dim3A_30 = vector.broadcast %jit3A_27 : f32 to vector<32x64xf32>
    %select_n3A_31 = arith.select %broadcast_in_dim3A_29, %slice3A_26, %broadcast_in_dim3A_30 : vector<32x64xi1>, vector<32x64xf32>
    %add3A_32 = arith.addf %add3A, %select_n3A_31 : vector<32x64xf32>
    %eq3A_33 = arith.constant 2 : i32
    %eq3A_34 = vector.broadcast %eq3A_33 : i32 to vector<32x1xi32>
    %eq3A_35 = arith.cmpi eq, %iota3A_12, %eq3A_34 : vector<32x1xi32>
    %slice3A_36 = vector.extract_strided_slice %dot_general3A_11 {offsets = [0, 128], sizes = [32, 64], strides = [1, 1]} : vector<32x2048xf32> to vector<32x64xf32>
    %jit3A_37 = arith.constant 0.000000e+00 : f32
    %broadcast_in_dim3A_38 = vector.shape_cast %eq3A_35 : vector<32x1xi1> to vector<32x1xi1>
    %broadcast_in_dim3A_39 = vector.broadcast %broadcast_in_dim3A_38 : vector<32x1xi1> to vector<32x64xi1>
    %broadcast_in_dim3A_40 = vector.broadcast %jit3A_37 : f32 to vector<32x64xf32>
    %select_n3A_41 = arith.select %broadcast_in_dim3A_39, %slice3A_36, %broadcast_in_dim3A_40 : vector<32x64xi1>, vector<32x64xf32>
    %add3A_42 = arith.addf %add3A_32, %select_n3A_41 : vector<32x64xf32>
    %eq3A_43 = arith.constant 3 : i32
    %eq3A_44 = vector.broadcast %eq3A_43 : i32 to vector<32x1xi32>
    %eq3A_45 = arith.cmpi eq, %iota3A_12, %eq3A_44 : vector<32x1xi32>
    %slice3A_46 = vector.extract_strided_slice %dot_general3A_11 {offsets = [0, 192], sizes = [32, 64], strides = [1, 1]} : vector<32x2048xf32> to vector<32x64xf32>
    %jit3A_47 = arith.constant 0.000000e+00 : f32
    %broadcast_in_dim3A_48 = vector.shape_cast %eq3A_45 : vector<32x1xi1> to vector<32x1xi1>
    %broadcast_in_dim3A_49 = vector.broadcast %broadcast_in_dim3A_48 : vector<32x1xi1> to vector<32x64xi1>
    %broadcast_in_dim3A_50 = vector.broadcast %jit3A_47 : f32 to vector<32x64xf32>
    %select_n3A_51 = arith.select %broadcast_in_dim3A_49, %slice3A_46, %broadcast_in_dim3A_50 : vector<32x64xi1>, vector<32x64xf32>
    %add3A_52 = arith.addf %add3A_42, %select_n3A_51 : vector<32x64xf32>
    %eq3A_53 = arith.constant 4 : i32
    %eq3A_54 = vector.broadcast %eq3A_53 : i32 to vector<32x1xi32>
    %eq3A_55 = arith.cmpi eq, %iota3A_12, %eq3A_54 : vector<32x1xi32>
    %slice3A_56 = vector.extract_strided_slice %dot_general3A_11 {offsets = [0, 256], sizes = [32, 64], strides = [1, 1]} : vector<32x2048xf32> to vector<32x64xf32>
    %jit3A_57 = arith.constant 0.000000e+00 : f32
    %broadcast_in_dim3A_58 = vector.shape_cast %eq3A_55 : vector<32x1xi1> to vector<32x1xi1>
    %broadcast_in_dim3A_59 = vector.broadcast %broadcast_in_dim3A_58 : vector<32x1xi1> to vector<32x64xi1>
    %broadcast_in_dim3A_60 = vector.broadcast %jit3A_57 : f32 to vector<32x64xf32>
    %select_n3A_61 = arith.select %broadcast_in_dim3A_59, %slice3A_56, %broadcast_in_dim3A_60 : vector<32x64xi1>, vector<32x64xf32>
    %add3A_62 = arith.addf %add3A_52, %select_n3A_61 : vector<32x64xf32>
    %eq3A_63 = arith.constant 5 : i32
    %eq3A_64 = vector.broadcast %eq3A_63 : i32 to vector<32x1xi32>
    %eq3A_65 = arith.cmpi eq, %iota3A_12, %eq3A_64 : vector<32x1xi32>
    %slice3A_66 = vector.extract_strided_slice %dot_general3A_11 {offsets = [0, 320], sizes = [32, 64], strides = [1, 1]} : vector<32x2048xf32> to vector<32x64xf32>
    %jit3A_67 = arith.constant 0.000000e+00 : f32
    %broadcast_in_dim3A_68 = vector.shape_cast %eq3A_65 : vector<32x1xi1> to vector<32x1xi1>
    %broadcast_in_dim3A_69 = vector.broadcast %broadcast_in_dim3A_68 : vector<32x1xi1> to vector<32x64xi1>
    %broadcast_in_dim3A_70 = vector.broadcast %jit3A_67 : f32 to vector<32x64xf32>
    %select_n3A_71 = arith.select %broadcast_in_dim3A_69, %slice3A_66, %broadcast_in_dim3A_70 : vector<32x64xi1>, vector<32x64xf32>
    %add3A_72 = arith.addf %add3A_62, %select_n3A_71 : vector<32x64xf32>
    %eq3A_73 = arith.constant 6 : i32
    %eq3A_74 = vector.broadcast %eq3A_73 : i32 to vector<32x1xi32>
    %eq3A_75 = arith.cmpi eq, %iota3A_12, %eq3A_74 : vector<32x1xi32>
    %slice3A_76 = vector.extract_strided_slice %dot_general3A_11 {offsets = [0, 384], sizes = [32, 64], strides = [1, 1]} : vector<32x2048xf32> to vector<32x64xf32>
    %jit3A_77 = arith.constant 0.000000e+00 : f32
    %broadcast_in_dim3A_78 = vector.shape_cast %eq3A_75 : vector<32x1xi1> to vector<32x1xi1>
    %broadcast_in_dim3A_79 = vector.broadcast %broadcast_in_dim3A_78 : vector<32x1xi1> to vector<32x64xi1>
    %broadcast_in_dim3A_80 = vector.broadcast %jit3A_77 : f32 to vector<32x64xf32>
    %select_n3A_81 = arith.select %broadcast_in_dim3A_79, %slice3A_76, %broadcast_in_dim3A_80 : vector<32x64xi1>, vector<32x64xf32>
    %add3A_82 = arith.addf %add3A_72, %select_n3A_81 : vector<32x64xf32>
    %eq3A_83 = arith.constant 7 : i32
    %eq3A_84 = vector.broadcast %eq3A_83 : i32 to vector<32x1xi32>
    %eq3A_85 = arith.cmpi eq, %iota3A_12, %eq3A_84 : vector<32x1xi32>
    %slice3A_86 = vector.extract_strided_slice %dot_general3A_11 {offsets = [0, 448], sizes = [32, 64], strides = [1, 1]} : vector<32x2048xf32> to vector<32x64xf32>
    %jit3A_87 = arith.constant 0.000000e+00 : f32
    %broadcast_in_dim3A_88 = vector.shape_cast %eq3A_85 : vector<32x1xi1> to vector<32x1xi1>
    %broadcast_in_dim3A_89 = vector.broadcast %broadcast_in_dim3A_88 : vector<32x1xi1> to vector<32x64xi1>
    %broadcast_in_dim3A_90 = vector.broadcast %jit3A_87 : f32 to vector<32x64xf32>
    %select_n3A_91 = arith.select %broadcast_in_dim3A_89, %slice3A_86, %broadcast_in_dim3A_90 : vector<32x64xi1>, vector<32x64xf32>
    %add3A_92 = arith.addf %add3A_82, %select_n3A_91 : vector<32x64xf32>
    %eq3A_93 = arith.constant 8 : i32
    %eq3A_94 = vector.broadcast %eq3A_93 : i32 to vector<32x1xi32>
    %eq3A_95 = arith.cmpi eq, %iota3A_12, %eq3A_94 : vector<32x1xi32>
    %slice3A_96 = vector.extract_strided_slice %dot_general3A_11 {offsets = [0, 512], sizes = [32, 64], strides = [1, 1]} : vector<32x2048xf32> to vector<32x64xf32>
    %jit3A_97 = arith.constant 0.000000e+00 : f32
    %broadcast_in_dim3A_98 = vector.shape_cast %eq3A_95 : vector<32x1xi1> to vector<32x1xi1>
    %broadcast_in_dim3A_99 = vector.broadcast %broadcast_in_dim3A_98 : vector<32x1xi1> to vector<32x64xi1>
    %broadcast_in_dim3A_100 = vector.broadcast %jit3A_97 : f32 to vector<32x64xf32>
    %select_n3A_101 = arith.select %broadcast_in_dim3A_99, %slice3A_96, %broadcast_in_dim3A_100 : vector<32x64xi1>, vector<32x64xf32>
    %add3A_102 = arith.addf %add3A_92, %select_n3A_101 : vector<32x64xf32>
    %eq3A_103 = arith.constant 9 : i32
    %eq3A_104 = vector.broadcast %eq3A_103 : i32 to vector<32x1xi32>
    %eq3A_105 = arith.cmpi eq, %iota3A_12, %eq3A_104 : vector<32x1xi32>
    %slice3A_106 = vector.extract_strided_slice %dot_general3A_11 {offsets = [0, 576], sizes = [32, 64], strides = [1, 1]} : vector<32x2048xf32> to vector<32x64xf32>
    %jit3A_107 = arith.constant 0.000000e+00 : f32
    %broadcast_in_dim3A_108 = vector.shape_cast %eq3A_105 : vector<32x1xi1> to vector<32x1xi1>
    %broadcast_in_dim3A_109 = vector.broadcast %broadcast_in_dim3A_108 : vector<32x1xi1> to vector<32x64xi1>
    %broadcast_in_dim3A_110 = vector.broadcast %jit3A_107 : f32 to vector<32x64xf32>
    %select_n3A_111 = arith.select %broadcast_in_dim3A_109, %slice3A_106, %broadcast_in_dim3A_110 : vector<32x64xi1>, vector<32x64xf32>
    %add3A_112 = arith.addf %add3A_102, %select_n3A_111 : vector<32x64xf32>
    %eq3A_113 = arith.constant 10 : i32
    %eq3A_114 = vector.broadcast %eq3A_113 : i32 to vector<32x1xi32>
    %eq3A_115 = arith.cmpi eq, %iota3A_12, %eq3A_114 : vector<32x1xi32>
    %slice3A_116 = vector.extract_strided_slice %dot_general3A_11 {offsets = [0, 640], sizes = [32, 64], strides = [1, 1]} : vector<32x2048xf32> to vector<32x64xf32>
    %jit3A_117 = arith.constant 0.000000e+00 : f32
    %broadcast_in_dim3A_118 = vector.shape_cast %eq3A_115 : vector<32x1xi1> to vector<32x1xi1>
    %broadcast_in_dim3A_119 = vector.broadcast %broadcast_in_dim3A_118 : vector<32x1xi1> to vector<32x64xi1>
    %broadcast_in_dim3A_120 = vector.broadcast %jit3A_117 : f32 to vector<32x64xf32>
    %select_n3A_121 = arith.select %broadcast_in_dim3A_119, %slice3A_116, %broadcast_in_dim3A_120 : vector<32x64xi1>, vector<32x64xf32>
    %add3A_122 = arith.addf %add3A_112, %select_n3A_121 : vector<32x64xf32>
    %eq3A_123 = arith.constant 11 : i32
    %eq3A_124 = vector.broadcast %eq3A_123 : i32 to vector<32x1xi32>
    %eq3A_125 = arith.cmpi eq, %iota3A_12, %eq3A_124 : vector<32x1xi32>
    %slice3A_126 = vector.extract_strided_slice %dot_general3A_11 {offsets = [0, 704], sizes = [32, 64], strides = [1, 1]} : vector<32x2048xf32> to vector<32x64xf32>
    %jit3A_127 = arith.constant 0.000000e+00 : f32
    %broadcast_in_dim3A_128 = vector.shape_cast %eq3A_125 : vector<32x1xi1> to vector<32x1xi1>
    %broadcast_in_dim3A_129 = vector.broadcast %broadcast_in_dim3A_128 : vector<32x1xi1> to vector<32x64xi1>
    %broadcast_in_dim3A_130 = vector.broadcast %jit3A_127 : f32 to vector<32x64xf32>
    %select_n3A_131 = arith.select %broadcast_in_dim3A_129, %slice3A_126, %broadcast_in_dim3A_130 : vector<32x64xi1>, vector<32x64xf32>
    %add3A_132 = arith.addf %add3A_122, %select_n3A_131 : vector<32x64xf32>
    %eq3A_133 = arith.constant 12 : i32
    %eq3A_134 = vector.broadcast %eq3A_133 : i32 to vector<32x1xi32>
    %eq3A_135 = arith.cmpi eq, %iota3A_12, %eq3A_134 : vector<32x1xi32>
    %slice3A_136 = vector.extract_strided_slice %dot_general3A_11 {offsets = [0, 768], sizes = [32, 64], strides = [1, 1]} : vector<32x2048xf32> to vector<32x64xf32>
    %jit3A_137 = arith.constant 0.000000e+00 : f32
    %broadcast_in_dim3A_138 = vector.shape_cast %eq3A_135 : vector<32x1xi1> to vector<32x1xi1>
    %broadcast_in_dim3A_139 = vector.broadcast %broadcast_in_dim3A_138 : vector<32x1xi1> to vector<32x64xi1>
    %broadcast_in_dim3A_140 = vector.broadcast %jit3A_137 : f32 to vector<32x64xf32>
    %select_n3A_141 = arith.select %broadcast_in_dim3A_139, %slice3A_136, %broadcast_in_dim3A_140 : vector<32x64xi1>, vector<32x64xf32>
    %add3A_142 = arith.addf %add3A_132, %select_n3A_141 : vector<32x64xf32>
    %eq3A_143 = arith.constant 13 : i32
    %eq3A_144 = vector.broadcast %eq3A_143 : i32 to vector<32x1xi32>
    %eq3A_145 = arith.cmpi eq, %iota3A_12, %eq3A_144 : vector<32x1xi32>
    %slice3A_146 = vector.extract_strided_slice %dot_general3A_11 {offsets = [0, 832], sizes = [32, 64], strides = [1, 1]} : vector<32x2048xf32> to vector<32x64xf32>
    %jit3A_147 = arith.constant 0.000000e+00 : f32
    %broadcast_in_dim3A_148 = vector.shape_cast %eq3A_145 : vector<32x1xi1> to vector<32x1xi1>
    %broadcast_in_dim3A_149 = vector.broadcast %broadcast_in_dim3A_148 : vector<32x1xi1> to vector<32x64xi1>
    %broadcast_in_dim3A_150 = vector.broadcast %jit3A_147 : f32 to vector<32x64xf32>
    %select_n3A_151 = arith.select %broadcast_in_dim3A_149, %slice3A_146, %broadcast_in_dim3A_150 : vector<32x64xi1>, vector<32x64xf32>
    %add3A_152 = arith.addf %add3A_142, %select_n3A_151 : vector<32x64xf32>
    %eq3A_153 = arith.constant 14 : i32
    %eq3A_154 = vector.broadcast %eq3A_153 : i32 to vector<32x1xi32>
    %eq3A_155 = arith.cmpi eq, %iota3A_12, %eq3A_154 : vector<32x1xi32>
    %slice3A_156 = vector.extract_strided_slice %dot_general3A_11 {offsets = [0, 896], sizes = [32, 64], strides = [1, 1]} : vector<32x2048xf32> to vector<32x64xf32>
    %jit3A_157 = arith.constant 0.000000e+00 : f32
    %broadcast_in_dim3A_158 = vector.shape_cast %eq3A_155 : vector<32x1xi1> to vector<32x1xi1>
    %broadcast_in_dim3A_159 = vector.broadcast %broadcast_in_dim3A_158 : vector<32x1xi1> to vector<32x64xi1>
    %broadcast_in_dim3A_160 = vector.broadcast %jit3A_157 : f32 to vector<32x64xf32>
    %select_n3A_161 = arith.select %broadcast_in_dim3A_159, %slice3A_156, %broadcast_in_dim3A_160 : vector<32x64xi1>, vector<32x64xf32>
    %add3A_162 = arith.addf %add3A_152, %select_n3A_161 : vector<32x64xf32>
    %eq3A_163 = arith.constant 15 : i32
    %eq3A_164 = vector.broadcast %eq3A_163 : i32 to vector<32x1xi32>
    %eq3A_165 = arith.cmpi eq, %iota3A_12, %eq3A_164 : vector<32x1xi32>
    %slice3A_166 = vector.extract_strided_slice %dot_general3A_11 {offsets = [0, 960], sizes = [32, 64], strides = [1, 1]} : vector<32x2048xf32> to vector<32x64xf32>
    %jit3A_167 = arith.constant 0.000000e+00 : f32
    %broadcast_in_dim3A_168 = vector.shape_cast %eq3A_165 : vector<32x1xi1> to vector<32x1xi1>
    %broadcast_in_dim3A_169 = vector.broadcast %broadcast_in_dim3A_168 : vector<32x1xi1> to vector<32x64xi1>
    %broadcast_in_dim3A_170 = vector.broadcast %jit3A_167 : f32 to vector<32x64xf32>
    %select_n3A_171 = arith.select %broadcast_in_dim3A_169, %slice3A_166, %broadcast_in_dim3A_170 : vector<32x64xi1>, vector<32x64xf32>
    %add3A_172 = arith.addf %add3A_162, %select_n3A_171 : vector<32x64xf32>
    %eq3A_173 = arith.constant 16 : i32
    %eq3A_174 = vector.broadcast %eq3A_173 : i32 to vector<32x1xi32>
    %eq3A_175 = arith.cmpi eq, %iota3A_12, %eq3A_174 : vector<32x1xi32>
    %slice3A_176 = vector.extract_strided_slice %dot_general3A_11 {offsets = [0, 1024], sizes = [32, 64], strides = [1, 1]} : vector<32x2048xf32> to vector<32x64xf32>
    %jit3A_177 = arith.constant 0.000000e+00 : f32
    %broadcast_in_dim3A_178 = vector.shape_cast %eq3A_175 : vector<32x1xi1> to vector<32x1xi1>
    %broadcast_in_dim3A_179 = vector.broadcast %broadcast_in_dim3A_178 : vector<32x1xi1> to vector<32x64xi1>
    %broadcast_in_dim3A_180 = vector.broadcast %jit3A_177 : f32 to vector<32x64xf32>
    %select_n3A_181 = arith.select %broadcast_in_dim3A_179, %slice3A_176, %broadcast_in_dim3A_180 : vector<32x64xi1>, vector<32x64xf32>
    %add3A_182 = arith.addf %add3A_172, %select_n3A_181 : vector<32x64xf32>
    %eq3A_183 = arith.constant 17 : i32
    %eq3A_184 = vector.broadcast %eq3A_183 : i32 to vector<32x1xi32>
    %eq3A_185 = arith.cmpi eq, %iota3A_12, %eq3A_184 : vector<32x1xi32>
    %slice3A_186 = vector.extract_strided_slice %dot_general3A_11 {offsets = [0, 1088], sizes = [32, 64], strides = [1, 1]} : vector<32x2048xf32> to vector<32x64xf32>
    %jit3A_187 = arith.constant 0.000000e+00 : f32
    %broadcast_in_dim3A_188 = vector.shape_cast %eq3A_185 : vector<32x1xi1> to vector<32x1xi1>
    %broadcast_in_dim3A_189 = vector.broadcast %broadcast_in_dim3A_188 : vector<32x1xi1> to vector<32x64xi1>
    %broadcast_in_dim3A_190 = vector.broadcast %jit3A_187 : f32 to vector<32x64xf32>
    %select_n3A_191 = arith.select %broadcast_in_dim3A_189, %slice3A_186, %broadcast_in_dim3A_190 : vector<32x64xi1>, vector<32x64xf32>
    %add3A_192 = arith.addf %add3A_182, %select_n3A_191 : vector<32x64xf32>
    %eq3A_193 = arith.constant 18 : i32
    %eq3A_194 = vector.broadcast %eq3A_193 : i32 to vector<32x1xi32>
    %eq3A_195 = arith.cmpi eq, %iota3A_12, %eq3A_194 : vector<32x1xi32>
    %slice3A_196 = vector.extract_strided_slice %dot_general3A_11 {offsets = [0, 1152], sizes = [32, 64], strides = [1, 1]} : vector<32x2048xf32> to vector<32x64xf32>
    %jit3A_197 = arith.constant 0.000000e+00 : f32
    %broadcast_in_dim3A_198 = vector.shape_cast %eq3A_195 : vector<32x1xi1> to vector<32x1xi1>
    %broadcast_in_dim3A_199 = vector.broadcast %broadcast_in_dim3A_198 : vector<32x1xi1> to vector<32x64xi1>
    %broadcast_in_dim3A_200 = vector.broadcast %jit3A_197 : f32 to vector<32x64xf32>
    %select_n3A_201 = arith.select %broadcast_in_dim3A_199, %slice3A_196, %broadcast_in_dim3A_200 : vector<32x64xi1>, vector<32x64xf32>
    %add3A_202 = arith.addf %add3A_192, %select_n3A_201 : vector<32x64xf32>
    %eq3A_203 = arith.constant 19 : i32
    %eq3A_204 = vector.broadcast %eq3A_203 : i32 to vector<32x1xi32>
    %eq3A_205 = arith.cmpi eq, %iota3A_12, %eq3A_204 : vector<32x1xi32>
    %slice3A_206 = vector.extract_strided_slice %dot_general3A_11 {offsets = [0, 1216], sizes = [32, 64], strides = [1, 1]} : vector<32x2048xf32> to vector<32x64xf32>
    %jit3A_207 = arith.constant 0.000000e+00 : f32
    %broadcast_in_dim3A_208 = vector.shape_cast %eq3A_205 : vector<32x1xi1> to vector<32x1xi1>
    %broadcast_in_dim3A_209 = vector.broadcast %broadcast_in_dim3A_208 : vector<32x1xi1> to vector<32x64xi1>
    %broadcast_in_dim3A_210 = vector.broadcast %jit3A_207 : f32 to vector<32x64xf32>
    %select_n3A_211 = arith.select %broadcast_in_dim3A_209, %slice3A_206, %broadcast_in_dim3A_210 : vector<32x64xi1>, vector<32x64xf32>
    %add3A_212 = arith.addf %add3A_202, %select_n3A_211 : vector<32x64xf32>
    %eq3A_213 = arith.constant 20 : i32
    %eq3A_214 = vector.broadcast %eq3A_213 : i32 to vector<32x1xi32>
    %eq3A_215 = arith.cmpi eq, %iota3A_12, %eq3A_214 : vector<32x1xi32>
    %slice3A_216 = vector.extract_strided_slice %dot_general3A_11 {offsets = [0, 1280], sizes = [32, 64], strides = [1, 1]} : vector<32x2048xf32> to vector<32x64xf32>
    %jit3A_217 = arith.constant 0.000000e+00 : f32
    %broadcast_in_dim3A_218 = vector.shape_cast %eq3A_215 : vector<32x1xi1> to vector<32x1xi1>
    %broadcast_in_dim3A_219 = vector.broadcast %broadcast_in_dim3A_218 : vector<32x1xi1> to vector<32x64xi1>
    %broadcast_in_dim3A_220 = vector.broadcast %jit3A_217 : f32 to vector<32x64xf32>
    %select_n3A_221 = arith.select %broadcast_in_dim3A_219, %slice3A_216, %broadcast_in_dim3A_220 : vector<32x64xi1>, vector<32x64xf32>
    %add3A_222 = arith.addf %add3A_212, %select_n3A_221 : vector<32x64xf32>
    %eq3A_223 = arith.constant 21 : i32
    %eq3A_224 = vector.broadcast %eq3A_223 : i32 to vector<32x1xi32>
    %eq3A_225 = arith.cmpi eq, %iota3A_12, %eq3A_224 : vector<32x1xi32>
    %slice3A_226 = vector.extract_strided_slice %dot_general3A_11 {offsets = [0, 1344], sizes = [32, 64], strides = [1, 1]} : vector<32x2048xf32> to vector<32x64xf32>
    %jit3A_227 = arith.constant 0.000000e+00 : f32
    %broadcast_in_dim3A_228 = vector.shape_cast %eq3A_225 : vector<32x1xi1> to vector<32x1xi1>
    %broadcast_in_dim3A_229 = vector.broadcast %broadcast_in_dim3A_228 : vector<32x1xi1> to vector<32x64xi1>
    %broadcast_in_dim3A_230 = vector.broadcast %jit3A_227 : f32 to vector<32x64xf32>
    %select_n3A_231 = arith.select %broadcast_in_dim3A_229, %slice3A_226, %broadcast_in_dim3A_230 : vector<32x64xi1>, vector<32x64xf32>
    %add3A_232 = arith.addf %add3A_222, %select_n3A_231 : vector<32x64xf32>
    %eq3A_233 = arith.constant 22 : i32
    %eq3A_234 = vector.broadcast %eq3A_233 : i32 to vector<32x1xi32>
    %eq3A_235 = arith.cmpi eq, %iota3A_12, %eq3A_234 : vector<32x1xi32>
    %slice3A_236 = vector.extract_strided_slice %dot_general3A_11 {offsets = [0, 1408], sizes = [32, 64], strides = [1, 1]} : vector<32x2048xf32> to vector<32x64xf32>
    %jit3A_237 = arith.constant 0.000000e+00 : f32
    %broadcast_in_dim3A_238 = vector.shape_cast %eq3A_235 : vector<32x1xi1> to vector<32x1xi1>
    %broadcast_in_dim3A_239 = vector.broadcast %broadcast_in_dim3A_238 : vector<32x1xi1> to vector<32x64xi1>
    %broadcast_in_dim3A_240 = vector.broadcast %jit3A_237 : f32 to vector<32x64xf32>
    %select_n3A_241 = arith.select %broadcast_in_dim3A_239, %slice3A_236, %broadcast_in_dim3A_240 : vector<32x64xi1>, vector<32x64xf32>
    %add3A_242 = arith.addf %add3A_232, %select_n3A_241 : vector<32x64xf32>
    %eq3A_243 = arith.constant 23 : i32
    %eq3A_244 = vector.broadcast %eq3A_243 : i32 to vector<32x1xi32>
    %eq3A_245 = arith.cmpi eq, %iota3A_12, %eq3A_244 : vector<32x1xi32>
    %slice3A_246 = vector.extract_strided_slice %dot_general3A_11 {offsets = [0, 1472], sizes = [32, 64], strides = [1, 1]} : vector<32x2048xf32> to vector<32x64xf32>
    %jit3A_247 = arith.constant 0.000000e+00 : f32
    %broadcast_in_dim3A_248 = vector.shape_cast %eq3A_245 : vector<32x1xi1> to vector<32x1xi1>
    %broadcast_in_dim3A_249 = vector.broadcast %broadcast_in_dim3A_248 : vector<32x1xi1> to vector<32x64xi1>
    %broadcast_in_dim3A_250 = vector.broadcast %jit3A_247 : f32 to vector<32x64xf32>
    %select_n3A_251 = arith.select %broadcast_in_dim3A_249, %slice3A_246, %broadcast_in_dim3A_250 : vector<32x64xi1>, vector<32x64xf32>
    %add3A_252 = arith.addf %add3A_242, %select_n3A_251 : vector<32x64xf32>
    %eq3A_253 = arith.constant 24 : i32
    %eq3A_254 = vector.broadcast %eq3A_253 : i32 to vector<32x1xi32>
    %eq3A_255 = arith.cmpi eq, %iota3A_12, %eq3A_254 : vector<32x1xi32>
    %slice3A_256 = vector.extract_strided_slice %dot_general3A_11 {offsets = [0, 1536], sizes = [32, 64], strides = [1, 1]} : vector<32x2048xf32> to vector<32x64xf32>
    %jit3A_257 = arith.constant 0.000000e+00 : f32
    %broadcast_in_dim3A_258 = vector.shape_cast %eq3A_255 : vector<32x1xi1> to vector<32x1xi1>
    %broadcast_in_dim3A_259 = vector.broadcast %broadcast_in_dim3A_258 : vector<32x1xi1> to vector<32x64xi1>
    %broadcast_in_dim3A_260 = vector.broadcast %jit3A_257 : f32 to vector<32x64xf32>
    %select_n3A_261 = arith.select %broadcast_in_dim3A_259, %slice3A_256, %broadcast_in_dim3A_260 : vector<32x64xi1>, vector<32x64xf32>
    %add3A_262 = arith.addf %add3A_252, %select_n3A_261 : vector<32x64xf32>
    %eq3A_263 = arith.constant 25 : i32
    %eq3A_264 = vector.broadcast %eq3A_263 : i32 to vector<32x1xi32>
    %eq3A_265 = arith.cmpi eq, %iota3A_12, %eq3A_264 : vector<32x1xi32>
    %slice3A_266 = vector.extract_strided_slice %dot_general3A_11 {offsets = [0, 1600], sizes = [32, 64], strides = [1, 1]} : vector<32x2048xf32> to vector<32x64xf32>
    %jit3A_267 = arith.constant 0.000000e+00 : f32
    %broadcast_in_dim3A_268 = vector.shape_cast %eq3A_265 : vector<32x1xi1> to vector<32x1xi1>
    %broadcast_in_dim3A_269 = vector.broadcast %broadcast_in_dim3A_268 : vector<32x1xi1> to vector<32x64xi1>
    %broadcast_in_dim3A_270 = vector.broadcast %jit3A_267 : f32 to vector<32x64xf32>
    %select_n3A_271 = arith.select %broadcast_in_dim3A_269, %slice3A_266, %broadcast_in_dim3A_270 : vector<32x64xi1>, vector<32x64xf32>
    %add3A_272 = arith.addf %add3A_262, %select_n3A_271 : vector<32x64xf32>
    %eq3A_273 = arith.constant 26 : i32
    %eq3A_274 = vector.broadcast %eq3A_273 : i32 to vector<32x1xi32>
    %eq3A_275 = arith.cmpi eq, %iota3A_12, %eq3A_274 : vector<32x1xi32>
    %slice3A_276 = vector.extract_strided_slice %dot_general3A_11 {offsets = [0, 1664], sizes = [32, 64], strides = [1, 1]} : vector<32x2048xf32> to vector<32x64xf32>
    %jit3A_277 = arith.constant 0.000000e+00 : f32
    %broadcast_in_dim3A_278 = vector.shape_cast %eq3A_275 : vector<32x1xi1> to vector<32x1xi1>
    %broadcast_in_dim3A_279 = vector.broadcast %broadcast_in_dim3A_278 : vector<32x1xi1> to vector<32x64xi1>
    %broadcast_in_dim3A_280 = vector.broadcast %jit3A_277 : f32 to vector<32x64xf32>
    %select_n3A_281 = arith.select %broadcast_in_dim3A_279, %slice3A_276, %broadcast_in_dim3A_280 : vector<32x64xi1>, vector<32x64xf32>
    %add3A_282 = arith.addf %add3A_272, %select_n3A_281 : vector<32x64xf32>
    %eq3A_283 = arith.constant 27 : i32
    %eq3A_284 = vector.broadcast %eq3A_283 : i32 to vector<32x1xi32>
    %eq3A_285 = arith.cmpi eq, %iota3A_12, %eq3A_284 : vector<32x1xi32>
    %slice3A_286 = vector.extract_strided_slice %dot_general3A_11 {offsets = [0, 1728], sizes = [32, 64], strides = [1, 1]} : vector<32x2048xf32> to vector<32x64xf32>
    %jit3A_287 = arith.constant 0.000000e+00 : f32
    %broadcast_in_dim3A_288 = vector.shape_cast %eq3A_285 : vector<32x1xi1> to vector<32x1xi1>
    %broadcast_in_dim3A_289 = vector.broadcast %broadcast_in_dim3A_288 : vector<32x1xi1> to vector<32x64xi1>
    %broadcast_in_dim3A_290 = vector.broadcast %jit3A_287 : f32 to vector<32x64xf32>
    %select_n3A_291 = arith.select %broadcast_in_dim3A_289, %slice3A_286, %broadcast_in_dim3A_290 : vector<32x64xi1>, vector<32x64xf32>
    %add3A_292 = arith.addf %add3A_282, %select_n3A_291 : vector<32x64xf32>
    %eq3A_293 = arith.constant 28 : i32
    %eq3A_294 = vector.broadcast %eq3A_293 : i32 to vector<32x1xi32>
    %eq3A_295 = arith.cmpi eq, %iota3A_12, %eq3A_294 : vector<32x1xi32>
    %slice3A_296 = vector.extract_strided_slice %dot_general3A_11 {offsets = [0, 1792], sizes = [32, 64], strides = [1, 1]} : vector<32x2048xf32> to vector<32x64xf32>
    %jit3A_297 = arith.constant 0.000000e+00 : f32
    %broadcast_in_dim3A_298 = vector.shape_cast %eq3A_295 : vector<32x1xi1> to vector<32x1xi1>
    %broadcast_in_dim3A_299 = vector.broadcast %broadcast_in_dim3A_298 : vector<32x1xi1> to vector<32x64xi1>
    %broadcast_in_dim3A_300 = vector.broadcast %jit3A_297 : f32 to vector<32x64xf32>
    %select_n3A_301 = arith.select %broadcast_in_dim3A_299, %slice3A_296, %broadcast_in_dim3A_300 : vector<32x64xi1>, vector<32x64xf32>
    %add3A_302 = arith.addf %add3A_292, %select_n3A_301 : vector<32x64xf32>
    %eq3A_303 = arith.constant 29 : i32
    %eq3A_304 = vector.broadcast %eq3A_303 : i32 to vector<32x1xi32>
    %eq3A_305 = arith.cmpi eq, %iota3A_12, %eq3A_304 : vector<32x1xi32>
    %slice3A_306 = vector.extract_strided_slice %dot_general3A_11 {offsets = [0, 1856], sizes = [32, 64], strides = [1, 1]} : vector<32x2048xf32> to vector<32x64xf32>
    %jit3A_307 = arith.constant 0.000000e+00 : f32
    %broadcast_in_dim3A_308 = vector.shape_cast %eq3A_305 : vector<32x1xi1> to vector<32x1xi1>
    %broadcast_in_dim3A_309 = vector.broadcast %broadcast_in_dim3A_308 : vector<32x1xi1> to vector<32x64xi1>
    %broadcast_in_dim3A_310 = vector.broadcast %jit3A_307 : f32 to vector<32x64xf32>
    %select_n3A_311 = arith.select %broadcast_in_dim3A_309, %slice3A_306, %broadcast_in_dim3A_310 : vector<32x64xi1>, vector<32x64xf32>
    %add3A_312 = arith.addf %add3A_302, %select_n3A_311 : vector<32x64xf32>
    %eq3A_313 = arith.constant 30 : i32
    %eq3A_314 = vector.broadcast %eq3A_313 : i32 to vector<32x1xi32>
    %eq3A_315 = arith.cmpi eq, %iota3A_12, %eq3A_314 : vector<32x1xi32>
    %slice3A_316 = vector.extract_strided_slice %dot_general3A_11 {offsets = [0, 1920], sizes = [32, 64], strides = [1, 1]} : vector<32x2048xf32> to vector<32x64xf32>
    %jit3A_317 = arith.constant 0.000000e+00 : f32
    %broadcast_in_dim3A_318 = vector.shape_cast %eq3A_315 : vector<32x1xi1> to vector<32x1xi1>
    %broadcast_in_dim3A_319 = vector.broadcast %broadcast_in_dim3A_318 : vector<32x1xi1> to vector<32x64xi1>
    %broadcast_in_dim3A_320 = vector.broadcast %jit3A_317 : f32 to vector<32x64xf32>
    %select_n3A_321 = arith.select %broadcast_in_dim3A_319, %slice3A_316, %broadcast_in_dim3A_320 : vector<32x64xi1>, vector<32x64xf32>
    %add3A_322 = arith.addf %add3A_312, %select_n3A_321 : vector<32x64xf32>
    %eq3A_323 = arith.constant 31 : i32
    %eq3A_324 = vector.broadcast %eq3A_323 : i32 to vector<32x1xi32>
    %eq3A_325 = arith.cmpi eq, %iota3A_12, %eq3A_324 : vector<32x1xi32>
    %slice3A_326 = vector.extract_strided_slice %dot_general3A_11 {offsets = [0, 1984], sizes = [32, 64], strides = [1, 1]} : vector<32x2048xf32> to vector<32x64xf32>
    %jit3A_327 = arith.constant 0.000000e+00 : f32
    %broadcast_in_dim3A_328 = vector.shape_cast %eq3A_325 : vector<32x1xi1> to vector<32x1xi1>
    %broadcast_in_dim3A_329 = vector.broadcast %broadcast_in_dim3A_328 : vector<32x1xi1> to vector<32x64xi1>
    %broadcast_in_dim3A_330 = vector.broadcast %jit3A_327 : f32 to vector<32x64xf32>
    %select_n3A_331 = arith.select %broadcast_in_dim3A_329, %slice3A_326, %broadcast_in_dim3A_330 : vector<32x64xi1>, vector<32x64xf32>
    %add3A_332 = arith.addf %add3A_322, %select_n3A_331 : vector<32x64xf32>
    %swap3A = arith.constant 0 : index
    %swap3A_333 = arith.constant 0 : index
    %swap3A_334 = vector.load %arg2[%swap3A, %swap3A_333] : memref<32x64xf32, #tpu.memory_space<vmem>>, vector<32x64xf32>
    tpu.vector_store %arg2[%swap3A, %swap3A_333], %add3A_332 {strides = array<i32>} : memref<32x64xf32, #tpu.memory_space<vmem>>, vector<32x64xf32>,
    %swap3A_335 = arith.constant 0 : index
    %swap3A_336 = arith.constant 0 : index
    %swap3A_337 = vector.load %arg3[%swap3A_335, %swap3A_336] : memref<32x1xi32, #tpu.memory_space<vmem>>, vector<32x1xi32>
    tpu.vector_store %arg3[%swap3A_335, %swap3A_336], %broadcast_in_dim3A_8 {strides = array<i32>} : memref<32x1xi32, #tpu.memory_space<vmem>>, vector<32x1xi32>,
    return
  }
  func.func @transform_0(%arg0: i32) -> (i32, i32, i32) {
    %c0_i32 = arith.constant 0 : i32
    %c0_i32_0 = arith.constant 0 : i32
    %c0_i32_1 = arith.constant 0 : i32
    return %arg0, %c0_i32, %c0_i32_0 : i32, i32, i32
  }
  func.func @transform_1(%arg0: i32) -> (i32, i32) {
    %c0_i32 = arith.constant 0 : i32
    %c0_i32_0 = arith.constant 0 : i32
    return %arg0, %c0_i32 : i32, i32
  }
  func.func @transform_2(%arg0: i32) -> (i32, i32) {
    %c0_i32 = arith.constant 0 : i32
    %c0_i32_0 = arith.constant 0 : i32
    return %arg0, %c0_i32 : i32, i32
  }
}

</mosaic_0001>

<sc_bundles>
// kernel: kernel.4.cloned.1.call-start
scs
__scs_entry_jumppad:
0x0: {  	(pc) =	sbr.rel $0x88, $3  }
0x1: {  	(tag) =	ssettag $0x0;
	lr =	simm.s32 $0x1  }
0x2: {  	[smem:$0x3FA0] =	sst lr;
	_ =	strace $0xD0000000  }
0x3: {  	_ = 	snop  }
0x4: {  	_ = 	snop  }
0x5: {  	_ = 	snop  }
0x6: {  	_ = 	snop  }
0x7: {  	_ = 	snop  }
__scs_overlays_trampoline_lowered:
0x8: {  	[smem:$0x3FAF] =	sst s0  }
0x9: {  	[smem:$0x3FB0] =	sst s1  }
0xa: {  	[smem:$0x3FB1] =	sst s2  }
0xb: {  	[smem:$0x3FB2] =	sst s3  }
0xc: {  	[smem:$0x3FB3] =	sst s4  }
0xd: {  	[smem:$0x3FB4] =	sst s5  }
0xe: {  	[smem:$0x3FB5] =	sst s6  }
0xf: {  	[smem:$0x3FB6] =	sst s7  }
0x10: {  	[smem:$0x3FB7] =	sst s8  }
0x11: {  	[smem:$0x3FB8] =	sst s9;
	s0 =	simm.s32 @!p0 $0x0  }
0x12: {  	s1 =	sld [smem:$0x3F9E];
	s0 =	simm.s32 @p0 $0x1  }
0x13: {  	[smem:$0x3FB9] =	sst s0;
	s0 =	simm.s32 @!p1 $0x0  }
0x14: {  	s2 =	sld [smem:$0x3F9D];
	s0 =	simm.s32 @p1 $0x1  }
0x15: {  	[smem:$0x3FBA] =	sst s0;
	s0 =	simm.s32 @!p2 $0x0  }
0x16: {  	s3 =	sld [smem:$0x3FDB];
	s0 =	simm.s32 @p2 $0x1  }
0x17: {  	s4 =	simm.s32 $0x1BF5;
	[smem:$0x3FBC] =	sst s0  }
0x18: {  	s0 =	sld [smem:$0x3F9F];
	_ =	swait.ge [sflag:s4], $0x0  }
0x19: {  	s7 =	sld [smem:$0x3FA0]  }
0x1a: {  	s8 =	sadd.s32 $0xFFFFE003, lr  }
0x1b: {  	s9 =	sadd.s32 $0xFFFFFEF7, lr;
	s5 =	simm.s32 $0xFFFFFFFF;
	p2 =	slt.u32 s8, $0xFFFFF086  }
0x1c: {  	p1 =	slt.u32 s9, $0xF7A;
	s5 =	simm.s32 @!p2 $0x0  }
0x1d: {  	s5 =	simm.s32 @p1 $0x1;
	p0 =	seq.s32 s7, s2  }
0x1e: {  	s7 =	smul.u32 @!p0 $0xF7A, s2;
	p2 =	seq.s32 @!p0 s5, $0x0  }
0x1f: {  	s9 =	smul.u32 $0xF7A, s1;
	s8 =	simm.s32 @!p0 $0x1BF5;
	p2 =	por !p2, p0  }
0x20: {  	[sflag:s8] =	ssyncset.s32 @!p0 $0xFFFFF086;
	s6 =	sadd.s32 @!p0 s3, s7;
	s7 =	simm.s32 @!p0 $0x108  }
0x21: {  	s3 =	sadd.s32 s3, s9;
	s6 =	sadd.s32 @!p0 $0x88, s6;
	s7 =	simm.s32 @p2 $0x1082  }
0x22: {  	[simem:s7], [sflag:s8] =	dma.local @!p0 [hbm:s6], $0xF7A  }
0x23: {  	s9 =	sor.u32 $0xD0000000, s2;
	s6 =	simm.s32 $0x108;
	_ =	swait.ge @!p0 [sflag:s8], $0x0  }
0x24: {  	s3 =	sadd.s32 $0x88, s3;
	s6 =	simm.s32 @!p1 $0x1082;
	[sflag:s4] =	ssyncset.s32 $0xFFFFF086  }
0x25: {  	[simem:s6], [sflag:s4] =	dma.local [hbm:s3], $0xF7A  }
0x26: {  	[smem:$0x3FA0] =	sst s1;
	(tag) =	ssettag s2;
	_ =	strace s9  }
0x27: {  	s1 =	sld [smem:$0x3FB0]  }
0x28: {  	s2 =	sld [smem:$0x3FB1]  }
0x29: {  	s4 =	sld [smem:$0x3FB3]  }
0x2a: {  	p0 =	seq.s32 s5, $0x0;
	s5 =	sld [smem:$0x3FB4]  }
0x2b: {  	s6 =	sld [smem:$0x3FB5]  }
0x2c: {  	s7 =	sld [smem:$0x3FB6]  }
0x2d: {  	s3 =	simm.s32 $0x108;
	s8 =	sld [smem:$0x3FB7]  }
0x2e: {  	s3 =	simm.s32 @!p0 $0x1082;
	s9 =	sld [smem:$0x3FB8]  }
0x2f: {  	lr =	sadd.s32 s0, s3;
	s0 =	sld [smem:$0x3FAF]  }
0x30: {  	s3 =	sld [smem:$0x3FB2]  }
0x31: {  	[smem:$0x3FBB] =	sst s10  }
0x32: {  	s10 =	sld [smem:$0x3FB9];
	_ =	sdelay $0x3  }
0x33: {  	p0 =	seq.s32 s10, $0x1;
	s10 =	sld [smem:$0x3FBB];
	_ =	sdelay $0x3  }
0x34: {  	[smem:$0x3FBB] =	sst s10  }
0x35: {  	s10 =	sld [smem:$0x3FBA];
	_ =	sdelay $0x3  }
0x36: {  	p1 =	seq.s32 s10, $0x1;
	s10 =	sld [smem:$0x3FBB];
	_ =	sdelay $0x3  }
0x37: {  	[smem:$0x3FBB] =	sst s10  }
0x38: {  	s10 =	sld [smem:$0x3FBC]  }
0x39: {  	_ = 	snop;
	(pc) =	sbr.ind lr, $3  }
0x3a: {  	_ = 	snop  }
0x3b: {  	_ = 	snop  }
0x3c: {  	p2 =	seq.s32 s10, $0x1;
	s10 =	sld [smem:$0x3FBB]  }
0x3d: {  	_ =	shalt  }
0x3e: {  	_ =	shalt  }
0x3f: {  	_ =	shalt  }
0x40: {  	_ =	shalt  }
0x41: {  	_ =	shalt  }
0x42: {  	_ =	shalt  }
0x43: {  	_ =	shalt  }
0x44: {  	_ =	shalt  }
0x45: {  	_ =	shalt  }
0x46: {  	_ =	shalt  }
0x47: {  	_ =	shalt  }
0x48: {  	_ =	shalt  }
0x49: {  	_ =	shalt  }
0x4a: {  	_ =	shalt  }
0x4b: {  	_ =	shalt  }
0x4c: {  	_ =	shalt  }
0x4d: {  	_ =	shalt  }
0x4e: {  	_ =	shalt  }
0x4f: {  	_ =	shalt  }
0x50: {  	_ =	shalt  }
0x51: {  	_ =	shalt  }
0x52: {  	_ =	shalt  }
0x53: {  	_ =	shalt  }
0x54: {  	_ =	shalt  }
0x55: {  	_ =	shalt  }
0x56: {  	_ =	shalt  }
0x57: {  	_ =	shalt  }
0x58: {  	_ =	shalt  }
0x59: {  	_ =	shalt  }
0x5a: {  	_ =	shalt  }
0x5b: {  	_ =	shalt  }
0x5c: {  	_ =	shalt  }
0x5d: {  	_ =	shalt  }
0x5e: {  	_ =	shalt  }
0x5f: {  	_ =	shalt  }
0x60: {  	_ =	shalt  }
0x61: {  	_ =	shalt  }
0x62: {  	_ =	shalt  }
0x63: {  	_ =	shalt  }
0x64: {  	_ =	shalt  }
0x65: {  	_ =	shalt  }
0x66: {  	_ =	shalt  }
0x67: {  	_ =	shalt  }
0x68: {  	_ =	shalt  }
0x69: {  	_ =	shalt  }
0x6a: {  	_ =	shalt  }
0x6b: {  	_ =	shalt  }
0x6c: {  	_ =	shalt  }
0x6d: {  	_ =	shalt  }
0x6e: {  	_ =	shalt  }
0x6f: {  	_ =	shalt  }
0x70: {  	_ =	shalt  }
0x71: {  	_ =	shalt  }
0x72: {  	_ =	shalt  }
0x73: {  	_ =	shalt  }
0x74: {  	_ =	shalt  }
0x75: {  	_ =	shalt  }
0x76: {  	_ =	shalt  }
0x77: {  	_ =	shalt  }
0x78: {  	_ =	shalt  }
0x79: {  	_ =	shalt  }
0x7a: {  	_ =	shalt  }
0x7b: {  	_ =	shalt  }
0x7c: {  	_ =	shalt  }
0x7d: {  	_ =	shalt  }
0x7e: {  	_ =	shalt  }
0x7f: {  	_ =	shalt  }
0x80: {  	_ =	shalt  }
0x81: {  	_ =	shalt  }
0x82: {  	_ =	shalt  }
0x83: {  	_ =	shalt  }
0x84: {  	_ =	shalt  }
0x85: {  	_ =	shalt  }
0x86: {  	_ =	shalt  }
0x87: {  	_ =	shalt  }
.Lfunc_end0:
.L_simem_size_0:
called_computation_lowered:
.L_overlay_start_0:
0x88: {  	s2 =	sld [smem:$0x3FD9]  }
0x89: {  	s3 =	sld [smem:$0x3FFE];
	_ =	sdelay $0x1  }
0x8a: {  	s1 =	srdreg.scid  }
0x8b: {  	s0 =	sand.u32 $0x1, s1  }
0x8c: {  	s14 =	sshll.u32 s0, $0xA;
	s2 =	sadd.s32 s3, s2  }
0x8d: {  	s2 =	sadd.s32 s2, s14  }
0x8e: {  	[smem:$0x3FC7] =	sst s2  }
0x8f: {  	_ = 	snop  }
0x90: {  	s2 =	sld [smem:$0x3FD0];
	_ =	sdelay $0x2  }
0x91: {  	s4 =	simm.s32 $0xA;
	s5 =	simm.s32 $0x10;
	s15 =	sld [smem:$0x3FC9]  }
0x92: {  	[smem:s5], [sflag:s4] =	dma.local [hbm:s2], $0x1  }
0x93: {  	_ =	swait.eq [sflag:s4], $0x1  }
0x94: {  	[sflag:s4] =	ssyncset.done $0x0  }
0x95: {  	[sflag:s4] =	ssyncadd.s32 $0xFFFFFFFF  }
0x96: {  	s16 =	sld [smem:$0x10];
	(tm) =	ssettm $0x1  }
0x97: {  	s17 =	sld [smem:$0x3FFB];
	_ =	sdelay $0x3  }
0x98: {  	_ =	strace s17  }
0x99: {  	s4 =	sld [smem:$0x3FFC];
	_ =	sdelay $0x3  }
0x9a: {  	_ =	strace s4  }
0x9b: {  	s4 =	sld [smem:$0x3FFD];
	_ =	sdelay $0x3  }
0x9c: {  	_ =	strace s4  }
0x9d: {  	_ =	strace $0x8FFFFFFF  }
0x9e: {  	s18 =	sld [smem:$0x3FDB];
	_ =	sdelay $0x1  }
0x9f: {  	s19 =	simm.s32 $_scs_section_size  }
0xa0: {  	s6 =	simm.s32 $_size__tile_overlayer_lowered;
	s7 =	simm.s32 $_tile_overlayer_lowered  }
0xa1: {  	s22 =	simm.s32 $0x1BFF;
	s21 =	sshll.u32 s7, $0x1;
	s4 =	sadd.s32 s19, s18  }
0xa2: {  	s8 =	simm.s32 $0x0;
	s20 =	sshll.u32 s6, $0x1;
	s6 =	sadd.s32 s21, s4  }
0xa3: {  	[timem:s8], [sflag:s22] =	dma.local [hbm:s6], s20  }
0xa4: {  	_ =	swait.ge [sflag:s22], s20  }
0xa5: {  	s5 =	ssub.s32 $0x0, s20;
	[sflag:s22] =	ssyncset.done $0x0  }
0xa6: {  	[sflag:s22] =	ssyncadd.s32 s5;
	_ =	sdelay $0x1  }
0xa7: {  	s23 =	simm.s32 $0x1B8B  }
0xa8: {  	_ =	swait.ge [sflag:s23], $0x1  }
0xa9: {  	[sflag:s23] =	ssyncset.done $0x0  }
0xaa: {  	s25 =	simm.s32 $0x1B8E;
	s24 =	sld [smem:$0x3FFE];
	[sflag:s23] =	ssyncadd.s32 $0xFFFFFFFF  }
0xab: {  	s26 =	simm.s32 $execute0_lowered;
	[smem:$0x3FD2] =	sst s25  }
0xac: {  	s6 =	sshll.u32 s26, $0x1;
	_ =	strace $0x80000046;
	[dreg:$0x1] =	wrdreg $0xFFFFFFFF  }
0xad: {  	s28 =	simm.s32 $_size_execute0_lowered;
	s4 =	sadd.s32 s4, s6;
	[dreg:$0x0] =	wrdreg $0x0  }
0xae: {  	s6 =	sshll.u32 s28, $0x1;
	[dreg:$0x2] =	wrdreg s4  }
0xaf: {  	[dreg:$0x3] =	wrdreg s6  }
0xb0: {  	[dreg:$0x4] =	wrdreg $0xC0  }
0xb1: {  	_ =	task [dreg:s8], $0x5FFFF  }
0xb2: {  	[dreg:$0x1] =	wrdreg $0xFFFFFFFF  }
0xb3: {  	[dreg:$0x0] =	wrdreg $0x60  }
0xb4: {  	[dreg:$0x2] =	wrdreg s15  }
0xb5: {  	[dreg:$0x3] =	wrdreg s16  }
0xb6: {  	[dreg:$0x4] =	wrdreg s24  }
0xb7: {  	[dreg:$0x5] =	wrdreg $0x9  }
0xb8: {  	_ =	task.clear_ibuf [dreg:s8], $0x6FFFF;
	_ =	strace $0x90000046  }
0xb9: {  	s29 =	simm.s32 $0x9;
	_ =	strace $0x80000048  }
0xba: {  	_ =	swait.ge [sflag:s29], $0x1  }
0xbb: {  	[sflag:s29] =	ssyncadd.s32 $0xFFFFFFFF  }
0xbc: {  	_ =	strace $0x90000048  }
0xbd: {  	_ =	sfence  }
0xbe: {  	s30 =	sld [smem:$0x0];
	_ =	sdelay $0x2  }
0xbf: {  	s31 =	sshll.u32 s1, $0xD;
	s1 =	sshrl.u32 s1, $0x2  }
0xc0: {  	s3 =	sand.u32 $0x4000, s31;
	s1 =	sadd.s32 s1, s30  }
0xc1: {  	s0 =	sor.u32 s3, s0;
	s1 =	sshll.u32 s1, $0x11  }
0xc2: {  	s0 =	sor.u32 s1, s0  }
0xc3: {  	s0 =	sadd.s32 $0x8F2B, s0  }
0xc4: {  	[sflag:s0] =	ssyncadd.remote.s32 $0x1  }
0xc5: {  	_ =	sfence.sel $0xFFFF  }
0xc6: {  	[dreg:$0x0] =	wrdreg $0xFFFFFFFF;
	(pc) =	sbr.abs _section_cstart, $3  }
0xc7: {  	[dreg:$0x1] =	wrdreg $0xFFFFFFFF  }
0xc8: {  	_ =	task.clear_ibuf [dreg:s8], $0x2FFFF;
	_ =	strace $0x9FFFFFFF  }
0xc9: {  	(tm) =	ssettm $0x7FFFFFFF  }
tec
execute0_lowered:
.L_overlay_start_1:
0x0: {  	(tag) =	ssettag $0x1  }
0x1: {  	v0 =	vimm.s32 $0xFEDCBA98;
	v1 =	vimm.s32 $0x76543210;
	v2 =	vimm.s32 $0x3210FEDC  }
0x2: {  	v3 =	vimm.s32 $0xBA987654;
	v4 =	vimm.s32 $0x10FEDCBA;
	v5 =	vimm.s32 $0x98765432  }
0x3: {  	v6 =	vimm.s32 $0xFEDCBA9;
	v7 =	vimm.s32 $0x87654321;
	vm0 =	vmmov $0x1  }
0x4: {  	vm1 =	vmmov $0x3;
	vm2 =	vmmov $0x7;
	vm3 =	vmmov $0xf  }
0x5: {  	s0 =	rddreg [dreg:$0x0];
	s3 =	srdreg.scid;
	vm4 =	vmmov $0x1f;
	vm5 =	vmmov $0x3f;
	vm6 =	vmmov $0x7f  }
0x6: {  	s2 =	rddreg [dreg:$0x1];
	s1 =	stileid.u32;
	vm7 =	vmmov $0xff;
	vm8 =	vmmov $0x1ff;
	vm9 =	vmmov $0x3ff  }
0x7: {  	s7 =	rddreg [dreg:$0x2];
	s4 =	simm.s32 $0x0;
	s12 =	simm.s32 $0x8000;
	vm10 =	vmmov $0x7ff;
	vm11 =	vmmov $0xfff;
	vm12 =	vmmov $0x1fff  }
0x8: {  	s13 =	simm.s32 $0x1;
	s14 =	simm.s32 $0x2;
	s15 =	simm.s32 $0x10000;
	v0 =	vunpack.c.l.s4.s8 v0;
	v1 =	vunpack.c.l.s4.s8 v1;
	v2 =	vunpack.c.l.s4.s8 v2  }
0x9: {  	s16 =	simm.s32 $0x3;
	s17 =	simm.s32 $0x10080;
	s18 =	simm.s32 $0x0;
	v3 =	vunpack.c.l.s4.s8 v3;
	v4 =	vunpack.c.l.s4.s8 v4;
	v5 =	vunpack.c.l.s4.s8 v5  }
0xa: {  	v6 =	vunpack.c.l.s4.s8 v6;
	v7 =	vunpack.c.l.s4.s8 v7;
	s6 =	sand.u32 $0x1, s3;
	s5 =	sshll.u32 s1, $0x5;
	s3 =	rddreg [dreg:$0x3];
	v0 =	vunpack.c.0.s8.s32 v0  }
0xb: {  	[smem:$0x7FF] =	sst s4;
	s8 =	sshll.u32 s6, $0x4;
	s29 =	ssub.s32 $0x2, s6;
	v2 =	vunpack.c.0.s8.s32 v2;
	v3 =	vunpack.c.0.s8.s32 v3;
	v4 =	vunpack.c.0.s8.s32 v4  }
0xc: {  	_ =	strace $0x80000047;
	v5 =	vunpack.c.0.s8.s32 v5;
	v6 =	vunpack.c.0.s8.s32 v6;
	v7 =	vunpack.c.0.s8.s32 v7;
	s5 =	sor.u32 s8, s5;
	s30 =	sshrl.u32 s29, $0x1  }
0xd: {  	vm13 =	vmmov $0x3fff;
	v1 =	vunpack.c.0.s8.s32 v1;
	s8 =	sshrl.u32 s5, $0x3;
	s6 =	sor.u32 $0x200, s5;
	s9 =	sshll.u32 s5, $0xC;
	v2 =	vcombine.low v3, v2  }
0xe: {  	s11 =	ssub.s32 s29, s30;
	v3 =	vcombine.low v5, v4;
	v4 =	vand.u32 $0xF, v0;
	v5 =	vcombine.low v7, v6;
	s10 =	sadd.s32 s8, s7;
	s31 =	sshll.u32 s6, $0xC  }
0xf: {  	vm14 =	vmmov $0x7fff;
	v0 =	vlaneseq.u32;
	s9 =	sadd.s32 s9, s0;
	s7 =	sor.u32 $0x20F, s5;
	s11 =	smax.u32 s11, $0x1;
	v1 =	vcombine.low v4, v1  }
0x10: {  	s8 =	sadd.s32 s0, s31;
	s9 =	sadd.s32 $0x201000, s9;
	s10 =	sadd.s32 $0x600, s10;
	v2 =	vand.u32 $0xF, v2;
	v3 =	vand.u32 $0xF, v3;
	v4 =	vand.u32 $0xF, v5  }
.LBB2_1:
0x11: {  	[tilespmem:s4], [sflag:$0x1] =	stream.linear.gather [hbm4b:s8+s4], $0x8000, $0x38;
	[tilespmem:$0x10100] =	vst v63  }
0x12: {  	s19 =	simm.s32 $0x0  }
0x13: {  	v5 =	vimm.s32 $0x0;
	[tilespmem:s12], [sflag:$0x2] =	stream.linear.gather [hbm4b:s9+s4], $0x8000, $0x38;
	[tilespmem:$0x10100] =	vst v63  }
.LBB2_2:
0x14: {  	_ =	swait.ge [sflag:s13], $0x8000;
	s22 =	simm.s32 $0x0  }
0x15: {  	[sflag:s13] =	ssyncset.done $0x0;
	s20 =	sand.u32 $0x70, s22;
	s21 =	sand.u32 $0xC00, s22  }
0x16: {  	[sflag:s13] =	ssyncadd.s32 $0xFFFF8000;
	s20 =	sor.u32 s20, s21  }
0x17: {  	v6 =	vld [tilespmem:s20+$0x7200]  }
0x18: {  	v7 =	vld [tilespmem:s20+$0x7280]  }
0x19: {  	v10 =	vld [tilespmem:s20+$0x7000]  }
0x1a: {  	v11 =	vld [tilespmem:s20+$0x7080]  }
0x1b: {  	v12 =	vld [tilespmem:s20+$0x6200]  }
0x1c: {  	v13 =	vld [tilespmem:s20+$0x6280]  }
0x1d: {  	v14 =	vld [tilespmem:s20+$0x6000]  }
0x1e: {  	v15 =	vld [tilespmem:s20+$0x6080]  }
0x1f: {  	v16 =	vld [tilespmem:s20+$0x5200]  }
0x20: {  	v17 =	vld [tilespmem:s20+$0x5280]  }
0x21: {  	v18 =	vld [tilespmem:s20+$0x5000]  }
0x22: {  	v19 =	vld [tilespmem:s20+$0x5080]  }
0x23: {  	v20 =	vld [tilespmem:s20+$0x4200]  }
0x24: {  	v21 =	vld [tilespmem:s20+$0x4280]  }
0x25: {  	v22 =	vld [tilespmem:s20+$0x4000]  }
0x26: {  	v23 =	vld [tilespmem:s20+$0x4080]  }
0x27: {  	v24 =	vld [tilespmem:s20+$0x3200]  }
0x28: {  	v25 =	vld [tilespmem:s20+$0x3280]  }
0x29: {  	v26 =	vld [tilespmem:s20+$0x3000]  }
0x2a: {  	v27 =	vld [tilespmem:s20+$0x3080]  }
0x2b: {  	v28 =	vld [tilespmem:s20+$0x2200]  }
0x2c: {  	v29 =	vld [tilespmem:s20+$0x2280]  }
0x2d: {  	v30 =	vld [tilespmem:s20+$0x2000]  }
0x2e: {  	v31 =	vld [tilespmem:s20+$0x2080];
	v8 =	vmul.f32 v6, v6;
	v9 =	vmul.f32 v7, v7  }
0x2f: {  	v32 =	vld [tilespmem:s20+$0x1200];
	v10 =	vmul.f32 v10, v10;
	v11 =	vmul.f32 v11, v11  }
0x30: {  	v33 =	vld [tilespmem:s20+$0x1280];
	v12 =	vmul.f32 v12, v12;
	v13 =	vmul.f32 v13, v13  }
0x31: {  	v34 =	vld [tilespmem:s20+$0x1000];
	v14 =	vmul.f32 v14, v14;
	v15 =	vmul.f32 v15, v15  }
0x32: {  	v35 =	vld [tilespmem:s20+$0x1080];
	v16 =	vmul.f32 v16, v16;
	v17 =	vmul.f32 v17, v17  }
0x33: {  	v36 =	vld [tilespmem:s20+$0x0];
	v18 =	vmul.f32 v18, v18;
	v19 =	vmul.f32 v19, v19  }
0x34: {  	v37 =	vld [tilespmem:s20+$0x80];
	v20 =	vmul.f32 v20, v20;
	v21 =	vmul.f32 v21, v21  }
0x35: {  	v38 =	vld [tilespmem:s20+$0x100];
	v22 =	vmul.f32 v22, v22;
	v23 =	vmul.f32 v23, v23  }
0x36: {  	v39 =	vld [tilespmem:s20+$0x180];
	v24 =	vmul.f32 v24, v24;
	v25 =	vmul.f32 v25, v25  }
0x37: {  	v40 =	vld [tilespmem:s20+$0x200];
	v6 =	vimm.f32 $-1.000000000e+00;
	v26 =	vmul.f32 v26, v26;
	v27 =	vmul.f32 v27, v27  }
0x38: {  	s23 =	simm.s32 $0x10;
	s24 =	sor.u32 s22, s22;
	s21 =	simm.s32 $0x0;
	v41 =	vld [tilespmem:s20+$0x280];
	v28 =	vmul.f32 v28, v28;
	v29 =	vmul.f32 v29, v29;
	v7 =	vimm.s32 $0x0  }
.LBB2_3:
0x39: {  	p0 =	sne.s32 s23, $0x1F0;
	v42 =	vld [tilespmem:s20+$0x300];
	s24 =	sor.u32 $0x380, s24;
	v30 =	vmul.f32 v30, v30;
	v31 =	vmul.f32 v31, v31  }
0x3a: {  	v32 =	vmul.f32 v32, v32;
	v33 =	vmul.f32 v33, v33;
	v43 =	vld [tilespmem:s24+$0x0]  }
0x3b: {  	v34 =	vmul.f32 v34, v34;
	v35 =	vmul.f32 v35, v35;
	v44 =	vld [tilespmem:s20+$0x1100]  }
0x3c: {  	v36 =	vmul.f32 v36, v36;
	v37 =	vmul.f32 v37, v37;
	v45 =	vld [tilespmem:s20+$0x1180]  }
0x3d: {  	v38 =	vmul.f32 v38, v38;
	v39 =	vmul.f32 v39, v39;
	v46 =	vld [tilespmem:s20+$0x1300]  }
0x3e: {  	v40 =	vmul.f32 v40, v40;
	v41 =	vmul.f32 v41, v41;
	v47 =	vld [tilespmem:s20+$0x1380]  }
0x3f: {  	v42 =	vmul.f32 v42, v42;
	v43 =	vmul.f32 v43, v43;
	v48 =	vld [tilespmem:s20+$0x2100]  }
0x40: {  	v36 =	vadd.f32 v40, v36;
	v37 =	vadd.f32 v41, v37;
	v40 =	vmul.f32 v44, v44;
	v41 =	vld [tilespmem:s20+$0x2180]  }
0x41: {  	v38 =	vadd.f32 v42, v38;
	v39 =	vadd.f32 v43, v39;
	v42 =	vmul.f32 v45, v45;
	v43 =	vld [tilespmem:s20+$0x2300]  }
0x42: {  	v34 =	vadd.f32 v34, v36;
	v35 =	vadd.f32 v35, v37;
	v36 =	vmul.f32 v46, v46;
	v37 =	vld [tilespmem:s20+$0x2380]  }
0x43: {  	v38 =	vadd.f32 v40, v38;
	v39 =	vadd.f32 v42, v39;
	v40 =	vmul.f32 v47, v47;
	v42 =	vld [tilespmem:s20+$0x3100]  }
0x44: {  	v32 =	vadd.f32 v32, v34;
	v33 =	vadd.f32 v33, v35;
	v34 =	vmul.f32 v48, v48;
	v35 =	vld [tilespmem:s20+$0x3180]  }
0x45: {  	v36 =	vadd.f32 v36, v38;
	v38 =	vadd.f32 v40, v39;
	v39 =	vmul.f32 v41, v41;
	v40 =	vld [tilespmem:s20+$0x3300]  }
0x46: {  	v30 =	vadd.f32 v30, v32;
	v31 =	vadd.f32 v31, v33;
	v32 =	vmul.f32 v43, v43;
	v33 =	vld [tilespmem:s20+$0x3380]  }
0x47: {  	v34 =	vadd.f32 v34, v36;
	v36 =	vadd.f32 v39, v38;
	v37 =	vmul.f32 v37, v37;
	v38 =	vld [tilespmem:s20+$0x4100]  }
0x48: {  	v28 =	vadd.f32 v28, v30;
	v29 =	vadd.f32 v29, v31;
	v30 =	vmul.f32 v42, v42;
	v31 =	vld [tilespmem:s20+$0x4180]  }
0x49: {  	v32 =	vadd.f32 v32, v34;
	v34 =	vadd.f32 v37, v36;
	v35 =	vmul.f32 v35, v35;
	v36 =	vld [tilespmem:s20+$0x4300]  }
0x4a: {  	v26 =	vadd.f32 v26, v28;
	v27 =	vadd.f32 v27, v29;
	v28 =	vmul.f32 v40, v40;
	v29 =	vld [tilespmem:s20+$0x4380]  }
0x4b: {  	v30 =	vadd.f32 v30, v32;
	v32 =	vadd.f32 v35, v34;
	v33 =	vmul.f32 v33, v33;
	v34 =	vld [tilespmem:s20+$0x5100]  }
0x4c: {  	v24 =	vadd.f32 v24, v26;
	v25 =	vadd.f32 v25, v27;
	v26 =	vmul.f32 v38, v38;
	v27 =	vld [tilespmem:s20+$0x5180]  }
0x4d: {  	v28 =	vadd.f32 v28, v30;
	v30 =	vadd.f32 v33, v32;
	v31 =	vmul.f32 v31, v31;
	v32 =	vld [tilespmem:s20+$0x5300]  }
0x4e: {  	v22 =	vadd.f32 v22, v24;
	v23 =	vadd.f32 v23, v25;
	v24 =	vmul.f32 v36, v36;
	v25 =	vld [tilespmem:s20+$0x5380]  }
0x4f: {  	v26 =	vadd.f32 v26, v28;
	v28 =	vadd.f32 v31, v30;
	v29 =	vmul.f32 v29, v29;
	v30 =	vld [tilespmem:s20+$0x6100]  }
0x50: {  	v20 =	vadd.f32 v20, v22;
	v21 =	vadd.f32 v21, v23;
	v22 =	vmul.f32 v34, v34;
	v23 =	vld [tilespmem:s20+$0x6180]  }
0x51: {  	v24 =	vadd.f32 v24, v26;
	v26 =	vadd.f32 v29, v28;
	v27 =	vmul.f32 v27, v27;
	v28 =	vld [tilespmem:s20+$0x6300]  }
0x52: {  	v18 =	vadd.f32 v18, v20;
	v19 =	vadd.f32 v19, v21;
	v20 =	vmul.f32 v32, v32;
	v21 =	vld [tilespmem:s20+$0x6380]  }
0x53: {  	v22 =	vadd.f32 v22, v24;
	v24 =	vadd.f32 v27, v26;
	v25 =	vmul.f32 v25, v25;
	v26 =	vld [tilespmem:s20+$0x7100]  }
0x54: {  	s22 =	sadd.s32 $0x80, s22;
	v16 =	vadd.f32 v16, v18;
	v17 =	vadd.f32 v17, v19;
	v18 =	vmul.f32 v30, v30;
	v19 =	vld [tilespmem:s20+$0x7180]  }
0x55: {  	s24 =	sand.u32 $0x70, s23;
	s25 =	sand.u32 $0xC00, s22;
	v20 =	vadd.f32 v20, v22;
	v22 =	vadd.f32 v25, v24;
	v23 =	vmul.f32 v23, v23;
	v24 =	vld [tilespmem:s20+$0x7300]  }
0x56: {  	v14 =	vadd.f32 v14, v16;
	v15 =	vadd.f32 v15, v17;
	v16 =	vmul.f32 v28, v28;
	v17 =	vld [tilespmem:s20+$0x7380];
	s20 =	sor.u32 s24, s25  }
0x57: {  	v18 =	vadd.f32 v18, v20;
	v25 =	vld [tilespmem:s20+$0x7200];
	v20 =	vadd.f32 v23, v22;
	v21 =	vmul.f32 v21, v21  }
0x58: {  	v12 =	vadd.f32 v12, v14;
	v13 =	vadd.f32 v13, v15;
	v22 =	vld [tilespmem:s20+$0x7280];
	v14 =	vmul.f32 v26, v26  }
0x59: {  	v16 =	vadd.f32 v16, v18;
	v15 =	vld [tilespmem:s20+$0x7000];
	v18 =	vadd.f32 v21, v20;
	v19 =	vmul.f32 v19, v19  }
0x5a: {  	v10 =	vadd.f32 v10, v12;
	v11 =	vadd.f32 v11, v13;
	v20 =	vld [tilespmem:s20+$0x7080];
	v12 =	vmul.f32 v24, v24  }
0x5b: {  	v14 =	vadd.f32 v14, v16;
	v13 =	vld [tilespmem:s20+$0x6200];
	v16 =	vadd.f32 v19, v18;
	v17 =	vmul.f32 v17, v17  }
0x5c: {  	v8 =	vadd.f32 v8, v10;
	v9 =	vadd.f32 v9, v11;
	v18 =	vld [tilespmem:s20+$0x6280]  }
0x5d: {  	v10 =	vadd.f32 v12, v14;
	v19 =	vld [tilespmem:s20+$0x6000];
	v11 =	vadd.f32 v17, v16  }
0x5e: {  	v16 =	vld [tilespmem:s20+$0x6080]  }
0x5f: {  	v8 =	vadd.f32 v9, v8;
	v17 =	vld [tilespmem:s20+$0x5200];
	v9 =	vadd.f32 v11, v10  }
0x60: {  	v21 =	vld [tilespmem:s20+$0x5280]  }
0x61: {  	v23 =	vld [tilespmem:s20+$0x5000];
	v8 =	vadd.f32 v9, v8  }
0x62: {  	v24 =	vld [tilespmem:s20+$0x5080]  }
0x63: {  	v9 =	vor.u32 s21, v0;
	s21 =	smov.u32 s23;
	v26 =	vld [tilespmem:s20+$0x4200];
	vm15 =	vgt.f32 v8, v6  }
0x64: {  	v27 =	vld [tilespmem:s20+$0x4280];
	v6 =	vsel vm15, v8, v6;
	v7 =	vsel vm15, v9, v7  }
0x65: {  	v28 =	vld [tilespmem:s20+$0x4000]  }
0x66: {  	v29 =	vld [tilespmem:s20+$0x4080]  }
0x67: {  	v40 =	vld [tilespmem:s20+$0x3200]  }
0x68: {  	v41 =	vld [tilespmem:s20+$0x3280]  }
0x69: {  	v42 =	vld [tilespmem:s20+$0x3000]  }
0x6a: {  	v43 =	vld [tilespmem:s20+$0x3080]  }
0x6b: {  	v44 =	vld [tilespmem:s20+$0x2200]  }
0x6c: {  	v45 =	vld [tilespmem:s20+$0x2280]  }
0x6d: {  	v30 =	vld [tilespmem:s20+$0x2000]  }
0x6e: {  	v8 =	vmul.f32 v25, v25;
	v9 =	vmul.f32 v22, v22;
	v31 =	vld [tilespmem:s20+$0x2080]  }
0x6f: {  	v10 =	vmul.f32 v15, v15;
	v11 =	vmul.f32 v20, v20;
	v32 =	vld [tilespmem:s20+$0x1200]  }
0x70: {  	v12 =	vmul.f32 v13, v13;
	v13 =	vmul.f32 v18, v18;
	v33 =	vld [tilespmem:s20+$0x1280]  }
0x71: {  	v14 =	vmul.f32 v19, v19;
	v15 =	vmul.f32 v16, v16;
	v34 =	vld [tilespmem:s20+$0x1000]  }
0x72: {  	v16 =	vmul.f32 v17, v17;
	v17 =	vmul.f32 v21, v21;
	v35 =	vld [tilespmem:s20+$0x1080]  }
0x73: {  	v18 =	vmul.f32 v23, v23;
	v19 =	vmul.f32 v24, v24;
	v36 =	vld [tilespmem:s20+$0x0]  }
.Ltmp0:
0x74: {  	v20 =	vmul.f32 v26, v26;
	v21 =	vmul.f32 v27, v27;
	v37 =	vld [tilespmem:s20+$0x80];
	(pc) =	sbr.rel @p0 .LBB2_3-.Ltmp0, $4  }
0x75: {  	v22 =	vmul.f32 v28, v28;
	v23 =	vmul.f32 v29, v29;
	v38 =	vld [tilespmem:s20+$0x100]  }
0x76: {  	v24 =	vmul.f32 v40, v40;
	v25 =	vmul.f32 v41, v41;
	v39 =	vld [tilespmem:s20+$0x180]  }
0x77: {  	v26 =	vmul.f32 v42, v42;
	v27 =	vmul.f32 v43, v43;
	v40 =	vld [tilespmem:s20+$0x200]  }
0x78: {  	s23 =	sadd.s32 $0x10, s23;
	s24 =	sor.u32 s22, s21;
	v28 =	vmul.f32 v44, v44;
	v29 =	vmul.f32 v45, v45;
	v41 =	vld [tilespmem:s20+$0x280]  }
0x79: {  	v42 =	vld [tilespmem:s20+$0x300];
	s22 =	sor.u32 $0x380, s24;
	v30 =	vmul.f32 v30, v30;
	v31 =	vmul.f32 v31, v31  }
0x7a: {  	v32 =	vmul.f32 v32, v32;
	v33 =	vmul.f32 v33, v33;
	v43 =	vld [tilespmem:s22+$0x0]  }
0x7b: {  	v44 =	vld [tilespmem:s20+$0x1100];
	v34 =	vmul.f32 v34, v34;
	v35 =	vmul.f32 v35, v35  }
0x7c: {  	v36 =	vmul.f32 v36, v36;
	v37 =	vmul.f32 v37, v37;
	v45 =	vld [tilespmem:s20+$0x1180]  }
0x7d: {  	v46 =	vld [tilespmem:s20+$0x1300];
	v38 =	vmul.f32 v38, v38;
	v39 =	vmul.f32 v39, v39  }
0x7e: {  	v47 =	vld [tilespmem:s20+$0x1380];
	v40 =	vmul.f32 v40, v40;
	v41 =	vmul.f32 v41, v41  }
0x7f: {  	v48 =	vld [tilespmem:s20+$0x2100];
	v42 =	vmul.f32 v42, v42;
	v43 =	vmul.f32 v43, v43  }
0x80: {  	v61 =	vld [tilespmem:s20+$0x2180];
	v36 =	vadd.f32 v40, v36;
	v60 =	vmul.f32 v44, v44;
	v37 =	vadd.f32 v41, v37  }
0x81: {  	v63 =	vld [tilespmem:s20+$0x2300];
	v62 =	vmul.f32 v45, v45;
	v38 =	vadd.f32 v42, v38;
	v39 =	vadd.f32 v43, v39  }
0x82: {  	v45 =	vmul.f32 v46, v46;
	v46 =	vld [tilespmem:s20+$0x2380];
	v34 =	vadd.f32 v34, v36;
	v35 =	vadd.f32 v35, v37  }
0x83: {  	v51 =	vld [tilespmem:s20+$0x3180];
	v47 =	vmul.f32 v47, v47;
	v38 =	vadd.f32 v60, v38;
	v39 =	vadd.f32 v62, v39  }
0x84: {  	v49 =	vld [tilespmem:s20+$0x3100];
	v50 =	vmul.f32 v48, v48;
	v32 =	vadd.f32 v32, v34;
	v33 =	vadd.f32 v33, v35  }
0x85: {  	v56 =	vld [tilespmem:s20+$0x3380];
	v53 =	vmul.f32 v61, v61;
	v36 =	vadd.f32 v45, v38;
	v52 =	vadd.f32 v47, v39  }
0x86: {  	v54 =	vld [tilespmem:s20+$0x3300];
	v55 =	vmul.f32 v63, v63;
	v30 =	vadd.f32 v30, v32;
	v31 =	vadd.f32 v31, v33  }
0x87: {  	v58 =	vld [tilespmem:s20+$0x4100];
	v37 =	vmul.f32 v46, v46;
	v34 =	vadd.f32 v50, v36;
	v57 =	vadd.f32 v53, v52  }
0x88: {  	v35 =	vmul.f32 v51, v51;
	v28 =	vadd.f32 v28, v30;
	v29 =	vadd.f32 v29, v31;
	v31 =	vld [tilespmem:s20+$0x4180]  }
0x89: {  	v60 =	vld [tilespmem:s20+$0x4300];
	v30 =	vmul.f32 v49, v49;
	v32 =	vadd.f32 v55, v34;
	v59 =	vadd.f32 v37, v57  }
0x8a: {  	v33 =	vmul.f32 v56, v56;
	v26 =	vadd.f32 v26, v28;
	v27 =	vadd.f32 v27, v29;
	v29 =	vld [tilespmem:s20+$0x4380]  }
0x8b: {  	v62 =	vld [tilespmem:s20+$0x5100];
	v28 =	vmul.f32 v54, v54;
	v30 =	vadd.f32 v30, v32;
	v61 =	vadd.f32 v35, v59  }
0x8c: {  	v24 =	vadd.f32 v24, v26;
	v26 =	vmul.f32 v58, v58;
	v25 =	vadd.f32 v25, v27;
	v27 =	vld [tilespmem:s20+$0x5180]  }
0x8d: {  	v63 =	vld [tilespmem:s20+$0x5300];
	v28 =	vadd.f32 v28, v30;
	v31 =	vmul.f32 v31, v31;
	v30 =	vadd.f32 v33, v61  }
0x8e: {  	v22 =	vadd.f32 v22, v24;
	v24 =	vmul.f32 v60, v60;
	v23 =	vadd.f32 v23, v25;
	v25 =	vld [tilespmem:s20+$0x5380]  }
0x8f: {  	v26 =	vadd.f32 v26, v28;
	v29 =	vmul.f32 v29, v29;
	v28 =	vadd.f32 v31, v30;
	v30 =	vld [tilespmem:s20+$0x6100]  }
0x90: {  	v20 =	vadd.f32 v20, v22;
	v22 =	vmul.f32 v62, v62;
	v21 =	vadd.f32 v21, v23;
	v23 =	vld [tilespmem:s20+$0x6180]  }
0x91: {  	v24 =	vadd.f32 v24, v26;
	v27 =	vmul.f32 v27, v27;
	v26 =	vadd.f32 v29, v28;
	v28 =	vld [tilespmem:s20+$0x6300]  }
0x92: {  	v18 =	vadd.f32 v18, v20;
	v20 =	vmul.f32 v63, v63;
	v19 =	vadd.f32 v19, v21;
	v21 =	vld [tilespmem:s20+$0x6380]  }
0x93: {  	v22 =	vadd.f32 v22, v24;
	v25 =	vmul.f32 v25, v25;
	v24 =	vadd.f32 v27, v26;
	v26 =	vld [tilespmem:s20+$0x7100]  }
0x94: {  	v16 =	vadd.f32 v16, v18;
	v17 =	vadd.f32 v17, v19;
	v19 =	vld [tilespmem:s20+$0x7180];
	v18 =	vmul.f32 v30, v30  }
0x95: {  	v20 =	vadd.f32 v20, v22;
	v23 =	vmul.f32 v23, v23;
	v22 =	vadd.f32 v25, v24;
	v24 =	vld [tilespmem:s20+$0x7300]  }
0x96: {  	v14 =	vadd.f32 v14, v16;
	v15 =	vadd.f32 v15, v17;
	v17 =	vld [tilespmem:s20+$0x7380];
	v16 =	vmul.f32 v28, v28  }
0x97: {  	v18 =	vadd.f32 v18, v20;
	v21 =	vmul.f32 v21, v21;
	v20 =	vadd.f32 v23, v22  }
0x98: {  	v12 =	vadd.f32 v12, v14;
	v13 =	vadd.f32 v13, v15;
	v14 =	vmul.f32 v26, v26  }
0x99: {  	v15 =	vadd.f32 v16, v18;
	v18 =	vmul.f32 v19, v19;
	v16 =	vadd.f32 v21, v20  }
0x9a: {  	v10 =	vadd.f32 v10, v12;
	v11 =	vadd.f32 v11, v13;
	v12 =	vmul.f32 v24, v24  }
0x9b: {  	v13 =	vadd.f32 v14, v15;
	v15 =	vmul.f32 v17, v17;
	v14 =	vadd.f32 v18, v16  }
0x9c: {  	v8 =	vadd.f32 v8, v10;
	v9 =	vadd.f32 v9, v11  }
0x9d: {  	v10 =	vadd.f32 v12, v13;
	v11 =	vadd.f32 v15, v14;
	_ =	sdelay $0x1  }
0x9e: {  	v8 =	vadd.f32 v9, v8;
	v9 =	vadd.f32 v11, v10;
	_ =	sdelay $0x1  }
0x9f: {  	v8 =	vadd.f32 v9, v8;
	_ =	sdelay $0x1  }
0xa0: {  	vm15 =	vgt.f32 v8, v6  }
0xa1: {  	v6 =	vsel vm15, v8, v6  }
0xa2: {  	v8 =	vperm.xlane v6, v1;
	_ =	sdelay $0x1  }
0xa3: {  	v8 =	vmax.f32 v6, v8  }
0xa4: {  	v9 =	vperm.xlane v8, v2;
	_ =	sdelay $0x1  }
0xa5: {  	v8 =	vmax.f32 v8, v9  }
0xa6: {  	v9 =	vperm.xlane v8, v3;
	_ =	sdelay $0x1  }
0xa7: {  	v8 =	vmax.f32 v8, v9  }
0xa8: {  	v9 =	vperm.xlane v8, v4;
	_ =	sdelay $0x1  }
0xa9: {  	v10 =	vor.u32 s21, v0;
	v8 =	vmax.f32 v8, v9  }
0xaa: {  	v7 =	vsel vm15, v10, v7;
	vm15 =	vge.f32 v6, v8  }
0xab: {  	v6 =	vnsel vm15, $0x200, v7  }
0xac: {  	v7 =	vperm.xlane v6, v1;
	_ =	sdelay $0x1  }
0xad: {  	vm15 =	vlt.s32 v6, v7  }
0xae: {  	v6 =	vsel vm15, v6, v7  }
0xaf: {  	v7 =	vperm.xlane v6, v2;
	_ =	sdelay $0x1  }
0xb0: {  	vm15 =	vlt.s32 v6, v7  }
0xb1: {  	v6 =	vsel vm15, v6, v7  }
0xb2: {  	v7 =	vperm.xlane v6, v3;
	_ =	sdelay $0x1  }
0xb3: {  	vm15 =	vlt.s32 v6, v7  }
0xb4: {  	v6 =	vsel vm15, v6, v7  }
0xb5: {  	v7 =	vperm.xlane v6, v4;
	_ =	sdelay $0x1  }
0xb6: {  	vm15 =	vlt.s32 v6, v7  }
0xb7: {  	v6 =	vsel vm15, v6, v7  }
0xb8: {  	(v2sf) =	vpush v6, $0x0;
	_ =	sdelay $0xe  }
0xb9: {  	s24 =	spop (v2sf)  }
0xba: {  	s25 =	sshra.s32 s24, $0x1F  }
0xbb: {  	s20 =	sshrl.u32 s25, $0x1C  }
0xbc: {  	s20 =	sadd.s32 s20, s24  }
0xbd: {  	s26 =	sand.u32 $0xFFFFFFF0, s20  }
0xbe: {  	p0 =	slt.s32 s24, $0x1;
	p1 =	sne.s32 s24, s26  }
0xbf: {  	p0 =	por !p0, !p1  }
0xc0: {  	s22 =	simm.s32 $0x1;
	p0 =	por !p0, !p0  }
0xc1: {  	s20 =	sshra.s32 s20, $0x4;
	s22 =	simm.s32 @!p0 $0x0  }
0xc2: {  	s20 =	ssub.s32 s20, s22  }
0xc3: {  	s22 =	sshll.u32 s20, $0x4;
	s23 =	sshll.u32 s20, $0x7  }
0xc4: {  	s22 =	sand.u32 $0x70, s22;
	s20 =	sand.u32 $0xFFFFFC00, s23  }
0xc5: {  	s20 =	sor.u32 s22, s20  }
0xc6: {  	v8 =	vld [tilespmem:s20+$0x0]  }
0xc7: {  	v9 =	vld [tilespmem:s20+$0x80]  }
0xc8: {  	v10 =	vld [tilespmem:s20+$0x100]  }
0xc9: {  	v11 =	vld [tilespmem:s20+$0x180]  }
0xca: {  	s21 =	sand.u32 $0xF, s24;
	v12 =	vld [tilespmem:s20+$0x200]  }
0xcb: {  	v7 =	vmov s21;
	s28 =	sor.u32 s22, s23;
	v13 =	vld [tilespmem:s20+$0x280]  }
0xcc: {  	v14 =	vld [tilespmem:s20+$0x300];
	s21 =	sor.u32 $0x380, s28;
	v8 =	vperm.xlane v8, v7;
	v9 =	vperm.xlane v9, v7  }
0xcd: {  	v15 =	vld [tilespmem:s21+$0x0];
	v10 =	vperm.xlane v10, v7  }
0xce: {  	v8 =	vsel vm0, v8, v9;
	v9 =	vperm.xlane v11, v7;
	v11 =	vld [tilespmem:s20+$0x1000]  }
0xcf: {  	v8 =	vsel vm1, v8, v10;
	v10 =	vperm.xlane v12, v7;
	v12 =	vld [tilespmem:s20+$0x1080]  }
0xd0: {  	v8 =	vsel vm2, v8, v9;
	v9 =	vperm.xlane v13, v7;
	v13 =	vld [tilespmem:s20+$0x1100]  }
0xd1: {  	v8 =	vsel vm3, v8, v10;
	v10 =	vperm.xlane v14, v7;
	v14 =	vld [tilespmem:s20+$0x1180]  }
0xd2: {  	v8 =	vsel vm4, v8, v9;
	v9 =	vperm.xlane v15, v7;
	v15 =	vld [tilespmem:s20+$0x1200]  }
0xd3: {  	v8 =	vsel vm5, v8, v10;
	v10 =	vperm.xlane v11, v7;
	v11 =	vld [tilespmem:s20+$0x1280]  }
0xd4: {  	v8 =	vsel vm6, v8, v9;
	v9 =	vperm.xlane v12, v7;
	v12 =	vld [tilespmem:s20+$0x1300]  }
0xd5: {  	v8 =	vsel vm7, v8, v10;
	v10 =	vperm.xlane v13, v7;
	v13 =	vld [tilespmem:s20+$0x1380]  }
0xd6: {  	v8 =	vsel vm8, v8, v9;
	v9 =	vperm.xlane v14, v7  }
0xd7: {  	v8 =	vsel vm9, v8, v10;
	v10 =	vperm.xlane v15, v7  }
0xd8: {  	v8 =	vsel vm10, v8, v9;
	v9 =	vperm.xlane v11, v7  }
0xd9: {  	v8 =	vsel vm11, v8, v10;
	v10 =	vperm.xlane v12, v7  }
0xda: {  	v8 =	vsel vm12, v8, v9;
	v9 =	vperm.xlane v13, v7  }
0xdb: {  	v8 =	vsel vm13, v8, v10  }
0xdc: {  	v8 =	vsel vm14, v8, v9  }
0xdd: {  	[tilespmem:$0x10000] =	vst v8  }
0xde: {  	v8 =	vld [tilespmem:s20+$0x2000]  }
0xdf: {  	v9 =	vld [tilespmem:s20+$0x2080]  }
0xe0: {  	v10 =	vld [tilespmem:s20+$0x2100]  }
0xe1: {  	v11 =	vld [tilespmem:s20+$0x2180]  }
0xe2: {  	v12 =	vld [tilespmem:s20+$0x2200]  }
0xe3: {  	v13 =	vld [tilespmem:s20+$0x2280]  }
0xe4: {  	v14 =	vld [tilespmem:s20+$0x2300];
	v8 =	vperm.xlane v8, v7;
	v9 =	vperm.xlane v9, v7  }
0xe5: {  	v15 =	vld [tilespmem:s20+$0x2380];
	v10 =	vperm.xlane v10, v7  }
0xe6: {  	v8 =	vsel vm0, v8, v9;
	v9 =	vperm.xlane v11, v7;
	v11 =	vld [tilespmem:s20+$0x3000]  }
0xe7: {  	v8 =	vsel vm1, v8, v10;
	v10 =	vperm.xlane v12, v7;
	v12 =	vld [tilespmem:s20+$0x3080]  }
0xe8: {  	v8 =	vsel vm2, v8, v9;
	v9 =	vperm.xlane v13, v7;
	v13 =	vld [tilespmem:s20+$0x3100]  }
0xe9: {  	v8 =	vsel vm3, v8, v10;
	v10 =	vperm.xlane v14, v7;
	v14 =	vld [tilespmem:s20+$0x3180]  }
0xea: {  	v8 =	vsel vm4, v8, v9;
	v9 =	vperm.xlane v15, v7;
	v15 =	vld [tilespmem:s20+$0x3200]  }
0xeb: {  	v8 =	vsel vm5, v8, v10;
	v10 =	vperm.xlane v11, v7;
	v11 =	vld [tilespmem:s20+$0x3280]  }
0xec: {  	v8 =	vsel vm6, v8, v9;
	v9 =	vperm.xlane v12, v7;
	v12 =	vld [tilespmem:s20+$0x3300]  }
0xed: {  	v8 =	vsel vm7, v8, v10;
	v10 =	vperm.xlane v13, v7;
	v13 =	vld [tilespmem:s20+$0x3380]  }
0xee: {  	v8 =	vsel vm8, v8, v9;
	v9 =	vperm.xlane v14, v7  }
0xef: {  	v8 =	vsel vm9, v8, v10;
	v10 =	vperm.xlane v15, v7  }
0xf0: {  	v8 =	vsel vm10, v8, v9;
	v9 =	vperm.xlane v11, v7  }
0xf1: {  	v8 =	vsel vm11, v8, v10;
	v10 =	vperm.xlane v12, v7  }
0xf2: {  	v8 =	vsel vm12, v8, v9;
	v9 =	vperm.xlane v13, v7  }
0xf3: {  	v8 =	vsel vm13, v8, v10  }
0xf4: {  	v8 =	vsel vm14, v8, v9  }
0xf5: {  	[tilespmem:$0x10010] =	vst v8  }
0xf6: {  	v8 =	vld [tilespmem:s20+$0x4000]  }
0xf7: {  	v9 =	vld [tilespmem:s20+$0x4080]  }
0xf8: {  	v10 =	vld [tilespmem:s20+$0x4100]  }
0xf9: {  	v11 =	vld [tilespmem:s20+$0x4180]  }
0xfa: {  	v12 =	vld [tilespmem:s20+$0x4200]  }
0xfb: {  	v13 =	vld [tilespmem:s20+$0x4280]  }
0xfc: {  	v14 =	vld [tilespmem:s20+$0x4300];
	v8 =	vperm.xlane v8, v7;
	v9 =	vperm.xlane v9, v7  }
0xfd: {  	v15 =	vld [tilespmem:s20+$0x4380];
	v10 =	vperm.xlane v10, v7  }
0xfe: {  	v8 =	vsel vm0, v8, v9;
	v9 =	vperm.xlane v11, v7;
	v11 =	vld [tilespmem:s20+$0x5000]  }
0xff: {  	v8 =	vsel vm1, v8, v10;
	v10 =	vperm.xlane v12, v7;
	v12 =	vld [tilespmem:s20+$0x5080]  }
0x100: {  	v8 =	vsel vm2, v8, v9;
	v9 =	vperm.xlane v13, v7;
	v13 =	vld [tilespmem:s20+$0x5100]  }
0x101: {  	v8 =	vsel vm3, v8, v10;
	v10 =	vperm.xlane v14, v7;
	v14 =	vld [tilespmem:s20+$0x5180]  }
0x102: {  	v8 =	vsel vm4, v8, v9;
	v9 =	vperm.xlane v15, v7;
	v15 =	vld [tilespmem:s20+$0x5200]  }
0x103: {  	v8 =	vsel vm5, v8, v10;
	v10 =	vperm.xlane v11, v7;
	v11 =	vld [tilespmem:s20+$0x5280]  }
0x104: {  	v8 =	vsel vm6, v8, v9;
	v9 =	vperm.xlane v12, v7;
	v12 =	vld [tilespmem:s20+$0x5300]  }
0x105: {  	v8 =	vsel vm7, v8, v10;
	v10 =	vperm.xlane v13, v7;
	v13 =	vld [tilespmem:s20+$0x5380]  }
0x106: {  	v8 =	vsel vm8, v8, v9;
	v9 =	vperm.xlane v14, v7  }
0x107: {  	v8 =	vsel vm9, v8, v10;
	v10 =	vperm.xlane v15, v7  }
0x108: {  	v8 =	vsel vm10, v8, v9;
	v9 =	vperm.xlane v11, v7  }
0x109: {  	v8 =	vsel vm11, v8, v10;
	v10 =	vperm.xlane v12, v7  }
0x10a: {  	v8 =	vsel vm12, v8, v9;
	v9 =	vperm.xlane v13, v7  }
0x10b: {  	v8 =	vsel vm13, v8, v10  }
0x10c: {  	v8 =	vsel vm14, v8, v9  }
0x10d: {  	[tilespmem:$0x10020] =	vst v8  }
0x10e: {  	v8 =	vld [tilespmem:s20+$0x6000]  }
0x10f: {  	v9 =	vld [tilespmem:s20+$0x6080]  }
0x110: {  	v10 =	vld [tilespmem:s20+$0x6100]  }
0x111: {  	v11 =	vld [tilespmem:s20+$0x6180]  }
0x112: {  	v12 =	vld [tilespmem:s20+$0x6200]  }
0x113: {  	v13 =	vld [tilespmem:s20+$0x6280]  }
0x114: {  	v14 =	vld [tilespmem:s20+$0x6300];
	v8 =	vperm.xlane v8, v7;
	v9 =	vperm.xlane v9, v7  }
0x115: {  	v15 =	vld [tilespmem:s20+$0x6380];
	v10 =	vperm.xlane v10, v7  }
0x116: {  	v8 =	vsel vm0, v8, v9;
	v9 =	vperm.xlane v11, v7;
	v11 =	vld [tilespmem:s20+$0x7000]  }
0x117: {  	v8 =	vsel vm1, v8, v10;
	v10 =	vperm.xlane v12, v7;
	v12 =	vld [tilespmem:s20+$0x7080]  }
0x118: {  	v8 =	vsel vm2, v8, v9;
	v9 =	vperm.xlane v13, v7;
	v13 =	vld [tilespmem:s20+$0x7100]  }
0x119: {  	v8 =	vsel vm3, v8, v10;
	v10 =	vperm.xlane v14, v7;
	v14 =	vld [tilespmem:s20+$0x7180]  }
0x11a: {  	v8 =	vsel vm4, v8, v9;
	v9 =	vperm.xlane v15, v7;
	v15 =	vld [tilespmem:s20+$0x7200]  }
0x11b: {  	v8 =	vsel vm5, v8, v10;
	v10 =	vperm.xlane v11, v7;
	v11 =	vld [tilespmem:s20+$0x7280]  }
0x11c: {  	v8 =	vsel vm6, v8, v9;
	v9 =	vperm.xlane v12, v7;
	v12 =	vld [tilespmem:s20+$0x7300]  }
0x11d: {  	v8 =	vsel vm7, v8, v10;
	v10 =	vperm.xlane v13, v7;
	v13 =	vld [tilespmem:s20+$0x7380]  }
0x11e: {  	v8 =	vsel vm8, v8, v9;
	v9 =	vperm.xlane v14, v7  }
0x11f: {  	v8 =	vsel vm9, v8, v10;
	v10 =	vperm.xlane v15, v7  }
0x120: {  	s20 =	sshll.u32 s19, $0x1;
	v8 =	vsel vm10, v8, v9;
	v9 =	vperm.xlane v11, v7  }
0x121: {  	s21 =	sor.u32 s6, s20;
	v8 =	vsel vm11, v8, v10;
	v10 =	vperm.xlane v12, v7  }
0x122: {  	s29 =	sadd.s32 $0x2, s21;
	v8 =	vsel vm12, v8, v9;
	v7 =	vperm.xlane v13, v7  }
0x123: {  	s22 =	smin.u32 s29, s7;
	v8 =	vsel vm13, v8, v10  }
0x124: {  	s22 =	sshll.u32 s22, $0xC;
	v7 =	vsel vm14, v8, v7  }
0x125: {  	s24 =	simm.s32 $0x0;
	s22 =	sadd.s32 s0, s22;
	[tilespmem:$0x10030] =	vst v7  }
0x126: {  	[tilespmem:s24], [sflag:$0x1] =	stream.linear.gather [hbm4b:s22+s24], $0x8000, $0x38;
	[tilespmem:$0x10100] =	vst v63  }
0x127: {  	_ =	swait.ge [sflag:s14], $0x8000  }
0x128: {  	s30 =	sand.u32 $0x70, s24;
	s31 =	sand.u32 $0xC00, s24;
	[sflag:s14] =	ssyncset.done $0x0  }
0x129: {  	s22 =	sor.u32 s30, s31;
	[sflag:s14] =	ssyncadd.s32 $0xFFFF8000  }
0x12a: {  	v7 =	vld [tilespmem:s22+$0xF200]  }
0x12b: {  	v8 =	vld [tilespmem:s22+$0xF280]  }
0x12c: {  	v11 =	vld [tilespmem:s22+$0xF000]  }
0x12d: {  	v12 =	vld [tilespmem:s22+$0xF080]  }
0x12e: {  	v13 =	vld [tilespmem:s22+$0xE200]  }
0x12f: {  	v14 =	vld [tilespmem:s22+$0xE280]  }
0x130: {  	v15 =	vld [tilespmem:s22+$0xE000]  }
0x131: {  	v16 =	vld [tilespmem:s22+$0xE080]  }
0x132: {  	v17 =	vld [tilespmem:s22+$0xD200]  }
0x133: {  	v18 =	vld [tilespmem:s22+$0xD280]  }
0x134: {  	v19 =	vld [tilespmem:s22+$0xD000]  }
0x135: {  	v20 =	vld [tilespmem:s22+$0xD080]  }
0x136: {  	v21 =	vld [tilespmem:s22+$0xC200]  }
0x137: {  	v22 =	vld [tilespmem:s22+$0xC280]  }
0x138: {  	v23 =	vld [tilespmem:s22+$0xC000]  }
0x139: {  	v24 =	vld [tilespmem:s22+$0xC080]  }
0x13a: {  	v25 =	vld [tilespmem:s22+$0xB200]  }
0x13b: {  	v26 =	vld [tilespmem:s22+$0xB280]  }
0x13c: {  	v27 =	vld [tilespmem:s22+$0xB000]  }
0x13d: {  	v28 =	vld [tilespmem:s22+$0xB080]  }
0x13e: {  	v29 =	vld [tilespmem:s22+$0xA200]  }
0x13f: {  	v30 =	vld [tilespmem:s22+$0xA280]  }
0x140: {  	v31 =	vld [tilespmem:s22+$0xA000]  }
0x141: {  	v32 =	vld [tilespmem:s22+$0xA080];
	v9 =	vmul.f32 v7, v7;
	v10 =	vmul.f32 v8, v8  }
0x142: {  	v33 =	vld [tilespmem:s22+$0x9200];
	v11 =	vmul.f32 v11, v11;
	v12 =	vmul.f32 v12, v12  }
0x143: {  	v34 =	vld [tilespmem:s22+$0x9280];
	v13 =	vmul.f32 v13, v13;
	v14 =	vmul.f32 v14, v14  }
0x144: {  	v35 =	vld [tilespmem:s22+$0x9000];
	v15 =	vmul.f32 v15, v15;
	v16 =	vmul.f32 v16, v16  }
0x145: {  	v36 =	vld [tilespmem:s22+$0x9080];
	v17 =	vmul.f32 v17, v17;
	v18 =	vmul.f32 v18, v18  }
0x146: {  	v37 =	vld [tilespmem:s22+$0x8000];
	v19 =	vmul.f32 v19, v19;
	v20 =	vmul.f32 v20, v20  }
0x147: {  	v38 =	vld [tilespmem:s22+$0x8080];
	v21 =	vmul.f32 v21, v21;
	v22 =	vmul.f32 v22, v22  }
0x148: {  	v39 =	vld [tilespmem:s22+$0x8100];
	v23 =	vmul.f32 v23, v23;
	v24 =	vmul.f32 v24, v24  }
0x149: {  	v40 =	vld [tilespmem:s22+$0x8180];
	v25 =	vmul.f32 v25, v25;
	v26 =	vmul.f32 v26, v26  }
0x14a: {  	v41 =	vld [tilespmem:s22+$0x8200];
	v8 =	vimm.f32 $-1.000000000e+00;
	v27 =	vmul.f32 v27, v27;
	v28 =	vmul.f32 v28, v28  }
0x14b: {  	s25 =	simm.s32 $0x10;
	s26 =	sor.u32 s24, s24;
	s23 =	simm.s32 $0x0;
	v42 =	vld [tilespmem:s22+$0x8280];
	v7 =	vimm.s32 $0x0;
	v29 =	vmul.f32 v29, v29;
	v30 =	vmul.f32 v30, v30  }
.LBB2_5:
0x14c: {  	p0 =	sne.s32 s25, $0x1F0;
	v43 =	vld [tilespmem:s22+$0x8300];
	s26 =	sor.u32 $0x380, s26;
	v31 =	vmul.f32 v31, v31;
	v32 =	vmul.f32 v32, v32  }
0x14d: {  	v33 =	vmul.f32 v33, v33;
	v34 =	vmul.f32 v34, v34;
	v44 =	vld [tilespmem:s26+$0x8000]  }
0x14e: {  	v35 =	vmul.f32 v35, v35;
	v36 =	vmul.f32 v36, v36;
	v45 =	vld [tilespmem:s22+$0x9100]  }
0x14f: {  	v37 =	vmul.f32 v37, v37;
	v38 =	vmul.f32 v38, v38;
	v46 =	vld [tilespmem:s22+$0x9180]  }
0x150: {  	v39 =	vmul.f32 v39, v39;
	v40 =	vmul.f32 v40, v40;
	v47 =	vld [tilespmem:s22+$0x9300]  }
0x151: {  	v41 =	vmul.f32 v41, v41;
	v42 =	vmul.f32 v42, v42;
	v48 =	vld [tilespmem:s22+$0x9380]  }
0x152: {  	v43 =	vmul.f32 v43, v43;
	v44 =	vmul.f32 v44, v44;
	v49 =	vld [tilespmem:s22+$0xA100]  }
0x153: {  	v37 =	vadd.f32 v41, v37;
	v38 =	vadd.f32 v42, v38;
	v41 =	vmul.f32 v45, v45;
	v42 =	vld [tilespmem:s22+$0xA180]  }
0x154: {  	v39 =	vadd.f32 v43, v39;
	v40 =	vadd.f32 v44, v40;
	v43 =	vmul.f32 v46, v46;
	v44 =	vld [tilespmem:s22+$0xA300]  }
0x155: {  	v35 =	vadd.f32 v35, v37;
	v36 =	vadd.f32 v36, v38;
	v37 =	vmul.f32 v47, v47;
	v38 =	vld [tilespmem:s22+$0xA380]  }
0x156: {  	v39 =	vadd.f32 v41, v39;
	v40 =	vadd.f32 v43, v40;
	v41 =	vmul.f32 v48, v48;
	v43 =	vld [tilespmem:s22+$0xB100]  }
0x157: {  	v33 =	vadd.f32 v33, v35;
	v34 =	vadd.f32 v34, v36;
	v35 =	vmul.f32 v49, v49;
	v36 =	vld [tilespmem:s22+$0xB180]  }
0x158: {  	v37 =	vadd.f32 v37, v39;
	v39 =	vadd.f32 v41, v40;
	v40 =	vmul.f32 v42, v42;
	v41 =	vld [tilespmem:s22+$0xB300]  }
0x159: {  	v31 =	vadd.f32 v31, v33;
	v32 =	vadd.f32 v32, v34;
	v33 =	vmul.f32 v44, v44;
	v34 =	vld [tilespmem:s22+$0xB380]  }
0x15a: {  	v35 =	vadd.f32 v35, v37;
	v37 =	vadd.f32 v40, v39;
	v38 =	vmul.f32 v38, v38;
	v39 =	vld [tilespmem:s22+$0xC100]  }
0x15b: {  	v29 =	vadd.f32 v29, v31;
	v30 =	vadd.f32 v30, v32;
	v31 =	vmul.f32 v43, v43;
	v32 =	vld [tilespmem:s22+$0xC180]  }
0x15c: {  	v33 =	vadd.f32 v33, v35;
	v35 =	vadd.f32 v38, v37;
	v36 =	vmul.f32 v36, v36;
	v37 =	vld [tilespmem:s22+$0xC300]  }
0x15d: {  	v27 =	vadd.f32 v27, v29;
	v28 =	vadd.f32 v28, v30;
	v29 =	vmul.f32 v41, v41;
	v30 =	vld [tilespmem:s22+$0xC380]  }
0x15e: {  	v31 =	vadd.f32 v31, v33;
	v33 =	vadd.f32 v36, v35;
	v34 =	vmul.f32 v34, v34;
	v35 =	vld [tilespmem:s22+$0xD100]  }
0x15f: {  	v25 =	vadd.f32 v25, v27;
	v26 =	vadd.f32 v26, v28;
	v27 =	vmul.f32 v39, v39;
	v28 =	vld [tilespmem:s22+$0xD180]  }
0x160: {  	v29 =	vadd.f32 v29, v31;
	v31 =	vadd.f32 v34, v33;
	v32 =	vmul.f32 v32, v32;
	v33 =	vld [tilespmem:s22+$0xD300]  }
0x161: {  	v23 =	vadd.f32 v23, v25;
	v24 =	vadd.f32 v24, v26;
	v25 =	vmul.f32 v37, v37;
	v26 =	vld [tilespmem:s22+$0xD380]  }
0x162: {  	v27 =	vadd.f32 v27, v29;
	v29 =	vadd.f32 v32, v31;
	v30 =	vmul.f32 v30, v30;
	v31 =	vld [tilespmem:s22+$0xE100]  }
0x163: {  	v21 =	vadd.f32 v21, v23;
	v22 =	vadd.f32 v22, v24;
	v23 =	vmul.f32 v35, v35;
	v24 =	vld [tilespmem:s22+$0xE180]  }
0x164: {  	v25 =	vadd.f32 v25, v27;
	v27 =	vadd.f32 v30, v29;
	v28 =	vmul.f32 v28, v28;
	v29 =	vld [tilespmem:s22+$0xE300]  }
0x165: {  	v19 =	vadd.f32 v19, v21;
	v20 =	vadd.f32 v20, v22;
	v21 =	vmul.f32 v33, v33;
	v22 =	vld [tilespmem:s22+$0xE380]  }
0x166: {  	v23 =	vadd.f32 v23, v25;
	v25 =	vadd.f32 v28, v27;
	v26 =	vmul.f32 v26, v26;
	v27 =	vld [tilespmem:s22+$0xF100]  }
0x167: {  	s24 =	sadd.s32 $0x80, s24;
	v17 =	vadd.f32 v17, v19;
	v18 =	vadd.f32 v18, v20;
	v19 =	vmul.f32 v31, v31;
	v20 =	vld [tilespmem:s22+$0xF180]  }
0x168: {  	s26 =	sand.u32 $0x70, s25;
	s28 =	sand.u32 $0xC00, s24;
	v21 =	vadd.f32 v21, v23;
	v23 =	vadd.f32 v26, v25;
	v24 =	vmul.f32 v24, v24;
	v25 =	vld [tilespmem:s22+$0xF300]  }
0x169: {  	v15 =	vadd.f32 v15, v17;
	v16 =	vadd.f32 v16, v18;
	v17 =	vmul.f32 v29, v29;
	v18 =	vld [tilespmem:s22+$0xF380];
	s22 =	sor.u32 s26, s28  }
0x16a: {  	v19 =	vadd.f32 v19, v21;
	v26 =	vld [tilespmem:s22+$0xF200];
	v21 =	vadd.f32 v24, v23;
	v22 =	vmul.f32 v22, v22  }
0x16b: {  	v13 =	vadd.f32 v13, v15;
	v14 =	vadd.f32 v14, v16;
	v23 =	vld [tilespmem:s22+$0xF280];
	v15 =	vmul.f32 v27, v27  }
0x16c: {  	v17 =	vadd.f32 v17, v19;
	v16 =	vld [tilespmem:s22+$0xF000];
	v19 =	vadd.f32 v22, v21;
	v20 =	vmul.f32 v20, v20  }
0x16d: {  	v11 =	vadd.f32 v11, v13;
	v12 =	vadd.f32 v12, v14;
	v21 =	vld [tilespmem:s22+$0xF080];
	v13 =	vmul.f32 v25, v25  }
0x16e: {  	v15 =	vadd.f32 v15, v17;
	v14 =	vld [tilespmem:s22+$0xE200];
	v17 =	vadd.f32 v20, v19;
	v18 =	vmul.f32 v18, v18  }
0x16f: {  	v9 =	vadd.f32 v9, v11;
	v10 =	vadd.f32 v10, v12;
	v19 =	vld [tilespmem:s22+$0xE280]  }
0x170: {  	v11 =	vadd.f32 v13, v15;
	v20 =	vld [tilespmem:s22+$0xE000];
	v12 =	vadd.f32 v18, v17  }
0x171: {  	v17 =	vld [tilespmem:s22+$0xE080]  }
0x172: {  	v9 =	vadd.f32 v10, v9;
	v18 =	vld [tilespmem:s22+$0xD200];
	v10 =	vadd.f32 v12, v11  }
0x173: {  	v22 =	vld [tilespmem:s22+$0xD280]  }
0x174: {  	v24 =	vld [tilespmem:s22+$0xD000];
	v9 =	vadd.f32 v10, v9  }
0x175: {  	v25 =	vld [tilespmem:s22+$0xD080]  }
0x176: {  	v10 =	vor.u32 s23, v0;
	s23 =	smov.u32 s25;
	v27 =	vld [tilespmem:s22+$0xC200];
	vm15 =	vgt.f32 v9, v8  }
0x177: {  	v28 =	vld [tilespmem:s22+$0xC280];
	v8 =	vsel vm15, v9, v8;
	v7 =	vsel vm15, v10, v7  }
0x178: {  	v29 =	vld [tilespmem:s22+$0xC000]  }
0x179: {  	v30 =	vld [tilespmem:s22+$0xC080]  }
0x17a: {  	v41 =	vld [tilespmem:s22+$0xB200]  }
0x17b: {  	v42 =	vld [tilespmem:s22+$0xB280]  }
0x17c: {  	v43 =	vld [tilespmem:s22+$0xB000]  }
0x17d: {  	v44 =	vld [tilespmem:s22+$0xB080]  }
0x17e: {  	v45 =	vld [tilespmem:s22+$0xA200]  }
0x17f: {  	v46 =	vld [tilespmem:s22+$0xA280]  }
0x180: {  	v31 =	vld [tilespmem:s22+$0xA000]  }
0x181: {  	v9 =	vmul.f32 v26, v26;
	v10 =	vmul.f32 v23, v23;
	v32 =	vld [tilespmem:s22+$0xA080]  }
0x182: {  	v11 =	vmul.f32 v16, v16;
	v12 =	vmul.f32 v21, v21;
	v33 =	vld [tilespmem:s22+$0x9200]  }
0x183: {  	v13 =	vmul.f32 v14, v14;
	v14 =	vmul.f32 v19, v19;
	v34 =	vld [tilespmem:s22+$0x9280]  }
0x184: {  	v15 =	vmul.f32 v20, v20;
	v16 =	vmul.f32 v17, v17;
	v35 =	vld [tilespmem:s22+$0x9000]  }
0x185: {  	v17 =	vmul.f32 v18, v18;
	v18 =	vmul.f32 v22, v22;
	v36 =	vld [tilespmem:s22+$0x9080]  }
0x186: {  	v19 =	vmul.f32 v24, v24;
	v20 =	vmul.f32 v25, v25;
	v37 =	vld [tilespmem:s22+$0x8000]  }
.Ltmp1:
0x187: {  	v21 =	vmul.f32 v27, v27;
	v22 =	vmul.f32 v28, v28;
	v38 =	vld [tilespmem:s22+$0x8080];
	(pc) =	sbr.rel @p0 .LBB2_5-.Ltmp1, $4  }
0x188: {  	v23 =	vmul.f32 v29, v29;
	v24 =	vmul.f32 v30, v30;
	v39 =	vld [tilespmem:s22+$0x8100]  }
0x189: {  	v25 =	vmul.f32 v41, v41;
	v26 =	vmul.f32 v42, v42;
	v40 =	vld [tilespmem:s22+$0x8180]  }
0x18a: {  	v27 =	vmul.f32 v43, v43;
	v28 =	vmul.f32 v44, v44;
	v41 =	vld [tilespmem:s22+$0x8200]  }
0x18b: {  	s25 =	sadd.s32 $0x10, s25;
	s26 =	sor.u32 s24, s23;
	v29 =	vmul.f32 v45, v45;
	v30 =	vmul.f32 v46, v46;
	v42 =	vld [tilespmem:s22+$0x8280]  }
0x18c: {  	v43 =	vld [tilespmem:s22+$0x8300];
	s24 =	sor.u32 $0x380, s26;
	v31 =	vmul.f32 v31, v31;
	v32 =	vmul.f32 v32, v32  }
0x18d: {  	v33 =	vmul.f32 v33, v33;
	v34 =	vmul.f32 v34, v34;
	v44 =	vld [tilespmem:s24+$0x8000]  }
0x18e: {  	v45 =	vld [tilespmem:s22+$0x9100];
	v35 =	vmul.f32 v35, v35;
	v36 =	vmul.f32 v36, v36  }
0x18f: {  	v37 =	vmul.f32 v37, v37;
	v38 =	vmul.f32 v38, v38;
	v46 =	vld [tilespmem:s22+$0x9180]  }
0x190: {  	v47 =	vld [tilespmem:s22+$0x9300];
	v39 =	vmul.f32 v39, v39;
	v40 =	vmul.f32 v40, v40  }
0x191: {  	v48 =	vld [tilespmem:s22+$0x9380];
	v41 =	vmul.f32 v41, v41;
	v42 =	vmul.f32 v42, v42  }
0x192: {  	v49 =	vld [tilespmem:s22+$0xA100];
	v43 =	vmul.f32 v43, v43;
	v44 =	vmul.f32 v44, v44  }
0x193: {  	v61 =	vld [tilespmem:s22+$0xA180];
	v37 =	vadd.f32 v41, v37;
	v60 =	vmul.f32 v45, v45;
	v38 =	vadd.f32 v42, v38  }
0x194: {  	v63 =	vld [tilespmem:s22+$0xA300];
	v62 =	vmul.f32 v46, v46;
	v39 =	vadd.f32 v43, v39;
	v40 =	vadd.f32 v44, v40  }
0x195: {  	v45 =	vmul.f32 v47, v47;
	v46 =	vld [tilespmem:s22+$0xA380];
	v35 =	vadd.f32 v35, v37;
	v36 =	vadd.f32 v36, v38  }
0x196: {  	v47 =	vmul.f32 v48, v48;
	v48 =	vld [tilespmem:s22+$0xB100];
	v39 =	vadd.f32 v60, v39;
	v40 =	vadd.f32 v62, v40  }
0x197: {  	v51 =	vld [tilespmem:s22+$0xB180];
	v50 =	vmul.f32 v49, v49;
	v33 =	vadd.f32 v33, v35;
	v34 =	vadd.f32 v34, v36  }
0x198: {  	v54 =	vld [tilespmem:s22+$0xB300];
	v53 =	vmul.f32 v61, v61;
	v37 =	vadd.f32 v45, v39;
	v52 =	vadd.f32 v47, v40  }
0x199: {  	v56 =	vld [tilespmem:s22+$0xB380];
	v55 =	vmul.f32 v63, v63;
	v31 =	vadd.f32 v31, v33;
	v32 =	vadd.f32 v32, v34  }
0x19a: {  	v58 =	vld [tilespmem:s22+$0xC100];
	v38 =	vmul.f32 v46, v46;
	v35 =	vadd.f32 v50, v37;
	v57 =	vadd.f32 v53, v52  }
0x19b: {  	v60 =	vld [tilespmem:s22+$0xC180];
	v59 =	vmul.f32 v48, v48;
	v29 =	vadd.f32 v29, v31;
	v30 =	vadd.f32 v30, v32  }
0x19c: {  	v36 =	vmul.f32 v51, v51;
	v62 =	vld [tilespmem:s22+$0xC300];
	v33 =	vadd.f32 v55, v35;
	v61 =	vadd.f32 v38, v57  }
0x19d: {  	v63 =	vmul.f32 v54, v54;
	v27 =	vadd.f32 v27, v29;
	v28 =	vadd.f32 v28, v30;
	v38 =	vld [tilespmem:s22+$0xC380]  }
0x19e: {  	v41 =	vld [tilespmem:s22+$0xD100];
	v34 =	vmul.f32 v56, v56;
	v31 =	vadd.f32 v59, v33;
	v40 =	vadd.f32 v36, v61  }
0x19f: {  	v42 =	vmul.f32 v58, v58;
	v43 =	vld [tilespmem:s22+$0xD180];
	v25 =	vadd.f32 v25, v27;
	v26 =	vadd.f32 v26, v28  }
0x1a0: {  	v45 =	vld [tilespmem:s22+$0xD300];
	v32 =	vmul.f32 v60, v60;
	v29 =	vadd.f32 v63, v31;
	v44 =	vadd.f32 v34, v40  }
0x1a1: {  	v47 =	vld [tilespmem:s22+$0xD380];
	v46 =	vmul.f32 v62, v62;
	v23 =	vadd.f32 v23, v25;
	v24 =	vadd.f32 v24, v26  }
0x1a2: {  	v49 =	vld [tilespmem:s22+$0xE100];
	v27 =	vadd.f32 v42, v29;
	v30 =	vmul.f32 v38, v38;
	v48 =	vadd.f32 v32, v44  }
0x1a3: {  	v51 =	vld [tilespmem:s22+$0xE180];
	v50 =	vmul.f32 v41, v41;
	v21 =	vadd.f32 v21, v23;
	v22 =	vadd.f32 v22, v24  }
0x1a4: {  	v53 =	vld [tilespmem:s22+$0xE300];
	v28 =	vmul.f32 v43, v43;
	v25 =	vadd.f32 v46, v27;
	v52 =	vadd.f32 v30, v48  }
0x1a5: {  	v55 =	vld [tilespmem:s22+$0xE380];
	v54 =	vmul.f32 v45, v45;
	v19 =	vadd.f32 v19, v21;
	v20 =	vadd.f32 v20, v22  }
0x1a6: {  	v57 =	vld [tilespmem:s22+$0xF100];
	v26 =	vmul.f32 v47, v47;
	v23 =	vadd.f32 v50, v25;
	v56 =	vadd.f32 v28, v52  }
0x1a7: {  	v58 =	vmul.f32 v49, v49;
	v59 =	vld [tilespmem:s22+$0xF180];
	v17 =	vadd.f32 v17, v19;
	v18 =	vadd.f32 v18, v20  }
0x1a8: {  	v61 =	vld [tilespmem:s22+$0xF300];
	v24 =	vmul.f32 v51, v51;
	v21 =	vadd.f32 v54, v23;
	v60 =	vadd.f32 v26, v56  }
0x1a9: {  	v62 =	vmul.f32 v53, v53;
	v63 =	vld [tilespmem:s22+$0xF380];
	v15 =	vadd.f32 v15, v17;
	v16 =	vadd.f32 v16, v18  }
0x1aa: {  	v22 =	vmul.f32 v55, v55;
	v19 =	vadd.f32 v58, v21;
	v26 =	vadd.f32 v24, v60  }
0x1ab: {  	v27 =	vmul.f32 v57, v57;
	v13 =	vadd.f32 v13, v15;
	v14 =	vadd.f32 v14, v16  }
0x1ac: {  	v30 =	vmul.f32 v59, v59;
	v28 =	vadd.f32 v62, v19;
	v29 =	vadd.f32 v22, v26  }
0x1ad: {  	v31 =	vmul.f32 v61, v61;
	v11 =	vadd.f32 v11, v13;
	v12 =	vadd.f32 v12, v14  }
0x1ae: {  	v34 =	vmul.f32 v63, v63;
	v32 =	vadd.f32 v27, v28;
	v33 =	vadd.f32 v30, v29  }
0x1af: {  	v9 =	vadd.f32 v9, v11;
	v10 =	vadd.f32 v10, v12  }
0x1b0: {  	v35 =	vadd.f32 v31, v32;
	v36 =	vadd.f32 v34, v33;
	_ =	sdelay $0x1  }
0x1b1: {  	v9 =	vadd.f32 v10, v9;
	v37 =	vadd.f32 v36, v35;
	_ =	sdelay $0x1  }
0x1b2: {  	v9 =	vadd.f32 v37, v9;
	_ =	sdelay $0x1  }
0x1b3: {  	vm15 =	vgt.f32 v9, v8  }
0x1b4: {  	v8 =	vsel vm15, v9, v8  }
0x1b5: {  	v9 =	vperm.xlane v8, v1;
	_ =	sdelay $0x1  }
0x1b6: {  	v9 =	vmax.f32 v8, v9  }
0x1b7: {  	v38 =	vperm.xlane v9, v2;
	_ =	sdelay $0x1  }
0x1b8: {  	v9 =	vmax.f32 v9, v38  }
0x1b9: {  	v10 =	vperm.xlane v9, v3;
	_ =	sdelay $0x1  }
0x1ba: {  	v9 =	vmax.f32 v9, v10  }
0x1bb: {  	v10 =	vperm.xlane v9, v4;
	_ =	sdelay $0x1  }
0x1bc: {  	v39 =	vor.u32 s23, v0;
	v9 =	vmax.f32 v9, v10  }
0x1bd: {  	v7 =	vsel vm15, v39, v7;
	vm15 =	vge.f32 v8, v9  }
0x1be: {  	v7 =	vnsel vm15, $0x200, v7  }
0x1bf: {  	v40 =	vperm.xlane v7, v1;
	_ =	sdelay $0x1  }
0x1c0: {  	vm15 =	vlt.s32 v7, v40  }
0x1c1: {  	v7 =	vsel vm15, v7, v40  }
0x1c2: {  	v8 =	vperm.xlane v7, v2;
	_ =	sdelay $0x1  }
0x1c3: {  	vm15 =	vlt.s32 v7, v8  }
0x1c4: {  	v7 =	vsel vm15, v7, v8  }
0x1c5: {  	v8 =	vperm.xlane v7, v3;
	_ =	sdelay $0x1  }
0x1c6: {  	vm15 =	vlt.s32 v7, v8  }
0x1c7: {  	v7 =	vsel vm15, v7, v8  }
0x1c8: {  	v8 =	vperm.xlane v7, v4;
	_ =	sdelay $0x1  }
0x1c9: {  	vm15 =	vlt.s32 v7, v8  }
0x1ca: {  	v7 =	vsel vm15, v7, v8  }
0x1cb: {  	(v2sf) =	vpush v7, $0x0;
	_ =	sdelay $0xe  }
0x1cc: {  	s31 =	spop (v2sf)  }
0x1cd: {  	s26 =	sshra.s32 s31, $0x1F  }
0x1ce: {  	s22 =	sshrl.u32 s26, $0x1C  }
0x1cf: {  	s22 =	sadd.s32 s22, s31  }
0x1d0: {  	s28 =	sand.u32 $0xFFFFFFF0, s22  }
0x1d1: {  	p0 =	slt.s32 s31, $0x1;
	p1 =	sne.s32 s31, s28  }
0x1d2: {  	p0 =	por !p0, !p1  }
0x1d3: {  	s24 =	simm.s32 $0x1;
	p0 =	por !p0, !p0  }
0x1d4: {  	s22 =	sshra.s32 s22, $0x4;
	s24 =	simm.s32 @!p0 $0x0  }
0x1d5: {  	s22 =	ssub.s32 s22, s24  }
0x1d6: {  	s24 =	sshll.u32 s22, $0x4;
	s25 =	sshll.u32 s22, $0x7  }
0x1d7: {  	s24 =	sand.u32 $0x70, s24;
	s22 =	sand.u32 $0xFFFFFC00, s25  }
0x1d8: {  	s22 =	sor.u32 s24, s22  }
0x1d9: {  	v41 =	vld [tilespmem:s22+$0x8000]  }
0x1da: {  	v42 =	vld [tilespmem:s22+$0x8080]  }
0x1db: {  	v43 =	vld [tilespmem:s22+$0x8100]  }
0x1dc: {  	v44 =	vld [tilespmem:s22+$0x8180]  }
0x1dd: {  	s23 =	sand.u32 $0xF, s31;
	v45 =	vld [tilespmem:s22+$0x8200]  }
0x1de: {  	v8 =	vmov s23;
	s29 =	sor.u32 s24, s25;
	v46 =	vld [tilespmem:s22+$0x8280]  }
0x1df: {  	v47 =	vld [tilespmem:s22+$0x8300];
	s23 =	sor.u32 $0x380, s29;
	v9 =	vperm.xlane v41, v8;
	v10 =	vperm.xlane v42, v8  }
0x1e0: {  	v48 =	vld [tilespmem:s23+$0x8000];
	v11 =	vperm.xlane v43, v8  }
0x1e1: {  	v50 =	vld [tilespmem:s22+$0x9000];
	v49 =	vperm.xlane v44, v8;
	v9 =	vsel vm0, v9, v10  }
0x1e2: {  	v52 =	vld [tilespmem:s22+$0x9080];
	v51 =	vperm.xlane v45, v8;
	v9 =	vsel vm1, v9, v11  }
0x1e3: {  	v54 =	vld [tilespmem:s22+$0x9100];
	v53 =	vperm.xlane v46, v8;
	v9 =	vsel vm2, v9, v49  }
0x1e4: {  	v56 =	vld [tilespmem:s22+$0x9180];
	v55 =	vperm.xlane v47, v8;
	v9 =	vsel vm3, v9, v51  }
0x1e5: {  	v58 =	vld [tilespmem:s22+$0x9200];
	v57 =	vperm.xlane v48, v8;
	v9 =	vsel vm4, v9, v53  }
0x1e6: {  	v60 =	vld [tilespmem:s22+$0x9280];
	v59 =	vperm.xlane v50, v8;
	v9 =	vsel vm5, v9, v55  }
0x1e7: {  	v62 =	vld [tilespmem:s22+$0x9300];
	v61 =	vperm.xlane v52, v8;
	v9 =	vsel vm6, v9, v57  }
0x1e8: {  	v17 =	vld [tilespmem:s22+$0x9380];
	v63 =	vperm.xlane v54, v8;
	v9 =	vsel vm7, v9, v59  }
0x1e9: {  	v18 =	vperm.xlane v56, v8;
	v9 =	vsel vm8, v9, v61  }
0x1ea: {  	v19 =	vperm.xlane v58, v8;
	v9 =	vsel vm9, v9, v63  }
0x1eb: {  	v20 =	vperm.xlane v60, v8;
	v9 =	vsel vm10, v9, v18  }
0x1ec: {  	v21 =	vperm.xlane v62, v8;
	v9 =	vsel vm11, v9, v19  }
0x1ed: {  	v22 =	vperm.xlane v17, v8;
	v9 =	vsel vm12, v9, v20  }
0x1ee: {  	v9 =	vsel vm13, v9, v21  }
0x1ef: {  	v9 =	vsel vm14, v9, v22  }
0x1f0: {  	[tilespmem:$0x10040] =	vst v9  }
0x1f1: {  	v9 =	vld [tilespmem:s22+$0xA000]  }
0x1f2: {  	v23 =	vld [tilespmem:s22+$0xA080]  }
0x1f3: {  	v24 =	vld [tilespmem:s22+$0xA100]  }
0x1f4: {  	v25 =	vld [tilespmem:s22+$0xA180]  }
0x1f5: {  	v26 =	vld [tilespmem:s22+$0xA200]  }
0x1f6: {  	v27 =	vld [tilespmem:s22+$0xA280]  }
0x1f7: {  	v28 =	vld [tilespmem:s22+$0xA300];
	v9 =	vperm.xlane v9, v8;
	v10 =	vperm.xlane v23, v8  }
0x1f8: {  	v29 =	vld [tilespmem:s22+$0xA380];
	v11 =	vperm.xlane v24, v8  }
0x1f9: {  	v31 =	vld [tilespmem:s22+$0xB000];
	v30 =	vperm.xlane v25, v8;
	v9 =	vsel vm0, v9, v10  }
0x1fa: {  	v33 =	vld [tilespmem:s22+$0xB080];
	v32 =	vperm.xlane v26, v8;
	v9 =	vsel vm1, v9, v11  }
0x1fb: {  	v35 =	vld [tilespmem:s22+$0xB100];
	v34 =	vperm.xlane v27, v8;
	v9 =	vsel vm2, v9, v30  }
0x1fc: {  	v37 =	vld [tilespmem:s22+$0xB180];
	v36 =	vperm.xlane v28, v8;
	v9 =	vsel vm3, v9, v32  }
0x1fd: {  	v39 =	vld [tilespmem:s22+$0xB200];
	v38 =	vperm.xlane v29, v8;
	v9 =	vsel vm4, v9, v34  }
0x1fe: {  	v41 =	vld [tilespmem:s22+$0xB280];
	v40 =	vperm.xlane v31, v8;
	v9 =	vsel vm5, v9, v36  }
0x1ff: {  	v43 =	vld [tilespmem:s22+$0xB300];
	v42 =	vperm.xlane v33, v8;
	v9 =	vsel vm6, v9, v38  }
0x200: {  	v45 =	vld [tilespmem:s22+$0xB380];
	v44 =	vperm.xlane v35, v8;
	v9 =	vsel vm7, v9, v40  }
0x201: {  	v46 =	vperm.xlane v37, v8;
	v9 =	vsel vm8, v9, v42  }
0x202: {  	v47 =	vperm.xlane v39, v8;
	v9 =	vsel vm9, v9, v44  }
0x203: {  	v48 =	vperm.xlane v41, v8;
	v9 =	vsel vm10, v9, v46  }
0x204: {  	v49 =	vperm.xlane v43, v8;
	v9 =	vsel vm11, v9, v47  }
0x205: {  	v50 =	vperm.xlane v45, v8;
	v9 =	vsel vm12, v9, v48  }
0x206: {  	v9 =	vsel vm13, v9, v49  }
0x207: {  	v9 =	vsel vm14, v9, v50  }
0x208: {  	[tilespmem:$0x10050] =	vst v9  }
0x209: {  	v9 =	vld [tilespmem:s22+$0xC000]  }
0x20a: {  	v51 =	vld [tilespmem:s22+$0xC080]  }
0x20b: {  	v52 =	vld [tilespmem:s22+$0xC100]  }
0x20c: {  	v53 =	vld [tilespmem:s22+$0xC180]  }
0x20d: {  	v54 =	vld [tilespmem:s22+$0xC200]  }
0x20e: {  	v55 =	vld [tilespmem:s22+$0xC280]  }
0x20f: {  	v56 =	vld [tilespmem:s22+$0xC300];
	v9 =	vperm.xlane v9, v8;
	v10 =	vperm.xlane v51, v8  }
0x210: {  	v57 =	vld [tilespmem:s22+$0xC380];
	v11 =	vperm.xlane v52, v8  }
0x211: {  	v59 =	vld [tilespmem:s22+$0xD000];
	v58 =	vperm.xlane v53, v8;
	v9 =	vsel vm0, v9, v10  }
0x212: {  	v61 =	vld [tilespmem:s22+$0xD080];
	v60 =	vperm.xlane v54, v8;
	v9 =	vsel vm1, v9, v11  }
0x213: {  	v63 =	vld [tilespmem:s22+$0xD100];
	v62 =	vperm.xlane v55, v8;
	v9 =	vsel vm2, v9, v58  }
0x214: {  	v21 =	vld [tilespmem:s22+$0xD180];
	v20 =	vperm.xlane v56, v8;
	v9 =	vsel vm3, v9, v60  }
0x215: {  	v23 =	vld [tilespmem:s22+$0xD200];
	v22 =	vperm.xlane v57, v8;
	v9 =	vsel vm4, v9, v62  }
0x216: {  	v25 =	vld [tilespmem:s22+$0xD280];
	v24 =	vperm.xlane v59, v8;
	v9 =	vsel vm5, v9, v20  }
0x217: {  	v27 =	vld [tilespmem:s22+$0xD300];
	v26 =	vperm.xlane v61, v8;
	v9 =	vsel vm6, v9, v22  }
0x218: {  	v29 =	vld [tilespmem:s22+$0xD380];
	v28 =	vperm.xlane v63, v8;
	v9 =	vsel vm7, v9, v24  }
0x219: {  	v30 =	vperm.xlane v21, v8;
	v9 =	vsel vm8, v9, v26  }
0x21a: {  	v31 =	vperm.xlane v23, v8;
	v9 =	vsel vm9, v9, v28  }
0x21b: {  	v32 =	vperm.xlane v25, v8;
	v9 =	vsel vm10, v9, v30  }
0x21c: {  	v33 =	vperm.xlane v27, v8;
	v9 =	vsel vm11, v9, v31  }
0x21d: {  	v34 =	vperm.xlane v29, v8;
	v9 =	vsel vm12, v9, v32  }
0x21e: {  	v9 =	vsel vm13, v9, v33  }
0x21f: {  	v9 =	vsel vm14, v9, v34  }
0x220: {  	[tilespmem:$0x10060] =	vst v9  }
0x221: {  	v9 =	vld [tilespmem:s22+$0xE000]  }
0x222: {  	v35 =	vld [tilespmem:s22+$0xE080]  }
0x223: {  	v36 =	vld [tilespmem:s22+$0xE100]  }
0x224: {  	v37 =	vld [tilespmem:s22+$0xE180]  }
0x225: {  	v38 =	vld [tilespmem:s22+$0xE200]  }
0x226: {  	v39 =	vld [tilespmem:s22+$0xE280]  }
0x227: {  	v40 =	vld [tilespmem:s22+$0xE300];
	v9 =	vperm.xlane v9, v8;
	v10 =	vperm.xlane v35, v8  }
0x228: {  	v41 =	vld [tilespmem:s22+$0xE380];
	v11 =	vperm.xlane v36, v8  }
0x229: {  	v43 =	vld [tilespmem:s22+$0xF000];
	v42 =	vperm.xlane v37, v8;
	v9 =	vsel vm0, v9, v10  }
0x22a: {  	v45 =	vld [tilespmem:s22+$0xF080];
	v44 =	vperm.xlane v38, v8;
	v9 =	vsel vm1, v9, v11  }
0x22b: {  	v47 =	vld [tilespmem:s22+$0xF100];
	v46 =	vperm.xlane v39, v8;
	v9 =	vsel vm2, v9, v42  }
0x22c: {  	v49 =	vld [tilespmem:s22+$0xF180];
	v48 =	vperm.xlane v40, v8;
	v9 =	vsel vm3, v9, v44  }
0x22d: {  	v51 =	vld [tilespmem:s22+$0xF200];
	v50 =	vperm.xlane v41, v8;
	v9 =	vsel vm4, v9, v46  }
0x22e: {  	v53 =	vld [tilespmem:s22+$0xF280];
	v52 =	vperm.xlane v43, v8;
	v9 =	vsel vm5, v9, v48  }
0x22f: {  	v55 =	vld [tilespmem:s22+$0xF300];
	v54 =	vperm.xlane v45, v8;
	v9 =	vsel vm6, v9, v50  }
0x230: {  	v57 =	vld [tilespmem:s22+$0xF380];
	v56 =	vperm.xlane v47, v8;
	v9 =	vsel vm7, v9, v52  }
0x231: {  	v58 =	vperm.xlane v49, v8;
	v9 =	vsel vm8, v9, v54  }
0x232: {  	v59 =	vperm.xlane v51, v8;
	v9 =	vsel vm9, v9, v56  }
0x233: {  	v60 =	vperm.xlane v53, v8;
	v9 =	vsel vm10, v9, v58  }
0x234: {  	v61 =	vperm.xlane v55, v8;
	v9 =	vsel vm11, v9, v59  }
0x235: {  	s21 =	sadd.s32 $0x3, s21;
	v8 =	vperm.xlane v57, v8;
	v9 =	vsel vm12, v9, v60  }
0x236: {  	s21 =	smin.u32 s21, s7;
	v9 =	vsel vm13, v9, v61  }
0x237: {  	s21 =	sshll.u32 s21, $0xC;
	v8 =	vsel vm14, v9, v8  }
0x238: {  	s30 =	sadd.s32 s5, s20;
	s19 =	sadd.s32 $0x1, s19;
	s21 =	sadd.s32 s0, s21;
	[tilespmem:$0x10070] =	vst v8  }
0x239: {  	[tilespmem:s12], [sflag:$0x2] =	stream.linear.gather [hbm4b:s21+s4], $0x8000, $0x38;
	[tilespmem:$0x10100] =	vst v63  }
0x23a: {  	p0 =	sne.s32 s19, $0x8;
	s21 =	sshll.u32 s30, $0x3  }
.Ltmp2:
0x23b: {  	s31 =	sor.u32 $0x1, s20;
	s21 =	sadd.s32 s2, s21;
	(pc) =	sbr.rel @p0 .LBB2_2-.Ltmp2, $4  }
0x23c: {  	v62 =	vmov s20;
	[hbm4b:s21+s4] =	stream.linear.scatter [tilespmem:s15], [sflag:$0x3], $0x80, $0x38;
	[tilespmem:$0x10100] =	vst v63  }
0x23d: {  	v63 =	vmov s31;
	vm15 =	veq.s32 v62, v0;
	_ =	swait.ge [sflag:s16], $0x80  }
0x23e: {  	v5 =	vsel vm15, v6, v5;
	vm15 =	veq.s32 v63, v0;
	[sflag:s16] =	ssyncset.done $0x0  }
0x23f: {  	v5 =	vsel vm15, v7, v5;
	[sflag:s16] =	ssyncadd.s32 $0xFFFFFF80  }
0x240: {  	_ =	swait.ge [sflag:s13], $0x8000  }
0x241: {  	[sflag:s13] =	ssyncset.done $0x0  }
0x242: {  	[sflag:s13] =	ssyncadd.s32 $0xFFFF8000  }
0x243: {  	_ =	swait.ge [sflag:s14], $0x8000  }
0x244: {  	s18 =	sadd.s32 $0x1, s18;
	[sflag:s14] =	ssyncset.done $0x0  }
0x245: {  	p0 =	sne.s32 s18, s11;
	[sflag:s14] =	ssyncadd.s32 $0xFFFF8000  }
.Ltmp3:
0x246: {  	[tilespmem:$0x10080] =	vst v5;
	(pc) =	sbr.rel @p0 .LBB2_1-.Ltmp3, $4  }
0x247: {  	[hbm4b:s10+s4] =	stream.linear.scatter [tilespmem:s17], [sflag:$0x3], $0x10, $0x38;
	[tilespmem:$0x10100] =	vst v63  }
0x248: {  	_ =	swait.ge [sflag:s16], $0x10  }
0x249: {  	[sflag:s16] =	ssyncset.done $0x0  }
0x24a: {  	[sflag:s16] =	ssyncadd.s32 $0xFFFFFFF0  }
0x24b: {  	_ =	sfence.sel $0x180000  }
0x24c: {  	[bflag:$0x0] =	sbarrier.arrive $0xFFFF  }
0x24d: {  	p0 =	sne.s32 s1, $0x0;
	_ =	strace $0x90000047  }
0x24e: {  	s0 =	sadd.s32 @!p0 $0x100000, s3;
	[bflag:$0x2] =	sbarrier.arrive $0xFFFF  }
0x24f: {  	[sflag:s0] =	ssyncadd.tile.s32 @!p0 $0x1;
	_ =	shalt  }
.Lfunc_end2:
_tile_overlayer_lowered:
.L_overlay_start_2:
0x250: {  	(tag) =	ssettag $0x2  }
0x251: {  	s0 =	rddreg [dreg:$0x0];
	s2 =	stileid.u32  }
0x252: {  	s1 =	rddreg [dreg:$0x1];
	p0 =	sne.s32 s2, $0x0  }
0x253: {  	s3 =	rddreg [dreg:$0x2];
	[bflag:$0x3] =	sbarrier.arrive $0xFFFF;
	s2 =	simm.s32 @!p0 $0x1C03  }
0x254: {  	[timem:s3], [sflag:s2] =	dma.local @!p0 [hbm:s0], s1  }
0x255: {  	s0 =	simm.s32 @!p0 $0x3  }
0x256: {  	_ =	swait.ge @!p0 [sflag:s0], s1  }
0x257: {  	s1 =	ssub.s32 @!p0 $0x0, s1;
	[sflag:s0] =	ssyncset.done @!p0 $0x0  }
0x258: {  	[sflag:s0] =	ssyncadd.s32 @!p0 s1  }
0x259: {  	[bflag:$0x3] =	sbarrier.arrive $0xFFFF  }
0x25a: {  	_ =	shalt  }

</sc_bundles>
